<compile_context>
chip_gen: v7x
topology: tpu7x:2x2x1
jax: 0.10.2.dev20260603
libtpu: 0.0.44.dev20260713+nightly
codegen_flags: <defaults>
</compile_context>

<pallas_src>
import jax
import jax.numpy as jnp
from jax import lax
from jax.experimental import pallas as pl
from jax.experimental.pallas import tpu as pltpu
from jax.experimental.pallas import tpu_sc as plsc

F = 128
NBASIS = 20
CUTOFF = 5.0
NN = 10000
NE = 160000
NCHUNK = 4
CF = F // NCHUNK
TROW = 256
FROW = 128
OROW = 4 * CF
NSUB = 16
EPT = NE // NSUB
KB = 40
NBATCH = EPT // KB
NPT = 624
NTAIL = NN - NPT * NSUB

_NODE_BLK = 1000
_EDGE_BLK = 2000


def _node_tc_kernel(nf_ref, nvf_ref, w1_ref, b1_ref, w2_ref, b2_ref,
                    tbl_ref, base_ref):
    nf = nf_ref[...]
    nvf = nvf_ref[...]
    h = jnp.dot(nf, w1_ref[...], preferred_element_type=jnp.float32) + b1_ref[...]
    h = h * jax.nn.sigmoid(h)
    so = jnp.dot(h, w2_ref[...], preferred_element_type=jnp.float32) + b2_ref[...]
    for c in range(NCHUNK):
        cs = slice(c * CF, (c + 1) * CF)
        tbl_ref[c] = jnp.concatenate(
            [so[:, cs], so[:, F:][:, cs], so[:, 2 * F:][:, cs],
             nvf[:, cs], nvf[:, F:][:, cs], nvf[:, 2 * F:][:, cs],
             jnp.zeros((so.shape[0], TROW - 6 * CF), jnp.float32)], axis=1)
        base_ref[c] = jnp.concatenate(
            [nf[:, cs], nvf[:, cs], nvf[:, F:][:, cs], nvf[:, 2 * F:][:, cs]],
            axis=1)


_SIN_C = (6.28318347, -41.34148036, 81.59765788, -76.59492822,
          41.26992957, -12.37249482)


def _edge_tc_kernel(d_ref, diff_ref, wfp_ref, bfp_ref, fw_ref, ud2_ref):
    d = d_ref[...]
    inv = 1.0 / d
    n = lax.broadcasted_iota(jnp.int32, (1, NBASIS + 1), 1).astype(jnp.float32)
    kvec = jnp.where(n < NBASIS, (n + 1.0) * 0.1, 0.1)
    ovec = jnp.where(n < NBASIS, 0.0, 0.25)
    u = d * kvec + ovec
    r = u - jnp.round(u)
    r2 = r * r
    p = jnp.float32(_SIN_C[5])
    for c5 in (_SIN_C[4], _SIN_C[3], _SIN_C[2], _SIN_C[1], _SIN_C[0]):
        p = p * r2 + jnp.float32(c5)
    s = p * r
    rbf = s[:, :NBASIS] * inv
    cut = (s[:, NBASIS:NBASIS + 1] + 1.0) * 0.5
    cut = cut * (d < CUTOFF).astype(jnp.float32)
    fwp = jnp.dot(rbf, wfp_ref[...], preferred_element_type=jnp.float32) + bfp_ref[...]
    fwp = fwp * cut
    ud = diff_ref[...] * inv
    nb = ud.shape[0]
    u0 = jnp.broadcast_to(ud[:, 0:1], (nb, 16))
    u1 = jnp.broadcast_to(ud[:, 1:2], (nb, 16))
    for c in range(NCHUNK):
        fw_ref[c] = jnp.concatenate(
            [fwp[:, 128 * c:128 * c + 96], u0, u1], axis=1)
    ud2_ref[...] = jnp.broadcast_to(ud[:, 2:3], (nb, 16))


def _sc_kernel(tbl_hbm, fw_hbm, ud2_hbm, src_hbm, dst_hbm, base_hbm,
               out_hbm, acc, src_v, dst_v, rows_v, fwv, ud2v, out_v,
               semi0, semi1, semj0, semj1, semg0, semg1):
    cid = lax.axis_index("c")
    sid = lax.axis_index("s")
    row0 = sid * NPT
    semi = (semi0, semi1)
    semj = (semj0, semj1)
    semg = (semg0, semg1)

    def issue_src(ci, b, i):
        ea = pl.multiple_of(ci * NE + sid * EPT + b * KB, 8)
        pltpu.async_copy(src_hbm.at[pl.ds(ea, KB)], src_v.at[i], semi[i])

    def issue_dst(b, i):
        e0 = pl.multiple_of(sid * EPT + b * KB, 8)
        pltpu.async_copy(dst_hbm.at[pl.ds(e0, KB)], dst_v.at[i], semj[i])

    def wait_src(i):
        pltpu.make_async_copy(src_hbm.at[pl.ds(0, KB)], src_v.at[i], semi[i]).wait()

    def wait_dst(i):
        pltpu.make_async_copy(dst_hbm.at[pl.ds(0, KB)], dst_v.at[i], semj[i]).wait()

    def issue_in(ci, b, i):
        e0 = pl.multiple_of(sid * EPT + b * KB, 8)
        ea = pl.multiple_of(ci * NE + e0, 8)
        pltpu.async_copy(tbl_hbm.at[src_v.at[i]], rows_v.at[i], semg[i])
        pltpu.async_copy(fw_hbm.at[pl.ds(ea, KB)], fwv.at[i], semg[i])
        pltpu.async_copy(ud2_hbm.at[pl.ds(e0, KB)], ud2v.at[i], semg[i])

    def wait_in(i):
        pltpu.make_async_copy(tbl_hbm.at[pl.ds(0, KB)], rows_v.at[i], semg[i]).wait()
        pltpu.make_async_copy(fw_hbm.at[pl.ds(0, KB)], fwv.at[i], semg[i]).wait()
        pltpu.make_async_copy(ud2_hbm.at[pl.ds(0, KB)], ud2v.at[i], semg[i]).wait()

    def compute_scatter(i):
        @plsc.parallel_loop(0, KB, step=1, unroll=4)
        def edge(e):
            u0 = fwv[i, e, pl.ds(96, 16)]
            u1 = fwv[i, e, pl.ds(112, 16)]
            u2 = ud2v[i, e, pl.ds(0, 16)]
            uds = (u0, u1, u2)
            for h in range(2):
                o = 16 * h
                gs = fwv[i, e, pl.ds(o, 16)] * rows_v[i, e, pl.ds(o, 16)]
                ge = fwv[i, e, pl.ds(32 + o, 16)] * rows_v[i, e, pl.ds(32 + o, 16)]
                out_v[e, pl.ds(o, 16)] = (
                    fwv[i, e, pl.ds(64 + o, 16)] * rows_v[i, e, pl.ds(64 + o, 16)])
                for dd in range(3):
                    nv = rows_v[i, e, pl.ds(96 + 32 * dd + o, 16)]
                    out_v[e, pl.ds(32 + 32 * dd + o, 16)] = nv * gs + ge * uds[dd]

        wait_dst(i)
        pltpu.sync_copy(out_v, acc.at[dst_v.at[i]], add=True)

    for j in range(2):
        ci = 2 * cid + j
        node_off = ci * NN
        pltpu.sync_copy(
            base_hbm.at[pl.ds(pl.multiple_of(node_off + row0, 8), NPT)],
            acc.at[pl.ds(pl.multiple_of(row0, 8), NPT)])

        @pl.when(sid == 0)
        def _():
            pltpu.sync_copy(
                base_hbm.at[pl.ds(pl.multiple_of(node_off + NPT * NSUB, 8), NTAIL)],
                acc.at[pl.ds(NPT * NSUB, NTAIL)])

        plsc.subcore_barrier()

        issue_src(ci, 0, 0)
        issue_dst(0, 0)
        wait_src(0)
        issue_in(ci, 0, 0)
        issue_src(ci, 1, 1)
        issue_dst(1, 1)

        def step(t, carry):
            @pl.when(t < NBATCH // 2 - 1)
            def _():
                issue_src(ci, 2 * t + 2, 0)

            wait_src(1)
            issue_in(ci, 2 * t + 1, 1)
            wait_in(0)
            compute_scatter(0)

            @pl.when(t < NBATCH // 2 - 1)
            def _():
                issue_dst(2 * t + 2, 0)

            @pl.when(t < NBATCH // 2 - 1)
            def _():
                issue_src(ci, 2 * t + 3, 1)
                wait_src(0)
                issue_in(ci, 2 * t + 2, 0)

            wait_in(1)
            compute_scatter(1)

            @pl.when(t < NBATCH // 2 - 1)
            def _():
                issue_dst(2 * t + 3, 1)

            return carry

        lax.fori_loop(0, NBATCH // 2, step, 0)
        plsc.subcore_barrier()
        pltpu.sync_copy(
            acc.at[pl.ds(pl.multiple_of(row0, 8), NPT)],
            out_hbm.at[pl.ds(pl.multiple_of(node_off + row0, 8), NPT)])

        @pl.when(sid == 0)
        def _():
            pltpu.sync_copy(
                acc.at[pl.ds(NPT * NSUB, NTAIL)],
                out_hbm.at[pl.ds(pl.multiple_of(node_off + NPT * NSUB, 8), NTAIL)])

        plsc.subcore_barrier()


def kernel(edge_idx, edge_dist, edge_diff, node_feat, node_vect,
           W_filter, b_filter, W1, b1, W2, b2):
    f32 = jnp.float32
    nvf = node_vect.reshape(NN, 3 * F)
    d2 = edge_dist.reshape(NE, 1)

    wp = W_filter.reshape(NBASIS, 3, NCHUNK, CF).transpose(0, 2, 1, 3)
    wp = jnp.pad(wp, ((0, 0), (0, 0), (0, 1), (0, 0))).reshape(NBASIS, 4 * F)
    bp = b_filter.reshape(3, NCHUNK, CF).transpose(1, 0, 2)
    bp = jnp.pad(bp, ((0, 0), (0, 1), (0, 0))).reshape(1, 4 * F)

    tbl, base = pl.pallas_call(
        _node_tc_kernel,
        grid=(NN // _NODE_BLK,),
        in_specs=[
            pl.BlockSpec((_NODE_BLK, F), lambda i: (i, 0)),
            pl.BlockSpec((_NODE_BLK, 3 * F), lambda i: (i, 0)),
            pl.BlockSpec((F, F), lambda i: (0, 0)),
            pl.BlockSpec((1, F), lambda i: (0, 0)),
            pl.BlockSpec((F, 3 * F), lambda i: (0, 0)),
            pl.BlockSpec((1, 3 * F), lambda i: (0, 0)),
        ],
        out_specs=[
            pl.BlockSpec((NCHUNK, _NODE_BLK, TROW), lambda i: (0, i, 0)),
            pl.BlockSpec((NCHUNK, _NODE_BLK, OROW), lambda i: (0, i, 0)),
        ],
        out_shape=[
            jax.ShapeDtypeStruct((NCHUNK, NN, TROW), f32),
            jax.ShapeDtypeStruct((NCHUNK, NN, OROW), f32),
        ],
    )(node_feat, nvf, W1, b1.reshape(1, F), W2, b2.reshape(1, 3 * F))

    fw, ud2 = pl.pallas_call(
        _edge_tc_kernel,
        grid=(NE // _EDGE_BLK,),
        in_specs=[
            pl.BlockSpec((_EDGE_BLK, 1), lambda i: (i, 0)),
            pl.BlockSpec((_EDGE_BLK, 3), lambda i: (i, 0)),
            pl.BlockSpec((NBASIS, 4 * F), lambda i: (0, 0)),
            pl.BlockSpec((1, 4 * F), lambda i: (0, 0)),
        ],
        out_specs=[
            pl.BlockSpec((NCHUNK, _EDGE_BLK, FROW), lambda i: (0, i, 0)),
            pl.BlockSpec((_EDGE_BLK, 16), lambda i: (i, 0)),
        ],
        out_shape=[
            jax.ShapeDtypeStruct((NCHUNK, NE, FROW), f32),
            jax.ShapeDtypeStruct((NE, 16), f32),
        ],
    )(d2, edge_diff, wp, bp)

    srca = (edge_idx[:, 1][None, :]
            + (jnp.arange(NCHUNK, dtype=jnp.int32) * NN)[:, None]).reshape(-1)

    mesh = plsc.VectorSubcoreMesh(core_axis_name="c", subcore_axis_name="s",
                                  num_cores=2, num_subcores=NSUB)
    out = pl.kernel(
        _sc_kernel,
        out_type=jax.ShapeDtypeStruct((NCHUNK * NN, OROW), f32),
        mesh=mesh,
        scratch_types=[
            pltpu.VMEM_SHARED((NN, OROW), f32),
            pltpu.VMEM((2, KB), jnp.int32),
            pltpu.VMEM((2, KB), jnp.int32),
            pltpu.VMEM((2, KB, TROW), f32),
            pltpu.VMEM((2, KB, FROW), f32),
            pltpu.VMEM((2, KB, 16), f32),
            pltpu.VMEM((KB, OROW), f32),
            pltpu.SemaphoreType.DMA,
            pltpu.SemaphoreType.DMA,
            pltpu.SemaphoreType.DMA,
            pltpu.SemaphoreType.DMA,
            pltpu.SemaphoreType.DMA,
            pltpu.SemaphoreType.DMA,
        ],
    )(tbl.reshape(NCHUNK * NN, TROW), fw.reshape(NCHUNK * NE, FROW), ud2,
      srca, edge_idx[:, 0], base.reshape(NCHUNK * NN, OROW))

    outc = out.reshape(NCHUNK, NN, OROW)
    new_feat = jnp.concatenate([outc[c, :, :CF] for c in range(NCHUNK)], axis=1)
    new_vect = jnp.stack(
        [jnp.concatenate([outc[c, :, CF * (1 + dd):CF * (2 + dd)]
                          for c in range(NCHUNK)], axis=1)
         for dd in range(3)], axis=1)
    return (new_feat, new_vect)

# --- scband reference (transcript-rebuilt; emitter-appended) ---
"""Pipeline reference for scband-painn-message-60189671686541 (READ-ONLY COPY).

The authoritative reference and input builder live on the scoring server;
editing this copy changes nothing except your own understanding.
"""

import jax, jax.numpy as jnp
import numpy as np

NUM_FEATURES = 128
NUM_BASIS = 20
CUTOFF = 5.0
N_NODES = 10000
N_EDGES = 160000


def setup_inputs(seed: int = 0) -> dict:
    key = jax.random.key(seed)
    ks = jax.random.split(key, 12)
    edge_idx = jax.random.randint(ks[0], (N_EDGES, 2), 0, N_NODES, dtype=jnp.int64 if jax.config.jax_enable_x64 else jnp.int32).astype(jnp.int32)
    edge_dist = jax.random.uniform(ks[1], (N_EDGES,), dtype=jnp.float32, minval=0.5, maxval=CUTOFF)
    edge_diff = jax.random.normal(ks[2], (N_EDGES, 3), dtype=jnp.float32)
    node_feat = jax.random.normal(ks[3], (N_NODES, NUM_FEATURES), dtype=jnp.float32)
    node_vect = jax.random.normal(ks[4], (N_NODES, 3, NUM_FEATURES), dtype=jnp.float32)
    s = 1.0 / np.sqrt(NUM_FEATURES)
    sb = 1.0 / np.sqrt(NUM_BASIS)
    W_filter = jax.random.uniform(ks[5], (NUM_BASIS, NUM_FEATURES * 3), dtype=jnp.float32, minval=-sb, maxval=sb)
    b_filter = jax.random.uniform(ks[6], (NUM_FEATURES * 3,), dtype=jnp.float32, minval=-sb, maxval=sb)
    W1 = jax.random.uniform(ks[7], (NUM_FEATURES, NUM_FEATURES), dtype=jnp.float32, minval=-s, maxval=s)
    b1 = jax.random.uniform(ks[8], (NUM_FEATURES,), dtype=jnp.float32, minval=-s, maxval=s)
    W2 = jax.random.uniform(ks[9], (NUM_FEATURES, NUM_FEATURES * 3), dtype=jnp.float32, minval=-s, maxval=s)
    b2 = jax.random.uniform(ks[10], (NUM_FEATURES * 3,), dtype=jnp.float32, minval=-s, maxval=s)
    return {"edge_idx": edge_idx, "edge_dist": edge_dist, "edge_diff": edge_diff, "node_feat": node_feat, "node_vect": node_vect, "W_filter": W_filter, "b_filter": b_filter, "W1": W1, "b1": b1, "W2": W2, "b2": b2}


def _sine_basis(edge_dist):
    # SineBasis: sin(n*pi*d/cutoff)/d for n = 1..num_basis
    n = jnp.arange(1, NUM_BASIS + 1, dtype=jnp.float32)
    return jnp.sin(edge_dist[:, None] * n[None, :] * jnp.pi / CUTOFF) / edge_dist[:, None]


def _cosine_cutoff(edge_dist):
    # CosineCutoff: 0.5*(cos(pi*d/cutoff)+1) for d < cutoff, else 0
    return 0.5 * (jnp.cos(jnp.pi * edge_dist / CUTOFF) + 1.0) * (edge_dist < CUTOFF).astype(edge_dist.dtype)


def reference(edge_idx, edge_dist, edge_diff, node_feat, node_vect, W_filter, b_filter, W1, b1, W2, b2):
    F = NUM_FEATURES
    # filter_weight = filter_layer(radial_basis(edge_dist)) * cutoff_fn(edge_dist)
    rbf = _sine_basis(edge_dist)
    filter_weight = rbf @ W_filter + b_filter
    filter_weight = filter_weight * _cosine_cutoff(edge_dist)[:, None]
    # scalar_out = scalar_message_mlp(node_scalar)
    h = jax.nn.silu(node_feat @ W1 + b1)
    scalar_out = h @ W2 + b2
    # gather by source node (edge[:, 1])
    filter_out = filter_weight * scalar_out[edge_idx[:, 1]]
    gate_state_vector = filter_out[:, 0:F]
    gate_edge_vector = filter_out[:, F:2 * F]
    message_scalar = filter_out[:, 2 * F:3 * F]
    message_vector = node_vect[edge_idx[:, 1]] * gate_state_vector[:, None, :]
    edge_vector = gate_edge_vector[:, None, :] * (edge_diff / edge_dist[:, None])[:, :, None]
    message_vector = message_vector + edge_vector
    # scatter-add into destination node (edge[:, 0])
    residual_scalar = jnp.zeros_like(node_feat).at[edge_idx[:, 0]].add(message_scalar)
    residual_vector = jnp.zeros_like(node_vect).at[edge_idx[:, 0]].add(message_vector)
    new_node_feat = node_feat + residual_scalar
    new_node_vect = node_vect + residual_vector
    return (new_node_feat, new_node_vect)

if __name__ == "__main__":
    import jax
    _d = setup_inputs()
    print(jax.jit(kernel)(*tuple(_d.values())))

</pallas_src>

<mosaic_0001>
#map = affine_map<(d0, d1) -> (0, 0)>
#map1 = affine_map<(d0, d1) -> (0)>
module attributes {stable_mosaic.version = 14 : i64} {
  func.func @_sc_kernel(%arg0: i32, %arg1: i32, %arg2: memref<40000x256xf32, #tpu.memory_space<hbm>>, %arg3: memref<640000x128xf32, #tpu.memory_space<hbm>>, %arg4: memref<160000x16xf32, #tpu.memory_space<hbm>>, %arg5: memref<640000xi32, #tpu.memory_space<hbm>>, %arg6: memref<160000xi32, #tpu.memory_space<hbm>>, %arg7: memref<40000x128xf32, #tpu.memory_space<hbm>>, %arg8: memref<40000x128xf32, #tpu.memory_space<hbm>>, %arg9: memref<10000x128xf32, #tpu.memory_space<vmem_shared>>, %arg10: memref<2x40xi32, #tpu.memory_space<vmem>>, %arg11: memref<2x40xi32, #tpu.memory_space<vmem>>, %arg12: memref<2x40x256xf32, #tpu.memory_space<vmem>>, %arg13: memref<2x40x128xf32, #tpu.memory_space<vmem>>, %arg14: memref<2x40x16xf32, #tpu.memory_space<vmem>>, %arg15: memref<40x128xf32, #tpu.memory_space<vmem>>, %arg16: memref<!tpu.dma_semaphore, #tpu.memory_space<semaphore_mem>>, %arg17: memref<!tpu.dma_semaphore, #tpu.memory_space<semaphore_mem>>, %arg18: memref<!tpu.dma_semaphore, #tpu.memory_space<semaphore_mem>>, %arg19: memref<!tpu.dma_semaphore, #tpu.memory_space<semaphore_mem>>, %arg20: memref<!tpu.dma_semaphore, #tpu.memory_space<semaphore_mem>>, %arg21: memref<!tpu.dma_semaphore, #tpu.memory_space<semaphore_mem>>) attributes {dimension_semantics = [#tpu.dimension_semantics<core_parallel>, #tpu.dimension_semantics<subcore_parallel>], iteration_bounds = array<i64: 2, 16>, scalar_prefetch = 0 : i64, scratch_operands = 13 : i64, tpu.core_type = #tpu.core_type<sc_vector_subcore>, window_params = [{transform_indices = #map}, {transform_indices = #map}, {transform_indices = #map}, {transform_indices = #map1}, {transform_indices = #map1}, {transform_indices = #map}, {transform_indices = #map}]} {
    %mul3A = arith.constant 624 : i32
    %mul3A_0 = arith.muli %arg1, %mul3A : i32
    %mul3A_1 = arith.constant 2 : i32
    %mul3A_2 = arith.muli %mul3A_1, %arg0 : i32
    %add3A = arith.constant 0 : i32
    %add3A_3 = arith.addi %mul3A_2, %add3A : i32
    %mul3A_4 = arith.constant 10000 : i32
    %mul3A_5 = arith.muli %add3A_3, %mul3A_4 : i32
    %add3A_6 = arith.addi %mul3A_5, %mul3A_0 : i32
    %multiple_of3A = tpu.assume_multiple %add3A_6, 8 : i32
    %multiple_of3A_7 = tpu.assume_multiple %mul3A_0, 8 : i32
    "tpu.region"() ({
      %run_scoped3A = tpu.sem_alloc : memref<!tpu.dma_semaphore, #tpu.memory_space<semaphore_mem>>
      %dma_start3A_294 = arith.constant 0 : i32
      %dma_start3A_295 = tpu.memref_slice %arg9[%multiple_of3A_7, %dma_start3A_294] : memref<10000x128xf32, #tpu.memory_space<vmem_shared>> -> memref<624x128xf32, #tpu.memory_space<vmem_shared>>
      %dma_start3A_296 = arith.constant 0 : i32
      %dma_start3A_297 = tpu.memref_slice %arg7[%multiple_of3A, %dma_start3A_296] : memref<40000x128xf32, #tpu.memory_space<hbm>> -> memref<624x128xf32, #tpu.memory_space<hbm>>
      tpu.enqueue_dma source(%dma_start3A_297 : memref<624x128xf32, #tpu.memory_space<hbm>>) target(%dma_start3A_295 : memref<624x128xf32, #tpu.memory_space<vmem_shared>>) target_semaphore(%run_scoped3A : memref<!tpu.dma_semaphore, #tpu.memory_space<semaphore_mem>>)
      %dma_wait3A_298 = arith.constant 0 : i32
      %dma_wait3A_299 = tpu.memref_slice %arg9[%multiple_of3A_7, %dma_wait3A_298] : memref<10000x128xf32, #tpu.memory_space<vmem_shared>> -> memref<624x128xf32, #tpu.memory_space<vmem_shared>>
      %dma_wait3A_300 = arith.constant 0 : i32
      %dma_wait3A_301 = tpu.memref_slice %arg7[%multiple_of3A, %dma_wait3A_300] : memref<40000x128xf32, #tpu.memory_space<hbm>> -> memref<624x128xf32, #tpu.memory_space<hbm>>
      tpu.wait_dma2 semaphore(%run_scoped3A : memref<!tpu.dma_semaphore, #tpu.memory_space<semaphore_mem>>) src(%dma_wait3A_301 : memref<624x128xf32, #tpu.memory_space<hbm>>) dst(%dma_wait3A_299 : memref<624x128xf32, #tpu.memory_space<vmem_shared>>)
      tpu.yield
    }) : () -> ()
    %eq3A = arith.constant 0 : i32
    %eq3A_8 = arith.cmpi eq, %arg1, %eq3A : i32
    %convert_element_type3A = arith.extui %eq3A_8 : i1 to i32
    %cond3A = arith.constant 0 : i32
    %cond3A_9 = arith.cmpi ne, %convert_element_type3A, %cond3A : i32
    scf.if %cond3A_9 {
      %add3A_294 = arith.constant 9984 : i32
      %add3A_295 = arith.addi %mul3A_5, %add3A_294 : i32
      %multiple_of3A_296 = tpu.assume_multiple %add3A_295, 8 : i32
      "tpu.region"() ({
        %run_scoped3A = tpu.sem_alloc : memref<!tpu.dma_semaphore, #tpu.memory_space<semaphore_mem>>
        %dma_start3A_297 = arith.constant 9984 : i32
        %dma_start3A_298 = arith.constant 0 : i32
        %dma_start3A_299 = tpu.memref_slice %arg9[%dma_start3A_297, %dma_start3A_298] : memref<10000x128xf32, #tpu.memory_space<vmem_shared>> -> memref<16x128xf32, #tpu.memory_space<vmem_shared>>
        %dma_start3A_300 = arith.constant 0 : i32
        %dma_start3A_301 = tpu.memref_slice %arg7[%multiple_of3A_296, %dma_start3A_300] : memref<40000x128xf32, #tpu.memory_space<hbm>> -> memref<16x128xf32, #tpu.memory_space<hbm>>
        tpu.enqueue_dma source(%dma_start3A_301 : memref<16x128xf32, #tpu.memory_space<hbm>>) target(%dma_start3A_299 : memref<16x128xf32, #tpu.memory_space<vmem_shared>>) target_semaphore(%run_scoped3A : memref<!tpu.dma_semaphore, #tpu.memory_space<semaphore_mem>>)
        %dma_wait3A_302 = arith.constant 9984 : i32
        %dma_wait3A_303 = arith.constant 0 : i32
        %dma_wait3A_304 = tpu.memref_slice %arg9[%dma_wait3A_302, %dma_wait3A_303] : memref<10000x128xf32, #tpu.memory_space<vmem_shared>> -> memref<16x128xf32, #tpu.memory_space<vmem_shared>>
        %dma_wait3A_305 = arith.constant 0 : i32
        %dma_wait3A_306 = tpu.memref_slice %arg7[%multiple_of3A_296, %dma_wait3A_305] : memref<40000x128xf32, #tpu.memory_space<hbm>> -> memref<16x128xf32, #tpu.memory_space<hbm>>
        tpu.wait_dma2 semaphore(%run_scoped3A : memref<!tpu.dma_semaphore, #tpu.memory_space<semaphore_mem>>) src(%dma_wait3A_306 : memref<16x128xf32, #tpu.memory_space<hbm>>) dst(%dma_wait3A_304 : memref<16x128xf32, #tpu.memory_space<vmem_shared>>)
        tpu.yield
      }) : () -> ()
    } else {
    }
    %barrier3A = arith.constant 0 : index
    tpu.barrier barrier_id(%barrier3A)
    %mul3A_10 = arith.constant 160000 : i32
    %mul3A_11 = arith.muli %add3A_3, %mul3A_10 : i32
    %mul3A_12 = arith.constant 10000 : i32
    %mul3A_13 = arith.muli %arg1, %mul3A_12 : i32
    %add3A_14 = arith.addi %mul3A_11, %mul3A_13 : i32
    %add3A_15 = arith.constant 0 : i32
    %add3A_16 = arith.addi %add3A_14, %add3A_15 : i32
    %multiple_of3A_17 = tpu.assume_multiple %add3A_16, 8 : i32
    %dma_start3A = arith.constant 0 : i32
    %dma_start3A_18 = arith.constant 0 : i32
    %dma_start3A_19 = tpu.memref_slice %arg10[%dma_start3A, %dma_start3A_18] : memref<2x40xi32, #tpu.memory_space<vmem>> -> memref<1x40xi32, #tpu.memory_space<vmem>>
    %dma_start3A_20 = tpu.memref_squeeze %dma_start3A_19 : memref<1x40xi32, #tpu.memory_space<vmem>> -> memref<40xi32, #tpu.memory_space<vmem>>
    %dma_start3A_21 = tpu.memref_slice %arg5[%multiple_of3A_17] : memref<640000xi32, #tpu.memory_space<hbm>> -> memref<40xi32, #tpu.memory_space<hbm>>
    %dma_start3A_22 = arith.constant 0 : i32
    %dma_start3A_23 = tpu.memref_slice %arg10[%dma_start3A, %dma_start3A_22] : memref<2x40xi32, #tpu.memory_space<vmem>> -> memref<1x40xi32, #tpu.memory_space<vmem>>
    %dma_start3A_24 = tpu.memref_squeeze %dma_start3A_23 : memref<1x40xi32, #tpu.memory_space<vmem>> -> memref<40xi32, #tpu.memory_space<vmem>>
    %dma_start3A_25 = tpu.memref_slice %arg5[%multiple_of3A_17] : memref<640000xi32, #tpu.memory_space<hbm>> -> memref<40xi32, #tpu.memory_space<hbm>>
    tpu.enqueue_dma source(%dma_start3A_25 : memref<40xi32, #tpu.memory_space<hbm>>) target(%dma_start3A_24 : memref<40xi32, #tpu.memory_space<vmem>>) target_semaphore(%arg16 : memref<!tpu.dma_semaphore, #tpu.memory_space<semaphore_mem>>)
    %mul3A_26 = arith.constant 10000 : i32
    %mul3A_27 = arith.muli %arg1, %mul3A_26 : i32
    %add3A_28 = arith.constant 0 : i32
    %add3A_29 = arith.addi %mul3A_27, %add3A_28 : i32
    %multiple_of3A_30 = tpu.assume_multiple %add3A_29, 8 : i32
    %dma_start3A_31 = arith.constant 0 : i32
    %dma_start3A_32 = arith.constant 0 : i32
    %dma_start3A_33 = tpu.memref_slice %arg11[%dma_start3A_31, %dma_start3A_32] : memref<2x40xi32, #tpu.memory_space<vmem>> -> memref<1x40xi32, #tpu.memory_space<vmem>>
    %dma_start3A_34 = tpu.memref_squeeze %dma_start3A_33 : memref<1x40xi32, #tpu.memory_space<vmem>> -> memref<40xi32, #tpu.memory_space<vmem>>
    %dma_start3A_35 = tpu.memref_slice %arg6[%multiple_of3A_30] : memref<160000xi32, #tpu.memory_space<hbm>> -> memref<40xi32, #tpu.memory_space<hbm>>
    %dma_start3A_36 = arith.constant 0 : i32
    %dma_start3A_37 = tpu.memref_slice %arg11[%dma_start3A_31, %dma_start3A_36] : memref<2x40xi32, #tpu.memory_space<vmem>> -> memref<1x40xi32, #tpu.memory_space<vmem>>
    %dma_start3A_38 = tpu.memref_squeeze %dma_start3A_37 : memref<1x40xi32, #tpu.memory_space<vmem>> -> memref<40xi32, #tpu.memory_space<vmem>>
    %dma_start3A_39 = tpu.memref_slice %arg6[%multiple_of3A_30] : memref<160000xi32, #tpu.memory_space<hbm>> -> memref<40xi32, #tpu.memory_space<hbm>>
    tpu.enqueue_dma source(%dma_start3A_39 : memref<40xi32, #tpu.memory_space<hbm>>) target(%dma_start3A_38 : memref<40xi32, #tpu.memory_space<vmem>>) target_semaphore(%arg18 : memref<!tpu.dma_semaphore, #tpu.memory_space<semaphore_mem>>)
    %dma_wait3A = arith.constant 0 : i32
    %dma_wait3A_40 = arith.constant 0 : i32
    %dma_wait3A_41 = tpu.memref_slice %arg10[%dma_wait3A, %dma_wait3A_40] : memref<2x40xi32, #tpu.memory_space<vmem>> -> memref<1x40xi32, #tpu.memory_space<vmem>>
    %dma_wait3A_42 = tpu.memref_squeeze %dma_wait3A_41 : memref<1x40xi32, #tpu.memory_space<vmem>> -> memref<40xi32, #tpu.memory_space<vmem>>
    %dma_wait3A_43 = arith.constant 0 : i32
    %dma_wait3A_44 = tpu.memref_slice %arg5[%dma_wait3A_43] : memref<640000xi32, #tpu.memory_space<hbm>> -> memref<40xi32, #tpu.memory_space<hbm>>
    %dma_wait3A_45 = arith.constant 0 : i32
    %dma_wait3A_46 = tpu.memref_slice %arg10[%dma_wait3A, %dma_wait3A_45] : memref<2x40xi32, #tpu.memory_space<vmem>> -> memref<1x40xi32, #tpu.memory_space<vmem>>
    %dma_wait3A_47 = tpu.memref_squeeze %dma_wait3A_46 : memref<1x40xi32, #tpu.memory_space<vmem>> -> memref<40xi32, #tpu.memory_space<vmem>>
    %dma_wait3A_48 = arith.constant 0 : i32
    %dma_wait3A_49 = tpu.memref_slice %arg5[%dma_wait3A_48] : memref<640000xi32, #tpu.memory_space<hbm>> -> memref<40xi32, #tpu.memory_space<hbm>>
    tpu.wait_dma2 semaphore(%arg16 : memref<!tpu.dma_semaphore, #tpu.memory_space<semaphore_mem>>) src(%dma_wait3A_49 : memref<40xi32, #tpu.memory_space<hbm>>) dst(%dma_wait3A_47 : memref<40xi32, #tpu.memory_space<vmem>>)
    %mul3A_50 = arith.constant 10000 : i32
    %mul3A_51 = arith.muli %arg1, %mul3A_50 : i32
    %add3A_52 = arith.constant 0 : i32
    %add3A_53 = arith.addi %mul3A_51, %add3A_52 : i32
    %multiple_of3A_54 = tpu.assume_multiple %add3A_53, 8 : i32
    %mul3A_55 = arith.constant 160000 : i32
    %mul3A_56 = arith.muli %add3A_3, %mul3A_55 : i32
    %add3A_57 = arith.addi %mul3A_56, %multiple_of3A_54 : i32
    %multiple_of3A_58 = tpu.assume_multiple %add3A_57, 8 : i32
    %dma_start3A_59 = arith.constant 0 : i32
    %dma_start3A_60 = arith.constant 0 : i32
    %dma_start3A_61 = arith.constant 0 : i32
    %dma_start3A_62 = arith.constant 0 : i32
    %dma_start3A_63 = tpu.memref_slice %arg12[%dma_start3A_60, %dma_start3A_61, %dma_start3A_62] : memref<2x40x256xf32, #tpu.memory_space<vmem>> -> memref<1x40x256xf32, #tpu.memory_space<vmem>>
    %dma_start3A_64 = tpu.memref_squeeze %dma_start3A_63 : memref<1x40x256xf32, #tpu.memory_space<vmem>> -> memref<40x256xf32, #tpu.memory_space<vmem>>
    %dma_start3A_65 = arith.constant 0 : i32
    %dma_start3A_66 = tpu.memref_slice %arg10[%dma_start3A_59, %dma_start3A_65] : memref<2x40xi32, #tpu.memory_space<vmem>> -> memref<1x40xi32, #tpu.memory_space<vmem>>
    %dma_start3A_67 = tpu.memref_squeeze %dma_start3A_66 : memref<1x40xi32, #tpu.memory_space<vmem>> -> memref<40xi32, #tpu.memory_space<vmem>>
    %dma_start3A_68 = arith.constant 0 : i32
    %dma_start3A_69 = arith.constant 0 : i32
    %dma_start3A_70 = tpu.memref_slice %arg2[%dma_start3A_68, %dma_start3A_69] : memref<40000x256xf32, #tpu.memory_space<hbm>> -> memref<40000x256xf32, #tpu.memory_space<hbm>>
    tpu.enqueue_indirect_dma source(%dma_start3A_70 : memref<40000x256xf32, #tpu.memory_space<hbm>>) target(%dma_start3A_64 : memref<40x256xf32, #tpu.memory_space<vmem>>) offsets(%dma_start3A_67 : memref<40xi32, #tpu.memory_space<vmem>>) semaphore(%arg20 : memref<!tpu.dma_semaphore, #tpu.memory_space<semaphore_mem>>)
    %dma_start3A_71 = arith.constant 0 : i32
    %dma_start3A_72 = arith.constant 0 : i32
    %dma_start3A_73 = arith.constant 0 : i32
    %dma_start3A_74 = tpu.memref_slice %arg13[%dma_start3A_71, %dma_start3A_72, %dma_start3A_73] : memref<2x40x128xf32, #tpu.memory_space<vmem>> -> memref<1x40x128xf32, #tpu.memory_space<vmem>>
    %dma_start3A_75 = tpu.memref_squeeze %dma_start3A_74 : memref<1x40x128xf32, #tpu.memory_space<vmem>> -> memref<40x128xf32, #tpu.memory_space<vmem>>
    %dma_start3A_76 = arith.constant 0 : i32
    %dma_start3A_77 = tpu.memref_slice %arg3[%multiple_of3A_58, %dma_start3A_76] : memref<640000x128xf32, #tpu.memory_space<hbm>> -> memref<40x128xf32, #tpu.memory_space<hbm>>
    %dma_start3A_78 = arith.constant 0 : i32
    %dma_start3A_79 = arith.constant 0 : i32
    %dma_start3A_80 = tpu.memref_slice %arg13[%dma_start3A_71, %dma_start3A_78, %dma_start3A_79] : memref<2x40x128xf32, #tpu.memory_space<vmem>> -> memref<1x40x128xf32, #tpu.memory_space<vmem>>
    %dma_start3A_81 = tpu.memref_squeeze %dma_start3A_80 : memref<1x40x128xf32, #tpu.memory_space<vmem>> -> memref<40x128xf32, #tpu.memory_space<vmem>>
    %dma_start3A_82 = arith.constant 0 : i32
    %dma_start3A_83 = tpu.memref_slice %arg3[%multiple_of3A_58, %dma_start3A_82] : memref<640000x128xf32, #tpu.memory_space<hbm>> -> memref<40x128xf32, #tpu.memory_space<hbm>>
    tpu.enqueue_dma source(%dma_start3A_83 : memref<40x128xf32, #tpu.memory_space<hbm>>) target(%dma_start3A_81 : memref<40x128xf32, #tpu.memory_space<vmem>>) target_semaphore(%arg20 : memref<!tpu.dma_semaphore, #tpu.memory_space<semaphore_mem>>)
    %dma_start3A_84 = arith.constant 0 : i32
    %dma_start3A_85 = arith.constant 0 : i32
    %dma_start3A_86 = arith.constant 0 : i32
    %dma_start3A_87 = tpu.memref_slice %arg14[%dma_start3A_84, %dma_start3A_85, %dma_start3A_86] : memref<2x40x16xf32, #tpu.memory_space<vmem>> -> memref<1x40x16xf32, #tpu.memory_space<vmem>>
    %dma_start3A_88 = tpu.memref_squeeze %dma_start3A_87 : memref<1x40x16xf32, #tpu.memory_space<vmem>> -> memref<40x16xf32, #tpu.memory_space<vmem>>
    %dma_start3A_89 = arith.constant 0 : i32
    %dma_start3A_90 = tpu.memref_slice %arg4[%multiple_of3A_54, %dma_start3A_89] : memref<160000x16xf32, #tpu.memory_space<hbm>> -> memref<40x16xf32, #tpu.memory_space<hbm>>
    %dma_start3A_91 = arith.constant 0 : i32
    %dma_start3A_92 = arith.constant 0 : i32
    %dma_start3A_93 = tpu.memref_slice %arg14[%dma_start3A_84, %dma_start3A_91, %dma_start3A_92] : memref<2x40x16xf32, #tpu.memory_space<vmem>> -> memref<1x40x16xf32, #tpu.memory_space<vmem>>
    %dma_start3A_94 = tpu.memref_squeeze %dma_start3A_93 : memref<1x40x16xf32, #tpu.memory_space<vmem>> -> memref<40x16xf32, #tpu.memory_space<vmem>>
    %dma_start3A_95 = arith.constant 0 : i32
    %dma_start3A_96 = tpu.memref_slice %arg4[%multiple_of3A_54, %dma_start3A_95] : memref<160000x16xf32, #tpu.memory_space<hbm>> -> memref<40x16xf32, #tpu.memory_space<hbm>>
    tpu.enqueue_dma source(%dma_start3A_96 : memref<40x16xf32, #tpu.memory_space<hbm>>) target(%dma_start3A_94 : memref<40x16xf32, #tpu.memory_space<vmem>>) target_semaphore(%arg20 : memref<!tpu.dma_semaphore, #tpu.memory_space<semaphore_mem>>)
    %mul3A_97 = arith.constant 160000 : i32
    %mul3A_98 = arith.muli %add3A_3, %mul3A_97 : i32
    %mul3A_99 = arith.constant 10000 : i32
    %mul3A_100 = arith.muli %arg1, %mul3A_99 : i32
    %add3A_101 = arith.addi %mul3A_98, %mul3A_100 : i32
    %add3A_102 = arith.constant 40 : i32
    %add3A_103 = arith.addi %add3A_101, %add3A_102 : i32
    %multiple_of3A_104 = tpu.assume_multiple %add3A_103, 8 : i32
    %dma_start3A_105 = arith.constant 1 : i32
    %dma_start3A_106 = arith.constant 0 : i32
    %dma_start3A_107 = tpu.memref_slice %arg10[%dma_start3A_105, %dma_start3A_106] : memref<2x40xi32, #tpu.memory_space<vmem>> -> memref<1x40xi32, #tpu.memory_space<vmem>>
    %dma_start3A_108 = tpu.memref_squeeze %dma_start3A_107 : memref<1x40xi32, #tpu.memory_space<vmem>> -> memref<40xi32, #tpu.memory_space<vmem>>
    %dma_start3A_109 = tpu.memref_slice %arg5[%multiple_of3A_104] : memref<640000xi32, #tpu.memory_space<hbm>> -> memref<40xi32, #tpu.memory_space<hbm>>
    %dma_start3A_110 = arith.constant 0 : i32
    %dma_start3A_111 = tpu.memref_slice %arg10[%dma_start3A_105, %dma_start3A_110] : memref<2x40xi32, #tpu.memory_space<vmem>> -> memref<1x40xi32, #tpu.memory_space<vmem>>
    %dma_start3A_112 = tpu.memref_squeeze %dma_start3A_111 : memref<1x40xi32, #tpu.memory_space<vmem>> -> memref<40xi32, #tpu.memory_space<vmem>>
    %dma_start3A_113 = tpu.memref_slice %arg5[%multiple_of3A_104] : memref<640000xi32, #tpu.memory_space<hbm>> -> memref<40xi32, #tpu.memory_space<hbm>>
    tpu.enqueue_dma source(%dma_start3A_113 : memref<40xi32, #tpu.memory_space<hbm>>) target(%dma_start3A_112 : memref<40xi32, #tpu.memory_space<vmem>>) target_semaphore(%arg17 : memref<!tpu.dma_semaphore, #tpu.memory_space<semaphore_mem>>)
    %mul3A_114 = arith.constant 10000 : i32
    %mul3A_115 = arith.muli %arg1, %mul3A_114 : i32
    %add3A_116 = arith.constant 40 : i32
    %add3A_117 = arith.addi %mul3A_115, %add3A_116 : i32
    %multiple_of3A_118 = tpu.assume_multiple %add3A_117, 8 : i32
    %dma_start3A_119 = arith.constant 1 : i32
    %dma_start3A_120 = arith.constant 0 : i32
    %dma_start3A_121 = tpu.memref_slice %arg11[%dma_start3A_119, %dma_start3A_120] : memref<2x40xi32, #tpu.memory_space<vmem>> -> memref<1x40xi32, #tpu.memory_space<vmem>>
    %dma_start3A_122 = tpu.memref_squeeze %dma_start3A_121 : memref<1x40xi32, #tpu.memory_space<vmem>> -> memref<40xi32, #tpu.memory_space<vmem>>
    %dma_start3A_123 = tpu.memref_slice %arg6[%multiple_of3A_118] : memref<160000xi32, #tpu.memory_space<hbm>> -> memref<40xi32, #tpu.memory_space<hbm>>
    %dma_start3A_124 = arith.constant 0 : i32
    %dma_start3A_125 = tpu.memref_slice %arg11[%dma_start3A_119, %dma_start3A_124] : memref<2x40xi32, #tpu.memory_space<vmem>> -> memref<1x40xi32, #tpu.memory_space<vmem>>
    %dma_start3A_126 = tpu.memref_squeeze %dma_start3A_125 : memref<1x40xi32, #tpu.memory_space<vmem>> -> memref<40xi32, #tpu.memory_space<vmem>>
    %dma_start3A_127 = tpu.memref_slice %arg6[%multiple_of3A_118] : memref<160000xi32, #tpu.memory_space<hbm>> -> memref<40xi32, #tpu.memory_space<hbm>>
    tpu.enqueue_dma source(%dma_start3A_127 : memref<40xi32, #tpu.memory_space<hbm>>) target(%dma_start3A_126 : memref<40xi32, #tpu.memory_space<vmem>>) target_semaphore(%arg19 : memref<!tpu.dma_semaphore, #tpu.memory_space<semaphore_mem>>)
    %scan3A = arith.constant 0 : i32
    %scan3A_128 = arith.constant 0 : i32
    %scan3A_129 = arith.constant 125 : i32
    %scan3A_130 = arith.addi %scan3A_128, %scan3A_129 : i32
    %scan3A_131 = arith.constant 1 : i32
    scf.for %scan3A_294 = %scan3A_128 to %scan3A_130 step %scan3A_131  : i32 {
      %lt3A = arith.constant 124 : i32
      %lt3A_295 = arith.cmpi slt, %scan3A_294, %lt3A : i32
      %convert_element_type3A_296 = arith.extui %lt3A_295 : i1 to i32
      %cond3A_297 = arith.constant 0 : i32
      %cond3A_298 = arith.cmpi ne, %convert_element_type3A_296, %cond3A_297 : i32
      scf.if %cond3A_298 {
        %mul3A_495 = arith.constant 2 : i32
        %mul3A_496 = arith.muli %mul3A_495, %scan3A_294 : i32
        %add3A_497 = arith.constant 2 : i32
        %add3A_498 = arith.addi %mul3A_496, %add3A_497 : i32
        %mul3A_499 = arith.constant 160000 : i32
        %mul3A_500 = arith.muli %add3A_3, %mul3A_499 : i32
        %mul3A_501 = arith.constant 10000 : i32
        %mul3A_502 = arith.muli %arg1, %mul3A_501 : i32
        %add3A_503 = arith.addi %mul3A_500, %mul3A_502 : i32
        %mul3A_504 = arith.constant 40 : i32
        %mul3A_505 = arith.muli %add3A_498, %mul3A_504 : i32
        %add3A_506 = arith.addi %add3A_503, %mul3A_505 : i32
        %multiple_of3A_507 = tpu.assume_multiple %add3A_506, 8 : i32
        %dma_start3A_508 = arith.constant 0 : i32
        %dma_start3A_509 = arith.constant 0 : i32
        %dma_start3A_510 = tpu.memref_slice %arg10[%dma_start3A_508, %dma_start3A_509] : memref<2x40xi32, #tpu.memory_space<vmem>> -> memref<1x40xi32, #tpu.memory_space<vmem>>
        %dma_start3A_511 = tpu.memref_squeeze %dma_start3A_510 : memref<1x40xi32, #tpu.memory_space<vmem>> -> memref<40xi32, #tpu.memory_space<vmem>>
        %dma_start3A_512 = tpu.memref_slice %arg5[%multiple_of3A_507] : memref<640000xi32, #tpu.memory_space<hbm>> -> memref<40xi32, #tpu.memory_space<hbm>>
        %dma_start3A_513 = arith.constant 0 : i32
        %dma_start3A_514 = tpu.memref_slice %arg10[%dma_start3A_508, %dma_start3A_513] : memref<2x40xi32, #tpu.memory_space<vmem>> -> memref<1x40xi32, #tpu.memory_space<vmem>>
        %dma_start3A_515 = tpu.memref_squeeze %dma_start3A_514 : memref<1x40xi32, #tpu.memory_space<vmem>> -> memref<40xi32, #tpu.memory_space<vmem>>
        %dma_start3A_516 = tpu.memref_slice %arg5[%multiple_of3A_507] : memref<640000xi32, #tpu.memory_space<hbm>> -> memref<40xi32, #tpu.memory_space<hbm>>
        tpu.enqueue_dma source(%dma_start3A_516 : memref<40xi32, #tpu.memory_space<hbm>>) target(%dma_start3A_515 : memref<40xi32, #tpu.memory_space<vmem>>) target_semaphore(%arg16 : memref<!tpu.dma_semaphore, #tpu.memory_space<semaphore_mem>>)
      } else {
      }
      %dma_wait3A_299 = arith.constant 1 : i32
      %dma_wait3A_300 = arith.constant 0 : i32
      %dma_wait3A_301 = tpu.memref_slice %arg10[%dma_wait3A_299, %dma_wait3A_300] : memref<2x40xi32, #tpu.memory_space<vmem>> -> memref<1x40xi32, #tpu.memory_space<vmem>>
      %dma_wait3A_302 = tpu.memref_squeeze %dma_wait3A_301 : memref<1x40xi32, #tpu.memory_space<vmem>> -> memref<40xi32, #tpu.memory_space<vmem>>
      %dma_wait3A_303 = arith.constant 0 : i32
      %dma_wait3A_304 = tpu.memref_slice %arg5[%dma_wait3A_303] : memref<640000xi32, #tpu.memory_space<hbm>> -> memref<40xi32, #tpu.memory_space<hbm>>
      %dma_wait3A_305 = arith.constant 0 : i32
      %dma_wait3A_306 = tpu.memref_slice %arg10[%dma_wait3A_299, %dma_wait3A_305] : memref<2x40xi32, #tpu.memory_space<vmem>> -> memref<1x40xi32, #tpu.memory_space<vmem>>
      %dma_wait3A_307 = tpu.memref_squeeze %dma_wait3A_306 : memref<1x40xi32, #tpu.memory_space<vmem>> -> memref<40xi32, #tpu.memory_space<vmem>>
      %dma_wait3A_308 = arith.constant 0 : i32
      %dma_wait3A_309 = tpu.memref_slice %arg5[%dma_wait3A_308] : memref<640000xi32, #tpu.memory_space<hbm>> -> memref<40xi32, #tpu.memory_space<hbm>>
      tpu.wait_dma2 semaphore(%arg17 : memref<!tpu.dma_semaphore, #tpu.memory_space<semaphore_mem>>) src(%dma_wait3A_309 : memref<40xi32, #tpu.memory_space<hbm>>) dst(%dma_wait3A_307 : memref<40xi32, #tpu.memory_space<vmem>>)
      %mul3A_310 = arith.constant 2 : i32
      %mul3A_311 = arith.muli %mul3A_310, %scan3A_294 : i32
      %add3A_312 = arith.constant 1 : i32
      %add3A_313 = arith.addi %mul3A_311, %add3A_312 : i32
      %mul3A_314 = arith.constant 10000 : i32
      %mul3A_315 = arith.muli %arg1, %mul3A_314 : i32
      %mul3A_316 = arith.constant 40 : i32
      %mul3A_317 = arith.muli %add3A_313, %mul3A_316 : i32
      %add3A_318 = arith.addi %mul3A_315, %mul3A_317 : i32
      %multiple_of3A_319 = tpu.assume_multiple %add3A_318, 8 : i32
      %mul3A_320 = arith.constant 160000 : i32
      %mul3A_321 = arith.muli %add3A_3, %mul3A_320 : i32
      %add3A_322 = arith.addi %mul3A_321, %multiple_of3A_319 : i32
      %multiple_of3A_323 = tpu.assume_multiple %add3A_322, 8 : i32
      %dma_start3A_324 = arith.constant 1 : i32
      %dma_start3A_325 = arith.constant 1 : i32
      %dma_start3A_326 = arith.constant 0 : i32
      %dma_start3A_327 = arith.constant 0 : i32
      %dma_start3A_328 = tpu.memref_slice %arg12[%dma_start3A_325, %dma_start3A_326, %dma_start3A_327] : memref<2x40x256xf32, #tpu.memory_space<vmem>> -> memref<1x40x256xf32, #tpu.memory_space<vmem>>
      %dma_start3A_329 = tpu.memref_squeeze %dma_start3A_328 : memref<1x40x256xf32, #tpu.memory_space<vmem>> -> memref<40x256xf32, #tpu.memory_space<vmem>>
      %dma_start3A_330 = arith.constant 0 : i32
      %dma_start3A_331 = tpu.memref_slice %arg10[%dma_start3A_324, %dma_start3A_330] : memref<2x40xi32, #tpu.memory_space<vmem>> -> memref<1x40xi32, #tpu.memory_space<vmem>>
      %dma_start3A_332 = tpu.memref_squeeze %dma_start3A_331 : memref<1x40xi32, #tpu.memory_space<vmem>> -> memref<40xi32, #tpu.memory_space<vmem>>
      %dma_start3A_333 = arith.constant 0 : i32
      %dma_start3A_334 = arith.constant 0 : i32
      %dma_start3A_335 = tpu.memref_slice %arg2[%dma_start3A_333, %dma_start3A_334] : memref<40000x256xf32, #tpu.memory_space<hbm>> -> memref<40000x256xf32, #tpu.memory_space<hbm>>
      tpu.enqueue_indirect_dma source(%dma_start3A_335 : memref<40000x256xf32, #tpu.memory_space<hbm>>) target(%dma_start3A_329 : memref<40x256xf32, #tpu.memory_space<vmem>>) offsets(%dma_start3A_332 : memref<40xi32, #tpu.memory_space<vmem>>) semaphore(%arg21 : memref<!tpu.dma_semaphore, #tpu.memory_space<semaphore_mem>>)
      %dma_start3A_336 = arith.constant 1 : i32
      %dma_start3A_337 = arith.constant 0 : i32
      %dma_start3A_338 = arith.constant 0 : i32
      %dma_start3A_339 = tpu.memref_slice %arg13[%dma_start3A_336, %dma_start3A_337, %dma_start3A_338] : memref<2x40x128xf32, #tpu.memory_space<vmem>> -> memref<1x40x128xf32, #tpu.memory_space<vmem>>
      %dma_start3A_340 = tpu.memref_squeeze %dma_start3A_339 : memref<1x40x128xf32, #tpu.memory_space<vmem>> -> memref<40x128xf32, #tpu.memory_space<vmem>>
      %dma_start3A_341 = arith.constant 0 : i32
      %dma_start3A_342 = tpu.memref_slice %arg3[%multiple_of3A_323, %dma_start3A_341] : memref<640000x128xf32, #tpu.memory_space<hbm>> -> memref<40x128xf32, #tpu.memory_space<hbm>>
      %dma_start3A_343 = arith.constant 0 : i32
      %dma_start3A_344 = arith.constant 0 : i32
      %dma_start3A_345 = tpu.memref_slice %arg13[%dma_start3A_336, %dma_start3A_343, %dma_start3A_344] : memref<2x40x128xf32, #tpu.memory_space<vmem>> -> memref<1x40x128xf32, #tpu.memory_space<vmem>>
      %dma_start3A_346 = tpu.memref_squeeze %dma_start3A_345 : memref<1x40x128xf32, #tpu.memory_space<vmem>> -> memref<40x128xf32, #tpu.memory_space<vmem>>
      %dma_start3A_347 = arith.constant 0 : i32
      %dma_start3A_348 = tpu.memref_slice %arg3[%multiple_of3A_323, %dma_start3A_347] : memref<640000x128xf32, #tpu.memory_space<hbm>> -> memref<40x128xf32, #tpu.memory_space<hbm>>
      tpu.enqueue_dma source(%dma_start3A_348 : memref<40x128xf32, #tpu.memory_space<hbm>>) target(%dma_start3A_346 : memref<40x128xf32, #tpu.memory_space<vmem>>) target_semaphore(%arg21 : memref<!tpu.dma_semaphore, #tpu.memory_space<semaphore_mem>>)
      %dma_start3A_349 = arith.constant 1 : i32
      %dma_start3A_350 = arith.constant 0 : i32
      %dma_start3A_351 = arith.constant 0 : i32
      %dma_start3A_352 = tpu.memref_slice %arg14[%dma_start3A_349, %dma_start3A_350, %dma_start3A_351] : memref<2x40x16xf32, #tpu.memory_space<vmem>> -> memref<1x40x16xf32, #tpu.memory_space<vmem>>
      %dma_start3A_353 = tpu.memref_squeeze %dma_start3A_352 : memref<1x40x16xf32, #tpu.memory_space<vmem>> -> memref<40x16xf32, #tpu.memory_space<vmem>>
      %dma_start3A_354 = arith.constant 0 : i32
      %dma_start3A_355 = tpu.memref_slice %arg4[%multiple_of3A_319, %dma_start3A_354] : memref<160000x16xf32, #tpu.memory_space<hbm>> -> memref<40x16xf32, #tpu.memory_space<hbm>>
      %dma_start3A_356 = arith.constant 0 : i32
      %dma_start3A_357 = arith.constant 0 : i32
      %dma_start3A_358 = tpu.memref_slice %arg14[%dma_start3A_349, %dma_start3A_356, %dma_start3A_357] : memref<2x40x16xf32, #tpu.memory_space<vmem>> -> memref<1x40x16xf32, #tpu.memory_space<vmem>>
      %dma_start3A_359 = tpu.memref_squeeze %dma_start3A_358 : memref<1x40x16xf32, #tpu.memory_space<vmem>> -> memref<40x16xf32, #tpu.memory_space<vmem>>
      %dma_start3A_360 = arith.constant 0 : i32
      %dma_start3A_361 = tpu.memref_slice %arg4[%multiple_of3A_319, %dma_start3A_360] : memref<160000x16xf32, #tpu.memory_space<hbm>> -> memref<40x16xf32, #tpu.memory_space<hbm>>
      tpu.enqueue_dma source(%dma_start3A_361 : memref<40x16xf32, #tpu.memory_space<hbm>>) target(%dma_start3A_359 : memref<40x16xf32, #tpu.memory_space<vmem>>) target_semaphore(%arg21 : memref<!tpu.dma_semaphore, #tpu.memory_space<semaphore_mem>>)
      %dma_wait3A_362 = arith.constant 0 : i32
      %dma_wait3A_363 = arith.constant 0 : i32
      %dma_wait3A_364 = arith.constant 0 : i32
      %dma_wait3A_365 = tpu.memref_slice %arg12[%dma_wait3A_362, %dma_wait3A_363, %dma_wait3A_364] : memref<2x40x256xf32, #tpu.memory_space<vmem>> -> memref<1x40x256xf32, #tpu.memory_space<vmem>>
      %dma_wait3A_366 = tpu.memref_squeeze %dma_wait3A_365 : memref<1x40x256xf32, #tpu.memory_space<vmem>> -> memref<40x256xf32, #tpu.memory_space<vmem>>
      %dma_wait3A_367 = arith.constant 0 : i32
      %dma_wait3A_368 = arith.constant 0 : i32
      %dma_wait3A_369 = tpu.memref_slice %arg2[%dma_wait3A_367, %dma_wait3A_368] : memref<40000x256xf32, #tpu.memory_space<hbm>> -> memref<40x256xf32, #tpu.memory_space<hbm>>
      %dma_wait3A_370 = arith.constant 0 : i32
      %dma_wait3A_371 = arith.constant 0 : i32
      %dma_wait3A_372 = tpu.memref_slice %arg12[%dma_wait3A_362, %dma_wait3A_370, %dma_wait3A_371] : memref<2x40x256xf32, #tpu.memory_space<vmem>> -> memref<1x40x256xf32, #tpu.memory_space<vmem>>
      %dma_wait3A_373 = tpu.memref_squeeze %dma_wait3A_372 : memref<1x40x256xf32, #tpu.memory_space<vmem>> -> memref<40x256xf32, #tpu.memory_space<vmem>>
      %dma_wait3A_374 = arith.constant 0 : i32
      %dma_wait3A_375 = arith.constant 0 : i32
      %dma_wait3A_376 = tpu.memref_slice %arg2[%dma_wait3A_374, %dma_wait3A_375] : memref<40000x256xf32, #tpu.memory_space<hbm>> -> memref<40x256xf32, #tpu.memory_space<hbm>>
      tpu.wait_dma2 semaphore(%arg20 : memref<!tpu.dma_semaphore, #tpu.memory_space<semaphore_mem>>) src(%dma_wait3A_376 : memref<40x256xf32, #tpu.memory_space<hbm>>) dst(%dma_wait3A_373 : memref<40x256xf32, #tpu.memory_space<vmem>>)
      %dma_wait3A_377 = arith.constant 0 : i32
      %dma_wait3A_378 = arith.constant 0 : i32
      %dma_wait3A_379 = arith.constant 0 : i32
      %dma_wait3A_380 = tpu.memref_slice %arg13[%dma_wait3A_377, %dma_wait3A_378, %dma_wait3A_379] : memref<2x40x128xf32, #tpu.memory_space<vmem>> -> memref<1x40x128xf32, #tpu.memory_space<vmem>>
      %dma_wait3A_381 = tpu.memref_squeeze %dma_wait3A_380 : memref<1x40x128xf32, #tpu.memory_space<vmem>> -> memref<40x128xf32, #tpu.memory_space<vmem>>
      %dma_wait3A_382 = arith.constant 0 : i32
      %dma_wait3A_383 = arith.constant 0 : i32
      %dma_wait3A_384 = tpu.memref_slice %arg3[%dma_wait3A_382, %dma_wait3A_383] : memref<640000x128xf32, #tpu.memory_space<hbm>> -> memref<40x128xf32, #tpu.memory_space<hbm>>
      %dma_wait3A_385 = arith.constant 0 : i32
      %dma_wait3A_386 = arith.constant 0 : i32
      %dma_wait3A_387 = tpu.memref_slice %arg13[%dma_wait3A_377, %dma_wait3A_385, %dma_wait3A_386] : memref<2x40x128xf32, #tpu.memory_space<vmem>> -> memref<1x40x128xf32, #tpu.memory_space<vmem>>
      %dma_wait3A_388 = tpu.memref_squeeze %dma_wait3A_387 : memref<1x40x128xf32, #tpu.memory_space<vmem>> -> memref<40x128xf32, #tpu.memory_space<vmem>>
      %dma_wait3A_389 = arith.constant 0 : i32
      %dma_wait3A_390 = arith.constant 0 : i32
      %dma_wait3A_391 = tpu.memref_slice %arg3[%dma_wait3A_389, %dma_wait3A_390] : memref<640000x128xf32, #tpu.memory_space<hbm>> -> memref<40x128xf32, #tpu.memory_space<hbm>>
      tpu.wait_dma2 semaphore(%arg20 : memref<!tpu.dma_semaphore, #tpu.memory_space<semaphore_mem>>) src(%dma_wait3A_391 : memref<40x128xf32, #tpu.memory_space<hbm>>) dst(%dma_wait3A_388 : memref<40x128xf32, #tpu.memory_space<vmem>>)
      %dma_wait3A_392 = arith.constant 0 : i32
      %dma_wait3A_393 = arith.constant 0 : i32
      %dma_wait3A_394 = arith.constant 0 : i32
      %dma_wait3A_395 = tpu.memref_slice %arg14[%dma_wait3A_392, %dma_wait3A_393, %dma_wait3A_394] : memref<2x40x16xf32, #tpu.memory_space<vmem>> -> memref<1x40x16xf32, #tpu.memory_space<vmem>>
      %dma_wait3A_396 = tpu.memref_squeeze %dma_wait3A_395 : memref<1x40x16xf32, #tpu.memory_space<vmem>> -> memref<40x16xf32, #tpu.memory_space<vmem>>
      %dma_wait3A_397 = arith.constant 0 : i32
      %dma_wait3A_398 = arith.constant 0 : i32
      %dma_wait3A_399 = tpu.memref_slice %arg4[%dma_wait3A_397, %dma_wait3A_398] : memref<160000x16xf32, #tpu.memory_space<hbm>> -> memref<40x16xf32, #tpu.memory_space<hbm>>
      %dma_wait3A_400 = arith.constant 0 : i32
      %dma_wait3A_401 = arith.constant 0 : i32
      %dma_wait3A_402 = tpu.memref_slice %arg14[%dma_wait3A_392, %dma_wait3A_400, %dma_wait3A_401] : memref<2x40x16xf32, #tpu.memory_space<vmem>> -> memref<1x40x16xf32, #tpu.memory_space<vmem>>
      %dma_wait3A_403 = tpu.memref_squeeze %dma_wait3A_402 : memref<1x40x16xf32, #tpu.memory_space<vmem>> -> memref<40x16xf32, #tpu.memory_space<vmem>>
      %dma_wait3A_404 = arith.constant 0 : i32
      %dma_wait3A_405 = arith.constant 0 : i32
      %dma_wait3A_406 = tpu.memref_slice %arg4[%dma_wait3A_404, %dma_wait3A_405] : memref<160000x16xf32, #tpu.memory_space<hbm>> -> memref<40x16xf32, #tpu.memory_space<hbm>>
      tpu.wait_dma2 semaphore(%arg20 : memref<!tpu.dma_semaphore, #tpu.memory_space<semaphore_mem>>) src(%dma_wait3A_406 : memref<40x16xf32, #tpu.memory_space<hbm>>) dst(%dma_wait3A_403 : memref<40x16xf32, #tpu.memory_space<vmem>>)
      %parallel_loop3A = arith.constant 0 : i32
      %parallel_loop3A_407 = arith.constant 40 : i32
      %parallel_loop3A_408 = arith.constant 1 : i32
      scf.for %parallel_loop3A_495 = %parallel_loop3A to %parallel_loop3A_407 step %parallel_loop3A_408  : i32 {
        %parallel_loop3A_496 = arith.constant 0 : i32
        %parallel_loop3A_497 = arith.index_cast %parallel_loop3A_496 : i32 to index
        %parallel_loop3A_498 = arith.index_cast %parallel_loop3A_495 : i32 to index
        %parallel_loop3A_499 = arith.constant 96 : index
        %parallel_loop3A_500 = tpu.vector_load %arg13[%parallel_loop3A_497, %parallel_loop3A_498, %parallel_loop3A_499] {strides = array<i32>} : memref<2x40x128xf32, #tpu.memory_space<vmem>>, vector<1x1x16xf32>,
        %parallel_loop3A_501 = vector.shape_cast %parallel_loop3A_500 : vector<1x1x16xf32> to vector<16xf32>
        %parallel_loop3A_502 = arith.constant 0 : i32
        %parallel_loop3A_503 = arith.index_cast %parallel_loop3A_502 : i32 to index
        %parallel_loop3A_504 = arith.index_cast %parallel_loop3A_495 : i32 to index
        %parallel_loop3A_505 = arith.constant 112 : index
        %parallel_loop3A_506 = tpu.vector_load %arg13[%parallel_loop3A_503, %parallel_loop3A_504, %parallel_loop3A_505] {strides = array<i32>} : memref<2x40x128xf32, #tpu.memory_space<vmem>>, vector<1x1x16xf32>,
        %parallel_loop3A_507 = vector.shape_cast %parallel_loop3A_506 : vector<1x1x16xf32> to vector<16xf32>
        %parallel_loop3A_508 = arith.constant 0 : i32
        %parallel_loop3A_509 = arith.index_cast %parallel_loop3A_508 : i32 to index
        %parallel_loop3A_510 = arith.index_cast %parallel_loop3A_495 : i32 to index
        %parallel_loop3A_511 = arith.constant 0 : index
        %parallel_loop3A_512 = tpu.vector_load %arg14[%parallel_loop3A_509, %parallel_loop3A_510, %parallel_loop3A_511] {strides = array<i32>} : memref<2x40x16xf32, #tpu.memory_space<vmem>>, vector<1x1x16xf32>,
        %parallel_loop3A_513 = vector.shape_cast %parallel_loop3A_512 : vector<1x1x16xf32> to vector<16xf32>
        %parallel_loop3A_514 = arith.constant 0 : i32
        %parallel_loop3A_515 = arith.index_cast %parallel_loop3A_514 : i32 to index
        %parallel_loop3A_516 = arith.index_cast %parallel_loop3A_495 : i32 to index
        %parallel_loop3A_517 = arith.constant 0 : index
        %parallel_loop3A_518 = tpu.vector_load %arg13[%parallel_loop3A_515, %parallel_loop3A_516, %parallel_loop3A_517] {strides = array<i32>} : memref<2x40x128xf32, #tpu.memory_space<vmem>>, vector<1x1x16xf32>,
        %parallel_loop3A_519 = vector.shape_cast %parallel_loop3A_518 : vector<1x1x16xf32> to vector<16xf32>
        %parallel_loop3A_520 = arith.constant 0 : i32
        %parallel_loop3A_521 = arith.index_cast %parallel_loop3A_520 : i32 to index
        %parallel_loop3A_522 = arith.index_cast %parallel_loop3A_495 : i32 to index
        %parallel_loop3A_523 = arith.constant 0 : index
        %parallel_loop3A_524 = tpu.vector_load %arg12[%parallel_loop3A_521, %parallel_loop3A_522, %parallel_loop3A_523] {strides = array<i32>} : memref<2x40x256xf32, #tpu.memory_space<vmem>>, vector<1x1x16xf32>,
        %parallel_loop3A_525 = vector.shape_cast %parallel_loop3A_524 : vector<1x1x16xf32> to vector<16xf32>
        %parallel_loop3A_526 = arith.mulf %parallel_loop3A_519, %parallel_loop3A_525 : vector<16xf32>
        %parallel_loop3A_527 = arith.constant 0 : i32
        %parallel_loop3A_528 = arith.index_cast %parallel_loop3A_527 : i32 to index
        %parallel_loop3A_529 = arith.index_cast %parallel_loop3A_495 : i32 to index
        %parallel_loop3A_530 = arith.constant 32 : index
        %parallel_loop3A_531 = tpu.vector_load %arg13[%parallel_loop3A_528, %parallel_loop3A_529, %parallel_loop3A_530] {strides = array<i32>} : memref<2x40x128xf32, #tpu.memory_space<vmem>>, vector<1x1x16xf32>,
        %parallel_loop3A_532 = vector.shape_cast %parallel_loop3A_531 : vector<1x1x16xf32> to vector<16xf32>
        %parallel_loop3A_533 = arith.constant 0 : i32
        %parallel_loop3A_534 = arith.index_cast %parallel_loop3A_533 : i32 to index
        %parallel_loop3A_535 = arith.index_cast %parallel_loop3A_495 : i32 to index
        %parallel_loop3A_536 = arith.constant 32 : index
        %parallel_loop3A_537 = tpu.vector_load %arg12[%parallel_loop3A_534, %parallel_loop3A_535, %parallel_loop3A_536] {strides = array<i32>} : memref<2x40x256xf32, #tpu.memory_space<vmem>>, vector<1x1x16xf32>,
        %parallel_loop3A_538 = vector.shape_cast %parallel_loop3A_537 : vector<1x1x16xf32> to vector<16xf32>
        %parallel_loop3A_539 = arith.mulf %parallel_loop3A_532, %parallel_loop3A_538 : vector<16xf32>
        %parallel_loop3A_540 = arith.constant 0 : i32
        %parallel_loop3A_541 = arith.index_cast %parallel_loop3A_540 : i32 to index
        %parallel_loop3A_542 = arith.index_cast %parallel_loop3A_495 : i32 to index
        %parallel_loop3A_543 = arith.constant 64 : index
        %parallel_loop3A_544 = tpu.vector_load %arg13[%parallel_loop3A_541, %parallel_loop3A_542, %parallel_loop3A_543] {strides = array<i32>} : memref<2x40x128xf32, #tpu.memory_space<vmem>>, vector<1x1x16xf32>,
        %parallel_loop3A_545 = vector.shape_cast %parallel_loop3A_544 : vector<1x1x16xf32> to vector<16xf32>
        %parallel_loop3A_546 = arith.constant 0 : i32
        %parallel_loop3A_547 = arith.index_cast %parallel_loop3A_546 : i32 to index
        %parallel_loop3A_548 = arith.index_cast %parallel_loop3A_495 : i32 to index
        %parallel_loop3A_549 = arith.constant 64 : index
        %parallel_loop3A_550 = tpu.vector_load %arg12[%parallel_loop3A_547, %parallel_loop3A_548, %parallel_loop3A_549] {strides = array<i32>} : memref<2x40x256xf32, #tpu.memory_space<vmem>>, vector<1x1x16xf32>,
        %parallel_loop3A_551 = vector.shape_cast %parallel_loop3A_550 : vector<1x1x16xf32> to vector<16xf32>
        %parallel_loop3A_552 = arith.mulf %parallel_loop3A_545, %parallel_loop3A_551 : vector<16xf32>
        %parallel_loop3A_553 = arith.index_cast %parallel_loop3A_495 : i32 to index
        %parallel_loop3A_554 = arith.constant 0 : index
        %parallel_loop3A_555 = tpu.vector_load %arg15[%parallel_loop3A_553, %parallel_loop3A_554] {strides = array<i32>} : memref<40x128xf32, #tpu.memory_space<vmem>>, vector<1x16xf32>,
        %parallel_loop3A_556 = vector.shape_cast %parallel_loop3A_555 : vector<1x16xf32> to vector<16xf32>
        %parallel_loop3A_557 = vector.shape_cast %parallel_loop3A_552 : vector<16xf32> to vector<1x16xf32>
        tpu.vector_store %arg15[%parallel_loop3A_553, %parallel_loop3A_554], %parallel_loop3A_557 {strides = array<i32>} : memref<40x128xf32, #tpu.memory_space<vmem>>, vector<1x16xf32>,
        %parallel_loop3A_558 = arith.constant 0 : i32
        %parallel_loop3A_559 = arith.index_cast %parallel_loop3A_558 : i32 to index
        %parallel_loop3A_560 = arith.index_cast %parallel_loop3A_495 : i32 to index
        %parallel_loop3A_561 = arith.constant 96 : index
        %parallel_loop3A_562 = tpu.vector_load %arg12[%parallel_loop3A_559, %parallel_loop3A_560, %parallel_loop3A_561] {strides = array<i32>} : memref<2x40x256xf32, #tpu.memory_space<vmem>>, vector<1x1x16xf32>,
        %parallel_loop3A_563 = vector.shape_cast %parallel_loop3A_562 : vector<1x1x16xf32> to vector<16xf32>
        %parallel_loop3A_564 = arith.mulf %parallel_loop3A_563, %parallel_loop3A_526 : vector<16xf32>
        %parallel_loop3A_565 = arith.mulf %parallel_loop3A_539, %parallel_loop3A_501 : vector<16xf32>
        %parallel_loop3A_566 = arith.addf %parallel_loop3A_564, %parallel_loop3A_565 : vector<16xf32>
        %parallel_loop3A_567 = arith.index_cast %parallel_loop3A_495 : i32 to index
        %parallel_loop3A_568 = arith.constant 32 : index
        %parallel_loop3A_569 = tpu.vector_load %arg15[%parallel_loop3A_567, %parallel_loop3A_568] {strides = array<i32>} : memref<40x128xf32, #tpu.memory_space<vmem>>, vector<1x16xf32>,
        %parallel_loop3A_570 = vector.shape_cast %parallel_loop3A_569 : vector<1x16xf32> to vector<16xf32>
        %parallel_loop3A_571 = vector.shape_cast %parallel_loop3A_566 : vector<16xf32> to vector<1x16xf32>
        tpu.vector_store %arg15[%parallel_loop3A_567, %parallel_loop3A_568], %parallel_loop3A_571 {strides = array<i32>} : memref<40x128xf32, #tpu.memory_space<vmem>>, vector<1x16xf32>,
        %parallel_loop3A_572 = arith.constant 0 : i32
        %parallel_loop3A_573 = arith.index_cast %parallel_loop3A_572 : i32 to index
        %parallel_loop3A_574 = arith.index_cast %parallel_loop3A_495 : i32 to index
        %parallel_loop3A_575 = arith.constant 128 : index
        %parallel_loop3A_576 = tpu.vector_load %arg12[%parallel_loop3A_573, %parallel_loop3A_574, %parallel_loop3A_575] {strides = array<i32>} : memref<2x40x256xf32, #tpu.memory_space<vmem>>, vector<1x1x16xf32>,
        %parallel_loop3A_577 = vector.shape_cast %parallel_loop3A_576 : vector<1x1x16xf32> to vector<16xf32>
        %parallel_loop3A_578 = arith.mulf %parallel_loop3A_577, %parallel_loop3A_526 : vector<16xf32>
        %parallel_loop3A_579 = arith.mulf %parallel_loop3A_539, %parallel_loop3A_507 : vector<16xf32>
        %parallel_loop3A_580 = arith.addf %parallel_loop3A_578, %parallel_loop3A_579 : vector<16xf32>
        %parallel_loop3A_581 = arith.index_cast %parallel_loop3A_495 : i32 to index
        %parallel_loop3A_582 = arith.constant 64 : index
        %parallel_loop3A_583 = tpu.vector_load %arg15[%parallel_loop3A_581, %parallel_loop3A_582] {strides = array<i32>} : memref<40x128xf32, #tpu.memory_space<vmem>>, vector<1x16xf32>,
        %parallel_loop3A_584 = vector.shape_cast %parallel_loop3A_583 : vector<1x16xf32> to vector<16xf32>
        %parallel_loop3A_585 = vector.shape_cast %parallel_loop3A_580 : vector<16xf32> to vector<1x16xf32>
        tpu.vector_store %arg15[%parallel_loop3A_581, %parallel_loop3A_582], %parallel_loop3A_585 {strides = array<i32>} : memref<40x128xf32, #tpu.memory_space<vmem>>, vector<1x16xf32>,
        %parallel_loop3A_586 = arith.constant 0 : i32
        %parallel_loop3A_587 = arith.index_cast %parallel_loop3A_586 : i32 to index
        %parallel_loop3A_588 = arith.index_cast %parallel_loop3A_495 : i32 to index
        %parallel_loop3A_589 = arith.constant 160 : index
        %parallel_loop3A_590 = tpu.vector_load %arg12[%parallel_loop3A_587, %parallel_loop3A_588, %parallel_loop3A_589] {strides = array<i32>} : memref<2x40x256xf32, #tpu.memory_space<vmem>>, vector<1x1x16xf32>,
        %parallel_loop3A_591 = vector.shape_cast %parallel_loop3A_590 : vector<1x1x16xf32> to vector<16xf32>
        %parallel_loop3A_592 = arith.mulf %parallel_loop3A_591, %parallel_loop3A_526 : vector<16xf32>
        %parallel_loop3A_593 = arith.mulf %parallel_loop3A_539, %parallel_loop3A_513 : vector<16xf32>
        %parallel_loop3A_594 = arith.addf %parallel_loop3A_592, %parallel_loop3A_593 : vector<16xf32>
        %parallel_loop3A_595 = arith.index_cast %parallel_loop3A_495 : i32 to index
        %parallel_loop3A_596 = arith.constant 96 : index
        %parallel_loop3A_597 = tpu.vector_load %arg15[%parallel_loop3A_595, %parallel_loop3A_596] {strides = array<i32>} : memref<40x128xf32, #tpu.memory_space<vmem>>, vector<1x16xf32>,
        %parallel_loop3A_598 = vector.shape_cast %parallel_loop3A_597 : vector<1x16xf32> to vector<16xf32>
        %parallel_loop3A_599 = vector.shape_cast %parallel_loop3A_594 : vector<16xf32> to vector<1x16xf32>
        tpu.vector_store %arg15[%parallel_loop3A_595, %parallel_loop3A_596], %parallel_loop3A_599 {strides = array<i32>} : memref<40x128xf32, #tpu.memory_space<vmem>>, vector<1x16xf32>,
        %parallel_loop3A_600 = arith.constant 0 : i32
        %parallel_loop3A_601 = arith.index_cast %parallel_loop3A_600 : i32 to index
        %parallel_loop3A_602 = arith.index_cast %parallel_loop3A_495 : i32 to index
        %parallel_loop3A_603 = arith.constant 16 : index
        %parallel_loop3A_604 = tpu.vector_load %arg13[%parallel_loop3A_601, %parallel_loop3A_602, %parallel_loop3A_603] {strides = array<i32>} : memref<2x40x128xf32, #tpu.memory_space<vmem>>, vector<1x1x16xf32>,
        %parallel_loop3A_605 = vector.shape_cast %parallel_loop3A_604 : vector<1x1x16xf32> to vector<16xf32>
        %parallel_loop3A_606 = arith.constant 0 : i32
        %parallel_loop3A_607 = arith.index_cast %parallel_loop3A_606 : i32 to index
        %parallel_loop3A_608 = arith.index_cast %parallel_loop3A_495 : i32 to index
        %parallel_loop3A_609 = arith.constant 16 : index
        %parallel_loop3A_610 = tpu.vector_load %arg12[%parallel_loop3A_607, %parallel_loop3A_608, %parallel_loop3A_609] {strides = array<i32>} : memref<2x40x256xf32, #tpu.memory_space<vmem>>, vector<1x1x16xf32>,
        %parallel_loop3A_611 = vector.shape_cast %parallel_loop3A_610 : vector<1x1x16xf32> to vector<16xf32>
        %parallel_loop3A_612 = arith.mulf %parallel_loop3A_605, %parallel_loop3A_611 : vector<16xf32>
        %parallel_loop3A_613 = arith.constant 0 : i32
        %parallel_loop3A_614 = arith.index_cast %parallel_loop3A_613 : i32 to index
        %parallel_loop3A_615 = arith.index_cast %parallel_loop3A_495 : i32 to index
        %parallel_loop3A_616 = arith.constant 48 : index
        %parallel_loop3A_617 = tpu.vector_load %arg13[%parallel_loop3A_614, %parallel_loop3A_615, %parallel_loop3A_616] {strides = array<i32>} : memref<2x40x128xf32, #tpu.memory_space<vmem>>, vector<1x1x16xf32>,
        %parallel_loop3A_618 = vector.shape_cast %parallel_loop3A_617 : vector<1x1x16xf32> to vector<16xf32>
        %parallel_loop3A_619 = arith.constant 0 : i32
        %parallel_loop3A_620 = arith.index_cast %parallel_loop3A_619 : i32 to index
        %parallel_loop3A_621 = arith.index_cast %parallel_loop3A_495 : i32 to index
        %parallel_loop3A_622 = arith.constant 48 : index
        %parallel_loop3A_623 = tpu.vector_load %arg12[%parallel_loop3A_620, %parallel_loop3A_621, %parallel_loop3A_622] {strides = array<i32>} : memref<2x40x256xf32, #tpu.memory_space<vmem>>, vector<1x1x16xf32>,
        %parallel_loop3A_624 = vector.shape_cast %parallel_loop3A_623 : vector<1x1x16xf32> to vector<16xf32>
        %parallel_loop3A_625 = arith.mulf %parallel_loop3A_618, %parallel_loop3A_624 : vector<16xf32>
        %parallel_loop3A_626 = arith.constant 0 : i32
        %parallel_loop3A_627 = arith.index_cast %parallel_loop3A_626 : i32 to index
        %parallel_loop3A_628 = arith.index_cast %parallel_loop3A_495 : i32 to index
        %parallel_loop3A_629 = arith.constant 80 : index
        %parallel_loop3A_630 = tpu.vector_load %arg13[%parallel_loop3A_627, %parallel_loop3A_628, %parallel_loop3A_629] {strides = array<i32>} : memref<2x40x128xf32, #tpu.memory_space<vmem>>, vector<1x1x16xf32>,
        %parallel_loop3A_631 = vector.shape_cast %parallel_loop3A_630 : vector<1x1x16xf32> to vector<16xf32>
        %parallel_loop3A_632 = arith.constant 0 : i32
        %parallel_loop3A_633 = arith.index_cast %parallel_loop3A_632 : i32 to index
        %parallel_loop3A_634 = arith.index_cast %parallel_loop3A_495 : i32 to index
        %parallel_loop3A_635 = arith.constant 80 : index
        %parallel_loop3A_636 = tpu.vector_load %arg12[%parallel_loop3A_633, %parallel_loop3A_634, %parallel_loop3A_635] {strides = array<i32>} : memref<2x40x256xf32, #tpu.memory_space<vmem>>, vector<1x1x16xf32>,
        %parallel_loop3A_637 = vector.shape_cast %parallel_loop3A_636 : vector<1x1x16xf32> to vector<16xf32>
        %parallel_loop3A_638 = arith.mulf %parallel_loop3A_631, %parallel_loop3A_637 : vector<16xf32>
        %parallel_loop3A_639 = arith.index_cast %parallel_loop3A_495 : i32 to index
        %parallel_loop3A_640 = arith.constant 16 : index
        %parallel_loop3A_641 = tpu.vector_load %arg15[%parallel_loop3A_639, %parallel_loop3A_640] {strides = array<i32>} : memref<40x128xf32, #tpu.memory_space<vmem>>, vector<1x16xf32>,
        %parallel_loop3A_642 = vector.shape_cast %parallel_loop3A_641 : vector<1x16xf32> to vector<16xf32>
        %parallel_loop3A_643 = vector.shape_cast %parallel_loop3A_638 : vector<16xf32> to vector<1x16xf32>
        tpu.vector_store %arg15[%parallel_loop3A_639, %parallel_loop3A_640], %parallel_loop3A_643 {strides = array<i32>} : memref<40x128xf32, #tpu.memory_space<vmem>>, vector<1x16xf32>,
        %parallel_loop3A_644 = arith.constant 0 : i32
        %parallel_loop3A_645 = arith.index_cast %parallel_loop3A_644 : i32 to index
        %parallel_loop3A_646 = arith.index_cast %parallel_loop3A_495 : i32 to index
        %parallel_loop3A_647 = arith.constant 112 : index
        %parallel_loop3A_648 = tpu.vector_load %arg12[%parallel_loop3A_645, %parallel_loop3A_646, %parallel_loop3A_647] {strides = array<i32>} : memref<2x40x256xf32, #tpu.memory_space<vmem>>, vector<1x1x16xf32>,
        %parallel_loop3A_649 = vector.shape_cast %parallel_loop3A_648 : vector<1x1x16xf32> to vector<16xf32>
        %parallel_loop3A_650 = arith.mulf %parallel_loop3A_649, %parallel_loop3A_612 : vector<16xf32>
        %parallel_loop3A_651 = arith.mulf %parallel_loop3A_625, %parallel_loop3A_501 : vector<16xf32>
        %parallel_loop3A_652 = arith.addf %parallel_loop3A_650, %parallel_loop3A_651 : vector<16xf32>
        %parallel_loop3A_653 = arith.index_cast %parallel_loop3A_495 : i32 to index
        %parallel_loop3A_654 = arith.constant 48 : index
        %parallel_loop3A_655 = tpu.vector_load %arg15[%parallel_loop3A_653, %parallel_loop3A_654] {strides = array<i32>} : memref<40x128xf32, #tpu.memory_space<vmem>>, vector<1x16xf32>,
        %parallel_loop3A_656 = vector.shape_cast %parallel_loop3A_655 : vector<1x16xf32> to vector<16xf32>
        %parallel_loop3A_657 = vector.shape_cast %parallel_loop3A_652 : vector<16xf32> to vector<1x16xf32>
        tpu.vector_store %arg15[%parallel_loop3A_653, %parallel_loop3A_654], %parallel_loop3A_657 {strides = array<i32>} : memref<40x128xf32, #tpu.memory_space<vmem>>, vector<1x16xf32>,
        %parallel_loop3A_658 = arith.constant 0 : i32
        %parallel_loop3A_659 = arith.index_cast %parallel_loop3A_658 : i32 to index
        %parallel_loop3A_660 = arith.index_cast %parallel_loop3A_495 : i32 to index
        %parallel_loop3A_661 = arith.constant 144 : index
        %parallel_loop3A_662 = tpu.vector_load %arg12[%parallel_loop3A_659, %parallel_loop3A_660, %parallel_loop3A_661] {strides = array<i32>} : memref<2x40x256xf32, #tpu.memory_space<vmem>>, vector<1x1x16xf32>,
        %parallel_loop3A_663 = vector.shape_cast %parallel_loop3A_662 : vector<1x1x16xf32> to vector<16xf32>
        %parallel_loop3A_664 = arith.mulf %parallel_loop3A_663, %parallel_loop3A_612 : vector<16xf32>
        %parallel_loop3A_665 = arith.mulf %parallel_loop3A_625, %parallel_loop3A_507 : vector<16xf32>
        %parallel_loop3A_666 = arith.addf %parallel_loop3A_664, %parallel_loop3A_665 : vector<16xf32>
        %parallel_loop3A_667 = arith.index_cast %parallel_loop3A_495 : i32 to index
        %parallel_loop3A_668 = arith.constant 80 : index
        %parallel_loop3A_669 = tpu.vector_load %arg15[%parallel_loop3A_667, %parallel_loop3A_668] {strides = array<i32>} : memref<40x128xf32, #tpu.memory_space<vmem>>, vector<1x16xf32>,
        %parallel_loop3A_670 = vector.shape_cast %parallel_loop3A_669 : vector<1x16xf32> to vector<16xf32>
        %parallel_loop3A_671 = vector.shape_cast %parallel_loop3A_666 : vector<16xf32> to vector<1x16xf32>
        tpu.vector_store %arg15[%parallel_loop3A_667, %parallel_loop3A_668], %parallel_loop3A_671 {strides = array<i32>} : memref<40x128xf32, #tpu.memory_space<vmem>>, vector<1x16xf32>,
        %parallel_loop3A_672 = arith.constant 0 : i32
        %parallel_loop3A_673 = arith.index_cast %parallel_loop3A_672 : i32 to index
        %parallel_loop3A_674 = arith.index_cast %parallel_loop3A_495 : i32 to index
        %parallel_loop3A_675 = arith.constant 176 : index
        %parallel_loop3A_676 = tpu.vector_load %arg12[%parallel_loop3A_673, %parallel_loop3A_674, %parallel_loop3A_675] {strides = array<i32>} : memref<2x40x256xf32, #tpu.memory_space<vmem>>, vector<1x1x16xf32>,
        %parallel_loop3A_677 = vector.shape_cast %parallel_loop3A_676 : vector<1x1x16xf32> to vector<16xf32>
        %parallel_loop3A_678 = arith.mulf %parallel_loop3A_677, %parallel_loop3A_612 : vector<16xf32>
        %parallel_loop3A_679 = arith.mulf %parallel_loop3A_625, %parallel_loop3A_513 : vector<16xf32>
        %parallel_loop3A_680 = arith.addf %parallel_loop3A_678, %parallel_loop3A_679 : vector<16xf32>
        %parallel_loop3A_681 = arith.index_cast %parallel_loop3A_495 : i32 to index
        %parallel_loop3A_682 = arith.constant 112 : index
        %parallel_loop3A_683 = tpu.vector_load %arg15[%parallel_loop3A_681, %parallel_loop3A_682] {strides = array<i32>} : memref<40x128xf32, #tpu.memory_space<vmem>>, vector<1x16xf32>,
        %parallel_loop3A_684 = vector.shape_cast %parallel_loop3A_683 : vector<1x16xf32> to vector<16xf32>
        %parallel_loop3A_685 = vector.shape_cast %parallel_loop3A_680 : vector<16xf32> to vector<1x16xf32>
        tpu.vector_store %arg15[%parallel_loop3A_681, %parallel_loop3A_682], %parallel_loop3A_685 {strides = array<i32>} : memref<40x128xf32, #tpu.memory_space<vmem>>, vector<1x16xf32>,
      } {sc.loop_unroll_factor = 4 : i64, sc.parallel_access}
      %dma_wait3A_409 = arith.constant 0 : i32
      %dma_wait3A_410 = arith.constant 0 : i32
      %dma_wait3A_411 = tpu.memref_slice %arg11[%dma_wait3A_409, %dma_wait3A_410] : memref<2x40xi32, #tpu.memory_space<vmem>> -> memref<1x40xi32, #tpu.memory_space<vmem>>
      %dma_wait3A_412 = tpu.memref_squeeze %dma_wait3A_411 : memref<1x40xi32, #tpu.memory_space<vmem>> -> memref<40xi32, #tpu.memory_space<vmem>>
      %dma_wait3A_413 = arith.constant 0 : i32
      %dma_wait3A_414 = tpu.memref_slice %arg6[%dma_wait3A_413] : memref<160000xi32, #tpu.memory_space<hbm>> -> memref<40xi32, #tpu.memory_space<hbm>>
      %dma_wait3A_415 = arith.constant 0 : i32
      %dma_wait3A_416 = tpu.memref_slice %arg11[%dma_wait3A_409, %dma_wait3A_415] : memref<2x40xi32, #tpu.memory_space<vmem>> -> memref<1x40xi32, #tpu.memory_space<vmem>>
      %dma_wait3A_417 = tpu.memref_squeeze %dma_wait3A_416 : memref<1x40xi32, #tpu.memory_space<vmem>> -> memref<40xi32, #tpu.memory_space<vmem>>
      %dma_wait3A_418 = arith.constant 0 : i32
      %dma_wait3A_419 = tpu.memref_slice %arg6[%dma_wait3A_418] : memref<160000xi32, #tpu.memory_space<hbm>> -> memref<40xi32, #tpu.memory_space<hbm>>
      tpu.wait_dma2 semaphore(%arg18 : memref<!tpu.dma_semaphore, #tpu.memory_space<semaphore_mem>>) src(%dma_wait3A_419 : memref<40xi32, #tpu.memory_space<hbm>>) dst(%dma_wait3A_417 : memref<40xi32, #tpu.memory_space<vmem>>)
      %run_scoped3A = arith.constant 0 : i32
      "tpu.region"() ({
        %run_scoped3A_495 = tpu.sem_alloc : memref<!tpu.dma_semaphore, #tpu.memory_space<semaphore_mem>>
        %dma_start3A_496 = arith.constant 0 : i32
        %dma_start3A_497 = tpu.memref_slice %arg11[%run_scoped3A, %dma_start3A_496] : memref<2x40xi32, #tpu.memory_space<vmem>> -> memref<1x40xi32, #tpu.memory_space<vmem>>
        %dma_start3A_498 = tpu.memref_squeeze %dma_start3A_497 : memref<1x40xi32, #tpu.memory_space<vmem>> -> memref<40xi32, #tpu.memory_space<vmem>>
        %dma_start3A_499 = arith.constant 0 : i32
        %dma_start3A_500 = arith.constant 0 : i32
        %dma_start3A_501 = tpu.memref_slice %arg9[%dma_start3A_499, %dma_start3A_500] : memref<10000x128xf32, #tpu.memory_space<vmem_shared>> -> memref<10000x128xf32, #tpu.memory_space<vmem_shared>>
        tpu.enqueue_indirect_dma source(%arg15 : memref<40x128xf32, #tpu.memory_space<vmem>>) target(%dma_start3A_501 : memref<10000x128xf32, #tpu.memory_space<vmem_shared>>) offsets(%dma_start3A_498 : memref<40xi32, #tpu.memory_space<vmem>>) semaphore(%run_scoped3A_495 : memref<!tpu.dma_semaphore, #tpu.memory_space<semaphore_mem>>) {add = true}
        %dma_wait3A_502 = arith.constant 0 : i32
        %dma_wait3A_503 = tpu.memref_slice %arg11[%run_scoped3A, %dma_wait3A_502] : memref<2x40xi32, #tpu.memory_space<vmem>> -> memref<1x40xi32, #tpu.memory_space<vmem>>
        %dma_wait3A_504 = tpu.memref_squeeze %dma_wait3A_503 : memref<1x40xi32, #tpu.memory_space<vmem>> -> memref<40xi32, #tpu.memory_space<vmem>>
        %dma_wait3A_505 = arith.constant 0 : i32
        %dma_wait3A_506 = arith.constant 0 : i32
        %dma_wait3A_507 = tpu.memref_slice %arg9[%dma_wait3A_505, %dma_wait3A_506] : memref<10000x128xf32, #tpu.memory_space<vmem_shared>> -> memref<10000x128xf32, #tpu.memory_space<vmem_shared>>
        tpu.wait_indirect_dma semaphore(%run_scoped3A_495 : memref<!tpu.dma_semaphore, #tpu.memory_space<semaphore_mem>>) src(%arg15 : memref<40x128xf32, #tpu.memory_space<vmem>>) dst(%dma_wait3A_507 : memref<10000x128xf32, #tpu.memory_space<vmem_shared>>)
        tpu.yield
      }) : () -> ()
      %lt3A_420 = arith.constant 124 : i32
      %lt3A_421 = arith.cmpi slt, %scan3A_294, %lt3A_420 : i32
      %convert_element_type3A_422 = arith.extui %lt3A_421 : i1 to i32
      %cond3A_423 = arith.constant 0 : i32
      %cond3A_424 = arith.cmpi ne, %convert_element_type3A_422, %cond3A_423 : i32
      scf.if %cond3A_424 {
        %mul3A_495 = arith.constant 2 : i32
        %mul3A_496 = arith.muli %mul3A_495, %scan3A_294 : i32
        %add3A_497 = arith.constant 2 : i32
        %add3A_498 = arith.addi %mul3A_496, %add3A_497 : i32
        %mul3A_499 = arith.constant 10000 : i32
        %mul3A_500 = arith.muli %arg1, %mul3A_499 : i32
        %mul3A_501 = arith.constant 40 : i32
        %mul3A_502 = arith.muli %add3A_498, %mul3A_501 : i32
        %add3A_503 = arith.addi %mul3A_500, %mul3A_502 : i32
        %multiple_of3A_504 = tpu.assume_multiple %add3A_503, 8 : i32
        %dma_start3A_505 = arith.constant 0 : i32
        %dma_start3A_506 = arith.constant 0 : i32
        %dma_start3A_507 = tpu.memref_slice %arg11[%dma_start3A_505, %dma_start3A_506] : memref<2x40xi32, #tpu.memory_space<vmem>> -> memref<1x40xi32, #tpu.memory_space<vmem>>
        %dma_start3A_508 = tpu.memref_squeeze %dma_start3A_507 : memref<1x40xi32, #tpu.memory_space<vmem>> -> memref<40xi32, #tpu.memory_space<vmem>>
        %dma_start3A_509 = tpu.memref_slice %arg6[%multiple_of3A_504] : memref<160000xi32, #tpu.memory_space<hbm>> -> memref<40xi32, #tpu.memory_space<hbm>>
        %dma_start3A_510 = arith.constant 0 : i32
        %dma_start3A_511 = tpu.memref_slice %arg11[%dma_start3A_505, %dma_start3A_510] : memref<2x40xi32, #tpu.memory_space<vmem>> -> memref<1x40xi32, #tpu.memory_space<vmem>>
        %dma_start3A_512 = tpu.memref_squeeze %dma_start3A_511 : memref<1x40xi32, #tpu.memory_space<vmem>> -> memref<40xi32, #tpu.memory_space<vmem>>
        %dma_start3A_513 = tpu.memref_slice %arg6[%multiple_of3A_504] : memref<160000xi32, #tpu.memory_space<hbm>> -> memref<40xi32, #tpu.memory_space<hbm>>
        tpu.enqueue_dma source(%dma_start3A_513 : memref<40xi32, #tpu.memory_space<hbm>>) target(%dma_start3A_512 : memref<40xi32, #tpu.memory_space<vmem>>) target_semaphore(%arg18 : memref<!tpu.dma_semaphore, #tpu.memory_space<semaphore_mem>>)
      } else {
      }
      %lt3A_425 = arith.constant 124 : i32
      %lt3A_426 = arith.cmpi slt, %scan3A_294, %lt3A_425 : i32
      %convert_element_type3A_427 = arith.extui %lt3A_426 : i1 to i32
      %cond3A_428 = arith.constant 0 : i32
      %cond3A_429 = arith.cmpi ne, %convert_element_type3A_427, %cond3A_428 : i32
      scf.if %cond3A_429 {
        %mul3A_495 = arith.constant 2 : i32
        %mul3A_496 = arith.muli %mul3A_495, %scan3A_294 : i32
        %add3A_497 = arith.constant 3 : i32
        %add3A_498 = arith.addi %mul3A_496, %add3A_497 : i32
        %mul3A_499 = arith.constant 160000 : i32
        %mul3A_500 = arith.muli %add3A_3, %mul3A_499 : i32
        %mul3A_501 = arith.constant 10000 : i32
        %mul3A_502 = arith.muli %arg1, %mul3A_501 : i32
        %add3A_503 = arith.addi %mul3A_500, %mul3A_502 : i32
        %mul3A_504 = arith.constant 40 : i32
        %mul3A_505 = arith.muli %add3A_498, %mul3A_504 : i32
        %add3A_506 = arith.addi %add3A_503, %mul3A_505 : i32
        %multiple_of3A_507 = tpu.assume_multiple %add3A_506, 8 : i32
        %dma_start3A_508 = arith.constant 1 : i32
        %dma_start3A_509 = arith.constant 0 : i32
        %dma_start3A_510 = tpu.memref_slice %arg10[%dma_start3A_508, %dma_start3A_509] : memref<2x40xi32, #tpu.memory_space<vmem>> -> memref<1x40xi32, #tpu.memory_space<vmem>>
        %dma_start3A_511 = tpu.memref_squeeze %dma_start3A_510 : memref<1x40xi32, #tpu.memory_space<vmem>> -> memref<40xi32, #tpu.memory_space<vmem>>
        %dma_start3A_512 = tpu.memref_slice %arg5[%multiple_of3A_507] : memref<640000xi32, #tpu.memory_space<hbm>> -> memref<40xi32, #tpu.memory_space<hbm>>
        %dma_start3A_513 = arith.constant 0 : i32
        %dma_start3A_514 = tpu.memref_slice %arg10[%dma_start3A_508, %dma_start3A_513] : memref<2x40xi32, #tpu.memory_space<vmem>> -> memref<1x40xi32, #tpu.memory_space<vmem>>
        %dma_start3A_515 = tpu.memref_squeeze %dma_start3A_514 : memref<1x40xi32, #tpu.memory_space<vmem>> -> memref<40xi32, #tpu.memory_space<vmem>>
        %dma_start3A_516 = tpu.memref_slice %arg5[%multiple_of3A_507] : memref<640000xi32, #tpu.memory_space<hbm>> -> memref<40xi32, #tpu.memory_space<hbm>>
        tpu.enqueue_dma source(%dma_start3A_516 : memref<40xi32, #tpu.memory_space<hbm>>) target(%dma_start3A_515 : memref<40xi32, #tpu.memory_space<vmem>>) target_semaphore(%arg17 : memref<!tpu.dma_semaphore, #tpu.memory_space<semaphore_mem>>)
        %dma_wait3A_517 = arith.constant 0 : i32
        %dma_wait3A_518 = arith.constant 0 : i32
        %dma_wait3A_519 = tpu.memref_slice %arg10[%dma_wait3A_517, %dma_wait3A_518] : memref<2x40xi32, #tpu.memory_space<vmem>> -> memref<1x40xi32, #tpu.memory_space<vmem>>
        %dma_wait3A_520 = tpu.memref_squeeze %dma_wait3A_519 : memref<1x40xi32, #tpu.memory_space<vmem>> -> memref<40xi32, #tpu.memory_space<vmem>>
        %dma_wait3A_521 = arith.constant 0 : i32
        %dma_wait3A_522 = tpu.memref_slice %arg5[%dma_wait3A_521] : memref<640000xi32, #tpu.memory_space<hbm>> -> memref<40xi32, #tpu.memory_space<hbm>>
        %dma_wait3A_523 = arith.constant 0 : i32
        %dma_wait3A_524 = tpu.memref_slice %arg10[%dma_wait3A_517, %dma_wait3A_523] : memref<2x40xi32, #tpu.memory_space<vmem>> -> memref<1x40xi32, #tpu.memory_space<vmem>>
        %dma_wait3A_525 = tpu.memref_squeeze %dma_wait3A_524 : memref<1x40xi32, #tpu.memory_space<vmem>> -> memref<40xi32, #tpu.memory_space<vmem>>
        %dma_wait3A_526 = arith.constant 0 : i32
        %dma_wait3A_527 = tpu.memref_slice %arg5[%dma_wait3A_526] : memref<640000xi32, #tpu.memory_space<hbm>> -> memref<40xi32, #tpu.memory_space<hbm>>
        tpu.wait_dma2 semaphore(%arg16 : memref<!tpu.dma_semaphore, #tpu.memory_space<semaphore_mem>>) src(%dma_wait3A_527 : memref<40xi32, #tpu.memory_space<hbm>>) dst(%dma_wait3A_525 : memref<40xi32, #tpu.memory_space<vmem>>)
        %mul3A_528 = arith.constant 2 : i32
        %mul3A_529 = arith.muli %mul3A_528, %scan3A_294 : i32
        %add3A_530 = arith.constant 2 : i32
        %add3A_531 = arith.addi %mul3A_529, %add3A_530 : i32
        %mul3A_532 = arith.constant 10000 : i32
        %mul3A_533 = arith.muli %arg1, %mul3A_532 : i32
        %mul3A_534 = arith.constant 40 : i32
        %mul3A_535 = arith.muli %add3A_531, %mul3A_534 : i32
        %add3A_536 = arith.addi %mul3A_533, %mul3A_535 : i32
        %multiple_of3A_537 = tpu.assume_multiple %add3A_536, 8 : i32
        %mul3A_538 = arith.constant 160000 : i32
        %mul3A_539 = arith.muli %add3A_3, %mul3A_538 : i32
        %add3A_540 = arith.addi %mul3A_539, %multiple_of3A_537 : i32
        %multiple_of3A_541 = tpu.assume_multiple %add3A_540, 8 : i32
        %dma_start3A_542 = arith.constant 0 : i32
        %dma_start3A_543 = arith.constant 0 : i32
        %dma_start3A_544 = arith.constant 0 : i32
        %dma_start3A_545 = arith.constant 0 : i32
        %dma_start3A_546 = tpu.memref_slice %arg12[%dma_start3A_543, %dma_start3A_544, %dma_start3A_545] : memref<2x40x256xf32, #tpu.memory_space<vmem>> -> memref<1x40x256xf32, #tpu.memory_space<vmem>>
        %dma_start3A_547 = tpu.memref_squeeze %dma_start3A_546 : memref<1x40x256xf32, #tpu.memory_space<vmem>> -> memref<40x256xf32, #tpu.memory_space<vmem>>
        %dma_start3A_548 = arith.constant 0 : i32
        %dma_start3A_549 = tpu.memref_slice %arg10[%dma_start3A_542, %dma_start3A_548] : memref<2x40xi32, #tpu.memory_space<vmem>> -> memref<1x40xi32, #tpu.memory_space<vmem>>
        %dma_start3A_550 = tpu.memref_squeeze %dma_start3A_549 : memref<1x40xi32, #tpu.memory_space<vmem>> -> memref<40xi32, #tpu.memory_space<vmem>>
        %dma_start3A_551 = arith.constant 0 : i32
        %dma_start3A_552 = arith.constant 0 : i32
        %dma_start3A_553 = tpu.memref_slice %arg2[%dma_start3A_551, %dma_start3A_552] : memref<40000x256xf32, #tpu.memory_space<hbm>> -> memref<40000x256xf32, #tpu.memory_space<hbm>>
        tpu.enqueue_indirect_dma source(%dma_start3A_553 : memref<40000x256xf32, #tpu.memory_space<hbm>>) target(%dma_start3A_547 : memref<40x256xf32, #tpu.memory_space<vmem>>) offsets(%dma_start3A_550 : memref<40xi32, #tpu.memory_space<vmem>>) semaphore(%arg20 : memref<!tpu.dma_semaphore, #tpu.memory_space<semaphore_mem>>)
        %dma_start3A_554 = arith.constant 0 : i32
        %dma_start3A_555 = arith.constant 0 : i32
        %dma_start3A_556 = arith.constant 0 : i32
        %dma_start3A_557 = tpu.memref_slice %arg13[%dma_start3A_554, %dma_start3A_555, %dma_start3A_556] : memref<2x40x128xf32, #tpu.memory_space<vmem>> -> memref<1x40x128xf32, #tpu.memory_space<vmem>>
        %dma_start3A_558 = tpu.memref_squeeze %dma_start3A_557 : memref<1x40x128xf32, #tpu.memory_space<vmem>> -> memref<40x128xf32, #tpu.memory_space<vmem>>
        %dma_start3A_559 = arith.constant 0 : i32
        %dma_start3A_560 = tpu.memref_slice %arg3[%multiple_of3A_541, %dma_start3A_559] : memref<640000x128xf32, #tpu.memory_space<hbm>> -> memref<40x128xf32, #tpu.memory_space<hbm>>
        %dma_start3A_561 = arith.constant 0 : i32
        %dma_start3A_562 = arith.constant 0 : i32
        %dma_start3A_563 = tpu.memref_slice %arg13[%dma_start3A_554, %dma_start3A_561, %dma_start3A_562] : memref<2x40x128xf32, #tpu.memory_space<vmem>> -> memref<1x40x128xf32, #tpu.memory_space<vmem>>
        %dma_start3A_564 = tpu.memref_squeeze %dma_start3A_563 : memref<1x40x128xf32, #tpu.memory_space<vmem>> -> memref<40x128xf32, #tpu.memory_space<vmem>>
        %dma_start3A_565 = arith.constant 0 : i32
        %dma_start3A_566 = tpu.memref_slice %arg3[%multiple_of3A_541, %dma_start3A_565] : memref<640000x128xf32, #tpu.memory_space<hbm>> -> memref<40x128xf32, #tpu.memory_space<hbm>>
        tpu.enqueue_dma source(%dma_start3A_566 : memref<40x128xf32, #tpu.memory_space<hbm>>) target(%dma_start3A_564 : memref<40x128xf32, #tpu.memory_space<vmem>>) target_semaphore(%arg20 : memref<!tpu.dma_semaphore, #tpu.memory_space<semaphore_mem>>)
        %dma_start3A_567 = arith.constant 0 : i32
        %dma_start3A_568 = arith.constant 0 : i32
        %dma_start3A_569 = arith.constant 0 : i32
        %dma_start3A_570 = tpu.memref_slice %arg14[%dma_start3A_567, %dma_start3A_568, %dma_start3A_569] : memref<2x40x16xf32, #tpu.memory_space<vmem>> -> memref<1x40x16xf32, #tpu.memory_space<vmem>>
        %dma_start3A_571 = tpu.memref_squeeze %dma_start3A_570 : memref<1x40x16xf32, #tpu.memory_space<vmem>> -> memref<40x16xf32, #tpu.memory_space<vmem>>
        %dma_start3A_572 = arith.constant 0 : i32
        %dma_start3A_573 = tpu.memref_slice %arg4[%multiple_of3A_537, %dma_start3A_572] : memref<160000x16xf32, #tpu.memory_space<hbm>> -> memref<40x16xf32, #tpu.memory_space<hbm>>
        %dma_start3A_574 = arith.constant 0 : i32
        %dma_start3A_575 = arith.constant 0 : i32
        %dma_start3A_576 = tpu.memref_slice %arg14[%dma_start3A_567, %dma_start3A_574, %dma_start3A_575] : memref<2x40x16xf32, #tpu.memory_space<vmem>> -> memref<1x40x16xf32, #tpu.memory_space<vmem>>
        %dma_start3A_577 = tpu.memref_squeeze %dma_start3A_576 : memref<1x40x16xf32, #tpu.memory_space<vmem>> -> memref<40x16xf32, #tpu.memory_space<vmem>>
        %dma_start3A_578 = arith.constant 0 : i32
        %dma_start3A_579 = tpu.memref_slice %arg4[%multiple_of3A_537, %dma_start3A_578] : memref<160000x16xf32, #tpu.memory_space<hbm>> -> memref<40x16xf32, #tpu.memory_space<hbm>>
        tpu.enqueue_dma source(%dma_start3A_579 : memref<40x16xf32, #tpu.memory_space<hbm>>) target(%dma_start3A_577 : memref<40x16xf32, #tpu.memory_space<vmem>>) target_semaphore(%arg20 : memref<!tpu.dma_semaphore, #tpu.memory_space<semaphore_mem>>)
      } else {
      }
      %dma_wait3A_430 = arith.constant 1 : i32
      %dma_wait3A_431 = arith.constant 0 : i32
      %dma_wait3A_432 = arith.constant 0 : i32
      %dma_wait3A_433 = tpu.memref_slice %arg12[%dma_wait3A_430, %dma_wait3A_431, %dma_wait3A_432] : memref<2x40x256xf32, #tpu.memory_space<vmem>> -> memref<1x40x256xf32, #tpu.memory_space<vmem>>
      %dma_wait3A_434 = tpu.memref_squeeze %dma_wait3A_433 : memref<1x40x256xf32, #tpu.memory_space<vmem>> -> memref<40x256xf32, #tpu.memory_space<vmem>>
      %dma_wait3A_435 = arith.constant 0 : i32
      %dma_wait3A_436 = arith.constant 0 : i32
      %dma_wait3A_437 = tpu.memref_slice %arg2[%dma_wait3A_435, %dma_wait3A_436] : memref<40000x256xf32, #tpu.memory_space<hbm>> -> memref<40x256xf32, #tpu.memory_space<hbm>>
      %dma_wait3A_438 = arith.constant 0 : i32
      %dma_wait3A_439 = arith.constant 0 : i32
      %dma_wait3A_440 = tpu.memref_slice %arg12[%dma_wait3A_430, %dma_wait3A_438, %dma_wait3A_439] : memref<2x40x256xf32, #tpu.memory_space<vmem>> -> memref<1x40x256xf32, #tpu.memory_space<vmem>>
      %dma_wait3A_441 = tpu.memref_squeeze %dma_wait3A_440 : memref<1x40x256xf32, #tpu.memory_space<vmem>> -> memref<40x256xf32, #tpu.memory_space<vmem>>
      %dma_wait3A_442 = arith.constant 0 : i32
      %dma_wait3A_443 = arith.constant 0 : i32
      %dma_wait3A_444 = tpu.memref_slice %arg2[%dma_wait3A_442, %dma_wait3A_443] : memref<40000x256xf32, #tpu.memory_space<hbm>> -> memref<40x256xf32, #tpu.memory_space<hbm>>
      tpu.wait_dma2 semaphore(%arg21 : memref<!tpu.dma_semaphore, #tpu.memory_space<semaphore_mem>>) src(%dma_wait3A_444 : memref<40x256xf32, #tpu.memory_space<hbm>>) dst(%dma_wait3A_441 : memref<40x256xf32, #tpu.memory_space<vmem>>)
      %dma_wait3A_445 = arith.constant 1 : i32
      %dma_wait3A_446 = arith.constant 0 : i32
      %dma_wait3A_447 = arith.constant 0 : i32
      %dma_wait3A_448 = tpu.memref_slice %arg13[%dma_wait3A_445, %dma_wait3A_446, %dma_wait3A_447] : memref<2x40x128xf32, #tpu.memory_space<vmem>> -> memref<1x40x128xf32, #tpu.memory_space<vmem>>
      %dma_wait3A_449 = tpu.memref_squeeze %dma_wait3A_448 : memref<1x40x128xf32, #tpu.memory_space<vmem>> -> memref<40x128xf32, #tpu.memory_space<vmem>>
      %dma_wait3A_450 = arith.constant 0 : i32
      %dma_wait3A_451 = arith.constant 0 : i32
      %dma_wait3A_452 = tpu.memref_slice %arg3[%dma_wait3A_450, %dma_wait3A_451] : memref<640000x128xf32, #tpu.memory_space<hbm>> -> memref<40x128xf32, #tpu.memory_space<hbm>>
      %dma_wait3A_453 = arith.constant 0 : i32
      %dma_wait3A_454 = arith.constant 0 : i32
      %dma_wait3A_455 = tpu.memref_slice %arg13[%dma_wait3A_445, %dma_wait3A_453, %dma_wait3A_454] : memref<2x40x128xf32, #tpu.memory_space<vmem>> -> memref<1x40x128xf32, #tpu.memory_space<vmem>>
      %dma_wait3A_456 = tpu.memref_squeeze %dma_wait3A_455 : memref<1x40x128xf32, #tpu.memory_space<vmem>> -> memref<40x128xf32, #tpu.memory_space<vmem>>
      %dma_wait3A_457 = arith.constant 0 : i32
      %dma_wait3A_458 = arith.constant 0 : i32
      %dma_wait3A_459 = tpu.memref_slice %arg3[%dma_wait3A_457, %dma_wait3A_458] : memref<640000x128xf32, #tpu.memory_space<hbm>> -> memref<40x128xf32, #tpu.memory_space<hbm>>
      tpu.wait_dma2 semaphore(%arg21 : memref<!tpu.dma_semaphore, #tpu.memory_space<semaphore_mem>>) src(%dma_wait3A_459 : memref<40x128xf32, #tpu.memory_space<hbm>>) dst(%dma_wait3A_456 : memref<40x128xf32, #tpu.memory_space<vmem>>)
      %dma_wait3A_460 = arith.constant 1 : i32
      %dma_wait3A_461 = arith.constant 0 : i32
      %dma_wait3A_462 = arith.constant 0 : i32
      %dma_wait3A_463 = tpu.memref_slice %arg14[%dma_wait3A_460, %dma_wait3A_461, %dma_wait3A_462] : memref<2x40x16xf32, #tpu.memory_space<vmem>> -> memref<1x40x16xf32, #tpu.memory_space<vmem>>
      %dma_wait3A_464 = tpu.memref_squeeze %dma_wait3A_463 : memref<1x40x16xf32, #tpu.memory_space<vmem>> -> memref<40x16xf32, #tpu.memory_space<vmem>>
      %dma_wait3A_465 = arith.constant 0 : i32
      %dma_wait3A_466 = arith.constant 0 : i32
      %dma_wait3A_467 = tpu.memref_slice %arg4[%dma_wait3A_465, %dma_wait3A_466] : memref<160000x16xf32, #tpu.memory_space<hbm>> -> memref<40x16xf32, #tpu.memory_space<hbm>>
      %dma_wait3A_468 = arith.constant 0 : i32
      %dma_wait3A_469 = arith.constant 0 : i32
      %dma_wait3A_470 = tpu.memref_slice %arg14[%dma_wait3A_460, %dma_wait3A_468, %dma_wait3A_469] : memref<2x40x16xf32, #tpu.memory_space<vmem>> -> memref<1x40x16xf32, #tpu.memory_space<vmem>>
      %dma_wait3A_471 = tpu.memref_squeeze %dma_wait3A_470 : memref<1x40x16xf32, #tpu.memory_space<vmem>> -> memref<40x16xf32, #tpu.memory_space<vmem>>
      %dma_wait3A_472 = arith.constant 0 : i32
      %dma_wait3A_473 = arith.constant 0 : i32
      %dma_wait3A_474 = tpu.memref_slice %arg4[%dma_wait3A_472, %dma_wait3A_473] : memref<160000x16xf32, #tpu.memory_space<hbm>> -> memref<40x16xf32, #tpu.memory_space<hbm>>
      tpu.wait_dma2 semaphore(%arg21 : memref<!tpu.dma_semaphore, #tpu.memory_space<semaphore_mem>>) src(%dma_wait3A_474 : memref<40x16xf32, #tpu.memory_space<hbm>>) dst(%dma_wait3A_471 : memref<40x16xf32, #tpu.memory_space<vmem>>)
      %parallel_loop3A_475 = arith.constant 0 : i32
      %parallel_loop3A_476 = arith.constant 40 : i32
      %parallel_loop3A_477 = arith.constant 1 : i32
      scf.for %parallel_loop3A_495 = %parallel_loop3A_475 to %parallel_loop3A_476 step %parallel_loop3A_477  : i32 {
        %parallel_loop3A_496 = arith.constant 1 : i32
        %parallel_loop3A_497 = arith.index_cast %parallel_loop3A_496 : i32 to index
        %parallel_loop3A_498 = arith.index_cast %parallel_loop3A_495 : i32 to index
        %parallel_loop3A_499 = arith.constant 96 : index
        %parallel_loop3A_500 = tpu.vector_load %arg13[%parallel_loop3A_497, %parallel_loop3A_498, %parallel_loop3A_499] {strides = array<i32>} : memref<2x40x128xf32, #tpu.memory_space<vmem>>, vector<1x1x16xf32>,
        %parallel_loop3A_501 = vector.shape_cast %parallel_loop3A_500 : vector<1x1x16xf32> to vector<16xf32>
        %parallel_loop3A_502 = arith.constant 1 : i32
        %parallel_loop3A_503 = arith.index_cast %parallel_loop3A_502 : i32 to index
        %parallel_loop3A_504 = arith.index_cast %parallel_loop3A_495 : i32 to index
        %parallel_loop3A_505 = arith.constant 112 : index
        %parallel_loop3A_506 = tpu.vector_load %arg13[%parallel_loop3A_503, %parallel_loop3A_504, %parallel_loop3A_505] {strides = array<i32>} : memref<2x40x128xf32, #tpu.memory_space<vmem>>, vector<1x1x16xf32>,
        %parallel_loop3A_507 = vector.shape_cast %parallel_loop3A_506 : vector<1x1x16xf32> to vector<16xf32>
        %parallel_loop3A_508 = arith.constant 1 : i32
        %parallel_loop3A_509 = arith.index_cast %parallel_loop3A_508 : i32 to index
        %parallel_loop3A_510 = arith.index_cast %parallel_loop3A_495 : i32 to index
        %parallel_loop3A_511 = arith.constant 0 : index
        %parallel_loop3A_512 = tpu.vector_load %arg14[%parallel_loop3A_509, %parallel_loop3A_510, %parallel_loop3A_511] {strides = array<i32>} : memref<2x40x16xf32, #tpu.memory_space<vmem>>, vector<1x1x16xf32>,
        %parallel_loop3A_513 = vector.shape_cast %parallel_loop3A_512 : vector<1x1x16xf32> to vector<16xf32>
        %parallel_loop3A_514 = arith.constant 1 : i32
        %parallel_loop3A_515 = arith.index_cast %parallel_loop3A_514 : i32 to index
        %parallel_loop3A_516 = arith.index_cast %parallel_loop3A_495 : i32 to index
        %parallel_loop3A_517 = arith.constant 0 : index
        %parallel_loop3A_518 = tpu.vector_load %arg13[%parallel_loop3A_515, %parallel_loop3A_516, %parallel_loop3A_517] {strides = array<i32>} : memref<2x40x128xf32, #tpu.memory_space<vmem>>, vector<1x1x16xf32>,
        %parallel_loop3A_519 = vector.shape_cast %parallel_loop3A_518 : vector<1x1x16xf32> to vector<16xf32>
        %parallel_loop3A_520 = arith.constant 1 : i32
        %parallel_loop3A_521 = arith.index_cast %parallel_loop3A_520 : i32 to index
        %parallel_loop3A_522 = arith.index_cast %parallel_loop3A_495 : i32 to index
        %parallel_loop3A_523 = arith.constant 0 : index
        %parallel_loop3A_524 = tpu.vector_load %arg12[%parallel_loop3A_521, %parallel_loop3A_522, %parallel_loop3A_523] {strides = array<i32>} : memref<2x40x256xf32, #tpu.memory_space<vmem>>, vector<1x1x16xf32>,
        %parallel_loop3A_525 = vector.shape_cast %parallel_loop3A_524 : vector<1x1x16xf32> to vector<16xf32>
        %parallel_loop3A_526 = arith.mulf %parallel_loop3A_519, %parallel_loop3A_525 : vector<16xf32>
        %parallel_loop3A_527 = arith.constant 1 : i32
        %parallel_loop3A_528 = arith.index_cast %parallel_loop3A_527 : i32 to index
        %parallel_loop3A_529 = arith.index_cast %parallel_loop3A_495 : i32 to index
        %parallel_loop3A_530 = arith.constant 32 : index
        %parallel_loop3A_531 = tpu.vector_load %arg13[%parallel_loop3A_528, %parallel_loop3A_529, %parallel_loop3A_530] {strides = array<i32>} : memref<2x40x128xf32, #tpu.memory_space<vmem>>, vector<1x1x16xf32>,
        %parallel_loop3A_532 = vector.shape_cast %parallel_loop3A_531 : vector<1x1x16xf32> to vector<16xf32>
        %parallel_loop3A_533 = arith.constant 1 : i32
        %parallel_loop3A_534 = arith.index_cast %parallel_loop3A_533 : i32 to index
        %parallel_loop3A_535 = arith.index_cast %parallel_loop3A_495 : i32 to index
        %parallel_loop3A_536 = arith.constant 32 : index
        %parallel_loop3A_537 = tpu.vector_load %arg12[%parallel_loop3A_534, %parallel_loop3A_535, %parallel_loop3A_536] {strides = array<i32>} : memref<2x40x256xf32, #tpu.memory_space<vmem>>, vector<1x1x16xf32>,
        %parallel_loop3A_538 = vector.shape_cast %parallel_loop3A_537 : vector<1x1x16xf32> to vector<16xf32>
        %parallel_loop3A_539 = arith.mulf %parallel_loop3A_532, %parallel_loop3A_538 : vector<16xf32>
        %parallel_loop3A_540 = arith.constant 1 : i32
        %parallel_loop3A_541 = arith.index_cast %parallel_loop3A_540 : i32 to index
        %parallel_loop3A_542 = arith.index_cast %parallel_loop3A_495 : i32 to index
        %parallel_loop3A_543 = arith.constant 64 : index
        %parallel_loop3A_544 = tpu.vector_load %arg13[%parallel_loop3A_541, %parallel_loop3A_542, %parallel_loop3A_543] {strides = array<i32>} : memref<2x40x128xf32, #tpu.memory_space<vmem>>, vector<1x1x16xf32>,
        %parallel_loop3A_545 = vector.shape_cast %parallel_loop3A_544 : vector<1x1x16xf32> to vector<16xf32>
        %parallel_loop3A_546 = arith.constant 1 : i32
        %parallel_loop3A_547 = arith.index_cast %parallel_loop3A_546 : i32 to index
        %parallel_loop3A_548 = arith.index_cast %parallel_loop3A_495 : i32 to index
        %parallel_loop3A_549 = arith.constant 64 : index
        %parallel_loop3A_550 = tpu.vector_load %arg12[%parallel_loop3A_547, %parallel_loop3A_548, %parallel_loop3A_549] {strides = array<i32>} : memref<2x40x256xf32, #tpu.memory_space<vmem>>, vector<1x1x16xf32>,
        %parallel_loop3A_551 = vector.shape_cast %parallel_loop3A_550 : vector<1x1x16xf32> to vector<16xf32>
        %parallel_loop3A_552 = arith.mulf %parallel_loop3A_545, %parallel_loop3A_551 : vector<16xf32>
        %parallel_loop3A_553 = arith.index_cast %parallel_loop3A_495 : i32 to index
        %parallel_loop3A_554 = arith.constant 0 : index
        %parallel_loop3A_555 = tpu.vector_load %arg15[%parallel_loop3A_553, %parallel_loop3A_554] {strides = array<i32>} : memref<40x128xf32, #tpu.memory_space<vmem>>, vector<1x16xf32>,
        %parallel_loop3A_556 = vector.shape_cast %parallel_loop3A_555 : vector<1x16xf32> to vector<16xf32>
        %parallel_loop3A_557 = vector.shape_cast %parallel_loop3A_552 : vector<16xf32> to vector<1x16xf32>
        tpu.vector_store %arg15[%parallel_loop3A_553, %parallel_loop3A_554], %parallel_loop3A_557 {strides = array<i32>} : memref<40x128xf32, #tpu.memory_space<vmem>>, vector<1x16xf32>,
        %parallel_loop3A_558 = arith.constant 1 : i32
        %parallel_loop3A_559 = arith.index_cast %parallel_loop3A_558 : i32 to index
        %parallel_loop3A_560 = arith.index_cast %parallel_loop3A_495 : i32 to index
        %parallel_loop3A_561 = arith.constant 96 : index
        %parallel_loop3A_562 = tpu.vector_load %arg12[%parallel_loop3A_559, %parallel_loop3A_560, %parallel_loop3A_561] {strides = array<i32>} : memref<2x40x256xf32, #tpu.memory_space<vmem>>, vector<1x1x16xf32>,
        %parallel_loop3A_563 = vector.shape_cast %parallel_loop3A_562 : vector<1x1x16xf32> to vector<16xf32>
        %parallel_loop3A_564 = arith.mulf %parallel_loop3A_563, %parallel_loop3A_526 : vector<16xf32>
        %parallel_loop3A_565 = arith.mulf %parallel_loop3A_539, %parallel_loop3A_501 : vector<16xf32>
        %parallel_loop3A_566 = arith.addf %parallel_loop3A_564, %parallel_loop3A_565 : vector<16xf32>
        %parallel_loop3A_567 = arith.index_cast %parallel_loop3A_495 : i32 to index
        %parallel_loop3A_568 = arith.constant 32 : index
        %parallel_loop3A_569 = tpu.vector_load %arg15[%parallel_loop3A_567, %parallel_loop3A_568] {strides = array<i32>} : memref<40x128xf32, #tpu.memory_space<vmem>>, vector<1x16xf32>,
        %parallel_loop3A_570 = vector.shape_cast %parallel_loop3A_569 : vector<1x16xf32> to vector<16xf32>
        %parallel_loop3A_571 = vector.shape_cast %parallel_loop3A_566 : vector<16xf32> to vector<1x16xf32>
        tpu.vector_store %arg15[%parallel_loop3A_567, %parallel_loop3A_568], %parallel_loop3A_571 {strides = array<i32>} : memref<40x128xf32, #tpu.memory_space<vmem>>, vector<1x16xf32>,
        %parallel_loop3A_572 = arith.constant 1 : i32
        %parallel_loop3A_573 = arith.index_cast %parallel_loop3A_572 : i32 to index
        %parallel_loop3A_574 = arith.index_cast %parallel_loop3A_495 : i32 to index
        %parallel_loop3A_575 = arith.constant 128 : index
        %parallel_loop3A_576 = tpu.vector_load %arg12[%parallel_loop3A_573, %parallel_loop3A_574, %parallel_loop3A_575] {strides = array<i32>} : memref<2x40x256xf32, #tpu.memory_space<vmem>>, vector<1x1x16xf32>,
        %parallel_loop3A_577 = vector.shape_cast %parallel_loop3A_576 : vector<1x1x16xf32> to vector<16xf32>
        %parallel_loop3A_578 = arith.mulf %parallel_loop3A_577, %parallel_loop3A_526 : vector<16xf32>
        %parallel_loop3A_579 = arith.mulf %parallel_loop3A_539, %parallel_loop3A_507 : vector<16xf32>
        %parallel_loop3A_580 = arith.addf %parallel_loop3A_578, %parallel_loop3A_579 : vector<16xf32>
        %parallel_loop3A_581 = arith.index_cast %parallel_loop3A_495 : i32 to index
        %parallel_loop3A_582 = arith.constant 64 : index
        %parallel_loop3A_583 = tpu.vector_load %arg15[%parallel_loop3A_581, %parallel_loop3A_582] {strides = array<i32>} : memref<40x128xf32, #tpu.memory_space<vmem>>, vector<1x16xf32>,
        %parallel_loop3A_584 = vector.shape_cast %parallel_loop3A_583 : vector<1x16xf32> to vector<16xf32>
        %parallel_loop3A_585 = vector.shape_cast %parallel_loop3A_580 : vector<16xf32> to vector<1x16xf32>
        tpu.vector_store %arg15[%parallel_loop3A_581, %parallel_loop3A_582], %parallel_loop3A_585 {strides = array<i32>} : memref<40x128xf32, #tpu.memory_space<vmem>>, vector<1x16xf32>,
        %parallel_loop3A_586 = arith.constant 1 : i32
        %parallel_loop3A_587 = arith.index_cast %parallel_loop3A_586 : i32 to index
        %parallel_loop3A_588 = arith.index_cast %parallel_loop3A_495 : i32 to index
        %parallel_loop3A_589 = arith.constant 160 : index
        %parallel_loop3A_590 = tpu.vector_load %arg12[%parallel_loop3A_587, %parallel_loop3A_588, %parallel_loop3A_589] {strides = array<i32>} : memref<2x40x256xf32, #tpu.memory_space<vmem>>, vector<1x1x16xf32>,
        %parallel_loop3A_591 = vector.shape_cast %parallel_loop3A_590 : vector<1x1x16xf32> to vector<16xf32>
        %parallel_loop3A_592 = arith.mulf %parallel_loop3A_591, %parallel_loop3A_526 : vector<16xf32>
        %parallel_loop3A_593 = arith.mulf %parallel_loop3A_539, %parallel_loop3A_513 : vector<16xf32>
        %parallel_loop3A_594 = arith.addf %parallel_loop3A_592, %parallel_loop3A_593 : vector<16xf32>
        %parallel_loop3A_595 = arith.index_cast %parallel_loop3A_495 : i32 to index
        %parallel_loop3A_596 = arith.constant 96 : index
        %parallel_loop3A_597 = tpu.vector_load %arg15[%parallel_loop3A_595, %parallel_loop3A_596] {strides = array<i32>} : memref<40x128xf32, #tpu.memory_space<vmem>>, vector<1x16xf32>,
        %parallel_loop3A_598 = vector.shape_cast %parallel_loop3A_597 : vector<1x16xf32> to vector<16xf32>
        %parallel_loop3A_599 = vector.shape_cast %parallel_loop3A_594 : vector<16xf32> to vector<1x16xf32>
        tpu.vector_store %arg15[%parallel_loop3A_595, %parallel_loop3A_596], %parallel_loop3A_599 {strides = array<i32>} : memref<40x128xf32, #tpu.memory_space<vmem>>, vector<1x16xf32>,
        %parallel_loop3A_600 = arith.constant 1 : i32
        %parallel_loop3A_601 = arith.index_cast %parallel_loop3A_600 : i32 to index
        %parallel_loop3A_602 = arith.index_cast %parallel_loop3A_495 : i32 to index
        %parallel_loop3A_603 = arith.constant 16 : index
        %parallel_loop3A_604 = tpu.vector_load %arg13[%parallel_loop3A_601, %parallel_loop3A_602, %parallel_loop3A_603] {strides = array<i32>} : memref<2x40x128xf32, #tpu.memory_space<vmem>>, vector<1x1x16xf32>,
        %parallel_loop3A_605 = vector.shape_cast %parallel_loop3A_604 : vector<1x1x16xf32> to vector<16xf32>
        %parallel_loop3A_606 = arith.constant 1 : i32
        %parallel_loop3A_607 = arith.index_cast %parallel_loop3A_606 : i32 to index
        %parallel_loop3A_608 = arith.index_cast %parallel_loop3A_495 : i32 to index
        %parallel_loop3A_609 = arith.constant 16 : index
        %parallel_loop3A_610 = tpu.vector_load %arg12[%parallel_loop3A_607, %parallel_loop3A_608, %parallel_loop3A_609] {strides = array<i32>} : memref<2x40x256xf32, #tpu.memory_space<vmem>>, vector<1x1x16xf32>,
        %parallel_loop3A_611 = vector.shape_cast %parallel_loop3A_610 : vector<1x1x16xf32> to vector<16xf32>
        %parallel_loop3A_612 = arith.mulf %parallel_loop3A_605, %parallel_loop3A_611 : vector<16xf32>
        %parallel_loop3A_613 = arith.constant 1 : i32
        %parallel_loop3A_614 = arith.index_cast %parallel_loop3A_613 : i32 to index
        %parallel_loop3A_615 = arith.index_cast %parallel_loop3A_495 : i32 to index
        %parallel_loop3A_616 = arith.constant 48 : index
        %parallel_loop3A_617 = tpu.vector_load %arg13[%parallel_loop3A_614, %parallel_loop3A_615, %parallel_loop3A_616] {strides = array<i32>} : memref<2x40x128xf32, #tpu.memory_space<vmem>>, vector<1x1x16xf32>,
        %parallel_loop3A_618 = vector.shape_cast %parallel_loop3A_617 : vector<1x1x16xf32> to vector<16xf32>
        %parallel_loop3A_619 = arith.constant 1 : i32
        %parallel_loop3A_620 = arith.index_cast %parallel_loop3A_619 : i32 to index
        %parallel_loop3A_621 = arith.index_cast %parallel_loop3A_495 : i32 to index
        %parallel_loop3A_622 = arith.constant 48 : index
        %parallel_loop3A_623 = tpu.vector_load %arg12[%parallel_loop3A_620, %parallel_loop3A_621, %parallel_loop3A_622] {strides = array<i32>} : memref<2x40x256xf32, #tpu.memory_space<vmem>>, vector<1x1x16xf32>,
        %parallel_loop3A_624 = vector.shape_cast %parallel_loop3A_623 : vector<1x1x16xf32> to vector<16xf32>
        %parallel_loop3A_625 = arith.mulf %parallel_loop3A_618, %parallel_loop3A_624 : vector<16xf32>
        %parallel_loop3A_626 = arith.constant 1 : i32
        %parallel_loop3A_627 = arith.index_cast %parallel_loop3A_626 : i32 to index
        %parallel_loop3A_628 = arith.index_cast %parallel_loop3A_495 : i32 to index
        %parallel_loop3A_629 = arith.constant 80 : index
        %parallel_loop3A_630 = tpu.vector_load %arg13[%parallel_loop3A_627, %parallel_loop3A_628, %parallel_loop3A_629] {strides = array<i32>} : memref<2x40x128xf32, #tpu.memory_space<vmem>>, vector<1x1x16xf32>,
        %parallel_loop3A_631 = vector.shape_cast %parallel_loop3A_630 : vector<1x1x16xf32> to vector<16xf32>
        %parallel_loop3A_632 = arith.constant 1 : i32
        %parallel_loop3A_633 = arith.index_cast %parallel_loop3A_632 : i32 to index
        %parallel_loop3A_634 = arith.index_cast %parallel_loop3A_495 : i32 to index
        %parallel_loop3A_635 = arith.constant 80 : index
        %parallel_loop3A_636 = tpu.vector_load %arg12[%parallel_loop3A_633, %parallel_loop3A_634, %parallel_loop3A_635] {strides = array<i32>} : memref<2x40x256xf32, #tpu.memory_space<vmem>>, vector<1x1x16xf32>,
        %parallel_loop3A_637 = vector.shape_cast %parallel_loop3A_636 : vector<1x1x16xf32> to vector<16xf32>
        %parallel_loop3A_638 = arith.mulf %parallel_loop3A_631, %parallel_loop3A_637 : vector<16xf32>
        %parallel_loop3A_639 = arith.index_cast %parallel_loop3A_495 : i32 to index
        %parallel_loop3A_640 = arith.constant 16 : index
        %parallel_loop3A_641 = tpu.vector_load %arg15[%parallel_loop3A_639, %parallel_loop3A_640] {strides = array<i32>} : memref<40x128xf32, #tpu.memory_space<vmem>>, vector<1x16xf32>,
        %parallel_loop3A_642 = vector.shape_cast %parallel_loop3A_641 : vector<1x16xf32> to vector<16xf32>
        %parallel_loop3A_643 = vector.shape_cast %parallel_loop3A_638 : vector<16xf32> to vector<1x16xf32>
        tpu.vector_store %arg15[%parallel_loop3A_639, %parallel_loop3A_640], %parallel_loop3A_643 {strides = array<i32>} : memref<40x128xf32, #tpu.memory_space<vmem>>, vector<1x16xf32>,
        %parallel_loop3A_644 = arith.constant 1 : i32
        %parallel_loop3A_645 = arith.index_cast %parallel_loop3A_644 : i32 to index
        %parallel_loop3A_646 = arith.index_cast %parallel_loop3A_495 : i32 to index
        %parallel_loop3A_647 = arith.constant 112 : index
        %parallel_loop3A_648 = tpu.vector_load %arg12[%parallel_loop3A_645, %parallel_loop3A_646, %parallel_loop3A_647] {strides = array<i32>} : memref<2x40x256xf32, #tpu.memory_space<vmem>>, vector<1x1x16xf32>,
        %parallel_loop3A_649 = vector.shape_cast %parallel_loop3A_648 : vector<1x1x16xf32> to vector<16xf32>
        %parallel_loop3A_650 = arith.mulf %parallel_loop3A_649, %parallel_loop3A_612 : vector<16xf32>
        %parallel_loop3A_651 = arith.mulf %parallel_loop3A_625, %parallel_loop3A_501 : vector<16xf32>
        %parallel_loop3A_652 = arith.addf %parallel_loop3A_650, %parallel_loop3A_651 : vector<16xf32>
        %parallel_loop3A_653 = arith.index_cast %parallel_loop3A_495 : i32 to index
        %parallel_loop3A_654 = arith.constant 48 : index
        %parallel_loop3A_655 = tpu.vector_load %arg15[%parallel_loop3A_653, %parallel_loop3A_654] {strides = array<i32>} : memref<40x128xf32, #tpu.memory_space<vmem>>, vector<1x16xf32>,
        %parallel_loop3A_656 = vector.shape_cast %parallel_loop3A_655 : vector<1x16xf32> to vector<16xf32>
        %parallel_loop3A_657 = vector.shape_cast %parallel_loop3A_652 : vector<16xf32> to vector<1x16xf32>
        tpu.vector_store %arg15[%parallel_loop3A_653, %parallel_loop3A_654], %parallel_loop3A_657 {strides = array<i32>} : memref<40x128xf32, #tpu.memory_space<vmem>>, vector<1x16xf32>,
        %parallel_loop3A_658 = arith.constant 1 : i32
        %parallel_loop3A_659 = arith.index_cast %parallel_loop3A_658 : i32 to index
        %parallel_loop3A_660 = arith.index_cast %parallel_loop3A_495 : i32 to index
        %parallel_loop3A_661 = arith.constant 144 : index
        %parallel_loop3A_662 = tpu.vector_load %arg12[%parallel_loop3A_659, %parallel_loop3A_660, %parallel_loop3A_661] {strides = array<i32>} : memref<2x40x256xf32, #tpu.memory_space<vmem>>, vector<1x1x16xf32>,
        %parallel_loop3A_663 = vector.shape_cast %parallel_loop3A_662 : vector<1x1x16xf32> to vector<16xf32>
        %parallel_loop3A_664 = arith.mulf %parallel_loop3A_663, %parallel_loop3A_612 : vector<16xf32>
        %parallel_loop3A_665 = arith.mulf %parallel_loop3A_625, %parallel_loop3A_507 : vector<16xf32>
        %parallel_loop3A_666 = arith.addf %parallel_loop3A_664, %parallel_loop3A_665 : vector<16xf32>
        %parallel_loop3A_667 = arith.index_cast %parallel_loop3A_495 : i32 to index
        %parallel_loop3A_668 = arith.constant 80 : index
        %parallel_loop3A_669 = tpu.vector_load %arg15[%parallel_loop3A_667, %parallel_loop3A_668] {strides = array<i32>} : memref<40x128xf32, #tpu.memory_space<vmem>>, vector<1x16xf32>,
        %parallel_loop3A_670 = vector.shape_cast %parallel_loop3A_669 : vector<1x16xf32> to vector<16xf32>
        %parallel_loop3A_671 = vector.shape_cast %parallel_loop3A_666 : vector<16xf32> to vector<1x16xf32>
        tpu.vector_store %arg15[%parallel_loop3A_667, %parallel_loop3A_668], %parallel_loop3A_671 {strides = array<i32>} : memref<40x128xf32, #tpu.memory_space<vmem>>, vector<1x16xf32>,
        %parallel_loop3A_672 = arith.constant 1 : i32
        %parallel_loop3A_673 = arith.index_cast %parallel_loop3A_672 : i32 to index
        %parallel_loop3A_674 = arith.index_cast %parallel_loop3A_495 : i32 to index
        %parallel_loop3A_675 = arith.constant 176 : index
        %parallel_loop3A_676 = tpu.vector_load %arg12[%parallel_loop3A_673, %parallel_loop3A_674, %parallel_loop3A_675] {strides = array<i32>} : memref<2x40x256xf32, #tpu.memory_space<vmem>>, vector<1x1x16xf32>,
        %parallel_loop3A_677 = vector.shape_cast %parallel_loop3A_676 : vector<1x1x16xf32> to vector<16xf32>
        %parallel_loop3A_678 = arith.mulf %parallel_loop3A_677, %parallel_loop3A_612 : vector<16xf32>
        %parallel_loop3A_679 = arith.mulf %parallel_loop3A_625, %parallel_loop3A_513 : vector<16xf32>
        %parallel_loop3A_680 = arith.addf %parallel_loop3A_678, %parallel_loop3A_679 : vector<16xf32>
        %parallel_loop3A_681 = arith.index_cast %parallel_loop3A_495 : i32 to index
        %parallel_loop3A_682 = arith.constant 112 : index
        %parallel_loop3A_683 = tpu.vector_load %arg15[%parallel_loop3A_681, %parallel_loop3A_682] {strides = array<i32>} : memref<40x128xf32, #tpu.memory_space<vmem>>, vector<1x16xf32>,
        %parallel_loop3A_684 = vector.shape_cast %parallel_loop3A_683 : vector<1x16xf32> to vector<16xf32>
        %parallel_loop3A_685 = vector.shape_cast %parallel_loop3A_680 : vector<16xf32> to vector<1x16xf32>
        tpu.vector_store %arg15[%parallel_loop3A_681, %parallel_loop3A_682], %parallel_loop3A_685 {strides = array<i32>} : memref<40x128xf32, #tpu.memory_space<vmem>>, vector<1x16xf32>,
      } {sc.loop_unroll_factor = 4 : i64, sc.parallel_access}
      %dma_wait3A_478 = arith.constant 1 : i32
      %dma_wait3A_479 = arith.constant 0 : i32
      %dma_wait3A_480 = tpu.memref_slice %arg11[%dma_wait3A_478, %dma_wait3A_479] : memref<2x40xi32, #tpu.memory_space<vmem>> -> memref<1x40xi32, #tpu.memory_space<vmem>>
      %dma_wait3A_481 = tpu.memref_squeeze %dma_wait3A_480 : memref<1x40xi32, #tpu.memory_space<vmem>> -> memref<40xi32, #tpu.memory_space<vmem>>
      %dma_wait3A_482 = arith.constant 0 : i32
      %dma_wait3A_483 = tpu.memref_slice %arg6[%dma_wait3A_482] : memref<160000xi32, #tpu.memory_space<hbm>> -> memref<40xi32, #tpu.memory_space<hbm>>
      %dma_wait3A_484 = arith.constant 0 : i32
      %dma_wait3A_485 = tpu.memref_slice %arg11[%dma_wait3A_478, %dma_wait3A_484] : memref<2x40xi32, #tpu.memory_space<vmem>> -> memref<1x40xi32, #tpu.memory_space<vmem>>
      %dma_wait3A_486 = tpu.memref_squeeze %dma_wait3A_485 : memref<1x40xi32, #tpu.memory_space<vmem>> -> memref<40xi32, #tpu.memory_space<vmem>>
      %dma_wait3A_487 = arith.constant 0 : i32
      %dma_wait3A_488 = tpu.memref_slice %arg6[%dma_wait3A_487] : memref<160000xi32, #tpu.memory_space<hbm>> -> memref<40xi32, #tpu.memory_space<hbm>>
      tpu.wait_dma2 semaphore(%arg19 : memref<!tpu.dma_semaphore, #tpu.memory_space<semaphore_mem>>) src(%dma_wait3A_488 : memref<40xi32, #tpu.memory_space<hbm>>) dst(%dma_wait3A_486 : memref<40xi32, #tpu.memory_space<vmem>>)
      %run_scoped3A_489 = arith.constant 1 : i32
      "tpu.region"() ({
        %run_scoped3A_495 = tpu.sem_alloc : memref<!tpu.dma_semaphore, #tpu.memory_space<semaphore_mem>>
        %dma_start3A_496 = arith.constant 0 : i32
        %dma_start3A_497 = tpu.memref_slice %arg11[%run_scoped3A_489, %dma_start3A_496] : memref<2x40xi32, #tpu.memory_space<vmem>> -> memref<1x40xi32, #tpu.memory_space<vmem>>
        %dma_start3A_498 = tpu.memref_squeeze %dma_start3A_497 : memref<1x40xi32, #tpu.memory_space<vmem>> -> memref<40xi32, #tpu.memory_space<vmem>>
        %dma_start3A_499 = arith.constant 0 : i32
        %dma_start3A_500 = arith.constant 0 : i32
        %dma_start3A_501 = tpu.memref_slice %arg9[%dma_start3A_499, %dma_start3A_500] : memref<10000x128xf32, #tpu.memory_space<vmem_shared>> -> memref<10000x128xf32, #tpu.memory_space<vmem_shared>>
        tpu.enqueue_indirect_dma source(%arg15 : memref<40x128xf32, #tpu.memory_space<vmem>>) target(%dma_start3A_501 : memref<10000x128xf32, #tpu.memory_space<vmem_shared>>) offsets(%dma_start3A_498 : memref<40xi32, #tpu.memory_space<vmem>>) semaphore(%run_scoped3A_495 : memref<!tpu.dma_semaphore, #tpu.memory_space<semaphore_mem>>) {add = true}
        %dma_wait3A_502 = arith.constant 0 : i32
        %dma_wait3A_503 = tpu.memref_slice %arg11[%run_scoped3A_489, %dma_wait3A_502] : memref<2x40xi32, #tpu.memory_space<vmem>> -> memref<1x40xi32, #tpu.memory_space<vmem>>
        %dma_wait3A_504 = tpu.memref_squeeze %dma_wait3A_503 : memref<1x40xi32, #tpu.memory_space<vmem>> -> memref<40xi32, #tpu.memory_space<vmem>>
        %dma_wait3A_505 = arith.constant 0 : i32
        %dma_wait3A_506 = arith.constant 0 : i32
        %dma_wait3A_507 = tpu.memref_slice %arg9[%dma_wait3A_505, %dma_wait3A_506] : memref<10000x128xf32, #tpu.memory_space<vmem_shared>> -> memref<10000x128xf32, #tpu.memory_space<vmem_shared>>
        tpu.wait_indirect_dma semaphore(%run_scoped3A_495 : memref<!tpu.dma_semaphore, #tpu.memory_space<semaphore_mem>>) src(%arg15 : memref<40x128xf32, #tpu.memory_space<vmem>>) dst(%dma_wait3A_507 : memref<10000x128xf32, #tpu.memory_space<vmem_shared>>)
        tpu.yield
      }) : () -> ()
      %lt3A_490 = arith.constant 124 : i32
      %lt3A_491 = arith.cmpi slt, %scan3A_294, %lt3A_490 : i32
      %convert_element_type3A_492 = arith.extui %lt3A_491 : i1 to i32
      %cond3A_493 = arith.constant 0 : i32
      %cond3A_494 = arith.cmpi ne, %convert_element_type3A_492, %cond3A_493 : i32
      scf.if %cond3A_494 {
        %mul3A_495 = arith.constant 2 : i32
        %mul3A_496 = arith.muli %mul3A_495, %scan3A_294 : i32
        %add3A_497 = arith.constant 3 : i32
        %add3A_498 = arith.addi %mul3A_496, %add3A_497 : i32
        %mul3A_499 = arith.constant 10000 : i32
        %mul3A_500 = arith.muli %arg1, %mul3A_499 : i32
        %mul3A_501 = arith.constant 40 : i32
        %mul3A_502 = arith.muli %add3A_498, %mul3A_501 : i32
        %add3A_503 = arith.addi %mul3A_500, %mul3A_502 : i32
        %multiple_of3A_504 = tpu.assume_multiple %add3A_503, 8 : i32
        %dma_start3A_505 = arith.constant 1 : i32
        %dma_start3A_506 = arith.constant 0 : i32
        %dma_start3A_507 = tpu.memref_slice %arg11[%dma_start3A_505, %dma_start3A_506] : memref<2x40xi32, #tpu.memory_space<vmem>> -> memref<1x40xi32, #tpu.memory_space<vmem>>
        %dma_start3A_508 = tpu.memref_squeeze %dma_start3A_507 : memref<1x40xi32, #tpu.memory_space<vmem>> -> memref<40xi32, #tpu.memory_space<vmem>>
        %dma_start3A_509 = tpu.memref_slice %arg6[%multiple_of3A_504] : memref<160000xi32, #tpu.memory_space<hbm>> -> memref<40xi32, #tpu.memory_space<hbm>>
        %dma_start3A_510 = arith.constant 0 : i32
        %dma_start3A_511 = tpu.memref_slice %arg11[%dma_start3A_505, %dma_start3A_510] : memref<2x40xi32, #tpu.memory_space<vmem>> -> memref<1x40xi32, #tpu.memory_space<vmem>>
        %dma_start3A_512 = tpu.memref_squeeze %dma_start3A_511 : memref<1x40xi32, #tpu.memory_space<vmem>> -> memref<40xi32, #tpu.memory_space<vmem>>
        %dma_start3A_513 = tpu.memref_slice %arg6[%multiple_of3A_504] : memref<160000xi32, #tpu.memory_space<hbm>> -> memref<40xi32, #tpu.memory_space<hbm>>
        tpu.enqueue_dma source(%dma_start3A_513 : memref<40xi32, #tpu.memory_space<hbm>>) target(%dma_start3A_512 : memref<40xi32, #tpu.memory_space<vmem>>) target_semaphore(%arg19 : memref<!tpu.dma_semaphore, #tpu.memory_space<semaphore_mem>>)
      } else {
      }
    }
    %scan3A_132 = arith.constant 125 : i32
    %barrier3A_133 = arith.constant 0 : index
    tpu.barrier barrier_id(%barrier3A_133)
    %multiple_of3A_134 = tpu.assume_multiple %mul3A_0, 8 : i32
    %add3A_135 = arith.addi %mul3A_5, %mul3A_0 : i32
    %multiple_of3A_136 = tpu.assume_multiple %add3A_135, 8 : i32
    "tpu.region"() ({
      %run_scoped3A = tpu.sem_alloc : memref<!tpu.dma_semaphore, #tpu.memory_space<semaphore_mem>>
      %dma_start3A_294 = arith.constant 0 : i32
      %dma_start3A_295 = tpu.memref_slice %arg8[%multiple_of3A_136, %dma_start3A_294] : memref<40000x128xf32, #tpu.memory_space<hbm>> -> memref<624x128xf32, #tpu.memory_space<hbm>>
      %dma_start3A_296 = arith.constant 0 : i32
      %dma_start3A_297 = tpu.memref_slice %arg9[%multiple_of3A_134, %dma_start3A_296] : memref<10000x128xf32, #tpu.memory_space<vmem_shared>> -> memref<624x128xf32, #tpu.memory_space<vmem_shared>>
      tpu.enqueue_dma source(%dma_start3A_297 : memref<624x128xf32, #tpu.memory_space<vmem_shared>>) target(%dma_start3A_295 : memref<624x128xf32, #tpu.memory_space<hbm>>) target_semaphore(%run_scoped3A : memref<!tpu.dma_semaphore, #tpu.memory_space<semaphore_mem>>)
      %dma_wait3A_298 = arith.constant 0 : i32
      %dma_wait3A_299 = tpu.memref_slice %arg8[%multiple_of3A_136, %dma_wait3A_298] : memref<40000x128xf32, #tpu.memory_space<hbm>> -> memref<624x128xf32, #tpu.memory_space<hbm>>
      %dma_wait3A_300 = arith.constant 0 : i32
      %dma_wait3A_301 = tpu.memref_slice %arg9[%multiple_of3A_134, %dma_wait3A_300] : memref<10000x128xf32, #tpu.memory_space<vmem_shared>> -> memref<624x128xf32, #tpu.memory_space<vmem_shared>>
      tpu.wait_dma2 semaphore(%run_scoped3A : memref<!tpu.dma_semaphore, #tpu.memory_space<semaphore_mem>>) src(%dma_wait3A_301 : memref<624x128xf32, #tpu.memory_space<vmem_shared>>) dst(%dma_wait3A_299 : memref<624x128xf32, #tpu.memory_space<hbm>>)
      tpu.yield
    }) : () -> ()
    %eq3A_137 = arith.constant 0 : i32
    %eq3A_138 = arith.cmpi eq, %arg1, %eq3A_137 : i32
    %convert_element_type3A_139 = arith.extui %eq3A_138 : i1 to i32
    %cond3A_140 = arith.constant 0 : i32
    %cond3A_141 = arith.cmpi ne, %convert_element_type3A_139, %cond3A_140 : i32
    scf.if %cond3A_141 {
      %add3A_294 = arith.constant 9984 : i32
      %add3A_295 = arith.addi %mul3A_5, %add3A_294 : i32
      %multiple_of3A_296 = tpu.assume_multiple %add3A_295, 8 : i32
      "tpu.region"() ({
        %run_scoped3A = tpu.sem_alloc : memref<!tpu.dma_semaphore, #tpu.memory_space<semaphore_mem>>
        %dma_start3A_297 = arith.constant 0 : i32
        %dma_start3A_298 = tpu.memref_slice %arg8[%multiple_of3A_296, %dma_start3A_297] : memref<40000x128xf32, #tpu.memory_space<hbm>> -> memref<16x128xf32, #tpu.memory_space<hbm>>
        %dma_start3A_299 = arith.constant 9984 : i32
        %dma_start3A_300 = arith.constant 0 : i32
        %dma_start3A_301 = tpu.memref_slice %arg9[%dma_start3A_299, %dma_start3A_300] : memref<10000x128xf32, #tpu.memory_space<vmem_shared>> -> memref<16x128xf32, #tpu.memory_space<vmem_shared>>
        tpu.enqueue_dma source(%dma_start3A_301 : memref<16x128xf32, #tpu.memory_space<vmem_shared>>) target(%dma_start3A_298 : memref<16x128xf32, #tpu.memory_space<hbm>>) target_semaphore(%run_scoped3A : memref<!tpu.dma_semaphore, #tpu.memory_space<semaphore_mem>>)
        %dma_wait3A_302 = arith.constant 0 : i32
        %dma_wait3A_303 = tpu.memref_slice %arg8[%multiple_of3A_296, %dma_wait3A_302] : memref<40000x128xf32, #tpu.memory_space<hbm>> -> memref<16x128xf32, #tpu.memory_space<hbm>>
        %dma_wait3A_304 = arith.constant 9984 : i32
        %dma_wait3A_305 = arith.constant 0 : i32
        %dma_wait3A_306 = tpu.memref_slice %arg9[%dma_wait3A_304, %dma_wait3A_305] : memref<10000x128xf32, #tpu.memory_space<vmem_shared>> -> memref<16x128xf32, #tpu.memory_space<vmem_shared>>
        tpu.wait_dma2 semaphore(%run_scoped3A : memref<!tpu.dma_semaphore, #tpu.memory_space<semaphore_mem>>) src(%dma_wait3A_306 : memref<16x128xf32, #tpu.memory_space<vmem_shared>>) dst(%dma_wait3A_303 : memref<16x128xf32, #tpu.memory_space<hbm>>)
        tpu.yield
      }) : () -> ()
    } else {
    }
    %barrier3A_142 = arith.constant 0 : index
    tpu.barrier barrier_id(%barrier3A_142)
    %mul3A_143 = arith.constant 2 : i32
    %mul3A_144 = arith.muli %mul3A_143, %arg0 : i32
    %add3A_145 = arith.constant 1 : i32
    %add3A_146 = arith.addi %mul3A_144, %add3A_145 : i32
    %mul3A_147 = arith.constant 10000 : i32
    %mul3A_148 = arith.muli %add3A_146, %mul3A_147 : i32
    %add3A_149 = arith.addi %mul3A_148, %mul3A_0 : i32
    %multiple_of3A_150 = tpu.assume_multiple %add3A_149, 8 : i32
    %multiple_of3A_151 = tpu.assume_multiple %mul3A_0, 8 : i32
    "tpu.region"() ({
      %run_scoped3A = tpu.sem_alloc : memref<!tpu.dma_semaphore, #tpu.memory_space<semaphore_mem>>
      %dma_start3A_294 = arith.constant 0 : i32
      %dma_start3A_295 = tpu.memref_slice %arg9[%multiple_of3A_151, %dma_start3A_294] : memref<10000x128xf32, #tpu.memory_space<vmem_shared>> -> memref<624x128xf32, #tpu.memory_space<vmem_shared>>
      %dma_start3A_296 = arith.constant 0 : i32
      %dma_start3A_297 = tpu.memref_slice %arg7[%multiple_of3A_150, %dma_start3A_296] : memref<40000x128xf32, #tpu.memory_space<hbm>> -> memref<624x128xf32, #tpu.memory_space<hbm>>
      tpu.enqueue_dma source(%dma_start3A_297 : memref<624x128xf32, #tpu.memory_space<hbm>>) target(%dma_start3A_295 : memref<624x128xf32, #tpu.memory_space<vmem_shared>>) target_semaphore(%run_scoped3A : memref<!tpu.dma_semaphore, #tpu.memory_space<semaphore_mem>>)
      %dma_wait3A_298 = arith.constant 0 : i32
      %dma_wait3A_299 = tpu.memref_slice %arg9[%multiple_of3A_151, %dma_wait3A_298] : memref<10000x128xf32, #tpu.memory_space<vmem_shared>> -> memref<624x128xf32, #tpu.memory_space<vmem_shared>>
      %dma_wait3A_300 = arith.constant 0 : i32
      %dma_wait3A_301 = tpu.memref_slice %arg7[%multiple_of3A_150, %dma_wait3A_300] : memref<40000x128xf32, #tpu.memory_space<hbm>> -> memref<624x128xf32, #tpu.memory_space<hbm>>
      tpu.wait_dma2 semaphore(%run_scoped3A : memref<!tpu.dma_semaphore, #tpu.memory_space<semaphore_mem>>) src(%dma_wait3A_301 : memref<624x128xf32, #tpu.memory_space<hbm>>) dst(%dma_wait3A_299 : memref<624x128xf32, #tpu.memory_space<vmem_shared>>)
      tpu.yield
    }) : () -> ()
    %eq3A_152 = arith.constant 0 : i32
    %eq3A_153 = arith.cmpi eq, %arg1, %eq3A_152 : i32
    %convert_element_type3A_154 = arith.extui %eq3A_153 : i1 to i32
    %cond3A_155 = arith.constant 0 : i32
    %cond3A_156 = arith.cmpi ne, %convert_element_type3A_154, %cond3A_155 : i32
    scf.if %cond3A_156 {
      %add3A_294 = arith.constant 9984 : i32
      %add3A_295 = arith.addi %mul3A_148, %add3A_294 : i32
      %multiple_of3A_296 = tpu.assume_multiple %add3A_295, 8 : i32
      "tpu.region"() ({
        %run_scoped3A = tpu.sem_alloc : memref<!tpu.dma_semaphore, #tpu.memory_space<semaphore_mem>>
        %dma_start3A_297 = arith.constant 9984 : i32
        %dma_start3A_298 = arith.constant 0 : i32
        %dma_start3A_299 = tpu.memref_slice %arg9[%dma_start3A_297, %dma_start3A_298] : memref<10000x128xf32, #tpu.memory_space<vmem_shared>> -> memref<16x128xf32, #tpu.memory_space<vmem_shared>>
        %dma_start3A_300 = arith.constant 0 : i32
        %dma_start3A_301 = tpu.memref_slice %arg7[%multiple_of3A_296, %dma_start3A_300] : memref<40000x128xf32, #tpu.memory_space<hbm>> -> memref<16x128xf32, #tpu.memory_space<hbm>>
        tpu.enqueue_dma source(%dma_start3A_301 : memref<16x128xf32, #tpu.memory_space<hbm>>) target(%dma_start3A_299 : memref<16x128xf32, #tpu.memory_space<vmem_shared>>) target_semaphore(%run_scoped3A : memref<!tpu.dma_semaphore, #tpu.memory_space<semaphore_mem>>)
        %dma_wait3A_302 = arith.constant 9984 : i32
        %dma_wait3A_303 = arith.constant 0 : i32
        %dma_wait3A_304 = tpu.memref_slice %arg9[%dma_wait3A_302, %dma_wait3A_303] : memref<10000x128xf32, #tpu.memory_space<vmem_shared>> -> memref<16x128xf32, #tpu.memory_space<vmem_shared>>
        %dma_wait3A_305 = arith.constant 0 : i32
        %dma_wait3A_306 = tpu.memref_slice %arg7[%multiple_of3A_296, %dma_wait3A_305] : memref<40000x128xf32, #tpu.memory_space<hbm>> -> memref<16x128xf32, #tpu.memory_space<hbm>>
        tpu.wait_dma2 semaphore(%run_scoped3A : memref<!tpu.dma_semaphore, #tpu.memory_space<semaphore_mem>>) src(%dma_wait3A_306 : memref<16x128xf32, #tpu.memory_space<hbm>>) dst(%dma_wait3A_304 : memref<16x128xf32, #tpu.memory_space<vmem_shared>>)
        tpu.yield
      }) : () -> ()
    } else {
    }
    %barrier3A_157 = arith.constant 0 : index
    tpu.barrier barrier_id(%barrier3A_157)
    %mul3A_158 = arith.constant 160000 : i32
    %mul3A_159 = arith.muli %add3A_146, %mul3A_158 : i32
    %mul3A_160 = arith.constant 10000 : i32
    %mul3A_161 = arith.muli %arg1, %mul3A_160 : i32
    %add3A_162 = arith.addi %mul3A_159, %mul3A_161 : i32
    %add3A_163 = arith.constant 0 : i32
    %add3A_164 = arith.addi %add3A_162, %add3A_163 : i32
    %multiple_of3A_165 = tpu.assume_multiple %add3A_164, 8 : i32
    %dma_start3A_166 = arith.constant 0 : i32
    %dma_start3A_167 = arith.constant 0 : i32
    %dma_start3A_168 = tpu.memref_slice %arg10[%dma_start3A_166, %dma_start3A_167] : memref<2x40xi32, #tpu.memory_space<vmem>> -> memref<1x40xi32, #tpu.memory_space<vmem>>
    %dma_start3A_169 = tpu.memref_squeeze %dma_start3A_168 : memref<1x40xi32, #tpu.memory_space<vmem>> -> memref<40xi32, #tpu.memory_space<vmem>>
    %dma_start3A_170 = tpu.memref_slice %arg5[%multiple_of3A_165] : memref<640000xi32, #tpu.memory_space<hbm>> -> memref<40xi32, #tpu.memory_space<hbm>>
    %dma_start3A_171 = arith.constant 0 : i32
    %dma_start3A_172 = tpu.memref_slice %arg10[%dma_start3A_166, %dma_start3A_171] : memref<2x40xi32, #tpu.memory_space<vmem>> -> memref<1x40xi32, #tpu.memory_space<vmem>>
    %dma_start3A_173 = tpu.memref_squeeze %dma_start3A_172 : memref<1x40xi32, #tpu.memory_space<vmem>> -> memref<40xi32, #tpu.memory_space<vmem>>
    %dma_start3A_174 = tpu.memref_slice %arg5[%multiple_of3A_165] : memref<640000xi32, #tpu.memory_space<hbm>> -> memref<40xi32, #tpu.memory_space<hbm>>
    tpu.enqueue_dma source(%dma_start3A_174 : memref<40xi32, #tpu.memory_space<hbm>>) target(%dma_start3A_173 : memref<40xi32, #tpu.memory_space<vmem>>) target_semaphore(%arg16 : memref<!tpu.dma_semaphore, #tpu.memory_space<semaphore_mem>>)
    %mul3A_175 = arith.constant 10000 : i32
    %mul3A_176 = arith.muli %arg1, %mul3A_175 : i32
    %add3A_177 = arith.constant 0 : i32
    %add3A_178 = arith.addi %mul3A_176, %add3A_177 : i32
    %multiple_of3A_179 = tpu.assume_multiple %add3A_178, 8 : i32
    %dma_start3A_180 = arith.constant 0 : i32
    %dma_start3A_181 = arith.constant 0 : i32
    %dma_start3A_182 = tpu.memref_slice %arg11[%dma_start3A_180, %dma_start3A_181] : memref<2x40xi32, #tpu.memory_space<vmem>> -> memref<1x40xi32, #tpu.memory_space<vmem>>
    %dma_start3A_183 = tpu.memref_squeeze %dma_start3A_182 : memref<1x40xi32, #tpu.memory_space<vmem>> -> memref<40xi32, #tpu.memory_space<vmem>>
    %dma_start3A_184 = tpu.memref_slice %arg6[%multiple_of3A_179] : memref<160000xi32, #tpu.memory_space<hbm>> -> memref<40xi32, #tpu.memory_space<hbm>>
    %dma_start3A_185 = arith.constant 0 : i32
    %dma_start3A_186 = tpu.memref_slice %arg11[%dma_start3A_180, %dma_start3A_185] : memref<2x40xi32, #tpu.memory_space<vmem>> -> memref<1x40xi32, #tpu.memory_space<vmem>>
    %dma_start3A_187 = tpu.memref_squeeze %dma_start3A_186 : memref<1x40xi32, #tpu.memory_space<vmem>> -> memref<40xi32, #tpu.memory_space<vmem>>
    %dma_start3A_188 = tpu.memref_slice %arg6[%multiple_of3A_179] : memref<160000xi32, #tpu.memory_space<hbm>> -> memref<40xi32, #tpu.memory_space<hbm>>
    tpu.enqueue_dma source(%dma_start3A_188 : memref<40xi32, #tpu.memory_space<hbm>>) target(%dma_start3A_187 : memref<40xi32, #tpu.memory_space<vmem>>) target_semaphore(%arg18 : memref<!tpu.dma_semaphore, #tpu.memory_space<semaphore_mem>>)
    %dma_wait3A_189 = arith.constant 0 : i32
    %dma_wait3A_190 = arith.constant 0 : i32
    %dma_wait3A_191 = tpu.memref_slice %arg10[%dma_wait3A_189, %dma_wait3A_190] : memref<2x40xi32, #tpu.memory_space<vmem>> -> memref<1x40xi32, #tpu.memory_space<vmem>>
    %dma_wait3A_192 = tpu.memref_squeeze %dma_wait3A_191 : memref<1x40xi32, #tpu.memory_space<vmem>> -> memref<40xi32, #tpu.memory_space<vmem>>
    %dma_wait3A_193 = arith.constant 0 : i32
    %dma_wait3A_194 = tpu.memref_slice %arg5[%dma_wait3A_193] : memref<640000xi32, #tpu.memory_space<hbm>> -> memref<40xi32, #tpu.memory_space<hbm>>
    %dma_wait3A_195 = arith.constant 0 : i32
    %dma_wait3A_196 = tpu.memref_slice %arg10[%dma_wait3A_189, %dma_wait3A_195] : memref<2x40xi32, #tpu.memory_space<vmem>> -> memref<1x40xi32, #tpu.memory_space<vmem>>
    %dma_wait3A_197 = tpu.memref_squeeze %dma_wait3A_196 : memref<1x40xi32, #tpu.memory_space<vmem>> -> memref<40xi32, #tpu.memory_space<vmem>>
    %dma_wait3A_198 = arith.constant 0 : i32
    %dma_wait3A_199 = tpu.memref_slice %arg5[%dma_wait3A_198] : memref<640000xi32, #tpu.memory_space<hbm>> -> memref<40xi32, #tpu.memory_space<hbm>>
    tpu.wait_dma2 semaphore(%arg16 : memref<!tpu.dma_semaphore, #tpu.memory_space<semaphore_mem>>) src(%dma_wait3A_199 : memref<40xi32, #tpu.memory_space<hbm>>) dst(%dma_wait3A_197 : memref<40xi32, #tpu.memory_space<vmem>>)
    %mul3A_200 = arith.constant 10000 : i32
    %mul3A_201 = arith.muli %arg1, %mul3A_200 : i32
    %add3A_202 = arith.constant 0 : i32
    %add3A_203 = arith.addi %mul3A_201, %add3A_202 : i32
    %multiple_of3A_204 = tpu.assume_multiple %add3A_203, 8 : i32
    %mul3A_205 = arith.constant 160000 : i32
    %mul3A_206 = arith.muli %add3A_146, %mul3A_205 : i32
    %add3A_207 = arith.addi %mul3A_206, %multiple_of3A_204 : i32
    %multiple_of3A_208 = tpu.assume_multiple %add3A_207, 8 : i32
    %dma_start3A_209 = arith.constant 0 : i32
    %dma_start3A_210 = arith.constant 0 : i32
    %dma_start3A_211 = arith.constant 0 : i32
    %dma_start3A_212 = arith.constant 0 : i32
    %dma_start3A_213 = tpu.memref_slice %arg12[%dma_start3A_210, %dma_start3A_211, %dma_start3A_212] : memref<2x40x256xf32, #tpu.memory_space<vmem>> -> memref<1x40x256xf32, #tpu.memory_space<vmem>>
    %dma_start3A_214 = tpu.memref_squeeze %dma_start3A_213 : memref<1x40x256xf32, #tpu.memory_space<vmem>> -> memref<40x256xf32, #tpu.memory_space<vmem>>
    %dma_start3A_215 = arith.constant 0 : i32
    %dma_start3A_216 = tpu.memref_slice %arg10[%dma_start3A_209, %dma_start3A_215] : memref<2x40xi32, #tpu.memory_space<vmem>> -> memref<1x40xi32, #tpu.memory_space<vmem>>
    %dma_start3A_217 = tpu.memref_squeeze %dma_start3A_216 : memref<1x40xi32, #tpu.memory_space<vmem>> -> memref<40xi32, #tpu.memory_space<vmem>>
    %dma_start3A_218 = arith.constant 0 : i32
    %dma_start3A_219 = arith.constant 0 : i32
    %dma_start3A_220 = tpu.memref_slice %arg2[%dma_start3A_218, %dma_start3A_219] : memref<40000x256xf32, #tpu.memory_space<hbm>> -> memref<40000x256xf32, #tpu.memory_space<hbm>>
    tpu.enqueue_indirect_dma source(%dma_start3A_220 : memref<40000x256xf32, #tpu.memory_space<hbm>>) target(%dma_start3A_214 : memref<40x256xf32, #tpu.memory_space<vmem>>) offsets(%dma_start3A_217 : memref<40xi32, #tpu.memory_space<vmem>>) semaphore(%arg20 : memref<!tpu.dma_semaphore, #tpu.memory_space<semaphore_mem>>)
    %dma_start3A_221 = arith.constant 0 : i32
    %dma_start3A_222 = arith.constant 0 : i32
    %dma_start3A_223 = arith.constant 0 : i32
    %dma_start3A_224 = tpu.memref_slice %arg13[%dma_start3A_221, %dma_start3A_222, %dma_start3A_223] : memref<2x40x128xf32, #tpu.memory_space<vmem>> -> memref<1x40x128xf32, #tpu.memory_space<vmem>>
    %dma_start3A_225 = tpu.memref_squeeze %dma_start3A_224 : memref<1x40x128xf32, #tpu.memory_space<vmem>> -> memref<40x128xf32, #tpu.memory_space<vmem>>
    %dma_start3A_226 = arith.constant 0 : i32
    %dma_start3A_227 = tpu.memref_slice %arg3[%multiple_of3A_208, %dma_start3A_226] : memref<640000x128xf32, #tpu.memory_space<hbm>> -> memref<40x128xf32, #tpu.memory_space<hbm>>
    %dma_start3A_228 = arith.constant 0 : i32
    %dma_start3A_229 = arith.constant 0 : i32
    %dma_start3A_230 = tpu.memref_slice %arg13[%dma_start3A_221, %dma_start3A_228, %dma_start3A_229] : memref<2x40x128xf32, #tpu.memory_space<vmem>> -> memref<1x40x128xf32, #tpu.memory_space<vmem>>
    %dma_start3A_231 = tpu.memref_squeeze %dma_start3A_230 : memref<1x40x128xf32, #tpu.memory_space<vmem>> -> memref<40x128xf32, #tpu.memory_space<vmem>>
    %dma_start3A_232 = arith.constant 0 : i32
    %dma_start3A_233 = tpu.memref_slice %arg3[%multiple_of3A_208, %dma_start3A_232] : memref<640000x128xf32, #tpu.memory_space<hbm>> -> memref<40x128xf32, #tpu.memory_space<hbm>>
    tpu.enqueue_dma source(%dma_start3A_233 : memref<40x128xf32, #tpu.memory_space<hbm>>) target(%dma_start3A_231 : memref<40x128xf32, #tpu.memory_space<vmem>>) target_semaphore(%arg20 : memref<!tpu.dma_semaphore, #tpu.memory_space<semaphore_mem>>)
    %dma_start3A_234 = arith.constant 0 : i32
    %dma_start3A_235 = arith.constant 0 : i32
    %dma_start3A_236 = arith.constant 0 : i32
    %dma_start3A_237 = tpu.memref_slice %arg14[%dma_start3A_234, %dma_start3A_235, %dma_start3A_236] : memref<2x40x16xf32, #tpu.memory_space<vmem>> -> memref<1x40x16xf32, #tpu.memory_space<vmem>>
    %dma_start3A_238 = tpu.memref_squeeze %dma_start3A_237 : memref<1x40x16xf32, #tpu.memory_space<vmem>> -> memref<40x16xf32, #tpu.memory_space<vmem>>
    %dma_start3A_239 = arith.constant 0 : i32
    %dma_start3A_240 = tpu.memref_slice %arg4[%multiple_of3A_204, %dma_start3A_239] : memref<160000x16xf32, #tpu.memory_space<hbm>> -> memref<40x16xf32, #tpu.memory_space<hbm>>
    %dma_start3A_241 = arith.constant 0 : i32
    %dma_start3A_242 = arith.constant 0 : i32
    %dma_start3A_243 = tpu.memref_slice %arg14[%dma_start3A_234, %dma_start3A_241, %dma_start3A_242] : memref<2x40x16xf32, #tpu.memory_space<vmem>> -> memref<1x40x16xf32, #tpu.memory_space<vmem>>
    %dma_start3A_244 = tpu.memref_squeeze %dma_start3A_243 : memref<1x40x16xf32, #tpu.memory_space<vmem>> -> memref<40x16xf32, #tpu.memory_space<vmem>>
    %dma_start3A_245 = arith.constant 0 : i32
    %dma_start3A_246 = tpu.memref_slice %arg4[%multiple_of3A_204, %dma_start3A_245] : memref<160000x16xf32, #tpu.memory_space<hbm>> -> memref<40x16xf32, #tpu.memory_space<hbm>>
    tpu.enqueue_dma source(%dma_start3A_246 : memref<40x16xf32, #tpu.memory_space<hbm>>) target(%dma_start3A_244 : memref<40x16xf32, #tpu.memory_space<vmem>>) target_semaphore(%arg20 : memref<!tpu.dma_semaphore, #tpu.memory_space<semaphore_mem>>)
    %mul3A_247 = arith.constant 160000 : i32
    %mul3A_248 = arith.muli %add3A_146, %mul3A_247 : i32
    %mul3A_249 = arith.constant 10000 : i32
    %mul3A_250 = arith.muli %arg1, %mul3A_249 : i32
    %add3A_251 = arith.addi %mul3A_248, %mul3A_250 : i32
    %add3A_252 = arith.constant 40 : i32
    %add3A_253 = arith.addi %add3A_251, %add3A_252 : i32
    %multiple_of3A_254 = tpu.assume_multiple %add3A_253, 8 : i32
    %dma_start3A_255 = arith.constant 1 : i32
    %dma_start3A_256 = arith.constant 0 : i32
    %dma_start3A_257 = tpu.memref_slice %arg10[%dma_start3A_255, %dma_start3A_256] : memref<2x40xi32, #tpu.memory_space<vmem>> -> memref<1x40xi32, #tpu.memory_space<vmem>>
    %dma_start3A_258 = tpu.memref_squeeze %dma_start3A_257 : memref<1x40xi32, #tpu.memory_space<vmem>> -> memref<40xi32, #tpu.memory_space<vmem>>
    %dma_start3A_259 = tpu.memref_slice %arg5[%multiple_of3A_254] : memref<640000xi32, #tpu.memory_space<hbm>> -> memref<40xi32, #tpu.memory_space<hbm>>
    %dma_start3A_260 = arith.constant 0 : i32
    %dma_start3A_261 = tpu.memref_slice %arg10[%dma_start3A_255, %dma_start3A_260] : memref<2x40xi32, #tpu.memory_space<vmem>> -> memref<1x40xi32, #tpu.memory_space<vmem>>
    %dma_start3A_262 = tpu.memref_squeeze %dma_start3A_261 : memref<1x40xi32, #tpu.memory_space<vmem>> -> memref<40xi32, #tpu.memory_space<vmem>>
    %dma_start3A_263 = tpu.memref_slice %arg5[%multiple_of3A_254] : memref<640000xi32, #tpu.memory_space<hbm>> -> memref<40xi32, #tpu.memory_space<hbm>>
    tpu.enqueue_dma source(%dma_start3A_263 : memref<40xi32, #tpu.memory_space<hbm>>) target(%dma_start3A_262 : memref<40xi32, #tpu.memory_space<vmem>>) target_semaphore(%arg17 : memref<!tpu.dma_semaphore, #tpu.memory_space<semaphore_mem>>)
    %mul3A_264 = arith.constant 10000 : i32
    %mul3A_265 = arith.muli %arg1, %mul3A_264 : i32
    %add3A_266 = arith.constant 40 : i32
    %add3A_267 = arith.addi %mul3A_265, %add3A_266 : i32
    %multiple_of3A_268 = tpu.assume_multiple %add3A_267, 8 : i32
    %dma_start3A_269 = arith.constant 1 : i32
    %dma_start3A_270 = arith.constant 0 : i32
    %dma_start3A_271 = tpu.memref_slice %arg11[%dma_start3A_269, %dma_start3A_270] : memref<2x40xi32, #tpu.memory_space<vmem>> -> memref<1x40xi32, #tpu.memory_space<vmem>>
    %dma_start3A_272 = tpu.memref_squeeze %dma_start3A_271 : memref<1x40xi32, #tpu.memory_space<vmem>> -> memref<40xi32, #tpu.memory_space<vmem>>
    %dma_start3A_273 = tpu.memref_slice %arg6[%multiple_of3A_268] : memref<160000xi32, #tpu.memory_space<hbm>> -> memref<40xi32, #tpu.memory_space<hbm>>
    %dma_start3A_274 = arith.constant 0 : i32
    %dma_start3A_275 = tpu.memref_slice %arg11[%dma_start3A_269, %dma_start3A_274] : memref<2x40xi32, #tpu.memory_space<vmem>> -> memref<1x40xi32, #tpu.memory_space<vmem>>
    %dma_start3A_276 = tpu.memref_squeeze %dma_start3A_275 : memref<1x40xi32, #tpu.memory_space<vmem>> -> memref<40xi32, #tpu.memory_space<vmem>>
    %dma_start3A_277 = tpu.memref_slice %arg6[%multiple_of3A_268] : memref<160000xi32, #tpu.memory_space<hbm>> -> memref<40xi32, #tpu.memory_space<hbm>>
    tpu.enqueue_dma source(%dma_start3A_277 : memref<40xi32, #tpu.memory_space<hbm>>) target(%dma_start3A_276 : memref<40xi32, #tpu.memory_space<vmem>>) target_semaphore(%arg19 : memref<!tpu.dma_semaphore, #tpu.memory_space<semaphore_mem>>)
    %scan3A_278 = arith.constant 0 : i32
    %scan3A_279 = arith.constant 0 : i32
    %scan3A_280 = arith.constant 125 : i32
    %scan3A_281 = arith.addi %scan3A_279, %scan3A_280 : i32
    %scan3A_282 = arith.constant 1 : i32
    scf.for %scan3A_294 = %scan3A_279 to %scan3A_281 step %scan3A_282  : i32 {
      %lt3A = arith.constant 124 : i32
      %lt3A_295 = arith.cmpi slt, %scan3A_294, %lt3A : i32
      %convert_element_type3A_296 = arith.extui %lt3A_295 : i1 to i32
      %cond3A_297 = arith.constant 0 : i32
      %cond3A_298 = arith.cmpi ne, %convert_element_type3A_296, %cond3A_297 : i32
      scf.if %cond3A_298 {
        %mul3A_495 = arith.constant 2 : i32
        %mul3A_496 = arith.muli %mul3A_495, %scan3A_294 : i32
        %add3A_497 = arith.constant 2 : i32
        %add3A_498 = arith.addi %mul3A_496, %add3A_497 : i32
        %mul3A_499 = arith.constant 160000 : i32
        %mul3A_500 = arith.muli %add3A_146, %mul3A_499 : i32
        %mul3A_501 = arith.constant 10000 : i32
        %mul3A_502 = arith.muli %arg1, %mul3A_501 : i32
        %add3A_503 = arith.addi %mul3A_500, %mul3A_502 : i32
        %mul3A_504 = arith.constant 40 : i32
        %mul3A_505 = arith.muli %add3A_498, %mul3A_504 : i32
        %add3A_506 = arith.addi %add3A_503, %mul3A_505 : i32
        %multiple_of3A_507 = tpu.assume_multiple %add3A_506, 8 : i32
        %dma_start3A_508 = arith.constant 0 : i32
        %dma_start3A_509 = arith.constant 0 : i32
        %dma_start3A_510 = tpu.memref_slice %arg10[%dma_start3A_508, %dma_start3A_509] : memref<2x40xi32, #tpu.memory_space<vmem>> -> memref<1x40xi32, #tpu.memory_space<vmem>>
        %dma_start3A_511 = tpu.memref_squeeze %dma_start3A_510 : memref<1x40xi32, #tpu.memory_space<vmem>> -> memref<40xi32, #tpu.memory_space<vmem>>
        %dma_start3A_512 = tpu.memref_slice %arg5[%multiple_of3A_507] : memref<640000xi32, #tpu.memory_space<hbm>> -> memref<40xi32, #tpu.memory_space<hbm>>
        %dma_start3A_513 = arith.constant 0 : i32
        %dma_start3A_514 = tpu.memref_slice %arg10[%dma_start3A_508, %dma_start3A_513] : memref<2x40xi32, #tpu.memory_space<vmem>> -> memref<1x40xi32, #tpu.memory_space<vmem>>
        %dma_start3A_515 = tpu.memref_squeeze %dma_start3A_514 : memref<1x40xi32, #tpu.memory_space<vmem>> -> memref<40xi32, #tpu.memory_space<vmem>>
        %dma_start3A_516 = tpu.memref_slice %arg5[%multiple_of3A_507] : memref<640000xi32, #tpu.memory_space<hbm>> -> memref<40xi32, #tpu.memory_space<hbm>>
        tpu.enqueue_dma source(%dma_start3A_516 : memref<40xi32, #tpu.memory_space<hbm>>) target(%dma_start3A_515 : memref<40xi32, #tpu.memory_space<vmem>>) target_semaphore(%arg16 : memref<!tpu.dma_semaphore, #tpu.memory_space<semaphore_mem>>)
      } else {
      }
      %dma_wait3A_299 = arith.constant 1 : i32
      %dma_wait3A_300 = arith.constant 0 : i32
      %dma_wait3A_301 = tpu.memref_slice %arg10[%dma_wait3A_299, %dma_wait3A_300] : memref<2x40xi32, #tpu.memory_space<vmem>> -> memref<1x40xi32, #tpu.memory_space<vmem>>
      %dma_wait3A_302 = tpu.memref_squeeze %dma_wait3A_301 : memref<1x40xi32, #tpu.memory_space<vmem>> -> memref<40xi32, #tpu.memory_space<vmem>>
      %dma_wait3A_303 = arith.constant 0 : i32
      %dma_wait3A_304 = tpu.memref_slice %arg5[%dma_wait3A_303] : memref<640000xi32, #tpu.memory_space<hbm>> -> memref<40xi32, #tpu.memory_space<hbm>>
      %dma_wait3A_305 = arith.constant 0 : i32
      %dma_wait3A_306 = tpu.memref_slice %arg10[%dma_wait3A_299, %dma_wait3A_305] : memref<2x40xi32, #tpu.memory_space<vmem>> -> memref<1x40xi32, #tpu.memory_space<vmem>>
      %dma_wait3A_307 = tpu.memref_squeeze %dma_wait3A_306 : memref<1x40xi32, #tpu.memory_space<vmem>> -> memref<40xi32, #tpu.memory_space<vmem>>
      %dma_wait3A_308 = arith.constant 0 : i32
      %dma_wait3A_309 = tpu.memref_slice %arg5[%dma_wait3A_308] : memref<640000xi32, #tpu.memory_space<hbm>> -> memref<40xi32, #tpu.memory_space<hbm>>
      tpu.wait_dma2 semaphore(%arg17 : memref<!tpu.dma_semaphore, #tpu.memory_space<semaphore_mem>>) src(%dma_wait3A_309 : memref<40xi32, #tpu.memory_space<hbm>>) dst(%dma_wait3A_307 : memref<40xi32, #tpu.memory_space<vmem>>)
      %mul3A_310 = arith.constant 2 : i32
      %mul3A_311 = arith.muli %mul3A_310, %scan3A_294 : i32
      %add3A_312 = arith.constant 1 : i32
      %add3A_313 = arith.addi %mul3A_311, %add3A_312 : i32
      %mul3A_314 = arith.constant 10000 : i32
      %mul3A_315 = arith.muli %arg1, %mul3A_314 : i32
      %mul3A_316 = arith.constant 40 : i32
      %mul3A_317 = arith.muli %add3A_313, %mul3A_316 : i32
      %add3A_318 = arith.addi %mul3A_315, %mul3A_317 : i32
      %multiple_of3A_319 = tpu.assume_multiple %add3A_318, 8 : i32
      %mul3A_320 = arith.constant 160000 : i32
      %mul3A_321 = arith.muli %add3A_146, %mul3A_320 : i32
      %add3A_322 = arith.addi %mul3A_321, %multiple_of3A_319 : i32
      %multiple_of3A_323 = tpu.assume_multiple %add3A_322, 8 : i32
      %dma_start3A_324 = arith.constant 1 : i32
      %dma_start3A_325 = arith.constant 1 : i32
      %dma_start3A_326 = arith.constant 0 : i32
      %dma_start3A_327 = arith.constant 0 : i32
      %dma_start3A_328 = tpu.memref_slice %arg12[%dma_start3A_325, %dma_start3A_326, %dma_start3A_327] : memref<2x40x256xf32, #tpu.memory_space<vmem>> -> memref<1x40x256xf32, #tpu.memory_space<vmem>>
      %dma_start3A_329 = tpu.memref_squeeze %dma_start3A_328 : memref<1x40x256xf32, #tpu.memory_space<vmem>> -> memref<40x256xf32, #tpu.memory_space<vmem>>
      %dma_start3A_330 = arith.constant 0 : i32
      %dma_start3A_331 = tpu.memref_slice %arg10[%dma_start3A_324, %dma_start3A_330] : memref<2x40xi32, #tpu.memory_space<vmem>> -> memref<1x40xi32, #tpu.memory_space<vmem>>
      %dma_start3A_332 = tpu.memref_squeeze %dma_start3A_331 : memref<1x40xi32, #tpu.memory_space<vmem>> -> memref<40xi32, #tpu.memory_space<vmem>>
      %dma_start3A_333 = arith.constant 0 : i32
      %dma_start3A_334 = arith.constant 0 : i32
      %dma_start3A_335 = tpu.memref_slice %arg2[%dma_start3A_333, %dma_start3A_334] : memref<40000x256xf32, #tpu.memory_space<hbm>> -> memref<40000x256xf32, #tpu.memory_space<hbm>>
      tpu.enqueue_indirect_dma source(%dma_start3A_335 : memref<40000x256xf32, #tpu.memory_space<hbm>>) target(%dma_start3A_329 : memref<40x256xf32, #tpu.memory_space<vmem>>) offsets(%dma_start3A_332 : memref<40xi32, #tpu.memory_space<vmem>>) semaphore(%arg21 : memref<!tpu.dma_semaphore, #tpu.memory_space<semaphore_mem>>)
      %dma_start3A_336 = arith.constant 1 : i32
      %dma_start3A_337 = arith.constant 0 : i32
      %dma_start3A_338 = arith.constant 0 : i32
      %dma_start3A_339 = tpu.memref_slice %arg13[%dma_start3A_336, %dma_start3A_337, %dma_start3A_338] : memref<2x40x128xf32, #tpu.memory_space<vmem>> -> memref<1x40x128xf32, #tpu.memory_space<vmem>>
      %dma_start3A_340 = tpu.memref_squeeze %dma_start3A_339 : memref<1x40x128xf32, #tpu.memory_space<vmem>> -> memref<40x128xf32, #tpu.memory_space<vmem>>
      %dma_start3A_341 = arith.constant 0 : i32
      %dma_start3A_342 = tpu.memref_slice %arg3[%multiple_of3A_323, %dma_start3A_341] : memref<640000x128xf32, #tpu.memory_space<hbm>> -> memref<40x128xf32, #tpu.memory_space<hbm>>
      %dma_start3A_343 = arith.constant 0 : i32
      %dma_start3A_344 = arith.constant 0 : i32
      %dma_start3A_345 = tpu.memref_slice %arg13[%dma_start3A_336, %dma_start3A_343, %dma_start3A_344] : memref<2x40x128xf32, #tpu.memory_space<vmem>> -> memref<1x40x128xf32, #tpu.memory_space<vmem>>
      %dma_start3A_346 = tpu.memref_squeeze %dma_start3A_345 : memref<1x40x128xf32, #tpu.memory_space<vmem>> -> memref<40x128xf32, #tpu.memory_space<vmem>>
      %dma_start3A_347 = arith.constant 0 : i32
      %dma_start3A_348 = tpu.memref_slice %arg3[%multiple_of3A_323, %dma_start3A_347] : memref<640000x128xf32, #tpu.memory_space<hbm>> -> memref<40x128xf32, #tpu.memory_space<hbm>>
      tpu.enqueue_dma source(%dma_start3A_348 : memref<40x128xf32, #tpu.memory_space<hbm>>) target(%dma_start3A_346 : memref<40x128xf32, #tpu.memory_space<vmem>>) target_semaphore(%arg21 : memref<!tpu.dma_semaphore, #tpu.memory_space<semaphore_mem>>)
      %dma_start3A_349 = arith.constant 1 : i32
      %dma_start3A_350 = arith.constant 0 : i32
      %dma_start3A_351 = arith.constant 0 : i32
      %dma_start3A_352 = tpu.memref_slice %arg14[%dma_start3A_349, %dma_start3A_350, %dma_start3A_351] : memref<2x40x16xf32, #tpu.memory_space<vmem>> -> memref<1x40x16xf32, #tpu.memory_space<vmem>>
      %dma_start3A_353 = tpu.memref_squeeze %dma_start3A_352 : memref<1x40x16xf32, #tpu.memory_space<vmem>> -> memref<40x16xf32, #tpu.memory_space<vmem>>
      %dma_start3A_354 = arith.constant 0 : i32
      %dma_start3A_355 = tpu.memref_slice %arg4[%multiple_of3A_319, %dma_start3A_354] : memref<160000x16xf32, #tpu.memory_space<hbm>> -> memref<40x16xf32, #tpu.memory_space<hbm>>
      %dma_start3A_356 = arith.constant 0 : i32
      %dma_start3A_357 = arith.constant 0 : i32
      %dma_start3A_358 = tpu.memref_slice %arg14[%dma_start3A_349, %dma_start3A_356, %dma_start3A_357] : memref<2x40x16xf32, #tpu.memory_space<vmem>> -> memref<1x40x16xf32, #tpu.memory_space<vmem>>
      %dma_start3A_359 = tpu.memref_squeeze %dma_start3A_358 : memref<1x40x16xf32, #tpu.memory_space<vmem>> -> memref<40x16xf32, #tpu.memory_space<vmem>>
      %dma_start3A_360 = arith.constant 0 : i32
      %dma_start3A_361 = tpu.memref_slice %arg4[%multiple_of3A_319, %dma_start3A_360] : memref<160000x16xf32, #tpu.memory_space<hbm>> -> memref<40x16xf32, #tpu.memory_space<hbm>>
      tpu.enqueue_dma source(%dma_start3A_361 : memref<40x16xf32, #tpu.memory_space<hbm>>) target(%dma_start3A_359 : memref<40x16xf32, #tpu.memory_space<vmem>>) target_semaphore(%arg21 : memref<!tpu.dma_semaphore, #tpu.memory_space<semaphore_mem>>)
      %dma_wait3A_362 = arith.constant 0 : i32
      %dma_wait3A_363 = arith.constant 0 : i32
      %dma_wait3A_364 = arith.constant 0 : i32
      %dma_wait3A_365 = tpu.memref_slice %arg12[%dma_wait3A_362, %dma_wait3A_363, %dma_wait3A_364] : memref<2x40x256xf32, #tpu.memory_space<vmem>> -> memref<1x40x256xf32, #tpu.memory_space<vmem>>
      %dma_wait3A_366 = tpu.memref_squeeze %dma_wait3A_365 : memref<1x40x256xf32, #tpu.memory_space<vmem>> -> memref<40x256xf32, #tpu.memory_space<vmem>>
      %dma_wait3A_367 = arith.constant 0 : i32
      %dma_wait3A_368 = arith.constant 0 : i32
      %dma_wait3A_369 = tpu.memref_slice %arg2[%dma_wait3A_367, %dma_wait3A_368] : memref<40000x256xf32, #tpu.memory_space<hbm>> -> memref<40x256xf32, #tpu.memory_space<hbm>>
      %dma_wait3A_370 = arith.constant 0 : i32
      %dma_wait3A_371 = arith.constant 0 : i32
      %dma_wait3A_372 = tpu.memref_slice %arg12[%dma_wait3A_362, %dma_wait3A_370, %dma_wait3A_371] : memref<2x40x256xf32, #tpu.memory_space<vmem>> -> memref<1x40x256xf32, #tpu.memory_space<vmem>>
      %dma_wait3A_373 = tpu.memref_squeeze %dma_wait3A_372 : memref<1x40x256xf32, #tpu.memory_space<vmem>> -> memref<40x256xf32, #tpu.memory_space<vmem>>
      %dma_wait3A_374 = arith.constant 0 : i32
      %dma_wait3A_375 = arith.constant 0 : i32
      %dma_wait3A_376 = tpu.memref_slice %arg2[%dma_wait3A_374, %dma_wait3A_375] : memref<40000x256xf32, #tpu.memory_space<hbm>> -> memref<40x256xf32, #tpu.memory_space<hbm>>
      tpu.wait_dma2 semaphore(%arg20 : memref<!tpu.dma_semaphore, #tpu.memory_space<semaphore_mem>>) src(%dma_wait3A_376 : memref<40x256xf32, #tpu.memory_space<hbm>>) dst(%dma_wait3A_373 : memref<40x256xf32, #tpu.memory_space<vmem>>)
      %dma_wait3A_377 = arith.constant 0 : i32
      %dma_wait3A_378 = arith.constant 0 : i32
      %dma_wait3A_379 = arith.constant 0 : i32
      %dma_wait3A_380 = tpu.memref_slice %arg13[%dma_wait3A_377, %dma_wait3A_378, %dma_wait3A_379] : memref<2x40x128xf32, #tpu.memory_space<vmem>> -> memref<1x40x128xf32, #tpu.memory_space<vmem>>
      %dma_wait3A_381 = tpu.memref_squeeze %dma_wait3A_380 : memref<1x40x128xf32, #tpu.memory_space<vmem>> -> memref<40x128xf32, #tpu.memory_space<vmem>>
      %dma_wait3A_382 = arith.constant 0 : i32
      %dma_wait3A_383 = arith.constant 0 : i32
      %dma_wait3A_384 = tpu.memref_slice %arg3[%dma_wait3A_382, %dma_wait3A_383] : memref<640000x128xf32, #tpu.memory_space<hbm>> -> memref<40x128xf32, #tpu.memory_space<hbm>>
      %dma_wait3A_385 = arith.constant 0 : i32
      %dma_wait3A_386 = arith.constant 0 : i32
      %dma_wait3A_387 = tpu.memref_slice %arg13[%dma_wait3A_377, %dma_wait3A_385, %dma_wait3A_386] : memref<2x40x128xf32, #tpu.memory_space<vmem>> -> memref<1x40x128xf32, #tpu.memory_space<vmem>>
      %dma_wait3A_388 = tpu.memref_squeeze %dma_wait3A_387 : memref<1x40x128xf32, #tpu.memory_space<vmem>> -> memref<40x128xf32, #tpu.memory_space<vmem>>
      %dma_wait3A_389 = arith.constant 0 : i32
      %dma_wait3A_390 = arith.constant 0 : i32
      %dma_wait3A_391 = tpu.memref_slice %arg3[%dma_wait3A_389, %dma_wait3A_390] : memref<640000x128xf32, #tpu.memory_space<hbm>> -> memref<40x128xf32, #tpu.memory_space<hbm>>
      tpu.wait_dma2 semaphore(%arg20 : memref<!tpu.dma_semaphore, #tpu.memory_space<semaphore_mem>>) src(%dma_wait3A_391 : memref<40x128xf32, #tpu.memory_space<hbm>>) dst(%dma_wait3A_388 : memref<40x128xf32, #tpu.memory_space<vmem>>)
      %dma_wait3A_392 = arith.constant 0 : i32
      %dma_wait3A_393 = arith.constant 0 : i32
      %dma_wait3A_394 = arith.constant 0 : i32
      %dma_wait3A_395 = tpu.memref_slice %arg14[%dma_wait3A_392, %dma_wait3A_393, %dma_wait3A_394] : memref<2x40x16xf32, #tpu.memory_space<vmem>> -> memref<1x40x16xf32, #tpu.memory_space<vmem>>
      %dma_wait3A_396 = tpu.memref_squeeze %dma_wait3A_395 : memref<1x40x16xf32, #tpu.memory_space<vmem>> -> memref<40x16xf32, #tpu.memory_space<vmem>>
      %dma_wait3A_397 = arith.constant 0 : i32
      %dma_wait3A_398 = arith.constant 0 : i32
      %dma_wait3A_399 = tpu.memref_slice %arg4[%dma_wait3A_397, %dma_wait3A_398] : memref<160000x16xf32, #tpu.memory_space<hbm>> -> memref<40x16xf32, #tpu.memory_space<hbm>>
      %dma_wait3A_400 = arith.constant 0 : i32
      %dma_wait3A_401 = arith.constant 0 : i32
      %dma_wait3A_402 = tpu.memref_slice %arg14[%dma_wait3A_392, %dma_wait3A_400, %dma_wait3A_401] : memref<2x40x16xf32, #tpu.memory_space<vmem>> -> memref<1x40x16xf32, #tpu.memory_space<vmem>>
      %dma_wait3A_403 = tpu.memref_squeeze %dma_wait3A_402 : memref<1x40x16xf32, #tpu.memory_space<vmem>> -> memref<40x16xf32, #tpu.memory_space<vmem>>
      %dma_wait3A_404 = arith.constant 0 : i32
      %dma_wait3A_405 = arith.constant 0 : i32
      %dma_wait3A_406 = tpu.memref_slice %arg4[%dma_wait3A_404, %dma_wait3A_405] : memref<160000x16xf32, #tpu.memory_space<hbm>> -> memref<40x16xf32, #tpu.memory_space<hbm>>
      tpu.wait_dma2 semaphore(%arg20 : memref<!tpu.dma_semaphore, #tpu.memory_space<semaphore_mem>>) src(%dma_wait3A_406 : memref<40x16xf32, #tpu.memory_space<hbm>>) dst(%dma_wait3A_403 : memref<40x16xf32, #tpu.memory_space<vmem>>)
      %parallel_loop3A = arith.constant 0 : i32
      %parallel_loop3A_407 = arith.constant 40 : i32
      %parallel_loop3A_408 = arith.constant 1 : i32
      scf.for %parallel_loop3A_495 = %parallel_loop3A to %parallel_loop3A_407 step %parallel_loop3A_408  : i32 {
        %parallel_loop3A_496 = arith.constant 0 : i32
        %parallel_loop3A_497 = arith.index_cast %parallel_loop3A_496 : i32 to index
        %parallel_loop3A_498 = arith.index_cast %parallel_loop3A_495 : i32 to index
        %parallel_loop3A_499 = arith.constant 96 : index
        %parallel_loop3A_500 = tpu.vector_load %arg13[%parallel_loop3A_497, %parallel_loop3A_498, %parallel_loop3A_499] {strides = array<i32>} : memref<2x40x128xf32, #tpu.memory_space<vmem>>, vector<1x1x16xf32>,
        %parallel_loop3A_501 = vector.shape_cast %parallel_loop3A_500 : vector<1x1x16xf32> to vector<16xf32>
        %parallel_loop3A_502 = arith.constant 0 : i32
        %parallel_loop3A_503 = arith.index_cast %parallel_loop3A_502 : i32 to index
        %parallel_loop3A_504 = arith.index_cast %parallel_loop3A_495 : i32 to index
        %parallel_loop3A_505 = arith.constant 112 : index
        %parallel_loop3A_506 = tpu.vector_load %arg13[%parallel_loop3A_503, %parallel_loop3A_504, %parallel_loop3A_505] {strides = array<i32>} : memref<2x40x128xf32, #tpu.memory_space<vmem>>, vector<1x1x16xf32>,
        %parallel_loop3A_507 = vector.shape_cast %parallel_loop3A_506 : vector<1x1x16xf32> to vector<16xf32>
        %parallel_loop3A_508 = arith.constant 0 : i32
        %parallel_loop3A_509 = arith.index_cast %parallel_loop3A_508 : i32 to index
        %parallel_loop3A_510 = arith.index_cast %parallel_loop3A_495 : i32 to index
        %parallel_loop3A_511 = arith.constant 0 : index
        %parallel_loop3A_512 = tpu.vector_load %arg14[%parallel_loop3A_509, %parallel_loop3A_510, %parallel_loop3A_511] {strides = array<i32>} : memref<2x40x16xf32, #tpu.memory_space<vmem>>, vector<1x1x16xf32>,
        %parallel_loop3A_513 = vector.shape_cast %parallel_loop3A_512 : vector<1x1x16xf32> to vector<16xf32>
        %parallel_loop3A_514 = arith.constant 0 : i32
        %parallel_loop3A_515 = arith.index_cast %parallel_loop3A_514 : i32 to index
        %parallel_loop3A_516 = arith.index_cast %parallel_loop3A_495 : i32 to index
        %parallel_loop3A_517 = arith.constant 0 : index
        %parallel_loop3A_518 = tpu.vector_load %arg13[%parallel_loop3A_515, %parallel_loop3A_516, %parallel_loop3A_517] {strides = array<i32>} : memref<2x40x128xf32, #tpu.memory_space<vmem>>, vector<1x1x16xf32>,
        %parallel_loop3A_519 = vector.shape_cast %parallel_loop3A_518 : vector<1x1x16xf32> to vector<16xf32>
        %parallel_loop3A_520 = arith.constant 0 : i32
        %parallel_loop3A_521 = arith.index_cast %parallel_loop3A_520 : i32 to index
        %parallel_loop3A_522 = arith.index_cast %parallel_loop3A_495 : i32 to index
        %parallel_loop3A_523 = arith.constant 0 : index
        %parallel_loop3A_524 = tpu.vector_load %arg12[%parallel_loop3A_521, %parallel_loop3A_522, %parallel_loop3A_523] {strides = array<i32>} : memref<2x40x256xf32, #tpu.memory_space<vmem>>, vector<1x1x16xf32>,
        %parallel_loop3A_525 = vector.shape_cast %parallel_loop3A_524 : vector<1x1x16xf32> to vector<16xf32>
        %parallel_loop3A_526 = arith.mulf %parallel_loop3A_519, %parallel_loop3A_525 : vector<16xf32>
        %parallel_loop3A_527 = arith.constant 0 : i32
        %parallel_loop3A_528 = arith.index_cast %parallel_loop3A_527 : i32 to index
        %parallel_loop3A_529 = arith.index_cast %parallel_loop3A_495 : i32 to index
        %parallel_loop3A_530 = arith.constant 32 : index
        %parallel_loop3A_531 = tpu.vector_load %arg13[%parallel_loop3A_528, %parallel_loop3A_529, %parallel_loop3A_530] {strides = array<i32>} : memref<2x40x128xf32, #tpu.memory_space<vmem>>, vector<1x1x16xf32>,
        %parallel_loop3A_532 = vector.shape_cast %parallel_loop3A_531 : vector<1x1x16xf32> to vector<16xf32>
        %parallel_loop3A_533 = arith.constant 0 : i32
        %parallel_loop3A_534 = arith.index_cast %parallel_loop3A_533 : i32 to index
        %parallel_loop3A_535 = arith.index_cast %parallel_loop3A_495 : i32 to index
        %parallel_loop3A_536 = arith.constant 32 : index
        %parallel_loop3A_537 = tpu.vector_load %arg12[%parallel_loop3A_534, %parallel_loop3A_535, %parallel_loop3A_536] {strides = array<i32>} : memref<2x40x256xf32, #tpu.memory_space<vmem>>, vector<1x1x16xf32>,
        %parallel_loop3A_538 = vector.shape_cast %parallel_loop3A_537 : vector<1x1x16xf32> to vector<16xf32>
        %parallel_loop3A_539 = arith.mulf %parallel_loop3A_532, %parallel_loop3A_538 : vector<16xf32>
        %parallel_loop3A_540 = arith.constant 0 : i32
        %parallel_loop3A_541 = arith.index_cast %parallel_loop3A_540 : i32 to index
        %parallel_loop3A_542 = arith.index_cast %parallel_loop3A_495 : i32 to index
        %parallel_loop3A_543 = arith.constant 64 : index
        %parallel_loop3A_544 = tpu.vector_load %arg13[%parallel_loop3A_541, %parallel_loop3A_542, %parallel_loop3A_543] {strides = array<i32>} : memref<2x40x128xf32, #tpu.memory_space<vmem>>, vector<1x1x16xf32>,
        %parallel_loop3A_545 = vector.shape_cast %parallel_loop3A_544 : vector<1x1x16xf32> to vector<16xf32>
        %parallel_loop3A_546 = arith.constant 0 : i32
        %parallel_loop3A_547 = arith.index_cast %parallel_loop3A_546 : i32 to index
        %parallel_loop3A_548 = arith.index_cast %parallel_loop3A_495 : i32 to index
        %parallel_loop3A_549 = arith.constant 64 : index
        %parallel_loop3A_550 = tpu.vector_load %arg12[%parallel_loop3A_547, %parallel_loop3A_548, %parallel_loop3A_549] {strides = array<i32>} : memref<2x40x256xf32, #tpu.memory_space<vmem>>, vector<1x1x16xf32>,
        %parallel_loop3A_551 = vector.shape_cast %parallel_loop3A_550 : vector<1x1x16xf32> to vector<16xf32>
        %parallel_loop3A_552 = arith.mulf %parallel_loop3A_545, %parallel_loop3A_551 : vector<16xf32>
        %parallel_loop3A_553 = arith.index_cast %parallel_loop3A_495 : i32 to index
        %parallel_loop3A_554 = arith.constant 0 : index
        %parallel_loop3A_555 = tpu.vector_load %arg15[%parallel_loop3A_553, %parallel_loop3A_554] {strides = array<i32>} : memref<40x128xf32, #tpu.memory_space<vmem>>, vector<1x16xf32>,
        %parallel_loop3A_556 = vector.shape_cast %parallel_loop3A_555 : vector<1x16xf32> to vector<16xf32>
        %parallel_loop3A_557 = vector.shape_cast %parallel_loop3A_552 : vector<16xf32> to vector<1x16xf32>
        tpu.vector_store %arg15[%parallel_loop3A_553, %parallel_loop3A_554], %parallel_loop3A_557 {strides = array<i32>} : memref<40x128xf32, #tpu.memory_space<vmem>>, vector<1x16xf32>,
        %parallel_loop3A_558 = arith.constant 0 : i32
        %parallel_loop3A_559 = arith.index_cast %parallel_loop3A_558 : i32 to index
        %parallel_loop3A_560 = arith.index_cast %parallel_loop3A_495 : i32 to index
        %parallel_loop3A_561 = arith.constant 96 : index
        %parallel_loop3A_562 = tpu.vector_load %arg12[%parallel_loop3A_559, %parallel_loop3A_560, %parallel_loop3A_561] {strides = array<i32>} : memref<2x40x256xf32, #tpu.memory_space<vmem>>, vector<1x1x16xf32>,
        %parallel_loop3A_563 = vector.shape_cast %parallel_loop3A_562 : vector<1x1x16xf32> to vector<16xf32>
        %parallel_loop3A_564 = arith.mulf %parallel_loop3A_563, %parallel_loop3A_526 : vector<16xf32>
        %parallel_loop3A_565 = arith.mulf %parallel_loop3A_539, %parallel_loop3A_501 : vector<16xf32>
        %parallel_loop3A_566 = arith.addf %parallel_loop3A_564, %parallel_loop3A_565 : vector<16xf32>
        %parallel_loop3A_567 = arith.index_cast %parallel_loop3A_495 : i32 to index
        %parallel_loop3A_568 = arith.constant 32 : index
        %parallel_loop3A_569 = tpu.vector_load %arg15[%parallel_loop3A_567, %parallel_loop3A_568] {strides = array<i32>} : memref<40x128xf32, #tpu.memory_space<vmem>>, vector<1x16xf32>,
        %parallel_loop3A_570 = vector.shape_cast %parallel_loop3A_569 : vector<1x16xf32> to vector<16xf32>
        %parallel_loop3A_571 = vector.shape_cast %parallel_loop3A_566 : vector<16xf32> to vector<1x16xf32>
        tpu.vector_store %arg15[%parallel_loop3A_567, %parallel_loop3A_568], %parallel_loop3A_571 {strides = array<i32>} : memref<40x128xf32, #tpu.memory_space<vmem>>, vector<1x16xf32>,
        %parallel_loop3A_572 = arith.constant 0 : i32
        %parallel_loop3A_573 = arith.index_cast %parallel_loop3A_572 : i32 to index
        %parallel_loop3A_574 = arith.index_cast %parallel_loop3A_495 : i32 to index
        %parallel_loop3A_575 = arith.constant 128 : index
        %parallel_loop3A_576 = tpu.vector_load %arg12[%parallel_loop3A_573, %parallel_loop3A_574, %parallel_loop3A_575] {strides = array<i32>} : memref<2x40x256xf32, #tpu.memory_space<vmem>>, vector<1x1x16xf32>,
        %parallel_loop3A_577 = vector.shape_cast %parallel_loop3A_576 : vector<1x1x16xf32> to vector<16xf32>
        %parallel_loop3A_578 = arith.mulf %parallel_loop3A_577, %parallel_loop3A_526 : vector<16xf32>
        %parallel_loop3A_579 = arith.mulf %parallel_loop3A_539, %parallel_loop3A_507 : vector<16xf32>
        %parallel_loop3A_580 = arith.addf %parallel_loop3A_578, %parallel_loop3A_579 : vector<16xf32>
        %parallel_loop3A_581 = arith.index_cast %parallel_loop3A_495 : i32 to index
        %parallel_loop3A_582 = arith.constant 64 : index
        %parallel_loop3A_583 = tpu.vector_load %arg15[%parallel_loop3A_581, %parallel_loop3A_582] {strides = array<i32>} : memref<40x128xf32, #tpu.memory_space<vmem>>, vector<1x16xf32>,
        %parallel_loop3A_584 = vector.shape_cast %parallel_loop3A_583 : vector<1x16xf32> to vector<16xf32>
        %parallel_loop3A_585 = vector.shape_cast %parallel_loop3A_580 : vector<16xf32> to vector<1x16xf32>
        tpu.vector_store %arg15[%parallel_loop3A_581, %parallel_loop3A_582], %parallel_loop3A_585 {strides = array<i32>} : memref<40x128xf32, #tpu.memory_space<vmem>>, vector<1x16xf32>,
        %parallel_loop3A_586 = arith.constant 0 : i32
        %parallel_loop3A_587 = arith.index_cast %parallel_loop3A_586 : i32 to index
        %parallel_loop3A_588 = arith.index_cast %parallel_loop3A_495 : i32 to index
        %parallel_loop3A_589 = arith.constant 160 : index
        %parallel_loop3A_590 = tpu.vector_load %arg12[%parallel_loop3A_587, %parallel_loop3A_588, %parallel_loop3A_589] {strides = array<i32>} : memref<2x40x256xf32, #tpu.memory_space<vmem>>, vector<1x1x16xf32>,
        %parallel_loop3A_591 = vector.shape_cast %parallel_loop3A_590 : vector<1x1x16xf32> to vector<16xf32>
        %parallel_loop3A_592 = arith.mulf %parallel_loop3A_591, %parallel_loop3A_526 : vector<16xf32>
        %parallel_loop3A_593 = arith.mulf %parallel_loop3A_539, %parallel_loop3A_513 : vector<16xf32>
        %parallel_loop3A_594 = arith.addf %parallel_loop3A_592, %parallel_loop3A_593 : vector<16xf32>
        %parallel_loop3A_595 = arith.index_cast %parallel_loop3A_495 : i32 to index
        %parallel_loop3A_596 = arith.constant 96 : index
        %parallel_loop3A_597 = tpu.vector_load %arg15[%parallel_loop3A_595, %parallel_loop3A_596] {strides = array<i32>} : memref<40x128xf32, #tpu.memory_space<vmem>>, vector<1x16xf32>,
        %parallel_loop3A_598 = vector.shape_cast %parallel_loop3A_597 : vector<1x16xf32> to vector<16xf32>
        %parallel_loop3A_599 = vector.shape_cast %parallel_loop3A_594 : vector<16xf32> to vector<1x16xf32>
        tpu.vector_store %arg15[%parallel_loop3A_595, %parallel_loop3A_596], %parallel_loop3A_599 {strides = array<i32>} : memref<40x128xf32, #tpu.memory_space<vmem>>, vector<1x16xf32>,
        %parallel_loop3A_600 = arith.constant 0 : i32
        %parallel_loop3A_601 = arith.index_cast %parallel_loop3A_600 : i32 to index
        %parallel_loop3A_602 = arith.index_cast %parallel_loop3A_495 : i32 to index
        %parallel_loop3A_603 = arith.constant 16 : index
        %parallel_loop3A_604 = tpu.vector_load %arg13[%parallel_loop3A_601, %parallel_loop3A_602, %parallel_loop3A_603] {strides = array<i32>} : memref<2x40x128xf32, #tpu.memory_space<vmem>>, vector<1x1x16xf32>,
        %parallel_loop3A_605 = vector.shape_cast %parallel_loop3A_604 : vector<1x1x16xf32> to vector<16xf32>
        %parallel_loop3A_606 = arith.constant 0 : i32
        %parallel_loop3A_607 = arith.index_cast %parallel_loop3A_606 : i32 to index
        %parallel_loop3A_608 = arith.index_cast %parallel_loop3A_495 : i32 to index
        %parallel_loop3A_609 = arith.constant 16 : index
        %parallel_loop3A_610 = tpu.vector_load %arg12[%parallel_loop3A_607, %parallel_loop3A_608, %parallel_loop3A_609] {strides = array<i32>} : memref<2x40x256xf32, #tpu.memory_space<vmem>>, vector<1x1x16xf32>,
        %parallel_loop3A_611 = vector.shape_cast %parallel_loop3A_610 : vector<1x1x16xf32> to vector<16xf32>
        %parallel_loop3A_612 = arith.mulf %parallel_loop3A_605, %parallel_loop3A_611 : vector<16xf32>
        %parallel_loop3A_613 = arith.constant 0 : i32
        %parallel_loop3A_614 = arith.index_cast %parallel_loop3A_613 : i32 to index
        %parallel_loop3A_615 = arith.index_cast %parallel_loop3A_495 : i32 to index
        %parallel_loop3A_616 = arith.constant 48 : index
        %parallel_loop3A_617 = tpu.vector_load %arg13[%parallel_loop3A_614, %parallel_loop3A_615, %parallel_loop3A_616] {strides = array<i32>} : memref<2x40x128xf32, #tpu.memory_space<vmem>>, vector<1x1x16xf32>,
        %parallel_loop3A_618 = vector.shape_cast %parallel_loop3A_617 : vector<1x1x16xf32> to vector<16xf32>
        %parallel_loop3A_619 = arith.constant 0 : i32
        %parallel_loop3A_620 = arith.index_cast %parallel_loop3A_619 : i32 to index
        %parallel_loop3A_621 = arith.index_cast %parallel_loop3A_495 : i32 to index
        %parallel_loop3A_622 = arith.constant 48 : index
        %parallel_loop3A_623 = tpu.vector_load %arg12[%parallel_loop3A_620, %parallel_loop3A_621, %parallel_loop3A_622] {strides = array<i32>} : memref<2x40x256xf32, #tpu.memory_space<vmem>>, vector<1x1x16xf32>,
        %parallel_loop3A_624 = vector.shape_cast %parallel_loop3A_623 : vector<1x1x16xf32> to vector<16xf32>
        %parallel_loop3A_625 = arith.mulf %parallel_loop3A_618, %parallel_loop3A_624 : vector<16xf32>
        %parallel_loop3A_626 = arith.constant 0 : i32
        %parallel_loop3A_627 = arith.index_cast %parallel_loop3A_626 : i32 to index
        %parallel_loop3A_628 = arith.index_cast %parallel_loop3A_495 : i32 to index
        %parallel_loop3A_629 = arith.constant 80 : index
        %parallel_loop3A_630 = tpu.vector_load %arg13[%parallel_loop3A_627, %parallel_loop3A_628, %parallel_loop3A_629] {strides = array<i32>} : memref<2x40x128xf32, #tpu.memory_space<vmem>>, vector<1x1x16xf32>,
        %parallel_loop3A_631 = vector.shape_cast %parallel_loop3A_630 : vector<1x1x16xf32> to vector<16xf32>
        %parallel_loop3A_632 = arith.constant 0 : i32
        %parallel_loop3A_633 = arith.index_cast %parallel_loop3A_632 : i32 to index
        %parallel_loop3A_634 = arith.index_cast %parallel_loop3A_495 : i32 to index
        %parallel_loop3A_635 = arith.constant 80 : index
        %parallel_loop3A_636 = tpu.vector_load %arg12[%parallel_loop3A_633, %parallel_loop3A_634, %parallel_loop3A_635] {strides = array<i32>} : memref<2x40x256xf32, #tpu.memory_space<vmem>>, vector<1x1x16xf32>,
        %parallel_loop3A_637 = vector.shape_cast %parallel_loop3A_636 : vector<1x1x16xf32> to vector<16xf32>
        %parallel_loop3A_638 = arith.mulf %parallel_loop3A_631, %parallel_loop3A_637 : vector<16xf32>
        %parallel_loop3A_639 = arith.index_cast %parallel_loop3A_495 : i32 to index
        %parallel_loop3A_640 = arith.constant 16 : index
        %parallel_loop3A_641 = tpu.vector_load %arg15[%parallel_loop3A_639, %parallel_loop3A_640] {strides = array<i32>} : memref<40x128xf32, #tpu.memory_space<vmem>>, vector<1x16xf32>,
        %parallel_loop3A_642 = vector.shape_cast %parallel_loop3A_641 : vector<1x16xf32> to vector<16xf32>
        %parallel_loop3A_643 = vector.shape_cast %parallel_loop3A_638 : vector<16xf32> to vector<1x16xf32>
        tpu.vector_store %arg15[%parallel_loop3A_639, %parallel_loop3A_640], %parallel_loop3A_643 {strides = array<i32>} : memref<40x128xf32, #tpu.memory_space<vmem>>, vector<1x16xf32>,
        %parallel_loop3A_644 = arith.constant 0 : i32
        %parallel_loop3A_645 = arith.index_cast %parallel_loop3A_644 : i32 to index
        %parallel_loop3A_646 = arith.index_cast %parallel_loop3A_495 : i32 to index
        %parallel_loop3A_647 = arith.constant 112 : index
        %parallel_loop3A_648 = tpu.vector_load %arg12[%parallel_loop3A_645, %parallel_loop3A_646, %parallel_loop3A_647] {strides = array<i32>} : memref<2x40x256xf32, #tpu.memory_space<vmem>>, vector<1x1x16xf32>,
        %parallel_loop3A_649 = vector.shape_cast %parallel_loop3A_648 : vector<1x1x16xf32> to vector<16xf32>
        %parallel_loop3A_650 = arith.mulf %parallel_loop3A_649, %parallel_loop3A_612 : vector<16xf32>
        %parallel_loop3A_651 = arith.mulf %parallel_loop3A_625, %parallel_loop3A_501 : vector<16xf32>
        %parallel_loop3A_652 = arith.addf %parallel_loop3A_650, %parallel_loop3A_651 : vector<16xf32>
        %parallel_loop3A_653 = arith.index_cast %parallel_loop3A_495 : i32 to index
        %parallel_loop3A_654 = arith.constant 48 : index
        %parallel_loop3A_655 = tpu.vector_load %arg15[%parallel_loop3A_653, %parallel_loop3A_654] {strides = array<i32>} : memref<40x128xf32, #tpu.memory_space<vmem>>, vector<1x16xf32>,
        %parallel_loop3A_656 = vector.shape_cast %parallel_loop3A_655 : vector<1x16xf32> to vector<16xf32>
        %parallel_loop3A_657 = vector.shape_cast %parallel_loop3A_652 : vector<16xf32> to vector<1x16xf32>
        tpu.vector_store %arg15[%parallel_loop3A_653, %parallel_loop3A_654], %parallel_loop3A_657 {strides = array<i32>} : memref<40x128xf32, #tpu.memory_space<vmem>>, vector<1x16xf32>,
        %parallel_loop3A_658 = arith.constant 0 : i32
        %parallel_loop3A_659 = arith.index_cast %parallel_loop3A_658 : i32 to index
        %parallel_loop3A_660 = arith.index_cast %parallel_loop3A_495 : i32 to index
        %parallel_loop3A_661 = arith.constant 144 : index
        %parallel_loop3A_662 = tpu.vector_load %arg12[%parallel_loop3A_659, %parallel_loop3A_660, %parallel_loop3A_661] {strides = array<i32>} : memref<2x40x256xf32, #tpu.memory_space<vmem>>, vector<1x1x16xf32>,
        %parallel_loop3A_663 = vector.shape_cast %parallel_loop3A_662 : vector<1x1x16xf32> to vector<16xf32>
        %parallel_loop3A_664 = arith.mulf %parallel_loop3A_663, %parallel_loop3A_612 : vector<16xf32>
        %parallel_loop3A_665 = arith.mulf %parallel_loop3A_625, %parallel_loop3A_507 : vector<16xf32>
        %parallel_loop3A_666 = arith.addf %parallel_loop3A_664, %parallel_loop3A_665 : vector<16xf32>
        %parallel_loop3A_667 = arith.index_cast %parallel_loop3A_495 : i32 to index
        %parallel_loop3A_668 = arith.constant 80 : index
        %parallel_loop3A_669 = tpu.vector_load %arg15[%parallel_loop3A_667, %parallel_loop3A_668] {strides = array<i32>} : memref<40x128xf32, #tpu.memory_space<vmem>>, vector<1x16xf32>,
        %parallel_loop3A_670 = vector.shape_cast %parallel_loop3A_669 : vector<1x16xf32> to vector<16xf32>
        %parallel_loop3A_671 = vector.shape_cast %parallel_loop3A_666 : vector<16xf32> to vector<1x16xf32>
        tpu.vector_store %arg15[%parallel_loop3A_667, %parallel_loop3A_668], %parallel_loop3A_671 {strides = array<i32>} : memref<40x128xf32, #tpu.memory_space<vmem>>, vector<1x16xf32>,
        %parallel_loop3A_672 = arith.constant 0 : i32
        %parallel_loop3A_673 = arith.index_cast %parallel_loop3A_672 : i32 to index
        %parallel_loop3A_674 = arith.index_cast %parallel_loop3A_495 : i32 to index
        %parallel_loop3A_675 = arith.constant 176 : index
        %parallel_loop3A_676 = tpu.vector_load %arg12[%parallel_loop3A_673, %parallel_loop3A_674, %parallel_loop3A_675] {strides = array<i32>} : memref<2x40x256xf32, #tpu.memory_space<vmem>>, vector<1x1x16xf32>,
        %parallel_loop3A_677 = vector.shape_cast %parallel_loop3A_676 : vector<1x1x16xf32> to vector<16xf32>
        %parallel_loop3A_678 = arith.mulf %parallel_loop3A_677, %parallel_loop3A_612 : vector<16xf32>
        %parallel_loop3A_679 = arith.mulf %parallel_loop3A_625, %parallel_loop3A_513 : vector<16xf32>
        %parallel_loop3A_680 = arith.addf %parallel_loop3A_678, %parallel_loop3A_679 : vector<16xf32>
        %parallel_loop3A_681 = arith.index_cast %parallel_loop3A_495 : i32 to index
        %parallel_loop3A_682 = arith.constant 112 : index
        %parallel_loop3A_683 = tpu.vector_load %arg15[%parallel_loop3A_681, %parallel_loop3A_682] {strides = array<i32>} : memref<40x128xf32, #tpu.memory_space<vmem>>, vector<1x16xf32>,
        %parallel_loop3A_684 = vector.shape_cast %parallel_loop3A_683 : vector<1x16xf32> to vector<16xf32>
        %parallel_loop3A_685 = vector.shape_cast %parallel_loop3A_680 : vector<16xf32> to vector<1x16xf32>
        tpu.vector_store %arg15[%parallel_loop3A_681, %parallel_loop3A_682], %parallel_loop3A_685 {strides = array<i32>} : memref<40x128xf32, #tpu.memory_space<vmem>>, vector<1x16xf32>,
      } {sc.loop_unroll_factor = 4 : i64, sc.parallel_access}
      %dma_wait3A_409 = arith.constant 0 : i32
      %dma_wait3A_410 = arith.constant 0 : i32
      %dma_wait3A_411 = tpu.memref_slice %arg11[%dma_wait3A_409, %dma_wait3A_410] : memref<2x40xi32, #tpu.memory_space<vmem>> -> memref<1x40xi32, #tpu.memory_space<vmem>>
      %dma_wait3A_412 = tpu.memref_squeeze %dma_wait3A_411 : memref<1x40xi32, #tpu.memory_space<vmem>> -> memref<40xi32, #tpu.memory_space<vmem>>
      %dma_wait3A_413 = arith.constant 0 : i32
      %dma_wait3A_414 = tpu.memref_slice %arg6[%dma_wait3A_413] : memref<160000xi32, #tpu.memory_space<hbm>> -> memref<40xi32, #tpu.memory_space<hbm>>
      %dma_wait3A_415 = arith.constant 0 : i32
      %dma_wait3A_416 = tpu.memref_slice %arg11[%dma_wait3A_409, %dma_wait3A_415] : memref<2x40xi32, #tpu.memory_space<vmem>> -> memref<1x40xi32, #tpu.memory_space<vmem>>
      %dma_wait3A_417 = tpu.memref_squeeze %dma_wait3A_416 : memref<1x40xi32, #tpu.memory_space<vmem>> -> memref<40xi32, #tpu.memory_space<vmem>>
      %dma_wait3A_418 = arith.constant 0 : i32
      %dma_wait3A_419 = tpu.memref_slice %arg6[%dma_wait3A_418] : memref<160000xi32, #tpu.memory_space<hbm>> -> memref<40xi32, #tpu.memory_space<hbm>>
      tpu.wait_dma2 semaphore(%arg18 : memref<!tpu.dma_semaphore, #tpu.memory_space<semaphore_mem>>) src(%dma_wait3A_419 : memref<40xi32, #tpu.memory_space<hbm>>) dst(%dma_wait3A_417 : memref<40xi32, #tpu.memory_space<vmem>>)
      %run_scoped3A = arith.constant 0 : i32
      "tpu.region"() ({
        %run_scoped3A_495 = tpu.sem_alloc : memref<!tpu.dma_semaphore, #tpu.memory_space<semaphore_mem>>
        %dma_start3A_496 = arith.constant 0 : i32
        %dma_start3A_497 = tpu.memref_slice %arg11[%run_scoped3A, %dma_start3A_496] : memref<2x40xi32, #tpu.memory_space<vmem>> -> memref<1x40xi32, #tpu.memory_space<vmem>>
        %dma_start3A_498 = tpu.memref_squeeze %dma_start3A_497 : memref<1x40xi32, #tpu.memory_space<vmem>> -> memref<40xi32, #tpu.memory_space<vmem>>
        %dma_start3A_499 = arith.constant 0 : i32
        %dma_start3A_500 = arith.constant 0 : i32
        %dma_start3A_501 = tpu.memref_slice %arg9[%dma_start3A_499, %dma_start3A_500] : memref<10000x128xf32, #tpu.memory_space<vmem_shared>> -> memref<10000x128xf32, #tpu.memory_space<vmem_shared>>
        tpu.enqueue_indirect_dma source(%arg15 : memref<40x128xf32, #tpu.memory_space<vmem>>) target(%dma_start3A_501 : memref<10000x128xf32, #tpu.memory_space<vmem_shared>>) offsets(%dma_start3A_498 : memref<40xi32, #tpu.memory_space<vmem>>) semaphore(%run_scoped3A_495 : memref<!tpu.dma_semaphore, #tpu.memory_space<semaphore_mem>>) {add = true}
        %dma_wait3A_502 = arith.constant 0 : i32
        %dma_wait3A_503 = tpu.memref_slice %arg11[%run_scoped3A, %dma_wait3A_502] : memref<2x40xi32, #tpu.memory_space<vmem>> -> memref<1x40xi32, #tpu.memory_space<vmem>>
        %dma_wait3A_504 = tpu.memref_squeeze %dma_wait3A_503 : memref<1x40xi32, #tpu.memory_space<vmem>> -> memref<40xi32, #tpu.memory_space<vmem>>
        %dma_wait3A_505 = arith.constant 0 : i32
        %dma_wait3A_506 = arith.constant 0 : i32
        %dma_wait3A_507 = tpu.memref_slice %arg9[%dma_wait3A_505, %dma_wait3A_506] : memref<10000x128xf32, #tpu.memory_space<vmem_shared>> -> memref<10000x128xf32, #tpu.memory_space<vmem_shared>>
        tpu.wait_indirect_dma semaphore(%run_scoped3A_495 : memref<!tpu.dma_semaphore, #tpu.memory_space<semaphore_mem>>) src(%arg15 : memref<40x128xf32, #tpu.memory_space<vmem>>) dst(%dma_wait3A_507 : memref<10000x128xf32, #tpu.memory_space<vmem_shared>>)
        tpu.yield
      }) : () -> ()
      %lt3A_420 = arith.constant 124 : i32
      %lt3A_421 = arith.cmpi slt, %scan3A_294, %lt3A_420 : i32
      %convert_element_type3A_422 = arith.extui %lt3A_421 : i1 to i32
      %cond3A_423 = arith.constant 0 : i32
      %cond3A_424 = arith.cmpi ne, %convert_element_type3A_422, %cond3A_423 : i32
      scf.if %cond3A_424 {
        %mul3A_495 = arith.constant 2 : i32
        %mul3A_496 = arith.muli %mul3A_495, %scan3A_294 : i32
        %add3A_497 = arith.constant 2 : i32
        %add3A_498 = arith.addi %mul3A_496, %add3A_497 : i32
        %mul3A_499 = arith.constant 10000 : i32
        %mul3A_500 = arith.muli %arg1, %mul3A_499 : i32
        %mul3A_501 = arith.constant 40 : i32
        %mul3A_502 = arith.muli %add3A_498, %mul3A_501 : i32
        %add3A_503 = arith.addi %mul3A_500, %mul3A_502 : i32
        %multiple_of3A_504 = tpu.assume_multiple %add3A_503, 8 : i32
        %dma_start3A_505 = arith.constant 0 : i32
        %dma_start3A_506 = arith.constant 0 : i32
        %dma_start3A_507 = tpu.memref_slice %arg11[%dma_start3A_505, %dma_start3A_506] : memref<2x40xi32, #tpu.memory_space<vmem>> -> memref<1x40xi32, #tpu.memory_space<vmem>>
        %dma_start3A_508 = tpu.memref_squeeze %dma_start3A_507 : memref<1x40xi32, #tpu.memory_space<vmem>> -> memref<40xi32, #tpu.memory_space<vmem>>
        %dma_start3A_509 = tpu.memref_slice %arg6[%multiple_of3A_504] : memref<160000xi32, #tpu.memory_space<hbm>> -> memref<40xi32, #tpu.memory_space<hbm>>
        %dma_start3A_510 = arith.constant 0 : i32
        %dma_start3A_511 = tpu.memref_slice %arg11[%dma_start3A_505, %dma_start3A_510] : memref<2x40xi32, #tpu.memory_space<vmem>> -> memref<1x40xi32, #tpu.memory_space<vmem>>
        %dma_start3A_512 = tpu.memref_squeeze %dma_start3A_511 : memref<1x40xi32, #tpu.memory_space<vmem>> -> memref<40xi32, #tpu.memory_space<vmem>>
        %dma_start3A_513 = tpu.memref_slice %arg6[%multiple_of3A_504] : memref<160000xi32, #tpu.memory_space<hbm>> -> memref<40xi32, #tpu.memory_space<hbm>>
        tpu.enqueue_dma source(%dma_start3A_513 : memref<40xi32, #tpu.memory_space<hbm>>) target(%dma_start3A_512 : memref<40xi32, #tpu.memory_space<vmem>>) target_semaphore(%arg18 : memref<!tpu.dma_semaphore, #tpu.memory_space<semaphore_mem>>)
      } else {
      }
      %lt3A_425 = arith.constant 124 : i32
      %lt3A_426 = arith.cmpi slt, %scan3A_294, %lt3A_425 : i32
      %convert_element_type3A_427 = arith.extui %lt3A_426 : i1 to i32
      %cond3A_428 = arith.constant 0 : i32
      %cond3A_429 = arith.cmpi ne, %convert_element_type3A_427, %cond3A_428 : i32
      scf.if %cond3A_429 {
        %mul3A_495 = arith.constant 2 : i32
        %mul3A_496 = arith.muli %mul3A_495, %scan3A_294 : i32
        %add3A_497 = arith.constant 3 : i32
        %add3A_498 = arith.addi %mul3A_496, %add3A_497 : i32
        %mul3A_499 = arith.constant 160000 : i32
        %mul3A_500 = arith.muli %add3A_146, %mul3A_499 : i32
        %mul3A_501 = arith.constant 10000 : i32
        %mul3A_502 = arith.muli %arg1, %mul3A_501 : i32
        %add3A_503 = arith.addi %mul3A_500, %mul3A_502 : i32
        %mul3A_504 = arith.constant 40 : i32
        %mul3A_505 = arith.muli %add3A_498, %mul3A_504 : i32
        %add3A_506 = arith.addi %add3A_503, %mul3A_505 : i32
        %multiple_of3A_507 = tpu.assume_multiple %add3A_506, 8 : i32
        %dma_start3A_508 = arith.constant 1 : i32
        %dma_start3A_509 = arith.constant 0 : i32
        %dma_start3A_510 = tpu.memref_slice %arg10[%dma_start3A_508, %dma_start3A_509] : memref<2x40xi32, #tpu.memory_space<vmem>> -> memref<1x40xi32, #tpu.memory_space<vmem>>
        %dma_start3A_511 = tpu.memref_squeeze %dma_start3A_510 : memref<1x40xi32, #tpu.memory_space<vmem>> -> memref<40xi32, #tpu.memory_space<vmem>>
        %dma_start3A_512 = tpu.memref_slice %arg5[%multiple_of3A_507] : memref<640000xi32, #tpu.memory_space<hbm>> -> memref<40xi32, #tpu.memory_space<hbm>>
        %dma_start3A_513 = arith.constant 0 : i32
        %dma_start3A_514 = tpu.memref_slice %arg10[%dma_start3A_508, %dma_start3A_513] : memref<2x40xi32, #tpu.memory_space<vmem>> -> memref<1x40xi32, #tpu.memory_space<vmem>>
        %dma_start3A_515 = tpu.memref_squeeze %dma_start3A_514 : memref<1x40xi32, #tpu.memory_space<vmem>> -> memref<40xi32, #tpu.memory_space<vmem>>
        %dma_start3A_516 = tpu.memref_slice %arg5[%multiple_of3A_507] : memref<640000xi32, #tpu.memory_space<hbm>> -> memref<40xi32, #tpu.memory_space<hbm>>
        tpu.enqueue_dma source(%dma_start3A_516 : memref<40xi32, #tpu.memory_space<hbm>>) target(%dma_start3A_515 : memref<40xi32, #tpu.memory_space<vmem>>) target_semaphore(%arg17 : memref<!tpu.dma_semaphore, #tpu.memory_space<semaphore_mem>>)
        %dma_wait3A_517 = arith.constant 0 : i32
        %dma_wait3A_518 = arith.constant 0 : i32
        %dma_wait3A_519 = tpu.memref_slice %arg10[%dma_wait3A_517, %dma_wait3A_518] : memref<2x40xi32, #tpu.memory_space<vmem>> -> memref<1x40xi32, #tpu.memory_space<vmem>>
        %dma_wait3A_520 = tpu.memref_squeeze %dma_wait3A_519 : memref<1x40xi32, #tpu.memory_space<vmem>> -> memref<40xi32, #tpu.memory_space<vmem>>
        %dma_wait3A_521 = arith.constant 0 : i32
        %dma_wait3A_522 = tpu.memref_slice %arg5[%dma_wait3A_521] : memref<640000xi32, #tpu.memory_space<hbm>> -> memref<40xi32, #tpu.memory_space<hbm>>
        %dma_wait3A_523 = arith.constant 0 : i32
        %dma_wait3A_524 = tpu.memref_slice %arg10[%dma_wait3A_517, %dma_wait3A_523] : memref<2x40xi32, #tpu.memory_space<vmem>> -> memref<1x40xi32, #tpu.memory_space<vmem>>
        %dma_wait3A_525 = tpu.memref_squeeze %dma_wait3A_524 : memref<1x40xi32, #tpu.memory_space<vmem>> -> memref<40xi32, #tpu.memory_space<vmem>>
        %dma_wait3A_526 = arith.constant 0 : i32
        %dma_wait3A_527 = tpu.memref_slice %arg5[%dma_wait3A_526] : memref<640000xi32, #tpu.memory_space<hbm>> -> memref<40xi32, #tpu.memory_space<hbm>>
        tpu.wait_dma2 semaphore(%arg16 : memref<!tpu.dma_semaphore, #tpu.memory_space<semaphore_mem>>) src(%dma_wait3A_527 : memref<40xi32, #tpu.memory_space<hbm>>) dst(%dma_wait3A_525 : memref<40xi32, #tpu.memory_space<vmem>>)
        %mul3A_528 = arith.constant 2 : i32
        %mul3A_529 = arith.muli %mul3A_528, %scan3A_294 : i32
        %add3A_530 = arith.constant 2 : i32
        %add3A_531 = arith.addi %mul3A_529, %add3A_530 : i32
        %mul3A_532 = arith.constant 10000 : i32
        %mul3A_533 = arith.muli %arg1, %mul3A_532 : i32
        %mul3A_534 = arith.constant 40 : i32
        %mul3A_535 = arith.muli %add3A_531, %mul3A_534 : i32
        %add3A_536 = arith.addi %mul3A_533, %mul3A_535 : i32
        %multiple_of3A_537 = tpu.assume_multiple %add3A_536, 8 : i32
        %mul3A_538 = arith.constant 160000 : i32
        %mul3A_539 = arith.muli %add3A_146, %mul3A_538 : i32
        %add3A_540 = arith.addi %mul3A_539, %multiple_of3A_537 : i32
        %multiple_of3A_541 = tpu.assume_multiple %add3A_540, 8 : i32
        %dma_start3A_542 = arith.constant 0 : i32
        %dma_start3A_543 = arith.constant 0 : i32
        %dma_start3A_544 = arith.constant 0 : i32
        %dma_start3A_545 = arith.constant 0 : i32
        %dma_start3A_546 = tpu.memref_slice %arg12[%dma_start3A_543, %dma_start3A_544, %dma_start3A_545] : memref<2x40x256xf32, #tpu.memory_space<vmem>> -> memref<1x40x256xf32, #tpu.memory_space<vmem>>
        %dma_start3A_547 = tpu.memref_squeeze %dma_start3A_546 : memref<1x40x256xf32, #tpu.memory_space<vmem>> -> memref<40x256xf32, #tpu.memory_space<vmem>>
        %dma_start3A_548 = arith.constant 0 : i32
        %dma_start3A_549 = tpu.memref_slice %arg10[%dma_start3A_542, %dma_start3A_548] : memref<2x40xi32, #tpu.memory_space<vmem>> -> memref<1x40xi32, #tpu.memory_space<vmem>>
        %dma_start3A_550 = tpu.memref_squeeze %dma_start3A_549 : memref<1x40xi32, #tpu.memory_space<vmem>> -> memref<40xi32, #tpu.memory_space<vmem>>
        %dma_start3A_551 = arith.constant 0 : i32
        %dma_start3A_552 = arith.constant 0 : i32
        %dma_start3A_553 = tpu.memref_slice %arg2[%dma_start3A_551, %dma_start3A_552] : memref<40000x256xf32, #tpu.memory_space<hbm>> -> memref<40000x256xf32, #tpu.memory_space<hbm>>
        tpu.enqueue_indirect_dma source(%dma_start3A_553 : memref<40000x256xf32, #tpu.memory_space<hbm>>) target(%dma_start3A_547 : memref<40x256xf32, #tpu.memory_space<vmem>>) offsets(%dma_start3A_550 : memref<40xi32, #tpu.memory_space<vmem>>) semaphore(%arg20 : memref<!tpu.dma_semaphore, #tpu.memory_space<semaphore_mem>>)
        %dma_start3A_554 = arith.constant 0 : i32
        %dma_start3A_555 = arith.constant 0 : i32
        %dma_start3A_556 = arith.constant 0 : i32
        %dma_start3A_557 = tpu.memref_slice %arg13[%dma_start3A_554, %dma_start3A_555, %dma_start3A_556] : memref<2x40x128xf32, #tpu.memory_space<vmem>> -> memref<1x40x128xf32, #tpu.memory_space<vmem>>
        %dma_start3A_558 = tpu.memref_squeeze %dma_start3A_557 : memref<1x40x128xf32, #tpu.memory_space<vmem>> -> memref<40x128xf32, #tpu.memory_space<vmem>>
        %dma_start3A_559 = arith.constant 0 : i32
        %dma_start3A_560 = tpu.memref_slice %arg3[%multiple_of3A_541, %dma_start3A_559] : memref<640000x128xf32, #tpu.memory_space<hbm>> -> memref<40x128xf32, #tpu.memory_space<hbm>>
        %dma_start3A_561 = arith.constant 0 : i32
        %dma_start3A_562 = arith.constant 0 : i32
        %dma_start3A_563 = tpu.memref_slice %arg13[%dma_start3A_554, %dma_start3A_561, %dma_start3A_562] : memref<2x40x128xf32, #tpu.memory_space<vmem>> -> memref<1x40x128xf32, #tpu.memory_space<vmem>>
        %dma_start3A_564 = tpu.memref_squeeze %dma_start3A_563 : memref<1x40x128xf32, #tpu.memory_space<vmem>> -> memref<40x128xf32, #tpu.memory_space<vmem>>
        %dma_start3A_565 = arith.constant 0 : i32
        %dma_start3A_566 = tpu.memref_slice %arg3[%multiple_of3A_541, %dma_start3A_565] : memref<640000x128xf32, #tpu.memory_space<hbm>> -> memref<40x128xf32, #tpu.memory_space<hbm>>
        tpu.enqueue_dma source(%dma_start3A_566 : memref<40x128xf32, #tpu.memory_space<hbm>>) target(%dma_start3A_564 : memref<40x128xf32, #tpu.memory_space<vmem>>) target_semaphore(%arg20 : memref<!tpu.dma_semaphore, #tpu.memory_space<semaphore_mem>>)
        %dma_start3A_567 = arith.constant 0 : i32
        %dma_start3A_568 = arith.constant 0 : i32
        %dma_start3A_569 = arith.constant 0 : i32
        %dma_start3A_570 = tpu.memref_slice %arg14[%dma_start3A_567, %dma_start3A_568, %dma_start3A_569] : memref<2x40x16xf32, #tpu.memory_space<vmem>> -> memref<1x40x16xf32, #tpu.memory_space<vmem>>
        %dma_start3A_571 = tpu.memref_squeeze %dma_start3A_570 : memref<1x40x16xf32, #tpu.memory_space<vmem>> -> memref<40x16xf32, #tpu.memory_space<vmem>>
        %dma_start3A_572 = arith.constant 0 : i32
        %dma_start3A_573 = tpu.memref_slice %arg4[%multiple_of3A_537, %dma_start3A_572] : memref<160000x16xf32, #tpu.memory_space<hbm>> -> memref<40x16xf32, #tpu.memory_space<hbm>>
        %dma_start3A_574 = arith.constant 0 : i32
        %dma_start3A_575 = arith.constant 0 : i32
        %dma_start3A_576 = tpu.memref_slice %arg14[%dma_start3A_567, %dma_start3A_574, %dma_start3A_575] : memref<2x40x16xf32, #tpu.memory_space<vmem>> -> memref<1x40x16xf32, #tpu.memory_space<vmem>>
        %dma_start3A_577 = tpu.memref_squeeze %dma_start3A_576 : memref<1x40x16xf32, #tpu.memory_space<vmem>> -> memref<40x16xf32, #tpu.memory_space<vmem>>
        %dma_start3A_578 = arith.constant 0 : i32
        %dma_start3A_579 = tpu.memref_slice %arg4[%multiple_of3A_537, %dma_start3A_578] : memref<160000x16xf32, #tpu.memory_space<hbm>> -> memref<40x16xf32, #tpu.memory_space<hbm>>
        tpu.enqueue_dma source(%dma_start3A_579 : memref<40x16xf32, #tpu.memory_space<hbm>>) target(%dma_start3A_577 : memref<40x16xf32, #tpu.memory_space<vmem>>) target_semaphore(%arg20 : memref<!tpu.dma_semaphore, #tpu.memory_space<semaphore_mem>>)
      } else {
      }
      %dma_wait3A_430 = arith.constant 1 : i32
      %dma_wait3A_431 = arith.constant 0 : i32
      %dma_wait3A_432 = arith.constant 0 : i32
      %dma_wait3A_433 = tpu.memref_slice %arg12[%dma_wait3A_430, %dma_wait3A_431, %dma_wait3A_432] : memref<2x40x256xf32, #tpu.memory_space<vmem>> -> memref<1x40x256xf32, #tpu.memory_space<vmem>>
      %dma_wait3A_434 = tpu.memref_squeeze %dma_wait3A_433 : memref<1x40x256xf32, #tpu.memory_space<vmem>> -> memref<40x256xf32, #tpu.memory_space<vmem>>
      %dma_wait3A_435 = arith.constant 0 : i32
      %dma_wait3A_436 = arith.constant 0 : i32
      %dma_wait3A_437 = tpu.memref_slice %arg2[%dma_wait3A_435, %dma_wait3A_436] : memref<40000x256xf32, #tpu.memory_space<hbm>> -> memref<40x256xf32, #tpu.memory_space<hbm>>
      %dma_wait3A_438 = arith.constant 0 : i32
      %dma_wait3A_439 = arith.constant 0 : i32
      %dma_wait3A_440 = tpu.memref_slice %arg12[%dma_wait3A_430, %dma_wait3A_438, %dma_wait3A_439] : memref<2x40x256xf32, #tpu.memory_space<vmem>> -> memref<1x40x256xf32, #tpu.memory_space<vmem>>
      %dma_wait3A_441 = tpu.memref_squeeze %dma_wait3A_440 : memref<1x40x256xf32, #tpu.memory_space<vmem>> -> memref<40x256xf32, #tpu.memory_space<vmem>>
      %dma_wait3A_442 = arith.constant 0 : i32
      %dma_wait3A_443 = arith.constant 0 : i32
      %dma_wait3A_444 = tpu.memref_slice %arg2[%dma_wait3A_442, %dma_wait3A_443] : memref<40000x256xf32, #tpu.memory_space<hbm>> -> memref<40x256xf32, #tpu.memory_space<hbm>>
      tpu.wait_dma2 semaphore(%arg21 : memref<!tpu.dma_semaphore, #tpu.memory_space<semaphore_mem>>) src(%dma_wait3A_444 : memref<40x256xf32, #tpu.memory_space<hbm>>) dst(%dma_wait3A_441 : memref<40x256xf32, #tpu.memory_space<vmem>>)
      %dma_wait3A_445 = arith.constant 1 : i32
      %dma_wait3A_446 = arith.constant 0 : i32
      %dma_wait3A_447 = arith.constant 0 : i32
      %dma_wait3A_448 = tpu.memref_slice %arg13[%dma_wait3A_445, %dma_wait3A_446, %dma_wait3A_447] : memref<2x40x128xf32, #tpu.memory_space<vmem>> -> memref<1x40x128xf32, #tpu.memory_space<vmem>>
      %dma_wait3A_449 = tpu.memref_squeeze %dma_wait3A_448 : memref<1x40x128xf32, #tpu.memory_space<vmem>> -> memref<40x128xf32, #tpu.memory_space<vmem>>
      %dma_wait3A_450 = arith.constant 0 : i32
      %dma_wait3A_451 = arith.constant 0 : i32
      %dma_wait3A_452 = tpu.memref_slice %arg3[%dma_wait3A_450, %dma_wait3A_451] : memref<640000x128xf32, #tpu.memory_space<hbm>> -> memref<40x128xf32, #tpu.memory_space<hbm>>
      %dma_wait3A_453 = arith.constant 0 : i32
      %dma_wait3A_454 = arith.constant 0 : i32
      %dma_wait3A_455 = tpu.memref_slice %arg13[%dma_wait3A_445, %dma_wait3A_453, %dma_wait3A_454] : memref<2x40x128xf32, #tpu.memory_space<vmem>> -> memref<1x40x128xf32, #tpu.memory_space<vmem>>
      %dma_wait3A_456 = tpu.memref_squeeze %dma_wait3A_455 : memref<1x40x128xf32, #tpu.memory_space<vmem>> -> memref<40x128xf32, #tpu.memory_space<vmem>>
      %dma_wait3A_457 = arith.constant 0 : i32
      %dma_wait3A_458 = arith.constant 0 : i32
      %dma_wait3A_459 = tpu.memref_slice %arg3[%dma_wait3A_457, %dma_wait3A_458] : memref<640000x128xf32, #tpu.memory_space<hbm>> -> memref<40x128xf32, #tpu.memory_space<hbm>>
      tpu.wait_dma2 semaphore(%arg21 : memref<!tpu.dma_semaphore, #tpu.memory_space<semaphore_mem>>) src(%dma_wait3A_459 : memref<40x128xf32, #tpu.memory_space<hbm>>) dst(%dma_wait3A_456 : memref<40x128xf32, #tpu.memory_space<vmem>>)
      %dma_wait3A_460 = arith.constant 1 : i32
      %dma_wait3A_461 = arith.constant 0 : i32
      %dma_wait3A_462 = arith.constant 0 : i32
      %dma_wait3A_463 = tpu.memref_slice %arg14[%dma_wait3A_460, %dma_wait3A_461, %dma_wait3A_462] : memref<2x40x16xf32, #tpu.memory_space<vmem>> -> memref<1x40x16xf32, #tpu.memory_space<vmem>>
      %dma_wait3A_464 = tpu.memref_squeeze %dma_wait3A_463 : memref<1x40x16xf32, #tpu.memory_space<vmem>> -> memref<40x16xf32, #tpu.memory_space<vmem>>
      %dma_wait3A_465 = arith.constant 0 : i32
      %dma_wait3A_466 = arith.constant 0 : i32
      %dma_wait3A_467 = tpu.memref_slice %arg4[%dma_wait3A_465, %dma_wait3A_466] : memref<160000x16xf32, #tpu.memory_space<hbm>> -> memref<40x16xf32, #tpu.memory_space<hbm>>
      %dma_wait3A_468 = arith.constant 0 : i32
      %dma_wait3A_469 = arith.constant 0 : i32
      %dma_wait3A_470 = tpu.memref_slice %arg14[%dma_wait3A_460, %dma_wait3A_468, %dma_wait3A_469] : memref<2x40x16xf32, #tpu.memory_space<vmem>> -> memref<1x40x16xf32, #tpu.memory_space<vmem>>
      %dma_wait3A_471 = tpu.memref_squeeze %dma_wait3A_470 : memref<1x40x16xf32, #tpu.memory_space<vmem>> -> memref<40x16xf32, #tpu.memory_space<vmem>>
      %dma_wait3A_472 = arith.constant 0 : i32
      %dma_wait3A_473 = arith.constant 0 : i32
      %dma_wait3A_474 = tpu.memref_slice %arg4[%dma_wait3A_472, %dma_wait3A_473] : memref<160000x16xf32, #tpu.memory_space<hbm>> -> memref<40x16xf32, #tpu.memory_space<hbm>>
      tpu.wait_dma2 semaphore(%arg21 : memref<!tpu.dma_semaphore, #tpu.memory_space<semaphore_mem>>) src(%dma_wait3A_474 : memref<40x16xf32, #tpu.memory_space<hbm>>) dst(%dma_wait3A_471 : memref<40x16xf32, #tpu.memory_space<vmem>>)
      %parallel_loop3A_475 = arith.constant 0 : i32
      %parallel_loop3A_476 = arith.constant 40 : i32
      %parallel_loop3A_477 = arith.constant 1 : i32
      scf.for %parallel_loop3A_495 = %parallel_loop3A_475 to %parallel_loop3A_476 step %parallel_loop3A_477  : i32 {
        %parallel_loop3A_496 = arith.constant 1 : i32
        %parallel_loop3A_497 = arith.index_cast %parallel_loop3A_496 : i32 to index
        %parallel_loop3A_498 = arith.index_cast %parallel_loop3A_495 : i32 to index
        %parallel_loop3A_499 = arith.constant 96 : index
        %parallel_loop3A_500 = tpu.vector_load %arg13[%parallel_loop3A_497, %parallel_loop3A_498, %parallel_loop3A_499] {strides = array<i32>} : memref<2x40x128xf32, #tpu.memory_space<vmem>>, vector<1x1x16xf32>,
        %parallel_loop3A_501 = vector.shape_cast %parallel_loop3A_500 : vector<1x1x16xf32> to vector<16xf32>
        %parallel_loop3A_502 = arith.constant 1 : i32
        %parallel_loop3A_503 = arith.index_cast %parallel_loop3A_502 : i32 to index
        %parallel_loop3A_504 = arith.index_cast %parallel_loop3A_495 : i32 to index
        %parallel_loop3A_505 = arith.constant 112 : index
        %parallel_loop3A_506 = tpu.vector_load %arg13[%parallel_loop3A_503, %parallel_loop3A_504, %parallel_loop3A_505] {strides = array<i32>} : memref<2x40x128xf32, #tpu.memory_space<vmem>>, vector<1x1x16xf32>,
        %parallel_loop3A_507 = vector.shape_cast %parallel_loop3A_506 : vector<1x1x16xf32> to vector<16xf32>
        %parallel_loop3A_508 = arith.constant 1 : i32
        %parallel_loop3A_509 = arith.index_cast %parallel_loop3A_508 : i32 to index
        %parallel_loop3A_510 = arith.index_cast %parallel_loop3A_495 : i32 to index
        %parallel_loop3A_511 = arith.constant 0 : index
        %parallel_loop3A_512 = tpu.vector_load %arg14[%parallel_loop3A_509, %parallel_loop3A_510, %parallel_loop3A_511] {strides = array<i32>} : memref<2x40x16xf32, #tpu.memory_space<vmem>>, vector<1x1x16xf32>,
        %parallel_loop3A_513 = vector.shape_cast %parallel_loop3A_512 : vector<1x1x16xf32> to vector<16xf32>
        %parallel_loop3A_514 = arith.constant 1 : i32
        %parallel_loop3A_515 = arith.index_cast %parallel_loop3A_514 : i32 to index
        %parallel_loop3A_516 = arith.index_cast %parallel_loop3A_495 : i32 to index
        %parallel_loop3A_517 = arith.constant 0 : index
        %parallel_loop3A_518 = tpu.vector_load %arg13[%parallel_loop3A_515, %parallel_loop3A_516, %parallel_loop3A_517] {strides = array<i32>} : memref<2x40x128xf32, #tpu.memory_space<vmem>>, vector<1x1x16xf32>,
        %parallel_loop3A_519 = vector.shape_cast %parallel_loop3A_518 : vector<1x1x16xf32> to vector<16xf32>
        %parallel_loop3A_520 = arith.constant 1 : i32
        %parallel_loop3A_521 = arith.index_cast %parallel_loop3A_520 : i32 to index
        %parallel_loop3A_522 = arith.index_cast %parallel_loop3A_495 : i32 to index
        %parallel_loop3A_523 = arith.constant 0 : index
        %parallel_loop3A_524 = tpu.vector_load %arg12[%parallel_loop3A_521, %parallel_loop3A_522, %parallel_loop3A_523] {strides = array<i32>} : memref<2x40x256xf32, #tpu.memory_space<vmem>>, vector<1x1x16xf32>,
        %parallel_loop3A_525 = vector.shape_cast %parallel_loop3A_524 : vector<1x1x16xf32> to vector<16xf32>
        %parallel_loop3A_526 = arith.mulf %parallel_loop3A_519, %parallel_loop3A_525 : vector<16xf32>
        %parallel_loop3A_527 = arith.constant 1 : i32
        %parallel_loop3A_528 = arith.index_cast %parallel_loop3A_527 : i32 to index
        %parallel_loop3A_529 = arith.index_cast %parallel_loop3A_495 : i32 to index
        %parallel_loop3A_530 = arith.constant 32 : index
        %parallel_loop3A_531 = tpu.vector_load %arg13[%parallel_loop3A_528, %parallel_loop3A_529, %parallel_loop3A_530] {strides = array<i32>} : memref<2x40x128xf32, #tpu.memory_space<vmem>>, vector<1x1x16xf32>,
        %parallel_loop3A_532 = vector.shape_cast %parallel_loop3A_531 : vector<1x1x16xf32> to vector<16xf32>
        %parallel_loop3A_533 = arith.constant 1 : i32
        %parallel_loop3A_534 = arith.index_cast %parallel_loop3A_533 : i32 to index
        %parallel_loop3A_535 = arith.index_cast %parallel_loop3A_495 : i32 to index
        %parallel_loop3A_536 = arith.constant 32 : index
        %parallel_loop3A_537 = tpu.vector_load %arg12[%parallel_loop3A_534, %parallel_loop3A_535, %parallel_loop3A_536] {strides = array<i32>} : memref<2x40x256xf32, #tpu.memory_space<vmem>>, vector<1x1x16xf32>,
        %parallel_loop3A_538 = vector.shape_cast %parallel_loop3A_537 : vector<1x1x16xf32> to vector<16xf32>
        %parallel_loop3A_539 = arith.mulf %parallel_loop3A_532, %parallel_loop3A_538 : vector<16xf32>
        %parallel_loop3A_540 = arith.constant 1 : i32
        %parallel_loop3A_541 = arith.index_cast %parallel_loop3A_540 : i32 to index
        %parallel_loop3A_542 = arith.index_cast %parallel_loop3A_495 : i32 to index
        %parallel_loop3A_543 = arith.constant 64 : index
        %parallel_loop3A_544 = tpu.vector_load %arg13[%parallel_loop3A_541, %parallel_loop3A_542, %parallel_loop3A_543] {strides = array<i32>} : memref<2x40x128xf32, #tpu.memory_space<vmem>>, vector<1x1x16xf32>,
        %parallel_loop3A_545 = vector.shape_cast %parallel_loop3A_544 : vector<1x1x16xf32> to vector<16xf32>
        %parallel_loop3A_546 = arith.constant 1 : i32
        %parallel_loop3A_547 = arith.index_cast %parallel_loop3A_546 : i32 to index
        %parallel_loop3A_548 = arith.index_cast %parallel_loop3A_495 : i32 to index
        %parallel_loop3A_549 = arith.constant 64 : index
        %parallel_loop3A_550 = tpu.vector_load %arg12[%parallel_loop3A_547, %parallel_loop3A_548, %parallel_loop3A_549] {strides = array<i32>} : memref<2x40x256xf32, #tpu.memory_space<vmem>>, vector<1x1x16xf32>,
        %parallel_loop3A_551 = vector.shape_cast %parallel_loop3A_550 : vector<1x1x16xf32> to vector<16xf32>
        %parallel_loop3A_552 = arith.mulf %parallel_loop3A_545, %parallel_loop3A_551 : vector<16xf32>
        %parallel_loop3A_553 = arith.index_cast %parallel_loop3A_495 : i32 to index
        %parallel_loop3A_554 = arith.constant 0 : index
        %parallel_loop3A_555 = tpu.vector_load %arg15[%parallel_loop3A_553, %parallel_loop3A_554] {strides = array<i32>} : memref<40x128xf32, #tpu.memory_space<vmem>>, vector<1x16xf32>,
        %parallel_loop3A_556 = vector.shape_cast %parallel_loop3A_555 : vector<1x16xf32> to vector<16xf32>
        %parallel_loop3A_557 = vector.shape_cast %parallel_loop3A_552 : vector<16xf32> to vector<1x16xf32>
        tpu.vector_store %arg15[%parallel_loop3A_553, %parallel_loop3A_554], %parallel_loop3A_557 {strides = array<i32>} : memref<40x128xf32, #tpu.memory_space<vmem>>, vector<1x16xf32>,
        %parallel_loop3A_558 = arith.constant 1 : i32
        %parallel_loop3A_559 = arith.index_cast %parallel_loop3A_558 : i32 to index
        %parallel_loop3A_560 = arith.index_cast %parallel_loop3A_495 : i32 to index
        %parallel_loop3A_561 = arith.constant 96 : index
        %parallel_loop3A_562 = tpu.vector_load %arg12[%parallel_loop3A_559, %parallel_loop3A_560, %parallel_loop3A_561] {strides = array<i32>} : memref<2x40x256xf32, #tpu.memory_space<vmem>>, vector<1x1x16xf32>,
        %parallel_loop3A_563 = vector.shape_cast %parallel_loop3A_562 : vector<1x1x16xf32> to vector<16xf32>
        %parallel_loop3A_564 = arith.mulf %parallel_loop3A_563, %parallel_loop3A_526 : vector<16xf32>
        %parallel_loop3A_565 = arith.mulf %parallel_loop3A_539, %parallel_loop3A_501 : vector<16xf32>
        %parallel_loop3A_566 = arith.addf %parallel_loop3A_564, %parallel_loop3A_565 : vector<16xf32>
        %parallel_loop3A_567 = arith.index_cast %parallel_loop3A_495 : i32 to index
        %parallel_loop3A_568 = arith.constant 32 : index
        %parallel_loop3A_569 = tpu.vector_load %arg15[%parallel_loop3A_567, %parallel_loop3A_568] {strides = array<i32>} : memref<40x128xf32, #tpu.memory_space<vmem>>, vector<1x16xf32>,
        %parallel_loop3A_570 = vector.shape_cast %parallel_loop3A_569 : vector<1x16xf32> to vector<16xf32>
        %parallel_loop3A_571 = vector.shape_cast %parallel_loop3A_566 : vector<16xf32> to vector<1x16xf32>
        tpu.vector_store %arg15[%parallel_loop3A_567, %parallel_loop3A_568], %parallel_loop3A_571 {strides = array<i32>} : memref<40x128xf32, #tpu.memory_space<vmem>>, vector<1x16xf32>,
        %parallel_loop3A_572 = arith.constant 1 : i32
        %parallel_loop3A_573 = arith.index_cast %parallel_loop3A_572 : i32 to index
        %parallel_loop3A_574 = arith.index_cast %parallel_loop3A_495 : i32 to index
        %parallel_loop3A_575 = arith.constant 128 : index
        %parallel_loop3A_576 = tpu.vector_load %arg12[%parallel_loop3A_573, %parallel_loop3A_574, %parallel_loop3A_575] {strides = array<i32>} : memref<2x40x256xf32, #tpu.memory_space<vmem>>, vector<1x1x16xf32>,
        %parallel_loop3A_577 = vector.shape_cast %parallel_loop3A_576 : vector<1x1x16xf32> to vector<16xf32>
        %parallel_loop3A_578 = arith.mulf %parallel_loop3A_577, %parallel_loop3A_526 : vector<16xf32>
        %parallel_loop3A_579 = arith.mulf %parallel_loop3A_539, %parallel_loop3A_507 : vector<16xf32>
        %parallel_loop3A_580 = arith.addf %parallel_loop3A_578, %parallel_loop3A_579 : vector<16xf32>
        %parallel_loop3A_581 = arith.index_cast %parallel_loop3A_495 : i32 to index
        %parallel_loop3A_582 = arith.constant 64 : index
        %parallel_loop3A_583 = tpu.vector_load %arg15[%parallel_loop3A_581, %parallel_loop3A_582] {strides = array<i32>} : memref<40x128xf32, #tpu.memory_space<vmem>>, vector<1x16xf32>,
        %parallel_loop3A_584 = vector.shape_cast %parallel_loop3A_583 : vector<1x16xf32> to vector<16xf32>
        %parallel_loop3A_585 = vector.shape_cast %parallel_loop3A_580 : vector<16xf32> to vector<1x16xf32>
        tpu.vector_store %arg15[%parallel_loop3A_581, %parallel_loop3A_582], %parallel_loop3A_585 {strides = array<i32>} : memref<40x128xf32, #tpu.memory_space<vmem>>, vector<1x16xf32>,
        %parallel_loop3A_586 = arith.constant 1 : i32
        %parallel_loop3A_587 = arith.index_cast %parallel_loop3A_586 : i32 to index
        %parallel_loop3A_588 = arith.index_cast %parallel_loop3A_495 : i32 to index
        %parallel_loop3A_589 = arith.constant 160 : index
        %parallel_loop3A_590 = tpu.vector_load %arg12[%parallel_loop3A_587, %parallel_loop3A_588, %parallel_loop3A_589] {strides = array<i32>} : memref<2x40x256xf32, #tpu.memory_space<vmem>>, vector<1x1x16xf32>,
        %parallel_loop3A_591 = vector.shape_cast %parallel_loop3A_590 : vector<1x1x16xf32> to vector<16xf32>
        %parallel_loop3A_592 = arith.mulf %parallel_loop3A_591, %parallel_loop3A_526 : vector<16xf32>
        %parallel_loop3A_593 = arith.mulf %parallel_loop3A_539, %parallel_loop3A_513 : vector<16xf32>
        %parallel_loop3A_594 = arith.addf %parallel_loop3A_592, %parallel_loop3A_593 : vector<16xf32>
        %parallel_loop3A_595 = arith.index_cast %parallel_loop3A_495 : i32 to index
        %parallel_loop3A_596 = arith.constant 96 : index
        %parallel_loop3A_597 = tpu.vector_load %arg15[%parallel_loop3A_595, %parallel_loop3A_596] {strides = array<i32>} : memref<40x128xf32, #tpu.memory_space<vmem>>, vector<1x16xf32>,
        %parallel_loop3A_598 = vector.shape_cast %parallel_loop3A_597 : vector<1x16xf32> to vector<16xf32>
        %parallel_loop3A_599 = vector.shape_cast %parallel_loop3A_594 : vector<16xf32> to vector<1x16xf32>
        tpu.vector_store %arg15[%parallel_loop3A_595, %parallel_loop3A_596], %parallel_loop3A_599 {strides = array<i32>} : memref<40x128xf32, #tpu.memory_space<vmem>>, vector<1x16xf32>,
        %parallel_loop3A_600 = arith.constant 1 : i32
        %parallel_loop3A_601 = arith.index_cast %parallel_loop3A_600 : i32 to index
        %parallel_loop3A_602 = arith.index_cast %parallel_loop3A_495 : i32 to index
        %parallel_loop3A_603 = arith.constant 16 : index
        %parallel_loop3A_604 = tpu.vector_load %arg13[%parallel_loop3A_601, %parallel_loop3A_602, %parallel_loop3A_603] {strides = array<i32>} : memref<2x40x128xf32, #tpu.memory_space<vmem>>, vector<1x1x16xf32>,
        %parallel_loop3A_605 = vector.shape_cast %parallel_loop3A_604 : vector<1x1x16xf32> to vector<16xf32>
        %parallel_loop3A_606 = arith.constant 1 : i32
        %parallel_loop3A_607 = arith.index_cast %parallel_loop3A_606 : i32 to index
        %parallel_loop3A_608 = arith.index_cast %parallel_loop3A_495 : i32 to index
        %parallel_loop3A_609 = arith.constant 16 : index
        %parallel_loop3A_610 = tpu.vector_load %arg12[%parallel_loop3A_607, %parallel_loop3A_608, %parallel_loop3A_609] {strides = array<i32>} : memref<2x40x256xf32, #tpu.memory_space<vmem>>, vector<1x1x16xf32>,
        %parallel_loop3A_611 = vector.shape_cast %parallel_loop3A_610 : vector<1x1x16xf32> to vector<16xf32>
        %parallel_loop3A_612 = arith.mulf %parallel_loop3A_605, %parallel_loop3A_611 : vector<16xf32>
        %parallel_loop3A_613 = arith.constant 1 : i32
        %parallel_loop3A_614 = arith.index_cast %parallel_loop3A_613 : i32 to index
        %parallel_loop3A_615 = arith.index_cast %parallel_loop3A_495 : i32 to index
        %parallel_loop3A_616 = arith.constant 48 : index
        %parallel_loop3A_617 = tpu.vector_load %arg13[%parallel_loop3A_614, %parallel_loop3A_615, %parallel_loop3A_616] {strides = array<i32>} : memref<2x40x128xf32, #tpu.memory_space<vmem>>, vector<1x1x16xf32>,
        %parallel_loop3A_618 = vector.shape_cast %parallel_loop3A_617 : vector<1x1x16xf32> to vector<16xf32>
        %parallel_loop3A_619 = arith.constant 1 : i32
        %parallel_loop3A_620 = arith.index_cast %parallel_loop3A_619 : i32 to index
        %parallel_loop3A_621 = arith.index_cast %parallel_loop3A_495 : i32 to index
        %parallel_loop3A_622 = arith.constant 48 : index
        %parallel_loop3A_623 = tpu.vector_load %arg12[%parallel_loop3A_620, %parallel_loop3A_621, %parallel_loop3A_622] {strides = array<i32>} : memref<2x40x256xf32, #tpu.memory_space<vmem>>, vector<1x1x16xf32>,
        %parallel_loop3A_624 = vector.shape_cast %parallel_loop3A_623 : vector<1x1x16xf32> to vector<16xf32>
        %parallel_loop3A_625 = arith.mulf %parallel_loop3A_618, %parallel_loop3A_624 : vector<16xf32>
        %parallel_loop3A_626 = arith.constant 1 : i32
        %parallel_loop3A_627 = arith.index_cast %parallel_loop3A_626 : i32 to index
        %parallel_loop3A_628 = arith.index_cast %parallel_loop3A_495 : i32 to index
        %parallel_loop3A_629 = arith.constant 80 : index
        %parallel_loop3A_630 = tpu.vector_load %arg13[%parallel_loop3A_627, %parallel_loop3A_628, %parallel_loop3A_629] {strides = array<i32>} : memref<2x40x128xf32, #tpu.memory_space<vmem>>, vector<1x1x16xf32>,
        %parallel_loop3A_631 = vector.shape_cast %parallel_loop3A_630 : vector<1x1x16xf32> to vector<16xf32>
        %parallel_loop3A_632 = arith.constant 1 : i32
        %parallel_loop3A_633 = arith.index_cast %parallel_loop3A_632 : i32 to index
        %parallel_loop3A_634 = arith.index_cast %parallel_loop3A_495 : i32 to index
        %parallel_loop3A_635 = arith.constant 80 : index
        %parallel_loop3A_636 = tpu.vector_load %arg12[%parallel_loop3A_633, %parallel_loop3A_634, %parallel_loop3A_635] {strides = array<i32>} : memref<2x40x256xf32, #tpu.memory_space<vmem>>, vector<1x1x16xf32>,
        %parallel_loop3A_637 = vector.shape_cast %parallel_loop3A_636 : vector<1x1x16xf32> to vector<16xf32>
        %parallel_loop3A_638 = arith.mulf %parallel_loop3A_631, %parallel_loop3A_637 : vector<16xf32>
        %parallel_loop3A_639 = arith.index_cast %parallel_loop3A_495 : i32 to index
        %parallel_loop3A_640 = arith.constant 16 : index
        %parallel_loop3A_641 = tpu.vector_load %arg15[%parallel_loop3A_639, %parallel_loop3A_640] {strides = array<i32>} : memref<40x128xf32, #tpu.memory_space<vmem>>, vector<1x16xf32>,
        %parallel_loop3A_642 = vector.shape_cast %parallel_loop3A_641 : vector<1x16xf32> to vector<16xf32>
        %parallel_loop3A_643 = vector.shape_cast %parallel_loop3A_638 : vector<16xf32> to vector<1x16xf32>
        tpu.vector_store %arg15[%parallel_loop3A_639, %parallel_loop3A_640], %parallel_loop3A_643 {strides = array<i32>} : memref<40x128xf32, #tpu.memory_space<vmem>>, vector<1x16xf32>,
        %parallel_loop3A_644 = arith.constant 1 : i32
        %parallel_loop3A_645 = arith.index_cast %parallel_loop3A_644 : i32 to index
        %parallel_loop3A_646 = arith.index_cast %parallel_loop3A_495 : i32 to index
        %parallel_loop3A_647 = arith.constant 112 : index
        %parallel_loop3A_648 = tpu.vector_load %arg12[%parallel_loop3A_645, %parallel_loop3A_646, %parallel_loop3A_647] {strides = array<i32>} : memref<2x40x256xf32, #tpu.memory_space<vmem>>, vector<1x1x16xf32>,
        %parallel_loop3A_649 = vector.shape_cast %parallel_loop3A_648 : vector<1x1x16xf32> to vector<16xf32>
        %parallel_loop3A_650 = arith.mulf %parallel_loop3A_649, %parallel_loop3A_612 : vector<16xf32>
        %parallel_loop3A_651 = arith.mulf %parallel_loop3A_625, %parallel_loop3A_501 : vector<16xf32>
        %parallel_loop3A_652 = arith.addf %parallel_loop3A_650, %parallel_loop3A_651 : vector<16xf32>
        %parallel_loop3A_653 = arith.index_cast %parallel_loop3A_495 : i32 to index
        %parallel_loop3A_654 = arith.constant 48 : index
        %parallel_loop3A_655 = tpu.vector_load %arg15[%parallel_loop3A_653, %parallel_loop3A_654] {strides = array<i32>} : memref<40x128xf32, #tpu.memory_space<vmem>>, vector<1x16xf32>,
        %parallel_loop3A_656 = vector.shape_cast %parallel_loop3A_655 : vector<1x16xf32> to vector<16xf32>
        %parallel_loop3A_657 = vector.shape_cast %parallel_loop3A_652 : vector<16xf32> to vector<1x16xf32>
        tpu.vector_store %arg15[%parallel_loop3A_653, %parallel_loop3A_654], %parallel_loop3A_657 {strides = array<i32>} : memref<40x128xf32, #tpu.memory_space<vmem>>, vector<1x16xf32>,
        %parallel_loop3A_658 = arith.constant 1 : i32
        %parallel_loop3A_659 = arith.index_cast %parallel_loop3A_658 : i32 to index
        %parallel_loop3A_660 = arith.index_cast %parallel_loop3A_495 : i32 to index
        %parallel_loop3A_661 = arith.constant 144 : index
        %parallel_loop3A_662 = tpu.vector_load %arg12[%parallel_loop3A_659, %parallel_loop3A_660, %parallel_loop3A_661] {strides = array<i32>} : memref<2x40x256xf32, #tpu.memory_space<vmem>>, vector<1x1x16xf32>,
        %parallel_loop3A_663 = vector.shape_cast %parallel_loop3A_662 : vector<1x1x16xf32> to vector<16xf32>
        %parallel_loop3A_664 = arith.mulf %parallel_loop3A_663, %parallel_loop3A_612 : vector<16xf32>
        %parallel_loop3A_665 = arith.mulf %parallel_loop3A_625, %parallel_loop3A_507 : vector<16xf32>
        %parallel_loop3A_666 = arith.addf %parallel_loop3A_664, %parallel_loop3A_665 : vector<16xf32>
        %parallel_loop3A_667 = arith.index_cast %parallel_loop3A_495 : i32 to index
        %parallel_loop3A_668 = arith.constant 80 : index
        %parallel_loop3A_669 = tpu.vector_load %arg15[%parallel_loop3A_667, %parallel_loop3A_668] {strides = array<i32>} : memref<40x128xf32, #tpu.memory_space<vmem>>, vector<1x16xf32>,
        %parallel_loop3A_670 = vector.shape_cast %parallel_loop3A_669 : vector<1x16xf32> to vector<16xf32>
        %parallel_loop3A_671 = vector.shape_cast %parallel_loop3A_666 : vector<16xf32> to vector<1x16xf32>
        tpu.vector_store %arg15[%parallel_loop3A_667, %parallel_loop3A_668], %parallel_loop3A_671 {strides = array<i32>} : memref<40x128xf32, #tpu.memory_space<vmem>>, vector<1x16xf32>,
        %parallel_loop3A_672 = arith.constant 1 : i32
        %parallel_loop3A_673 = arith.index_cast %parallel_loop3A_672 : i32 to index
        %parallel_loop3A_674 = arith.index_cast %parallel_loop3A_495 : i32 to index
        %parallel_loop3A_675 = arith.constant 176 : index
        %parallel_loop3A_676 = tpu.vector_load %arg12[%parallel_loop3A_673, %parallel_loop3A_674, %parallel_loop3A_675] {strides = array<i32>} : memref<2x40x256xf32, #tpu.memory_space<vmem>>, vector<1x1x16xf32>,
        %parallel_loop3A_677 = vector.shape_cast %parallel_loop3A_676 : vector<1x1x16xf32> to vector<16xf32>
        %parallel_loop3A_678 = arith.mulf %parallel_loop3A_677, %parallel_loop3A_612 : vector<16xf32>
        %parallel_loop3A_679 = arith.mulf %parallel_loop3A_625, %parallel_loop3A_513 : vector<16xf32>
        %parallel_loop3A_680 = arith.addf %parallel_loop3A_678, %parallel_loop3A_679 : vector<16xf32>
        %parallel_loop3A_681 = arith.index_cast %parallel_loop3A_495 : i32 to index
        %parallel_loop3A_682 = arith.constant 112 : index
        %parallel_loop3A_683 = tpu.vector_load %arg15[%parallel_loop3A_681, %parallel_loop3A_682] {strides = array<i32>} : memref<40x128xf32, #tpu.memory_space<vmem>>, vector<1x16xf32>,
        %parallel_loop3A_684 = vector.shape_cast %parallel_loop3A_683 : vector<1x16xf32> to vector<16xf32>
        %parallel_loop3A_685 = vector.shape_cast %parallel_loop3A_680 : vector<16xf32> to vector<1x16xf32>
        tpu.vector_store %arg15[%parallel_loop3A_681, %parallel_loop3A_682], %parallel_loop3A_685 {strides = array<i32>} : memref<40x128xf32, #tpu.memory_space<vmem>>, vector<1x16xf32>,
      } {sc.loop_unroll_factor = 4 : i64, sc.parallel_access}
      %dma_wait3A_478 = arith.constant 1 : i32
      %dma_wait3A_479 = arith.constant 0 : i32
      %dma_wait3A_480 = tpu.memref_slice %arg11[%dma_wait3A_478, %dma_wait3A_479] : memref<2x40xi32, #tpu.memory_space<vmem>> -> memref<1x40xi32, #tpu.memory_space<vmem>>
      %dma_wait3A_481 = tpu.memref_squeeze %dma_wait3A_480 : memref<1x40xi32, #tpu.memory_space<vmem>> -> memref<40xi32, #tpu.memory_space<vmem>>
      %dma_wait3A_482 = arith.constant 0 : i32
      %dma_wait3A_483 = tpu.memref_slice %arg6[%dma_wait3A_482] : memref<160000xi32, #tpu.memory_space<hbm>> -> memref<40xi32, #tpu.memory_space<hbm>>
      %dma_wait3A_484 = arith.constant 0 : i32
      %dma_wait3A_485 = tpu.memref_slice %arg11[%dma_wait3A_478, %dma_wait3A_484] : memref<2x40xi32, #tpu.memory_space<vmem>> -> memref<1x40xi32, #tpu.memory_space<vmem>>
      %dma_wait3A_486 = tpu.memref_squeeze %dma_wait3A_485 : memref<1x40xi32, #tpu.memory_space<vmem>> -> memref<40xi32, #tpu.memory_space<vmem>>
      %dma_wait3A_487 = arith.constant 0 : i32
      %dma_wait3A_488 = tpu.memref_slice %arg6[%dma_wait3A_487] : memref<160000xi32, #tpu.memory_space<hbm>> -> memref<40xi32, #tpu.memory_space<hbm>>
      tpu.wait_dma2 semaphore(%arg19 : memref<!tpu.dma_semaphore, #tpu.memory_space<semaphore_mem>>) src(%dma_wait3A_488 : memref<40xi32, #tpu.memory_space<hbm>>) dst(%dma_wait3A_486 : memref<40xi32, #tpu.memory_space<vmem>>)
      %run_scoped3A_489 = arith.constant 1 : i32
      "tpu.region"() ({
        %run_scoped3A_495 = tpu.sem_alloc : memref<!tpu.dma_semaphore, #tpu.memory_space<semaphore_mem>>
        %dma_start3A_496 = arith.constant 0 : i32
        %dma_start3A_497 = tpu.memref_slice %arg11[%run_scoped3A_489, %dma_start3A_496] : memref<2x40xi32, #tpu.memory_space<vmem>> -> memref<1x40xi32, #tpu.memory_space<vmem>>
        %dma_start3A_498 = tpu.memref_squeeze %dma_start3A_497 : memref<1x40xi32, #tpu.memory_space<vmem>> -> memref<40xi32, #tpu.memory_space<vmem>>
        %dma_start3A_499 = arith.constant 0 : i32
        %dma_start3A_500 = arith.constant 0 : i32
        %dma_start3A_501 = tpu.memref_slice %arg9[%dma_start3A_499, %dma_start3A_500] : memref<10000x128xf32, #tpu.memory_space<vmem_shared>> -> memref<10000x128xf32, #tpu.memory_space<vmem_shared>>
        tpu.enqueue_indirect_dma source(%arg15 : memref<40x128xf32, #tpu.memory_space<vmem>>) target(%dma_start3A_501 : memref<10000x128xf32, #tpu.memory_space<vmem_shared>>) offsets(%dma_start3A_498 : memref<40xi32, #tpu.memory_space<vmem>>) semaphore(%run_scoped3A_495 : memref<!tpu.dma_semaphore, #tpu.memory_space<semaphore_mem>>) {add = true}
        %dma_wait3A_502 = arith.constant 0 : i32
        %dma_wait3A_503 = tpu.memref_slice %arg11[%run_scoped3A_489, %dma_wait3A_502] : memref<2x40xi32, #tpu.memory_space<vmem>> -> memref<1x40xi32, #tpu.memory_space<vmem>>
        %dma_wait3A_504 = tpu.memref_squeeze %dma_wait3A_503 : memref<1x40xi32, #tpu.memory_space<vmem>> -> memref<40xi32, #tpu.memory_space<vmem>>
        %dma_wait3A_505 = arith.constant 0 : i32
        %dma_wait3A_506 = arith.constant 0 : i32
        %dma_wait3A_507 = tpu.memref_slice %arg9[%dma_wait3A_505, %dma_wait3A_506] : memref<10000x128xf32, #tpu.memory_space<vmem_shared>> -> memref<10000x128xf32, #tpu.memory_space<vmem_shared>>
        tpu.wait_indirect_dma semaphore(%run_scoped3A_495 : memref<!tpu.dma_semaphore, #tpu.memory_space<semaphore_mem>>) src(%arg15 : memref<40x128xf32, #tpu.memory_space<vmem>>) dst(%dma_wait3A_507 : memref<10000x128xf32, #tpu.memory_space<vmem_shared>>)
        tpu.yield
      }) : () -> ()
      %lt3A_490 = arith.constant 124 : i32
      %lt3A_491 = arith.cmpi slt, %scan3A_294, %lt3A_490 : i32
      %convert_element_type3A_492 = arith.extui %lt3A_491 : i1 to i32
      %cond3A_493 = arith.constant 0 : i32
      %cond3A_494 = arith.cmpi ne, %convert_element_type3A_492, %cond3A_493 : i32
      scf.if %cond3A_494 {
        %mul3A_495 = arith.constant 2 : i32
        %mul3A_496 = arith.muli %mul3A_495, %scan3A_294 : i32
        %add3A_497 = arith.constant 3 : i32
        %add3A_498 = arith.addi %mul3A_496, %add3A_497 : i32
        %mul3A_499 = arith.constant 10000 : i32
        %mul3A_500 = arith.muli %arg1, %mul3A_499 : i32
        %mul3A_501 = arith.constant 40 : i32
        %mul3A_502 = arith.muli %add3A_498, %mul3A_501 : i32
        %add3A_503 = arith.addi %mul3A_500, %mul3A_502 : i32
        %multiple_of3A_504 = tpu.assume_multiple %add3A_503, 8 : i32
        %dma_start3A_505 = arith.constant 1 : i32
        %dma_start3A_506 = arith.constant 0 : i32
        %dma_start3A_507 = tpu.memref_slice %arg11[%dma_start3A_505, %dma_start3A_506] : memref<2x40xi32, #tpu.memory_space<vmem>> -> memref<1x40xi32, #tpu.memory_space<vmem>>
        %dma_start3A_508 = tpu.memref_squeeze %dma_start3A_507 : memref<1x40xi32, #tpu.memory_space<vmem>> -> memref<40xi32, #tpu.memory_space<vmem>>
        %dma_start3A_509 = tpu.memref_slice %arg6[%multiple_of3A_504] : memref<160000xi32, #tpu.memory_space<hbm>> -> memref<40xi32, #tpu.memory_space<hbm>>
        %dma_start3A_510 = arith.constant 0 : i32
        %dma_start3A_511 = tpu.memref_slice %arg11[%dma_start3A_505, %dma_start3A_510] : memref<2x40xi32, #tpu.memory_space<vmem>> -> memref<1x40xi32, #tpu.memory_space<vmem>>
        %dma_start3A_512 = tpu.memref_squeeze %dma_start3A_511 : memref<1x40xi32, #tpu.memory_space<vmem>> -> memref<40xi32, #tpu.memory_space<vmem>>
        %dma_start3A_513 = tpu.memref_slice %arg6[%multiple_of3A_504] : memref<160000xi32, #tpu.memory_space<hbm>> -> memref<40xi32, #tpu.memory_space<hbm>>
        tpu.enqueue_dma source(%dma_start3A_513 : memref<40xi32, #tpu.memory_space<hbm>>) target(%dma_start3A_512 : memref<40xi32, #tpu.memory_space<vmem>>) target_semaphore(%arg19 : memref<!tpu.dma_semaphore, #tpu.memory_space<semaphore_mem>>)
      } else {
      }
    }
    %scan3A_283 = arith.constant 125 : i32
    %barrier3A_284 = arith.constant 0 : index
    tpu.barrier barrier_id(%barrier3A_284)
    %multiple_of3A_285 = tpu.assume_multiple %mul3A_0, 8 : i32
    %add3A_286 = arith.addi %mul3A_148, %mul3A_0 : i32
    %multiple_of3A_287 = tpu.assume_multiple %add3A_286, 8 : i32
    "tpu.region"() ({
      %run_scoped3A = tpu.sem_alloc : memref<!tpu.dma_semaphore, #tpu.memory_space<semaphore_mem>>
      %dma_start3A_294 = arith.constant 0 : i32
      %dma_start3A_295 = tpu.memref_slice %arg8[%multiple_of3A_287, %dma_start3A_294] : memref<40000x128xf32, #tpu.memory_space<hbm>> -> memref<624x128xf32, #tpu.memory_space<hbm>>
      %dma_start3A_296 = arith.constant 0 : i32
      %dma_start3A_297 = tpu.memref_slice %arg9[%multiple_of3A_285, %dma_start3A_296] : memref<10000x128xf32, #tpu.memory_space<vmem_shared>> -> memref<624x128xf32, #tpu.memory_space<vmem_shared>>
      tpu.enqueue_dma source(%dma_start3A_297 : memref<624x128xf32, #tpu.memory_space<vmem_shared>>) target(%dma_start3A_295 : memref<624x128xf32, #tpu.memory_space<hbm>>) target_semaphore(%run_scoped3A : memref<!tpu.dma_semaphore, #tpu.memory_space<semaphore_mem>>)
      %dma_wait3A_298 = arith.constant 0 : i32
      %dma_wait3A_299 = tpu.memref_slice %arg8[%multiple_of3A_287, %dma_wait3A_298] : memref<40000x128xf32, #tpu.memory_space<hbm>> -> memref<624x128xf32, #tpu.memory_space<hbm>>
      %dma_wait3A_300 = arith.constant 0 : i32
      %dma_wait3A_301 = tpu.memref_slice %arg9[%multiple_of3A_285, %dma_wait3A_300] : memref<10000x128xf32, #tpu.memory_space<vmem_shared>> -> memref<624x128xf32, #tpu.memory_space<vmem_shared>>
      tpu.wait_dma2 semaphore(%run_scoped3A : memref<!tpu.dma_semaphore, #tpu.memory_space<semaphore_mem>>) src(%dma_wait3A_301 : memref<624x128xf32, #tpu.memory_space<vmem_shared>>) dst(%dma_wait3A_299 : memref<624x128xf32, #tpu.memory_space<hbm>>)
      tpu.yield
    }) : () -> ()
    %eq3A_288 = arith.constant 0 : i32
    %eq3A_289 = arith.cmpi eq, %arg1, %eq3A_288 : i32
    %convert_element_type3A_290 = arith.extui %eq3A_289 : i1 to i32
    %cond3A_291 = arith.constant 0 : i32
    %cond3A_292 = arith.cmpi ne, %convert_element_type3A_290, %cond3A_291 : i32
    scf.if %cond3A_292 {
      %add3A_294 = arith.constant 9984 : i32
      %add3A_295 = arith.addi %mul3A_148, %add3A_294 : i32
      %multiple_of3A_296 = tpu.assume_multiple %add3A_295, 8 : i32
      "tpu.region"() ({
        %run_scoped3A = tpu.sem_alloc : memref<!tpu.dma_semaphore, #tpu.memory_space<semaphore_mem>>
        %dma_start3A_297 = arith.constant 0 : i32
        %dma_start3A_298 = tpu.memref_slice %arg8[%multiple_of3A_296, %dma_start3A_297] : memref<40000x128xf32, #tpu.memory_space<hbm>> -> memref<16x128xf32, #tpu.memory_space<hbm>>
        %dma_start3A_299 = arith.constant 9984 : i32
        %dma_start3A_300 = arith.constant 0 : i32
        %dma_start3A_301 = tpu.memref_slice %arg9[%dma_start3A_299, %dma_start3A_300] : memref<10000x128xf32, #tpu.memory_space<vmem_shared>> -> memref<16x128xf32, #tpu.memory_space<vmem_shared>>
        tpu.enqueue_dma source(%dma_start3A_301 : memref<16x128xf32, #tpu.memory_space<vmem_shared>>) target(%dma_start3A_298 : memref<16x128xf32, #tpu.memory_space<hbm>>) target_semaphore(%run_scoped3A : memref<!tpu.dma_semaphore, #tpu.memory_space<semaphore_mem>>)
        %dma_wait3A_302 = arith.constant 0 : i32
        %dma_wait3A_303 = tpu.memref_slice %arg8[%multiple_of3A_296, %dma_wait3A_302] : memref<40000x128xf32, #tpu.memory_space<hbm>> -> memref<16x128xf32, #tpu.memory_space<hbm>>
        %dma_wait3A_304 = arith.constant 9984 : i32
        %dma_wait3A_305 = arith.constant 0 : i32
        %dma_wait3A_306 = tpu.memref_slice %arg9[%dma_wait3A_304, %dma_wait3A_305] : memref<10000x128xf32, #tpu.memory_space<vmem_shared>> -> memref<16x128xf32, #tpu.memory_space<vmem_shared>>
        tpu.wait_dma2 semaphore(%run_scoped3A : memref<!tpu.dma_semaphore, #tpu.memory_space<semaphore_mem>>) src(%dma_wait3A_306 : memref<16x128xf32, #tpu.memory_space<vmem_shared>>) dst(%dma_wait3A_303 : memref<16x128xf32, #tpu.memory_space<hbm>>)
        tpu.yield
      }) : () -> ()
    } else {
    }
    %barrier3A_293 = arith.constant 0 : index
    tpu.barrier barrier_id(%barrier3A_293)
    return
  }
}

module attributes {stable_mosaic.version = 14 : i64} {
  func.func @_edge_tc_kernel(%arg0: i32, %arg1: memref<2000x1xf32, #tpu.memory_space<vmem>>, %arg2: memref<2000x3xf32, #tpu.memory_space<vmem>>, %arg3: memref<20x512xf32, #tpu.memory_space<vmem>>, %arg4: memref<1x512xf32, #tpu.memory_space<vmem>>, %arg5: memref<4x2000x128xf32, #tpu.memory_space<vmem>>, %arg6: memref<2000x16xf32, #tpu.memory_space<vmem>>) attributes {dimension_semantics = [#tpu.dimension_semantics<arbitrary>], iteration_bounds = array<i64: 80>, scalar_prefetch = 0 : i64, scratch_operands = 0 : i64, tpu.core_type = #tpu.core_type<tc>, window_params = [{transform_indices = @transform_0, window_bounds = array<i64: 2000, 1>}, {transform_indices = @transform_1, window_bounds = array<i64: 2000, 3>}, {pipeline_mode = #tpu.pipeline_mode<synchronous>, transform_indices = @transform_2, window_bounds = array<i64: 20, 512>}, {pipeline_mode = #tpu.pipeline_mode<synchronous>, transform_indices = @transform_3, window_bounds = array<i64: 1, 512>}, {transform_indices = @transform_4, window_bounds = array<i64: 4, 2000, 128>}, {transform_indices = @transform_5, window_bounds = array<i64: 2000, 16>}]} {
    %get3A = arith.constant 0 : index
    %get3A_0 = arith.constant 0 : index
    %get3A_1 = vector.load %arg1[%get3A, %get3A_0] : memref<2000x1xf32, #tpu.memory_space<vmem>>, vector<2000x1xf32>
    %div3A = arith.constant 1.000000e+00 : f32
    %div3A_2 = vector.broadcast %div3A : f32 to vector<2000x1xf32>
    %div3A_3 = arith.divf %div3A_2, %get3A_1 : vector<2000x1xf32>
    %iota3A = tpu.iota {dimensions = array<i32: 1>} : vector<1x21xi32>
    %convert_element_type3A = arith.sitofp %iota3A : vector<1x21xi32> to vector<1x21xf32>
    %lt3A = arith.constant 2.000000e+01 : f32
    %lt3A_4 = vector.broadcast %lt3A : f32 to vector<1x21xf32>
    %lt3A_5 = arith.cmpf olt, %convert_element_type3A, %lt3A_4 : vector<1x21xf32>
    %add3A = arith.constant 1.000000e+00 : f32
    %add3A_6 = vector.broadcast %add3A : f32 to vector<1x21xf32>
    %add3A_7 = arith.addf %convert_element_type3A, %add3A_6 : vector<1x21xf32>
    %mul3A = arith.constant 1.000000e-01 : f32
    %mul3A_8 = vector.broadcast %mul3A : f32 to vector<1x21xf32>
    %mul3A_9 = arith.mulf %add3A_7, %mul3A_8 : vector<1x21xf32>
    %jit3A = arith.constant 1.000000e-01 : f32
    %broadcast_in_dim3A = vector.broadcast %jit3A : f32 to vector<1x21xf32>
    %select_n3A = arith.select %lt3A_5, %mul3A_9, %broadcast_in_dim3A : vector<1x21xi1>, vector<1x21xf32>
    %lt3A_10 = arith.constant 2.000000e+01 : f32
    %lt3A_11 = vector.broadcast %lt3A_10 : f32 to vector<1x21xf32>
    %lt3A_12 = arith.cmpf olt, %convert_element_type3A, %lt3A_11 : vector<1x21xf32>
    %jit3A_13 = arith.constant 0.000000e+00 : f32
    %jit3A_14 = arith.constant 2.500000e-01 : f32
    %broadcast_in_dim3A_15 = vector.broadcast %jit3A_13 : f32 to vector<1x21xf32>
    %broadcast_in_dim3A_16 = vector.broadcast %jit3A_14 : f32 to vector<1x21xf32>
    %select_n3A_17 = arith.select %lt3A_12, %broadcast_in_dim3A_15, %broadcast_in_dim3A_16 : vector<1x21xi1>, vector<1x21xf32>
    %mul3A_18 = vector.broadcast %get3A_1 : vector<2000x1xf32> to vector<2000x21xf32>
    %mul3A_19 = vector.broadcast %select_n3A : vector<1x21xf32> to vector<2000x21xf32>
    %mul3A_20 = arith.mulf %mul3A_18, %mul3A_19 : vector<2000x21xf32>
    %add3A_21 = vector.broadcast %select_n3A_17 : vector<1x21xf32> to vector<2000x21xf32>
    %add3A_22 = arith.addf %mul3A_20, %add3A_21 : vector<2000x21xf32>
    %round3A = math.roundeven %add3A_22 : vector<2000x21xf32>
    %sub3A = arith.subf %add3A_22, %round3A : vector<2000x21xf32>
    %mul3A_23 = arith.mulf %sub3A, %sub3A : vector<2000x21xf32>
    %mul3A_24 = arith.constant -12.3724947 : f32
    %mul3A_25 = vector.broadcast %mul3A_24 : f32 to vector<2000x21xf32>
    %mul3A_26 = arith.mulf %mul3A_25, %mul3A_23 : vector<2000x21xf32>
    %add3A_27 = arith.constant 41.269928 : f32
    %add3A_28 = vector.broadcast %add3A_27 : f32 to vector<2000x21xf32>
    %add3A_29 = arith.addf %mul3A_26, %add3A_28 : vector<2000x21xf32>
    %mul3A_30 = arith.mulf %add3A_29, %mul3A_23 : vector<2000x21xf32>
    %add3A_31 = arith.constant -76.5949249 : f32
    %add3A_32 = vector.broadcast %add3A_31 : f32 to vector<2000x21xf32>
    %add3A_33 = arith.addf %mul3A_30, %add3A_32 : vector<2000x21xf32>
    %mul3A_34 = arith.mulf %add3A_33, %mul3A_23 : vector<2000x21xf32>
    %add3A_35 = arith.constant 81.5976563 : f32
    %add3A_36 = vector.broadcast %add3A_35 : f32 to vector<2000x21xf32>
    %add3A_37 = arith.addf %mul3A_34, %add3A_36 : vector<2000x21xf32>
    %mul3A_38 = arith.mulf %add3A_37, %mul3A_23 : vector<2000x21xf32>
    %add3A_39 = arith.constant -41.3414803 : f32
    %add3A_40 = vector.broadcast %add3A_39 : f32 to vector<2000x21xf32>
    %add3A_41 = arith.addf %mul3A_38, %add3A_40 : vector<2000x21xf32>
    %mul3A_42 = arith.mulf %add3A_41, %mul3A_23 : vector<2000x21xf32>
    %add3A_43 = arith.constant 6.28318357 : f32
    %add3A_44 = vector.broadcast %add3A_43 : f32 to vector<2000x21xf32>
    %add3A_45 = arith.addf %mul3A_42, %add3A_44 : vector<2000x21xf32>
    %mul3A_46 = arith.mulf %add3A_45, %sub3A : vector<2000x21xf32>
    %slice3A = vector.extract_strided_slice %mul3A_46 {offsets = [0, 0], sizes = [2000, 20], strides = [1, 1]} : vector<2000x21xf32> to vector<2000x20xf32>
    %mul3A_47 = vector.broadcast %div3A_3 : vector<2000x1xf32> to vector<2000x20xf32>
    %mul3A_48 = arith.mulf %slice3A, %mul3A_47 : vector<2000x20xf32>
    %slice3A_49 = vector.extract_strided_slice %mul3A_46 {offsets = [0, 20], sizes = [2000, 1], strides = [1, 1]} : vector<2000x21xf32> to vector<2000x1xf32>
    %add3A_50 = arith.constant 1.000000e+00 : f32
    %add3A_51 = vector.broadcast %add3A_50 : f32 to vector<2000x1xf32>
    %add3A_52 = arith.addf %slice3A_49, %add3A_51 : vector<2000x1xf32>
    %mul3A_53 = arith.constant 5.000000e-01 : f32
    %mul3A_54 = vector.broadcast %mul3A_53 : f32 to vector<2000x1xf32>
    %mul3A_55 = arith.mulf %add3A_52, %mul3A_54 : vector<2000x1xf32>
    %lt3A_56 = arith.constant 5.000000e+00 : f32
    %lt3A_57 = vector.broadcast %lt3A_56 : f32 to vector<2000x1xf32>
    %lt3A_58 = arith.cmpf olt, %get3A_1, %lt3A_57 : vector<2000x1xf32>
    %convert_element_type3A_59 = arith.extui %lt3A_58 : vector<2000x1xi1> to vector<2000x1xi32>
    %convert_element_type3A_60 = arith.sitofp %convert_element_type3A_59 : vector<2000x1xi32> to vector<2000x1xf32>
    %mul3A_61 = arith.mulf %mul3A_55, %convert_element_type3A_60 : vector<2000x1xf32>
    %get3A_62 = arith.constant 0 : index
    %get3A_63 = arith.constant 0 : index
    %get3A_64 = vector.load %arg3[%get3A_62, %get3A_63] : memref<20x512xf32, #tpu.memory_space<vmem>>, vector<20x512xf32>
    %dot_general3A = arith.constant dense<0.000000e+00> : vector<2000x512xf32>
    %dot_general3A_65 = tpu.matmul %mul3A_48, %get3A_64, %dot_general3A {dimension_numbers = #tpu.dot_dimension_numbers<[1], [0], [0], [1], [0, 0, 1, 1], [], []>, transpose_lhs_hint = false} : vector<2000x20xf32>, vector<20x512xf32>, vector<2000x512xf32> -> vector<2000x512xf32>
    %get3A_66 = arith.constant 0 : index
    %get3A_67 = arith.constant 0 : index
    %get3A_68 = vector.load %arg4[%get3A_66, %get3A_67] : memref<1x512xf32, #tpu.memory_space<vmem>>, vector<1x512xf32>
    %add3A_69 = vector.broadcast %get3A_68 : vector<1x512xf32> to vector<2000x512xf32>
    %add3A_70 = arith.addf %dot_general3A_65, %add3A_69 : vector<2000x512xf32>
    %mul3A_71 = vector.broadcast %mul3A_61 : vector<2000x1xf32> to vector<2000x512xf32>
    %mul3A_72 = arith.mulf %add3A_70, %mul3A_71 : vector<2000x512xf32>
    %get3A_73 = arith.constant 0 : index
    %get3A_74 = arith.constant 0 : index
    %get3A_75 = vector.load %arg2[%get3A_73, %get3A_74] : memref<2000x3xf32, #tpu.memory_space<vmem>>, vector<2000x3xf32>
    %mul3A_76 = vector.broadcast %div3A_3 : vector<2000x1xf32> to vector<2000x3xf32>
    %mul3A_77 = arith.mulf %get3A_75, %mul3A_76 : vector<2000x3xf32>
    %slice3A_78 = vector.extract_strided_slice %mul3A_77 {offsets = [0, 0], sizes = [2000, 1], strides = [1, 1]} : vector<2000x3xf32> to vector<2000x1xf32>
    %broadcast_in_dim3A_79 = vector.shape_cast %slice3A_78 : vector<2000x1xf32> to vector<2000x1xf32>
    %broadcast_in_dim3A_80 = vector.broadcast %broadcast_in_dim3A_79 : vector<2000x1xf32> to vector<2000x16xf32>
    %slice3A_81 = vector.extract_strided_slice %mul3A_77 {offsets = [0, 1], sizes = [2000, 1], strides = [1, 1]} : vector<2000x3xf32> to vector<2000x1xf32>
    %broadcast_in_dim3A_82 = vector.shape_cast %slice3A_81 : vector<2000x1xf32> to vector<2000x1xf32>
    %broadcast_in_dim3A_83 = vector.broadcast %broadcast_in_dim3A_82 : vector<2000x1xf32> to vector<2000x16xf32>
    %slice3A_84 = vector.extract_strided_slice %mul3A_72 {offsets = [0, 0], sizes = [2000, 96], strides = [1, 1]} : vector<2000x512xf32> to vector<2000x96xf32>
    %concatenate3A = tpu.concatenate %slice3A_84, %broadcast_in_dim3A_80, %broadcast_in_dim3A_83 in 1 : vector<2000x96xf32>, vector<2000x16xf32>, vector<2000x16xf32> -> vector<2000x128xf32>
    %swap3A = arith.constant 0 : index
    %swap3A_85 = arith.constant 0 : index
    %swap3A_86 = arith.constant 0 : index
    %swap3A_87 = vector.load %arg5[%swap3A, %swap3A_85, %swap3A_86] : memref<4x2000x128xf32, #tpu.memory_space<vmem>>, vector<1x2000x128xf32>
    %swap3A_88 = vector.shape_cast %swap3A_87 : vector<1x2000x128xf32> to vector<2000x128xf32>
    %swap3A_89 = vector.shape_cast %concatenate3A : vector<2000x128xf32> to vector<1x2000x128xf32>
    tpu.vector_store %arg5[%swap3A, %swap3A_85, %swap3A_86], %swap3A_89 {strides = array<i32>} : memref<4x2000x128xf32, #tpu.memory_space<vmem>>, vector<1x2000x128xf32>,
    %slice3A_90 = vector.extract_strided_slice %mul3A_72 {offsets = [0, 128], sizes = [2000, 96], strides = [1, 1]} : vector<2000x512xf32> to vector<2000x96xf32>
    %concatenate3A_91 = tpu.concatenate %slice3A_90, %broadcast_in_dim3A_80, %broadcast_in_dim3A_83 in 1 : vector<2000x96xf32>, vector<2000x16xf32>, vector<2000x16xf32> -> vector<2000x128xf32>
    %swap3A_92 = arith.constant 1 : index
    %swap3A_93 = arith.constant 0 : index
    %swap3A_94 = arith.constant 0 : index
    %swap3A_95 = vector.load %arg5[%swap3A_92, %swap3A_93, %swap3A_94] : memref<4x2000x128xf32, #tpu.memory_space<vmem>>, vector<1x2000x128xf32>
    %swap3A_96 = vector.shape_cast %swap3A_95 : vector<1x2000x128xf32> to vector<2000x128xf32>
    %swap3A_97 = vector.shape_cast %concatenate3A_91 : vector<2000x128xf32> to vector<1x2000x128xf32>
    tpu.vector_store %arg5[%swap3A_92, %swap3A_93, %swap3A_94], %swap3A_97 {strides = array<i32>} : memref<4x2000x128xf32, #tpu.memory_space<vmem>>, vector<1x2000x128xf32>,
    %slice3A_98 = vector.extract_strided_slice %mul3A_72 {offsets = [0, 256], sizes = [2000, 96], strides = [1, 1]} : vector<2000x512xf32> to vector<2000x96xf32>
    %concatenate3A_99 = tpu.concatenate %slice3A_98, %broadcast_in_dim3A_80, %broadcast_in_dim3A_83 in 1 : vector<2000x96xf32>, vector<2000x16xf32>, vector<2000x16xf32> -> vector<2000x128xf32>
    %swap3A_100 = arith.constant 2 : index
    %swap3A_101 = arith.constant 0 : index
    %swap3A_102 = arith.constant 0 : index
    %swap3A_103 = vector.load %arg5[%swap3A_100, %swap3A_101, %swap3A_102] : memref<4x2000x128xf32, #tpu.memory_space<vmem>>, vector<1x2000x128xf32>
    %swap3A_104 = vector.shape_cast %swap3A_103 : vector<1x2000x128xf32> to vector<2000x128xf32>
    %swap3A_105 = vector.shape_cast %concatenate3A_99 : vector<2000x128xf32> to vector<1x2000x128xf32>
    tpu.vector_store %arg5[%swap3A_100, %swap3A_101, %swap3A_102], %swap3A_105 {strides = array<i32>} : memref<4x2000x128xf32, #tpu.memory_space<vmem>>, vector<1x2000x128xf32>,
    %slice3A_106 = vector.extract_strided_slice %mul3A_72 {offsets = [0, 384], sizes = [2000, 96], strides = [1, 1]} : vector<2000x512xf32> to vector<2000x96xf32>
    %concatenate3A_107 = tpu.concatenate %slice3A_106, %broadcast_in_dim3A_80, %broadcast_in_dim3A_83 in 1 : vector<2000x96xf32>, vector<2000x16xf32>, vector<2000x16xf32> -> vector<2000x128xf32>
    %swap3A_108 = arith.constant 3 : index
    %swap3A_109 = arith.constant 0 : index
    %swap3A_110 = arith.constant 0 : index
    %swap3A_111 = vector.load %arg5[%swap3A_108, %swap3A_109, %swap3A_110] : memref<4x2000x128xf32, #tpu.memory_space<vmem>>, vector<1x2000x128xf32>
    %swap3A_112 = vector.shape_cast %swap3A_111 : vector<1x2000x128xf32> to vector<2000x128xf32>
    %swap3A_113 = vector.shape_cast %concatenate3A_107 : vector<2000x128xf32> to vector<1x2000x128xf32>
    tpu.vector_store %arg5[%swap3A_108, %swap3A_109, %swap3A_110], %swap3A_113 {strides = array<i32>} : memref<4x2000x128xf32, #tpu.memory_space<vmem>>, vector<1x2000x128xf32>,
    %slice3A_114 = vector.extract_strided_slice %mul3A_77 {offsets = [0, 2], sizes = [2000, 1], strides = [1, 1]} : vector<2000x3xf32> to vector<2000x1xf32>
    %broadcast_in_dim3A_115 = vector.shape_cast %slice3A_114 : vector<2000x1xf32> to vector<2000x1xf32>
    %broadcast_in_dim3A_116 = vector.broadcast %broadcast_in_dim3A_115 : vector<2000x1xf32> to vector<2000x16xf32>
    %swap3A_117 = arith.constant 0 : index
    %swap3A_118 = arith.constant 0 : index
    %swap3A_119 = vector.load %arg6[%swap3A_117, %swap3A_118] : memref<2000x16xf32, #tpu.memory_space<vmem>>, vector<2000x16xf32>
    tpu.vector_store %arg6[%swap3A_117, %swap3A_118], %broadcast_in_dim3A_116 {strides = array<i32>} : memref<2000x16xf32, #tpu.memory_space<vmem>>, vector<2000x16xf32>,
    return
  }
  func.func @transform_0(%arg0: i32) -> (i32, i32) {
    %c0_i32 = arith.constant 0 : i32
    %c0_i32_0 = arith.constant 0 : i32
    return %arg0, %c0_i32 : i32, i32
  }
  func.func @transform_1(%arg0: i32) -> (i32, i32) {
    %c0_i32 = arith.constant 0 : i32
    %c0_i32_0 = arith.constant 0 : i32
    return %arg0, %c0_i32 : i32, i32
  }
  func.func @transform_2(%arg0: i32) -> (i32, i32) {
    %c0_i32 = arith.constant 0 : i32
    %c0_i32_0 = arith.constant 0 : i32
    %c0_i32_1 = arith.constant 0 : i32
    return %c0_i32, %c0_i32_0 : i32, i32
  }
  func.func @transform_3(%arg0: i32) -> (i32, i32) {
    %c0_i32 = arith.constant 0 : i32
    %c0_i32_0 = arith.constant 0 : i32
    %c0_i32_1 = arith.constant 0 : i32
    return %c0_i32, %c0_i32_0 : i32, i32
  }
  func.func @transform_4(%arg0: i32) -> (i32, i32, i32) {
    %c0_i32 = arith.constant 0 : i32
    %c0_i32_0 = arith.constant 0 : i32
    %c0_i32_1 = arith.constant 0 : i32
    return %c0_i32, %arg0, %c0_i32_0 : i32, i32, i32
  }
  func.func @transform_5(%arg0: i32) -> (i32, i32) {
    %c0_i32 = arith.constant 0 : i32
    %c0_i32_0 = arith.constant 0 : i32
    return %arg0, %c0_i32 : i32, i32
  }
}

module attributes {stable_mosaic.version = 14 : i64} {
  func.func @_node_tc_kernel(%arg0: i32, %arg1: memref<1000x128xf32, #tpu.memory_space<vmem>>, %arg2: memref<1000x384xf32, #tpu.memory_space<vmem>>, %arg3: memref<128x128xf32, #tpu.memory_space<vmem>>, %arg4: memref<1x128xf32, #tpu.memory_space<vmem>>, %arg5: memref<128x384xf32, #tpu.memory_space<vmem>>, %arg6: memref<1x384xf32, #tpu.memory_space<vmem>>, %arg7: memref<4x1000x256xf32, #tpu.memory_space<vmem>>, %arg8: memref<4x1000x128xf32, #tpu.memory_space<vmem>>) attributes {dimension_semantics = [#tpu.dimension_semantics<arbitrary>], iteration_bounds = array<i64: 10>, scalar_prefetch = 0 : i64, scratch_operands = 0 : i64, tpu.core_type = #tpu.core_type<tc>, window_params = [{transform_indices = @transform_0, window_bounds = array<i64: 1000, 128>}, {transform_indices = @transform_1, window_bounds = array<i64: 1000, 384>}, {pipeline_mode = #tpu.pipeline_mode<synchronous>, transform_indices = @transform_2, window_bounds = array<i64: 128, 128>}, {pipeline_mode = #tpu.pipeline_mode<synchronous>, transform_indices = @transform_3, window_bounds = array<i64: 1, 128>}, {pipeline_mode = #tpu.pipeline_mode<synchronous>, transform_indices = @transform_4, window_bounds = array<i64: 128, 384>}, {pipeline_mode = #tpu.pipeline_mode<synchronous>, transform_indices = @transform_5, window_bounds = array<i64: 1, 384>}, {transform_indices = @transform_6, window_bounds = array<i64: 4, 1000, 256>}, {transform_indices = @transform_7, window_bounds = array<i64: 4, 1000, 128>}]} {
    %get3A = arith.constant 0 : index
    %get3A_0 = arith.constant 0 : index
    %get3A_1 = vector.load %arg1[%get3A, %get3A_0] : memref<1000x128xf32, #tpu.memory_space<vmem>>, vector<1000x128xf32>
    %get3A_2 = arith.constant 0 : index
    %get3A_3 = arith.constant 0 : index
    %get3A_4 = vector.load %arg2[%get3A_2, %get3A_3] : memref<1000x384xf32, #tpu.memory_space<vmem>>, vector<1000x384xf32>
    %get3A_5 = arith.constant 0 : index
    %get3A_6 = arith.constant 0 : index
    %get3A_7 = vector.load %arg3[%get3A_5, %get3A_6] : memref<128x128xf32, #tpu.memory_space<vmem>>, vector<128x128xf32>
    %dot_general3A = arith.constant dense<0.000000e+00> : vector<1000x128xf32>
    %dot_general3A_8 = tpu.matmul %get3A_1, %get3A_7, %dot_general3A {dimension_numbers = #tpu.dot_dimension_numbers<[1], [0], [0], [1], [0, 0, 1, 1], [], []>, transpose_lhs_hint = false} : vector<1000x128xf32>, vector<128x128xf32>, vector<1000x128xf32> -> vector<1000x128xf32>
    %get3A_9 = arith.constant 0 : index
    %get3A_10 = arith.constant 0 : index
    %get3A_11 = vector.load %arg4[%get3A_9, %get3A_10] : memref<1x128xf32, #tpu.memory_space<vmem>>, vector<1x128xf32>
    %add3A = vector.broadcast %get3A_11 : vector<1x128xf32> to vector<1000x128xf32>
    %add3A_12 = arith.addf %dot_general3A_8, %add3A : vector<1000x128xf32>
    %logistic3A = arith.negf %add3A_12 : vector<1000x128xf32>
    %logistic3A_13 = math.exp %logistic3A : vector<1000x128xf32>
    %logistic3A_14 = arith.constant 1.000000e+00 : f32
    %logistic3A_15 = vector.broadcast %logistic3A_14 : f32 to vector<1000x128xf32>
    %logistic3A_16 = arith.addf %logistic3A_15, %logistic3A_13 : vector<1000x128xf32>
    %logistic3A_17 = arith.divf %logistic3A_15, %logistic3A_16 : vector<1000x128xf32>
    %mul3A = arith.mulf %add3A_12, %logistic3A_17 : vector<1000x128xf32>
    %get3A_18 = arith.constant 0 : index
    %get3A_19 = arith.constant 0 : index
    %get3A_20 = vector.load %arg5[%get3A_18, %get3A_19] : memref<128x384xf32, #tpu.memory_space<vmem>>, vector<128x384xf32>
    %dot_general3A_21 = arith.constant dense<0.000000e+00> : vector<1000x384xf32>
    %dot_general3A_22 = tpu.matmul %mul3A, %get3A_20, %dot_general3A_21 {dimension_numbers = #tpu.dot_dimension_numbers<[1], [0], [0], [1], [0, 0, 1, 1], [], []>, transpose_lhs_hint = false} : vector<1000x128xf32>, vector<128x384xf32>, vector<1000x384xf32> -> vector<1000x384xf32>
    %get3A_23 = arith.constant 0 : index
    %get3A_24 = arith.constant 0 : index
    %get3A_25 = vector.load %arg6[%get3A_23, %get3A_24] : memref<1x384xf32, #tpu.memory_space<vmem>>, vector<1x384xf32>
    %add3A_26 = vector.broadcast %get3A_25 : vector<1x384xf32> to vector<1000x384xf32>
    %add3A_27 = arith.addf %dot_general3A_22, %add3A_26 : vector<1000x384xf32>
    %slice3A = vector.extract_strided_slice %add3A_27 {offsets = [0, 0], sizes = [1000, 32], strides = [1, 1]} : vector<1000x384xf32> to vector<1000x32xf32>
    %slice3A_28 = vector.extract_strided_slice %add3A_27 {offsets = [0, 128], sizes = [1000, 256], strides = [1, 1]} : vector<1000x384xf32> to vector<1000x256xf32>
    %slice3A_29 = vector.extract_strided_slice %slice3A_28 {offsets = [0, 0], sizes = [1000, 32], strides = [1, 1]} : vector<1000x256xf32> to vector<1000x32xf32>
    %slice3A_30 = vector.extract_strided_slice %add3A_27 {offsets = [0, 256], sizes = [1000, 128], strides = [1, 1]} : vector<1000x384xf32> to vector<1000x128xf32>
    %slice3A_31 = vector.extract_strided_slice %slice3A_30 {offsets = [0, 0], sizes = [1000, 32], strides = [1, 1]} : vector<1000x128xf32> to vector<1000x32xf32>
    %slice3A_32 = vector.extract_strided_slice %get3A_4 {offsets = [0, 0], sizes = [1000, 32], strides = [1, 1]} : vector<1000x384xf32> to vector<1000x32xf32>
    %slice3A_33 = vector.extract_strided_slice %get3A_4 {offsets = [0, 128], sizes = [1000, 256], strides = [1, 1]} : vector<1000x384xf32> to vector<1000x256xf32>
    %slice3A_34 = vector.extract_strided_slice %slice3A_33 {offsets = [0, 0], sizes = [1000, 32], strides = [1, 1]} : vector<1000x256xf32> to vector<1000x32xf32>
    %slice3A_35 = vector.extract_strided_slice %get3A_4 {offsets = [0, 256], sizes = [1000, 128], strides = [1, 1]} : vector<1000x384xf32> to vector<1000x128xf32>
    %slice3A_36 = vector.extract_strided_slice %slice3A_35 {offsets = [0, 0], sizes = [1000, 32], strides = [1, 1]} : vector<1000x128xf32> to vector<1000x32xf32>
    %broadcast_in_dim3A = arith.constant 0.000000e+00 : f32
    %broadcast_in_dim3A_37 = vector.broadcast %broadcast_in_dim3A : f32 to vector<1000x64xf32>
    %concatenate3A = tpu.concatenate %slice3A, %slice3A_29, %slice3A_31, %slice3A_32, %slice3A_34, %slice3A_36, %broadcast_in_dim3A_37 in 1 : vector<1000x32xf32>, vector<1000x32xf32>, vector<1000x32xf32>, vector<1000x32xf32>, vector<1000x32xf32>, vector<1000x32xf32>, vector<1000x64xf32> -> vector<1000x256xf32>
    %swap3A = arith.constant 0 : index
    %swap3A_38 = arith.constant 0 : index
    %swap3A_39 = arith.constant 0 : index
    %swap3A_40 = vector.load %arg7[%swap3A, %swap3A_38, %swap3A_39] : memref<4x1000x256xf32, #tpu.memory_space<vmem>>, vector<1x1000x256xf32>
    %swap3A_41 = vector.shape_cast %swap3A_40 : vector<1x1000x256xf32> to vector<1000x256xf32>
    %swap3A_42 = vector.shape_cast %concatenate3A : vector<1000x256xf32> to vector<1x1000x256xf32>
    tpu.vector_store %arg7[%swap3A, %swap3A_38, %swap3A_39], %swap3A_42 {strides = array<i32>} : memref<4x1000x256xf32, #tpu.memory_space<vmem>>, vector<1x1000x256xf32>,
    %slice3A_43 = vector.extract_strided_slice %get3A_1 {offsets = [0, 0], sizes = [1000, 32], strides = [1, 1]} : vector<1000x128xf32> to vector<1000x32xf32>
    %slice3A_44 = vector.extract_strided_slice %get3A_4 {offsets = [0, 0], sizes = [1000, 32], strides = [1, 1]} : vector<1000x384xf32> to vector<1000x32xf32>
    %slice3A_45 = vector.extract_strided_slice %get3A_4 {offsets = [0, 128], sizes = [1000, 256], strides = [1, 1]} : vector<1000x384xf32> to vector<1000x256xf32>
    %slice3A_46 = vector.extract_strided_slice %slice3A_45 {offsets = [0, 0], sizes = [1000, 32], strides = [1, 1]} : vector<1000x256xf32> to vector<1000x32xf32>
    %slice3A_47 = vector.extract_strided_slice %get3A_4 {offsets = [0, 256], sizes = [1000, 128], strides = [1, 1]} : vector<1000x384xf32> to vector<1000x128xf32>
    %slice3A_48 = vector.extract_strided_slice %slice3A_47 {offsets = [0, 0], sizes = [1000, 32], strides = [1, 1]} : vector<1000x128xf32> to vector<1000x32xf32>
    %concatenate3A_49 = tpu.concatenate %slice3A_43, %slice3A_44, %slice3A_46, %slice3A_48 in 1 : vector<1000x32xf32>, vector<1000x32xf32>, vector<1000x32xf32>, vector<1000x32xf32> -> vector<1000x128xf32>
    %swap3A_50 = arith.constant 0 : index
    %swap3A_51 = arith.constant 0 : index
    %swap3A_52 = arith.constant 0 : index
    %swap3A_53 = vector.load %arg8[%swap3A_50, %swap3A_51, %swap3A_52] : memref<4x1000x128xf32, #tpu.memory_space<vmem>>, vector<1x1000x128xf32>
    %swap3A_54 = vector.shape_cast %swap3A_53 : vector<1x1000x128xf32> to vector<1000x128xf32>
    %swap3A_55 = vector.shape_cast %concatenate3A_49 : vector<1000x128xf32> to vector<1x1000x128xf32>
    tpu.vector_store %arg8[%swap3A_50, %swap3A_51, %swap3A_52], %swap3A_55 {strides = array<i32>} : memref<4x1000x128xf32, #tpu.memory_space<vmem>>, vector<1x1000x128xf32>,
    %slice3A_56 = vector.extract_strided_slice %add3A_27 {offsets = [0, 32], sizes = [1000, 32], strides = [1, 1]} : vector<1000x384xf32> to vector<1000x32xf32>
    %slice3A_57 = vector.extract_strided_slice %add3A_27 {offsets = [0, 128], sizes = [1000, 256], strides = [1, 1]} : vector<1000x384xf32> to vector<1000x256xf32>
    %slice3A_58 = vector.extract_strided_slice %slice3A_57 {offsets = [0, 32], sizes = [1000, 32], strides = [1, 1]} : vector<1000x256xf32> to vector<1000x32xf32>
    %slice3A_59 = vector.extract_strided_slice %add3A_27 {offsets = [0, 256], sizes = [1000, 128], strides = [1, 1]} : vector<1000x384xf32> to vector<1000x128xf32>
    %slice3A_60 = vector.extract_strided_slice %slice3A_59 {offsets = [0, 32], sizes = [1000, 32], strides = [1, 1]} : vector<1000x128xf32> to vector<1000x32xf32>
    %slice3A_61 = vector.extract_strided_slice %get3A_4 {offsets = [0, 32], sizes = [1000, 32], strides = [1, 1]} : vector<1000x384xf32> to vector<1000x32xf32>
    %slice3A_62 = vector.extract_strided_slice %get3A_4 {offsets = [0, 128], sizes = [1000, 256], strides = [1, 1]} : vector<1000x384xf32> to vector<1000x256xf32>
    %slice3A_63 = vector.extract_strided_slice %slice3A_62 {offsets = [0, 32], sizes = [1000, 32], strides = [1, 1]} : vector<1000x256xf32> to vector<1000x32xf32>
    %slice3A_64 = vector.extract_strided_slice %get3A_4 {offsets = [0, 256], sizes = [1000, 128], strides = [1, 1]} : vector<1000x384xf32> to vector<1000x128xf32>
    %slice3A_65 = vector.extract_strided_slice %slice3A_64 {offsets = [0, 32], sizes = [1000, 32], strides = [1, 1]} : vector<1000x128xf32> to vector<1000x32xf32>
    %broadcast_in_dim3A_66 = arith.constant 0.000000e+00 : f32
    %broadcast_in_dim3A_67 = vector.broadcast %broadcast_in_dim3A_66 : f32 to vector<1000x64xf32>
    %concatenate3A_68 = tpu.concatenate %slice3A_56, %slice3A_58, %slice3A_60, %slice3A_61, %slice3A_63, %slice3A_65, %broadcast_in_dim3A_67 in 1 : vector<1000x32xf32>, vector<1000x32xf32>, vector<1000x32xf32>, vector<1000x32xf32>, vector<1000x32xf32>, vector<1000x32xf32>, vector<1000x64xf32> -> vector<1000x256xf32>
    %swap3A_69 = arith.constant 1 : index
    %swap3A_70 = arith.constant 0 : index
    %swap3A_71 = arith.constant 0 : index
    %swap3A_72 = vector.load %arg7[%swap3A_69, %swap3A_70, %swap3A_71] : memref<4x1000x256xf32, #tpu.memory_space<vmem>>, vector<1x1000x256xf32>
    %swap3A_73 = vector.shape_cast %swap3A_72 : vector<1x1000x256xf32> to vector<1000x256xf32>
    %swap3A_74 = vector.shape_cast %concatenate3A_68 : vector<1000x256xf32> to vector<1x1000x256xf32>
    tpu.vector_store %arg7[%swap3A_69, %swap3A_70, %swap3A_71], %swap3A_74 {strides = array<i32>} : memref<4x1000x256xf32, #tpu.memory_space<vmem>>, vector<1x1000x256xf32>,
    %slice3A_75 = vector.extract_strided_slice %get3A_1 {offsets = [0, 32], sizes = [1000, 32], strides = [1, 1]} : vector<1000x128xf32> to vector<1000x32xf32>
    %slice3A_76 = vector.extract_strided_slice %get3A_4 {offsets = [0, 32], sizes = [1000, 32], strides = [1, 1]} : vector<1000x384xf32> to vector<1000x32xf32>
    %slice3A_77 = vector.extract_strided_slice %get3A_4 {offsets = [0, 128], sizes = [1000, 256], strides = [1, 1]} : vector<1000x384xf32> to vector<1000x256xf32>
    %slice3A_78 = vector.extract_strided_slice %slice3A_77 {offsets = [0, 32], sizes = [1000, 32], strides = [1, 1]} : vector<1000x256xf32> to vector<1000x32xf32>
    %slice3A_79 = vector.extract_strided_slice %get3A_4 {offsets = [0, 256], sizes = [1000, 128], strides = [1, 1]} : vector<1000x384xf32> to vector<1000x128xf32>
    %slice3A_80 = vector.extract_strided_slice %slice3A_79 {offsets = [0, 32], sizes = [1000, 32], strides = [1, 1]} : vector<1000x128xf32> to vector<1000x32xf32>
    %concatenate3A_81 = tpu.concatenate %slice3A_75, %slice3A_76, %slice3A_78, %slice3A_80 in 1 : vector<1000x32xf32>, vector<1000x32xf32>, vector<1000x32xf32>, vector<1000x32xf32> -> vector<1000x128xf32>
    %swap3A_82 = arith.constant 1 : index
    %swap3A_83 = arith.constant 0 : index
    %swap3A_84 = arith.constant 0 : index
    %swap3A_85 = vector.load %arg8[%swap3A_82, %swap3A_83, %swap3A_84] : memref<4x1000x128xf32, #tpu.memory_space<vmem>>, vector<1x1000x128xf32>
    %swap3A_86 = vector.shape_cast %swap3A_85 : vector<1x1000x128xf32> to vector<1000x128xf32>
    %swap3A_87 = vector.shape_cast %concatenate3A_81 : vector<1000x128xf32> to vector<1x1000x128xf32>
    tpu.vector_store %arg8[%swap3A_82, %swap3A_83, %swap3A_84], %swap3A_87 {strides = array<i32>} : memref<4x1000x128xf32, #tpu.memory_space<vmem>>, vector<1x1000x128xf32>,
    %slice3A_88 = vector.extract_strided_slice %add3A_27 {offsets = [0, 64], sizes = [1000, 32], strides = [1, 1]} : vector<1000x384xf32> to vector<1000x32xf32>
    %slice3A_89 = vector.extract_strided_slice %add3A_27 {offsets = [0, 128], sizes = [1000, 256], strides = [1, 1]} : vector<1000x384xf32> to vector<1000x256xf32>
    %slice3A_90 = vector.extract_strided_slice %slice3A_89 {offsets = [0, 64], sizes = [1000, 32], strides = [1, 1]} : vector<1000x256xf32> to vector<1000x32xf32>
    %slice3A_91 = vector.extract_strided_slice %add3A_27 {offsets = [0, 256], sizes = [1000, 128], strides = [1, 1]} : vector<1000x384xf32> to vector<1000x128xf32>
    %slice3A_92 = vector.extract_strided_slice %slice3A_91 {offsets = [0, 64], sizes = [1000, 32], strides = [1, 1]} : vector<1000x128xf32> to vector<1000x32xf32>
    %slice3A_93 = vector.extract_strided_slice %get3A_4 {offsets = [0, 64], sizes = [1000, 32], strides = [1, 1]} : vector<1000x384xf32> to vector<1000x32xf32>
    %slice3A_94 = vector.extract_strided_slice %get3A_4 {offsets = [0, 128], sizes = [1000, 256], strides = [1, 1]} : vector<1000x384xf32> to vector<1000x256xf32>
    %slice3A_95 = vector.extract_strided_slice %slice3A_94 {offsets = [0, 64], sizes = [1000, 32], strides = [1, 1]} : vector<1000x256xf32> to vector<1000x32xf32>
    %slice3A_96 = vector.extract_strided_slice %get3A_4 {offsets = [0, 256], sizes = [1000, 128], strides = [1, 1]} : vector<1000x384xf32> to vector<1000x128xf32>
    %slice3A_97 = vector.extract_strided_slice %slice3A_96 {offsets = [0, 64], sizes = [1000, 32], strides = [1, 1]} : vector<1000x128xf32> to vector<1000x32xf32>
    %broadcast_in_dim3A_98 = arith.constant 0.000000e+00 : f32
    %broadcast_in_dim3A_99 = vector.broadcast %broadcast_in_dim3A_98 : f32 to vector<1000x64xf32>
    %concatenate3A_100 = tpu.concatenate %slice3A_88, %slice3A_90, %slice3A_92, %slice3A_93, %slice3A_95, %slice3A_97, %broadcast_in_dim3A_99 in 1 : vector<1000x32xf32>, vector<1000x32xf32>, vector<1000x32xf32>, vector<1000x32xf32>, vector<1000x32xf32>, vector<1000x32xf32>, vector<1000x64xf32> -> vector<1000x256xf32>
    %swap3A_101 = arith.constant 2 : index
    %swap3A_102 = arith.constant 0 : index
    %swap3A_103 = arith.constant 0 : index
    %swap3A_104 = vector.load %arg7[%swap3A_101, %swap3A_102, %swap3A_103] : memref<4x1000x256xf32, #tpu.memory_space<vmem>>, vector<1x1000x256xf32>
    %swap3A_105 = vector.shape_cast %swap3A_104 : vector<1x1000x256xf32> to vector<1000x256xf32>
    %swap3A_106 = vector.shape_cast %concatenate3A_100 : vector<1000x256xf32> to vector<1x1000x256xf32>
    tpu.vector_store %arg7[%swap3A_101, %swap3A_102, %swap3A_103], %swap3A_106 {strides = array<i32>} : memref<4x1000x256xf32, #tpu.memory_space<vmem>>, vector<1x1000x256xf32>,
    %slice3A_107 = vector.extract_strided_slice %get3A_1 {offsets = [0, 64], sizes = [1000, 32], strides = [1, 1]} : vector<1000x128xf32> to vector<1000x32xf32>
    %slice3A_108 = vector.extract_strided_slice %get3A_4 {offsets = [0, 64], sizes = [1000, 32], strides = [1, 1]} : vector<1000x384xf32> to vector<1000x32xf32>
    %slice3A_109 = vector.extract_strided_slice %get3A_4 {offsets = [0, 128], sizes = [1000, 256], strides = [1, 1]} : vector<1000x384xf32> to vector<1000x256xf32>
    %slice3A_110 = vector.extract_strided_slice %slice3A_109 {offsets = [0, 64], sizes = [1000, 32], strides = [1, 1]} : vector<1000x256xf32> to vector<1000x32xf32>
    %slice3A_111 = vector.extract_strided_slice %get3A_4 {offsets = [0, 256], sizes = [1000, 128], strides = [1, 1]} : vector<1000x384xf32> to vector<1000x128xf32>
    %slice3A_112 = vector.extract_strided_slice %slice3A_111 {offsets = [0, 64], sizes = [1000, 32], strides = [1, 1]} : vector<1000x128xf32> to vector<1000x32xf32>
    %concatenate3A_113 = tpu.concatenate %slice3A_107, %slice3A_108, %slice3A_110, %slice3A_112 in 1 : vector<1000x32xf32>, vector<1000x32xf32>, vector<1000x32xf32>, vector<1000x32xf32> -> vector<1000x128xf32>
    %swap3A_114 = arith.constant 2 : index
    %swap3A_115 = arith.constant 0 : index
    %swap3A_116 = arith.constant 0 : index
    %swap3A_117 = vector.load %arg8[%swap3A_114, %swap3A_115, %swap3A_116] : memref<4x1000x128xf32, #tpu.memory_space<vmem>>, vector<1x1000x128xf32>
    %swap3A_118 = vector.shape_cast %swap3A_117 : vector<1x1000x128xf32> to vector<1000x128xf32>
    %swap3A_119 = vector.shape_cast %concatenate3A_113 : vector<1000x128xf32> to vector<1x1000x128xf32>
    tpu.vector_store %arg8[%swap3A_114, %swap3A_115, %swap3A_116], %swap3A_119 {strides = array<i32>} : memref<4x1000x128xf32, #tpu.memory_space<vmem>>, vector<1x1000x128xf32>,
    %slice3A_120 = vector.extract_strided_slice %add3A_27 {offsets = [0, 96], sizes = [1000, 32], strides = [1, 1]} : vector<1000x384xf32> to vector<1000x32xf32>
    %slice3A_121 = vector.extract_strided_slice %add3A_27 {offsets = [0, 128], sizes = [1000, 256], strides = [1, 1]} : vector<1000x384xf32> to vector<1000x256xf32>
    %slice3A_122 = vector.extract_strided_slice %slice3A_121 {offsets = [0, 96], sizes = [1000, 32], strides = [1, 1]} : vector<1000x256xf32> to vector<1000x32xf32>
    %slice3A_123 = vector.extract_strided_slice %add3A_27 {offsets = [0, 256], sizes = [1000, 128], strides = [1, 1]} : vector<1000x384xf32> to vector<1000x128xf32>
    %slice3A_124 = vector.extract_strided_slice %slice3A_123 {offsets = [0, 96], sizes = [1000, 32], strides = [1, 1]} : vector<1000x128xf32> to vector<1000x32xf32>
    %slice3A_125 = vector.extract_strided_slice %get3A_4 {offsets = [0, 96], sizes = [1000, 32], strides = [1, 1]} : vector<1000x384xf32> to vector<1000x32xf32>
    %slice3A_126 = vector.extract_strided_slice %get3A_4 {offsets = [0, 128], sizes = [1000, 256], strides = [1, 1]} : vector<1000x384xf32> to vector<1000x256xf32>
    %slice3A_127 = vector.extract_strided_slice %slice3A_126 {offsets = [0, 96], sizes = [1000, 32], strides = [1, 1]} : vector<1000x256xf32> to vector<1000x32xf32>
    %slice3A_128 = vector.extract_strided_slice %get3A_4 {offsets = [0, 256], sizes = [1000, 128], strides = [1, 1]} : vector<1000x384xf32> to vector<1000x128xf32>
    %slice3A_129 = vector.extract_strided_slice %slice3A_128 {offsets = [0, 96], sizes = [1000, 32], strides = [1, 1]} : vector<1000x128xf32> to vector<1000x32xf32>
    %broadcast_in_dim3A_130 = arith.constant 0.000000e+00 : f32
    %broadcast_in_dim3A_131 = vector.broadcast %broadcast_in_dim3A_130 : f32 to vector<1000x64xf32>
    %concatenate3A_132 = tpu.concatenate %slice3A_120, %slice3A_122, %slice3A_124, %slice3A_125, %slice3A_127, %slice3A_129, %broadcast_in_dim3A_131 in 1 : vector<1000x32xf32>, vector<1000x32xf32>, vector<1000x32xf32>, vector<1000x32xf32>, vector<1000x32xf32>, vector<1000x32xf32>, vector<1000x64xf32> -> vector<1000x256xf32>
    %swap3A_133 = arith.constant 3 : index
    %swap3A_134 = arith.constant 0 : index
    %swap3A_135 = arith.constant 0 : index
    %swap3A_136 = vector.load %arg7[%swap3A_133, %swap3A_134, %swap3A_135] : memref<4x1000x256xf32, #tpu.memory_space<vmem>>, vector<1x1000x256xf32>
    %swap3A_137 = vector.shape_cast %swap3A_136 : vector<1x1000x256xf32> to vector<1000x256xf32>
    %swap3A_138 = vector.shape_cast %concatenate3A_132 : vector<1000x256xf32> to vector<1x1000x256xf32>
    tpu.vector_store %arg7[%swap3A_133, %swap3A_134, %swap3A_135], %swap3A_138 {strides = array<i32>} : memref<4x1000x256xf32, #tpu.memory_space<vmem>>, vector<1x1000x256xf32>,
    %slice3A_139 = vector.extract_strided_slice %get3A_1 {offsets = [0, 96], sizes = [1000, 32], strides = [1, 1]} : vector<1000x128xf32> to vector<1000x32xf32>
    %slice3A_140 = vector.extract_strided_slice %get3A_4 {offsets = [0, 96], sizes = [1000, 32], strides = [1, 1]} : vector<1000x384xf32> to vector<1000x32xf32>
    %slice3A_141 = vector.extract_strided_slice %get3A_4 {offsets = [0, 128], sizes = [1000, 256], strides = [1, 1]} : vector<1000x384xf32> to vector<1000x256xf32>
    %slice3A_142 = vector.extract_strided_slice %slice3A_141 {offsets = [0, 96], sizes = [1000, 32], strides = [1, 1]} : vector<1000x256xf32> to vector<1000x32xf32>
    %slice3A_143 = vector.extract_strided_slice %get3A_4 {offsets = [0, 256], sizes = [1000, 128], strides = [1, 1]} : vector<1000x384xf32> to vector<1000x128xf32>
    %slice3A_144 = vector.extract_strided_slice %slice3A_143 {offsets = [0, 96], sizes = [1000, 32], strides = [1, 1]} : vector<1000x128xf32> to vector<1000x32xf32>
    %concatenate3A_145 = tpu.concatenate %slice3A_139, %slice3A_140, %slice3A_142, %slice3A_144 in 1 : vector<1000x32xf32>, vector<1000x32xf32>, vector<1000x32xf32>, vector<1000x32xf32> -> vector<1000x128xf32>
    %swap3A_146 = arith.constant 3 : index
    %swap3A_147 = arith.constant 0 : index
    %swap3A_148 = arith.constant 0 : index
    %swap3A_149 = vector.load %arg8[%swap3A_146, %swap3A_147, %swap3A_148] : memref<4x1000x128xf32, #tpu.memory_space<vmem>>, vector<1x1000x128xf32>
    %swap3A_150 = vector.shape_cast %swap3A_149 : vector<1x1000x128xf32> to vector<1000x128xf32>
    %swap3A_151 = vector.shape_cast %concatenate3A_145 : vector<1000x128xf32> to vector<1x1000x128xf32>
    tpu.vector_store %arg8[%swap3A_146, %swap3A_147, %swap3A_148], %swap3A_151 {strides = array<i32>} : memref<4x1000x128xf32, #tpu.memory_space<vmem>>, vector<1x1000x128xf32>,
    return
  }
  func.func @transform_0(%arg0: i32) -> (i32, i32) {
    %c0_i32 = arith.constant 0 : i32
    %c0_i32_0 = arith.constant 0 : i32
    return %arg0, %c0_i32 : i32, i32
  }
  func.func @transform_1(%arg0: i32) -> (i32, i32) {
    %c0_i32 = arith.constant 0 : i32
    %c0_i32_0 = arith.constant 0 : i32
    return %arg0, %c0_i32 : i32, i32
  }
  func.func @transform_2(%arg0: i32) -> (i32, i32) {
    %c0_i32 = arith.constant 0 : i32
    %c0_i32_0 = arith.constant 0 : i32
    %c0_i32_1 = arith.constant 0 : i32
    return %c0_i32, %c0_i32_0 : i32, i32
  }
  func.func @transform_3(%arg0: i32) -> (i32, i32) {
    %c0_i32 = arith.constant 0 : i32
    %c0_i32_0 = arith.constant 0 : i32
    %c0_i32_1 = arith.constant 0 : i32
    return %c0_i32, %c0_i32_0 : i32, i32
  }
  func.func @transform_4(%arg0: i32) -> (i32, i32) {
    %c0_i32 = arith.constant 0 : i32
    %c0_i32_0 = arith.constant 0 : i32
    %c0_i32_1 = arith.constant 0 : i32
    return %c0_i32, %c0_i32_0 : i32, i32
  }
  func.func @transform_5(%arg0: i32) -> (i32, i32) {
    %c0_i32 = arith.constant 0 : i32
    %c0_i32_0 = arith.constant 0 : i32
    %c0_i32_1 = arith.constant 0 : i32
    return %c0_i32, %c0_i32_0 : i32, i32
  }
  func.func @transform_6(%arg0: i32) -> (i32, i32, i32) {
    %c0_i32 = arith.constant 0 : i32
    %c0_i32_0 = arith.constant 0 : i32
    %c0_i32_1 = arith.constant 0 : i32
    return %c0_i32, %arg0, %c0_i32_0 : i32, i32, i32
  }
  func.func @transform_7(%arg0: i32) -> (i32, i32, i32) {
    %c0_i32 = arith.constant 0 : i32
    %c0_i32_0 = arith.constant 0 : i32
    %c0_i32_1 = arith.constant 0 : i32
    return %c0_i32, %arg0, %c0_i32_0 : i32, i32, i32
  }
}

</mosaic_0001>

<sc_bundles>
// kernel: kernel.5.cloned.1.call-start
scs
__scs_entry_jumppad:
0x0: {  	(pc) =	sbr.rel $0x88, $3  }
0x1: {  	(tag) =	ssettag $0x0;
	lr =	simm.s32 $0x1  }
0x2: {  	[smem:$0x3F96] =	sst lr;
	_ =	strace $0xD0000000  }
0x3: {  	_ = 	snop  }
0x4: {  	_ = 	snop  }
0x5: {  	_ = 	snop  }
0x6: {  	_ = 	snop  }
0x7: {  	_ = 	snop  }
__scs_overlays_trampoline_lowered:
0x8: {  	[smem:$0x3FA5] =	sst s0  }
0x9: {  	[smem:$0x3FA6] =	sst s1  }
0xa: {  	[smem:$0x3FA7] =	sst s2  }
0xb: {  	[smem:$0x3FA8] =	sst s3  }
0xc: {  	[smem:$0x3FA9] =	sst s4  }
0xd: {  	[smem:$0x3FAA] =	sst s5  }
0xe: {  	[smem:$0x3FAB] =	sst s6  }
0xf: {  	[smem:$0x3FAC] =	sst s7  }
0x10: {  	[smem:$0x3FAD] =	sst s8  }
0x11: {  	[smem:$0x3FAE] =	sst s9;
	s0 =	simm.s32 @!p0 $0x0  }
0x12: {  	s1 =	sld [smem:$0x3F94];
	s0 =	simm.s32 @p0 $0x1  }
0x13: {  	[smem:$0x3FAF] =	sst s0;
	s0 =	simm.s32 @!p1 $0x0  }
0x14: {  	s2 =	sld [smem:$0x3F93];
	s0 =	simm.s32 @p1 $0x1  }
0x15: {  	[smem:$0x3FB0] =	sst s0;
	s0 =	simm.s32 @!p2 $0x0  }
0x16: {  	s3 =	sld [smem:$0x3FDB];
	s0 =	simm.s32 @p2 $0x1  }
0x17: {  	s4 =	simm.s32 $0x1BF5;
	[smem:$0x3FB2] =	sst s0  }
0x18: {  	s0 =	sld [smem:$0x3F95];
	_ =	swait.ge [sflag:s4], $0x0  }
0x19: {  	s7 =	sld [smem:$0x3F96]  }
0x1a: {  	s8 =	sadd.s32 $0xFFFFE003, lr  }
0x1b: {  	s9 =	sadd.s32 $0xFFFFFEF7, lr;
	s5 =	simm.s32 $0xFFFFFFFF;
	p2 =	slt.u32 s8, $0xFFFFF086  }
0x1c: {  	p1 =	slt.u32 s9, $0xF7A;
	s5 =	simm.s32 @!p2 $0x0  }
0x1d: {  	s5 =	simm.s32 @p1 $0x1;
	p0 =	seq.s32 s7, s2  }
0x1e: {  	s7 =	smul.u32 @!p0 $0xF7A, s2;
	p2 =	seq.s32 @!p0 s5, $0x0  }
0x1f: {  	s9 =	smul.u32 $0xF7A, s1;
	s8 =	simm.s32 @!p0 $0x1BF5;
	p2 =	por !p2, p0  }
0x20: {  	[sflag:s8] =	ssyncset.s32 @!p0 $0xFFFFF086;
	s6 =	sadd.s32 @!p0 s3, s7;
	s7 =	simm.s32 @!p0 $0x108  }
0x21: {  	s3 =	sadd.s32 s3, s9;
	s6 =	sadd.s32 @!p0 $0x88, s6;
	s7 =	simm.s32 @p2 $0x1082  }
0x22: {  	[simem:s7], [sflag:s8] =	dma.local @!p0 [hbm:s6], $0xF7A  }
0x23: {  	s9 =	sor.u32 $0xD0000000, s2;
	s6 =	simm.s32 $0x108;
	_ =	swait.ge @!p0 [sflag:s8], $0x0  }
0x24: {  	s3 =	sadd.s32 $0x88, s3;
	s6 =	simm.s32 @!p1 $0x1082;
	[sflag:s4] =	ssyncset.s32 $0xFFFFF086  }
0x25: {  	[simem:s6], [sflag:s4] =	dma.local [hbm:s3], $0xF7A  }
0x26: {  	[smem:$0x3F96] =	sst s1;
	(tag) =	ssettag s2;
	_ =	strace s9  }
0x27: {  	s1 =	sld [smem:$0x3FA6]  }
0x28: {  	s2 =	sld [smem:$0x3FA7]  }
0x29: {  	s4 =	sld [smem:$0x3FA9]  }
0x2a: {  	p0 =	seq.s32 s5, $0x0;
	s5 =	sld [smem:$0x3FAA]  }
0x2b: {  	s6 =	sld [smem:$0x3FAB]  }
0x2c: {  	s7 =	sld [smem:$0x3FAC]  }
0x2d: {  	s3 =	simm.s32 $0x108;
	s8 =	sld [smem:$0x3FAD]  }
0x2e: {  	s3 =	simm.s32 @!p0 $0x1082;
	s9 =	sld [smem:$0x3FAE]  }
0x2f: {  	lr =	sadd.s32 s0, s3;
	s0 =	sld [smem:$0x3FA5]  }
0x30: {  	s3 =	sld [smem:$0x3FA8]  }
0x31: {  	[smem:$0x3FB1] =	sst s10  }
0x32: {  	s10 =	sld [smem:$0x3FAF];
	_ =	sdelay $0x3  }
0x33: {  	p0 =	seq.s32 s10, $0x1;
	s10 =	sld [smem:$0x3FB1];
	_ =	sdelay $0x3  }
0x34: {  	[smem:$0x3FB1] =	sst s10  }
0x35: {  	s10 =	sld [smem:$0x3FB0];
	_ =	sdelay $0x3  }
0x36: {  	p1 =	seq.s32 s10, $0x1;
	s10 =	sld [smem:$0x3FB1];
	_ =	sdelay $0x3  }
0x37: {  	[smem:$0x3FB1] =	sst s10  }
0x38: {  	s10 =	sld [smem:$0x3FB2]  }
0x39: {  	_ = 	snop;
	(pc) =	sbr.ind lr, $3  }
0x3a: {  	_ = 	snop  }
0x3b: {  	_ = 	snop  }
0x3c: {  	p2 =	seq.s32 s10, $0x1;
	s10 =	sld [smem:$0x3FB1]  }
0x3d: {  	_ =	shalt  }
0x3e: {  	_ =	shalt  }
0x3f: {  	_ =	shalt  }
0x40: {  	_ =	shalt  }
0x41: {  	_ =	shalt  }
0x42: {  	_ =	shalt  }
0x43: {  	_ =	shalt  }
0x44: {  	_ =	shalt  }
0x45: {  	_ =	shalt  }
0x46: {  	_ =	shalt  }
0x47: {  	_ =	shalt  }
0x48: {  	_ =	shalt  }
0x49: {  	_ =	shalt  }
0x4a: {  	_ =	shalt  }
0x4b: {  	_ =	shalt  }
0x4c: {  	_ =	shalt  }
0x4d: {  	_ =	shalt  }
0x4e: {  	_ =	shalt  }
0x4f: {  	_ =	shalt  }
0x50: {  	_ =	shalt  }
0x51: {  	_ =	shalt  }
0x52: {  	_ =	shalt  }
0x53: {  	_ =	shalt  }
0x54: {  	_ =	shalt  }
0x55: {  	_ =	shalt  }
0x56: {  	_ =	shalt  }
0x57: {  	_ =	shalt  }
0x58: {  	_ =	shalt  }
0x59: {  	_ =	shalt  }
0x5a: {  	_ =	shalt  }
0x5b: {  	_ =	shalt  }
0x5c: {  	_ =	shalt  }
0x5d: {  	_ =	shalt  }
0x5e: {  	_ =	shalt  }
0x5f: {  	_ =	shalt  }
0x60: {  	_ =	shalt  }
0x61: {  	_ =	shalt  }
0x62: {  	_ =	shalt  }
0x63: {  	_ =	shalt  }
0x64: {  	_ =	shalt  }
0x65: {  	_ =	shalt  }
0x66: {  	_ =	shalt  }
0x67: {  	_ =	shalt  }
0x68: {  	_ =	shalt  }
0x69: {  	_ =	shalt  }
0x6a: {  	_ =	shalt  }
0x6b: {  	_ =	shalt  }
0x6c: {  	_ =	shalt  }
0x6d: {  	_ =	shalt  }
0x6e: {  	_ =	shalt  }
0x6f: {  	_ =	shalt  }
0x70: {  	_ =	shalt  }
0x71: {  	_ =	shalt  }
0x72: {  	_ =	shalt  }
0x73: {  	_ =	shalt  }
0x74: {  	_ =	shalt  }
0x75: {  	_ =	shalt  }
0x76: {  	_ =	shalt  }
0x77: {  	_ =	shalt  }
0x78: {  	_ =	shalt  }
0x79: {  	_ =	shalt  }
0x7a: {  	_ =	shalt  }
0x7b: {  	_ =	shalt  }
0x7c: {  	_ =	shalt  }
0x7d: {  	_ =	shalt  }
0x7e: {  	_ =	shalt  }
0x7f: {  	_ =	shalt  }
0x80: {  	_ =	shalt  }
0x81: {  	_ =	shalt  }
0x82: {  	_ =	shalt  }
0x83: {  	_ =	shalt  }
0x84: {  	_ =	shalt  }
0x85: {  	_ =	shalt  }
0x86: {  	_ =	shalt  }
0x87: {  	_ =	shalt  }
.Lfunc_end0:
.L_simem_size_0:
called_computation_lowered:
.L_overlay_start_0:
0x88: {  	s2 =	sld [smem:$0x3FD9]  }
0x89: {  	s3 =	sld [smem:$0x3FFE];
	_ =	sdelay $0x1  }
0x8a: {  	s1 =	srdreg.scid  }
0x8b: {  	s0 =	sand.u32 $0x1, s1  }
0x8c: {  	s14 =	sshll.u32 s0, $0xA;
	s2 =	sadd.s32 s3, s2  }
0x8d: {  	s2 =	sadd.s32 s2, s14  }
0x8e: {  	[smem:$0x3FBD] =	sst s2  }
0x8f: {  	_ = 	snop  }
0x90: {  	s2 =	sld [smem:$0x3FD0];
	_ =	sdelay $0x2  }
0x91: {  	s15 =	simm.s32 $0xA;
	s4 =	simm.s32 $0x10  }
0x92: {  	[smem:s4], [sflag:s15] =	dma.local [hbm:s2], $0x1  }
0x93: {  	_ =	swait.eq [sflag:s15], $0x1  }
0x94: {  	[sflag:s15] =	ssyncset.done $0x0  }
0x95: {  	s16 =	sld [smem:$0x10];
	[sflag:s15] =	ssyncadd.s32 $0xFFFFFFFF  }
0x96: {  	s17 =	sld [smem:$0x11];
	(tm) =	ssettm $0x1  }
0x97: {  	s18 =	sld [smem:$0x3FFB];
	_ =	sdelay $0x3  }
0x98: {  	_ =	strace s18  }
0x99: {  	s4 =	sld [smem:$0x3FFC];
	_ =	sdelay $0x3  }
0x9a: {  	_ =	strace s4  }
0x9b: {  	s4 =	sld [smem:$0x3FFD];
	_ =	sdelay $0x3  }
0x9c: {  	_ =	strace s4  }
0x9d: {  	_ =	strace $0x8FFFFFFF  }
0x9e: {  	s19 =	sld [smem:$0x3FDB];
	_ =	sdelay $0x1  }
0x9f: {  	s5 =	simm.s32 $_scs_section_size  }
0xa0: {  	s6 =	simm.s32 $_size__tile_overlayer_lowered;
	s7 =	simm.s32 $_tile_overlayer_lowered  }
0xa1: {  	s22 =	simm.s32 $0x1BFF;
	s21 =	sshll.u32 s7, $0x1;
	s4 =	sadd.s32 s5, s19  }
0xa2: {  	s8 =	simm.s32 $0x0;
	s20 =	sshll.u32 s6, $0x1;
	s6 =	sadd.s32 s21, s4  }
0xa3: {  	[timem:s8], [sflag:s22] =	dma.local [hbm:s6], s20  }
0xa4: {  	_ =	swait.ge [sflag:s22], s20  }
0xa5: {  	s5 =	ssub.s32 $0x0, s20;
	[sflag:s22] =	ssyncset.done $0x0  }
0xa6: {  	[sflag:s22] =	ssyncadd.s32 s5;
	_ =	sdelay $0x1  }
0xa7: {  	s23 =	simm.s32 $0x1B8B  }
0xa8: {  	_ =	swait.ge [sflag:s23], $0x1  }
0xa9: {  	[sflag:s23] =	ssyncset.done $0x0  }
0xaa: {  	s25 =	simm.s32 $0x1B8E;
	s24 =	sld [smem:$0x3FFE];
	[sflag:s23] =	ssyncadd.s32 $0xFFFFFFFF  }
0xab: {  	s26 =	simm.s32 $execute0_lowered;
	[smem:$0x3FD2] =	sst s25  }
0xac: {  	s6 =	sshll.u32 s26, $0x1;
	_ =	strace $0x80000046;
	[dreg:$0x1] =	wrdreg $0xFFFFFFFF  }
0xad: {  	s28 =	simm.s32 $_size_execute0_lowered;
	s4 =	sadd.s32 s4, s6;
	[dreg:$0x0] =	wrdreg $0x0  }
0xae: {  	s6 =	sshll.u32 s28, $0x1;
	[dreg:$0x2] =	wrdreg s4  }
0xaf: {  	[dreg:$0x3] =	wrdreg s6  }
0xb0: {  	[dreg:$0x4] =	wrdreg $0xC0  }
0xb1: {  	_ =	task [dreg:s8], $0x5FFFF  }
0xb2: {  	[dreg:$0x1] =	wrdreg $0xFFFFFFFF  }
0xb3: {  	[dreg:$0x0] =	wrdreg $0x60  }
0xb4: {  	[dreg:$0x2] =	wrdreg s24  }
0xb5: {  	[dreg:$0x3] =	wrdreg s16  }
0xb6: {  	[dreg:$0x4] =	wrdreg s17  }
0xb7: {  	[dreg:$0x5] =	wrdreg $0x0  }
0xb8: {  	[dreg:$0x6] =	wrdreg $0x9  }
0xb9: {  	_ =	task.clear_ibuf [dreg:s8], $0x7FFFF;
	_ =	strace $0x90000046  }
0xba: {  	s29 =	simm.s32 $0x9;
	_ =	strace $0x80000048  }
0xbb: {  	_ =	swait.ge [sflag:s29], $0x1  }
0xbc: {  	[sflag:s29] =	ssyncadd.s32 $0xFFFFFFFF  }
0xbd: {  	_ =	strace $0x90000048  }
0xbe: {  	_ =	sfence  }
0xbf: {  	s30 =	sld [smem:$0x0];
	_ =	sdelay $0x2  }
0xc0: {  	s31 =	sshll.u32 s1, $0xD;
	s1 =	sshrl.u32 s1, $0x2  }
0xc1: {  	s3 =	sand.u32 $0x4000, s31;
	s1 =	sadd.s32 s1, s30  }
0xc2: {  	s0 =	sor.u32 s3, s0;
	s1 =	sshll.u32 s1, $0x11  }
0xc3: {  	s0 =	sor.u32 s1, s0  }
0xc4: {  	s0 =	sadd.s32 $0x8F2B, s0  }
0xc5: {  	[sflag:s0] =	ssyncadd.remote.s32 $0x1  }
0xc6: {  	_ =	sfence.sel $0xFFFF  }
0xc7: {  	[dreg:$0x0] =	wrdreg $0xFFFFFFFF;
	(pc) =	sbr.abs _section_cstart, $3  }
0xc8: {  	[dreg:$0x1] =	wrdreg $0xFFFFFFFF  }
0xc9: {  	_ =	task.clear_ibuf [dreg:s8], $0x2FFFF;
	_ =	strace $0x9FFFFFFF  }
0xca: {  	(tm) =	ssettm $0x7FFFFFFF  }
0xcb: {  	_ =	shalt  }
tec
execute0_lowered:
.L_overlay_start_1:
0x0: {  	(tag) =	ssettag $0x1  }
0x1: {  	s0 =	rddreg [dreg:$0x0]  }
0x2: {  	s15 =	rddreg [dreg:$0x1]  }
0x3: {  	s16 =	rddreg [dreg:$0x2];
	s2 =	stileid.u32  }
0x4: {  	s17 =	rddreg [dreg:$0x3];
	s3 =	smul.u32 $0x270, s2  }
0x5: {  	s4 =	simm.s32 $0x0;
	s1 =	srdreg.scid;
	s7 =	smul.u32 $0x4E000, s2  }
0x6: {  	s1 =	sand.u32 $0x1, s1;
	s18 =	sadd.s32 $0x4E5400, s0;
	s20 =	smul.u32 $0x2710, s2  }
0x7: {  	s11 =	sshll.u32 s2, $0x6;
	p0 =	sne.s32 s2, $0x0;
	s2 =	smul.u32 $0x27100, s2  }
0x8: {  	[smem:$0x7FF] =	sst s4;
	s19 =	sadd.s32 $0xEA9400, s0;
	s9 =	smul.u32 $0x4E20, s1  }
0x9: {  	s5 =	sadd.s32 $0x3400, s0;
	s10 =	sadd.s32 $0x13BC00, s0;
	s30 =	smul.u32 $0x271000, s1  }
0xa: {  	_ =	strace $0x80000047;
	s6 =	ssub.s32 $0x2, s1;
	s13 =	smul.u32 $0x4E200, s1  }
0xb: {  	s1 =	sshllo.u32 s1, $0x1;
	s21 =	sor.u32 $0x1C07, s11;
	[dreg:$0x5] =	wrdreg s19  }
0xc: {  	s8 =	sshrl.u32 s6, $0x1;
	s7 =	sshrl.u32 s7, $0x2;
	s12 =	smul.u32 $0x2710, s1  }
0xd: {  	s14 =	smul.u32 $0x138800, s1;
	s2 =	sadd.s32 s19, s2;
	[dreg:$0x9] =	wrdreg s21  }
0xe: {  	s1 =	smul.u32 $0x27100, s1;
	s19 =	sadd.s32 $0x78, s20;
	[dreg:$0x7] =	wrdreg s13  }
0xf: {  	s6 =	ssub.s32 s6, s8;
	s29 =	sadd.s32 s3, s9;
	[dreg:$0x14] =	wrdreg s2  }
0x10: {  	s7 =	sadd.s32 s7, s17;
	s9 =	sshrl.u32 s30, $0x3;
	[dreg:$0x1c] =	wrdreg s19  }
0x11: {  	s13 =	sadd.s32 s20, s13;
	[dreg:$0x6] =	wrdreg s7;
	s31 =	sshll.u32 s29, $0x4  }
0x12: {  	s3 =	sadd.s32 s3, s12;
	s12 =	sadd.s32 $0x50, s13;
	[dreg:$0x17] =	wrdreg s1  }
0x13: {  	s24 =	sshrl.u32 s14, $0x3;
	s14 =	sadd.s32 $0x78, s13;
	[dreg:$0x19] =	wrdreg s12  }
0x14: {  	s9 =	sadd.s32 $0x27000, s9;
	s8 =	sadd.s32 s10, s31;
	[dreg:$0x1a] =	wrdreg s14  }
0x15: {  	s23 =	sshrl.u32 s13, $0x3;
	s22 =	sadd.s32 s10, s9;
	[dreg:$0x8] =	wrdreg s8  }
0x16: {  	s0 =	sadd.s32 $0x1D8000, s0;
	s11 =	sadd.s32 s15, s23;
	[dreg:$0xa] =	wrdreg s22  }
0x17: {  	s7 =	sadd.s32 s0, s31;
	[dreg:$0xb] =	wrdreg s11  }
0x18: {  	s3 =	sshll.u32 s3, $0x4;
	s9 =	sadd.s32 s0, s9;
	[dreg:$0xc] =	wrdreg s7  }
0x19: {  	s25 =	sadd.s32 $0x27000, s24;
	[dreg:$0xd] =	wrdreg s9;
	s26 =	sadd.s32 s10, s3  }
0x1a: {  	s29 =	sadd.s32 s10, s25;
	[dreg:$0xe] =	wrdreg s26  }
0x1b: {  	s3 =	sadd.s32 s0, s3;
	[dreg:$0xf] =	wrdreg s29  }
0x1c: {  	s31 =	sshll.u32 s13, $0x4;
	s0 =	sadd.s32 s0, s25;
	[dreg:$0x10] =	wrdreg s3  }
0x1d: {  	s28 =	simm.s32 $0x4;
	s7 =	sadd.s32 s18, s31;
	[dreg:$0x11] =	wrdreg s0  }
0x1e: {  	s30 =	sshrl.u32 s20, $0x3;
	s10 =	sadd.s32 $0x28, s20;
	[dreg:$0x13] =	wrdreg s7  }
0x1f: {  	s2 =	simm.s32 $0x13A00;
	s31 =	sadd.s32 $0x138000, s17;
	[dreg:$0x15] =	wrdreg s10  }
0x20: {  	s9 =	sadd.s32 $0x28, s13;
	s0 =	sadd.s32 s16, s30;
	[smem:$0x7FD] =	sst s31  }
0x21: {  	s30 =	smax.u32 s6, $0x1;
	[dreg:$0x12] =	wrdreg s0;
	s0 =	sshrl.u32 s9, $0x3  }
0x22: {  	s11 =	sshrl.u32 s10, $0x3;
	[smem:$0x7FC] =	sst s30;
	s0 =	sadd.s32 s15, s0  }
0x23: {  	s12 =	simm.s32 $0x5;
	[dreg:$0x16] =	wrdreg s0;
	s0 =	sadd.s32 s16, s11  }
0x24: {  	s16 =	sadd.s32 $0x50, s20;
	s20 =	sadd.s32 s20, s1;
	[dreg:$0x18] =	wrdreg s0  }
0x25: {  	s26 =	smov.u32 s18;
	[dreg:$0x1b] =	wrdreg s16;
	s1 =	sshrl.u32 s20, $0x3  }
0x26: {  	s22 =	sshll.u32 s20, $0x4;
	s23 =	sadd.s32 $0x28, s20;
	s29 =	sadd.s32 $0x50, s20  }
.Ltmp0:
0x27: {  	s0 =	sadd.s32 $0x78, s20;
	[smem:$0x7FA] =	sst s29;
	(pc) =	sbr.rel .LBB2_1-.Ltmp0, $4  }
0x28: {  	s20 =	simm.s32 $0x6;
	s1 =	sadd.s32 s15, s1;
	[smem:$0x7FB] =	sst s0  }
0x29: {  	v2 =	vlaneseq.u32;
	s24 =	sadd.s32 s18, s22;
	s25 =	sshrl.u32 s23, $0x3;
	[dreg:$0x1d] =	wrdreg s1  }
0x2a: {  	vm0 =	vmmov $0xffff;
	v1 =	vshrl.u32 v2, $0x3;
	s18 =	simm.s32 $0x7;
	[dreg:$0x1e] =	wrdreg s24;
	s1 =	sadd.s32 s15, s25  }
0x2b: {  	v0 =	vand.u32 $0x7, v2;
	v2 =	vor.u32 $0x8, v2;
	v1 =	vmul.u32 $0x8, v1;
	s15 =	simm.s32 $0x3;
	[dreg:$0x1f] =	wrdreg s1;
	s1 =	simm.s32 $0x0  }
.LBB2_19:
0x2c: {  	[bflag:$0x0] =	sbarrier.arrive $0xFFFF  }
0x2d: {  	s1 =	sld [smem:$0x7F8]  }
0x2e: {  	s21 =	rddreg [dreg:$0x9]  }
0x2f: {  	s0 =	rddreg [dreg:$0x10]  }
0x30: {  	[hbm:s0], [sflag:s21] =	dma.local [spmem:s1], $0x2700  }
0x31: {  	_ =	swait.ge [sflag:s18], $0x2700  }
0x32: {  	s1 =	sld [smem:$0x7F9]  }
0x33: {  	[sflag:s18] =	ssyncset.done $0x0  }
0x34: {  	s0 =	rddreg [dreg:$0x11];
	[sflag:s18] =	ssyncadd.s32 $0xFFFFD900  }
0x35: {  	[hbm:s0], [sflag:s21] =	dma.local @!p0 [spmem:s1], $0x100  }
0x36: {  	s0 =	simm.s32 @!p0 $0x7  }
0x37: {  	_ =	swait.ge @!p0 [sflag:s0], $0x100  }
0x38: {  	s30 =	sld [smem:$0x7F7]  }
0x39: {  	s31 =	sld [smem:$0x7FC];
	_ =	sdelay $0x1  }
0x3a: {  	s1 =	sadd.s32 $0x1, s30  }
0x3b: {  	p1 =	sne.s32 s1, s31  }
.Ltmp1:
0x3c: {  	_ = 	snop;
	(pc) =	sbr.rel @!p1 .LBB2_20-.Ltmp1, $3  }
0x3d: {  	[sflag:s0] =	ssyncset.done @!p0 $0x0  }
0x3e: {  	[sflag:s0] =	ssyncadd.s32 @!p0 $0xFFFFFF00  }
0x3f: {  	[bflag:$0x0] =	sbarrier.arrive $0xFFFF;
	_ =	sdelay $0x1  }
.LBB2_1:
0x40: {  	[smem:$0x7F7] =	sst s1  }
0x41: {  	s0 =	rddreg [dreg:$0x6]  }
0x42: {  	s6 =	rddreg [dreg:$0x8];
	s3 =	sshrl.u32 s0, $0x3  }
0x43: {  	[smem:$0x7F8] =	sst s3  }
0x44: {  	[spmem:s3], [sflag:s21] =	dma.local [hbm:s6], $0x2700  }
0x45: {  	_ =	swait.ge [sflag:s18], $0x2700  }
0x46: {  	s0 =	sld [smem:$0x7FD];
	_ =	sdelay $0x2  }
0x47: {  	[sflag:s18] =	ssyncset.done $0x0;
	s1 =	sshrl.u32 @!p0 s0, $0x3;
	s0 =	rddreg [dreg:$0xa]  }
0x48: {  	[sflag:s18] =	ssyncadd.s32 $0xFFFFD900;
	[smem:$0x7F9] =	sst s1  }
0x49: {  	[spmem:s1], [sflag:s21] =	dma.local @!p0 [hbm:s0], $0x100  }
0x4a: {  	s0 =	simm.s32 @!p0 $0x7  }
0x4b: {  	_ =	swait.ge @!p0 [sflag:s0], $0x100  }
0x4c: {  	[sflag:s0] =	ssyncset.done @!p0 $0x0  }
0x4d: {  	[sflag:s0] =	ssyncadd.s32 @!p0 $0xFFFFFF00  }
0x4e: {  	[bflag:$0x0] =	sbarrier.arrive $0xFFFF  }
0x4f: {  	s8 =	simm.s32 $0x13880;
	s7 =	rddreg [dreg:$0xb]  }
0x50: {  	[tilespmem:s8], [sflag:$0x1] =	stream.linear.gather [hbm4b:s7+s4], $0x28, $0x38;
	[tilespmem:$0x1EE80] =	vst v63  }
0x51: {  	s10 =	simm.s32 $0x13980;
	s11 =	simm.s32 $0x1;
	s9 =	rddreg [dreg:$0x12]  }
0x52: {  	[tilespmem:s10], [sflag:$0x3] =	stream.linear.gather [hbm4b:s9+s4], $0x28, $0x38;
	[tilespmem:$0x1EE80] =	vst v63  }
0x53: {  	_ =	swait.ge [sflag:s11], $0x28  }
0x54: {  	[sflag:s11] =	ssyncset.done $0x0  }
0x55: {  	[sflag:s11] =	ssyncadd.s32 $0xFFFFFFD8  }
0x56: {  	v3 =	vld [tilespmem:$0x13880];
	_ =	sdelay $0x4  }
0x57: {  	v4 =	vshll.u32 v3, $0x1  }
0x58: {  	v3 =	vand.u32 $0x7, v3;
	v4 =	vand.u32 $0xFFFFFFF0, v4  }
0x59: {  	v3 =	vor.u32 v3, v4  }
0x5a: {  	v4 =	vperm.xlane v3, v0;
	_ =	sdelay $0x1  }
0x5b: {  	v3 =	vperm.xlane v3, v2;
	v4 =	vadd.s32 v1, v4;
	_ =	sdelay $0x1  }
0x5c: {  	v3 =	vadd.s32 v1, v3;
	_ =	sdelay $0x1  }
0x5d: {  	s13 =	simm.s32 $0x13A80  }
0x5e: {  	[tilespmem:s13], [sflag:$0x5] =	stream.indirect_vreg.gather [hbm4b:s5+s4], $0x80, v4, vm0, $0xb8;
	[tilespmem:$0x1EE80] =	vst v63  }
0x5f: {  	s14 =	simm.s32 $0x14280  }
0x60: {  	[tilespmem:s14], [sflag:$0x5] =	stream.indirect_vreg.gather [hbm4b:s5+s4], $0x80, v3, vm0, $0xb8;
	[tilespmem:$0x1EE80] =	vst v63  }
0x61: {  	v3 =	vld [tilespmem:$0x13890];
	_ =	sdelay $0x4  }
0x62: {  	v62 =	vshll.u32 v3, $0x1  }
0x63: {  	v3 =	vand.u32 $0x7, v3;
	v4 =	vand.u32 $0xFFFFFFF0, v62  }
0x64: {  	v3 =	vor.u32 v3, v4  }
0x65: {  	v4 =	vperm.xlane v3, v0;
	_ =	sdelay $0x1  }
0x66: {  	v3 =	vperm.xlane v3, v2;
	v4 =	vadd.s32 v1, v4;
	_ =	sdelay $0x1  }
0x67: {  	v3 =	vadd.s32 v1, v3;
	_ =	sdelay $0x1  }
0x68: {  	s16 =	simm.s32 $0x14A80  }
0x69: {  	[tilespmem:s16], [sflag:$0x5] =	stream.indirect_vreg.gather [hbm4b:s5+s4], $0x80, v4, vm0, $0xb8;
	[tilespmem:$0x1EE80] =	vst v63  }
0x6a: {  	s17 =	simm.s32 $0x15280  }
0x6b: {  	[tilespmem:s17], [sflag:$0x5] =	stream.indirect_vreg.gather [hbm4b:s5+s4], $0x80, v3, vm0, $0xb8;
	[tilespmem:$0x1EE80] =	vst v63  }
0x6c: {  	v3 =	vld.msk [tilespmem:$0x138A0], $0xff;
	_ =	sdelay $0x4  }
0x6d: {  	v63 =	vshll.u32 v3, $0x1  }
0x6e: {  	v3 =	vand.u32 $0x7, v3;
	v4 =	vand.u32 $0xFFFFFFF0, v63  }
0x6f: {  	v3 =	vor.u32 v3, v4  }
0x70: {  	v3 =	vperm.xlane v3, v0;
	_ =	sdelay $0x1  }
0x71: {  	v3 =	vadd.s32 v1, v3;
	_ =	sdelay $0x3  }
0x72: {  	s19 =	simm.s32 $0x15A80  }
0x73: {  	[tilespmem:s19], [sflag:$0x5] =	stream.indirect_vreg.gather [hbm4b:s5+s4], $0x80, v3, vm0, $0xb8;
	[tilespmem:$0x1EE80] =	vst v63  }
0x74: {  	s22 =	simm.s32 $0x18A80;
	s21 =	rddreg [dreg:$0x13]  }
0x75: {  	[tilespmem:s22], [sflag:$0x5] =	stream.linear.gather [hbm4b:s21+s4], $0x1400, $0x38;
	[tilespmem:$0x1EE80] =	vst v63  }
0x76: {  	s24 =	simm.s32 $0x1B280;
	s23 =	rddreg [dreg:$0x14]  }
0x77: {  	[tilespmem:s24], [sflag:$0x5] =	stream.linear.gather [hbm4b:s23+s4], $0x1400, $0x38;
	[tilespmem:$0x1EE80] =	vst v63  }
0x78: {  	s29 =	simm.s32 $0x13900;
	s25 =	rddreg [dreg:$0x16]  }
0x79: {  	[tilespmem:s29], [sflag:$0x2] =	stream.linear.gather [hbm4b:s25+s4], $0x28, $0x38;
	[tilespmem:$0x1EE80] =	vst v63  }
0x7a: {  	s30 =	simm.s32 $0x0;
	s31 =	rddreg [dreg:$0x18]  }
0x7b: {  	[tilespmem:s2], [sflag:$0x4] =	stream.linear.gather [hbm4b:s31+s4], $0x28, $0x38;
	[tilespmem:$0x1EE80] =	vst v63  }
.LBB2_2:
0x7c: {  	p1 =	seq.s32 s30, $0x7C  }
0x7d: {  	s13 =	smul.u32 @!p1 $0x50, s30  }
0x7e: {  	s0 =	rddreg [dreg:$0x19]  }
0x7f: {  	s0 =	sadd.s32 @!p1 s13, s0  }
0x80: {  	s1 =	rddreg [dreg:$0x1];
	s17 =	simm.s32 $0x2;
	s0 =	sshrl.u32 @!p1 s0, $0x3  }
0x81: {  	s2 =	simm.s32 @!p1 $0x13880;
	s0 =	sadd.s32 @!p1 s1, s0;
	s1 =	simm.s32 @!p1 $0x0  }
0x82: {  	[tilespmem:s2], [sflag:$0x1] =	stream.linear.gather @!p1 [hbm4b:s0+s1], $0x28, $0x38;
	[tilespmem:$0x1EE80] =	vst v63  }
0x83: {  	_ =	swait.ge [sflag:s17], $0x28  }
0x84: {  	[sflag:s17] =	ssyncset.done $0x0  }
0x85: {  	[sflag:s17] =	ssyncadd.s32 $0xFFFFFFD8  }
0x86: {  	v3 =	vld [tilespmem:$0x13900];
	_ =	sdelay $0x4  }
0x87: {  	v4 =	vshll.u32 v3, $0x1  }
0x88: {  	v3 =	vand.u32 $0x7, v3;
	v4 =	vand.u32 $0xFFFFFFF0, v4  }
0x89: {  	v3 =	vor.u32 v3, v4  }
0x8a: {  	v4 =	vperm.xlane v3, v0;
	_ =	sdelay $0x1  }
0x8b: {  	v3 =	vperm.xlane v3, v2;
	v4 =	vadd.s32 v1, v4;
	_ =	sdelay $0x1  }
0x8c: {  	v3 =	vadd.s32 v1, v3;
	_ =	sdelay $0x1  }
0x8d: {  	s8 =	simm.s32 $0x0;
	s19 =	simm.s32 $0x16280  }
0x8e: {  	[tilespmem:s19], [sflag:$0x6] =	stream.indirect_vreg.gather [hbm4b:s5+s8], $0x80, v4, vm0, $0xb8;
	[tilespmem:$0x1EE80] =	vst v63  }
0x8f: {  	s21 =	simm.s32 $0x16A80  }
0x90: {  	[tilespmem:s21], [sflag:$0x6] =	stream.indirect_vreg.gather [hbm4b:s5+s8], $0x80, v3, vm0, $0xb8;
	[tilespmem:$0x1EE80] =	vst v63  }
0x91: {  	v3 =	vld [tilespmem:$0x13910];
	_ =	sdelay $0x4  }
0x92: {  	v4 =	vshll.u32 v3, $0x1  }
0x93: {  	v3 =	vand.u32 $0x7, v3;
	v4 =	vand.u32 $0xFFFFFFF0, v4  }
0x94: {  	v3 =	vor.u32 v3, v4  }
0x95: {  	v4 =	vperm.xlane v3, v0;
	_ =	sdelay $0x1  }
0x96: {  	v3 =	vperm.xlane v3, v2;
	v4 =	vadd.s32 v1, v4;
	_ =	sdelay $0x1  }
0x97: {  	v3 =	vadd.s32 v1, v3;
	_ =	sdelay $0x1  }
0x98: {  	s22 =	simm.s32 $0x17280  }
0x99: {  	[tilespmem:s22], [sflag:$0x6] =	stream.indirect_vreg.gather [hbm4b:s5+s8], $0x80, v4, vm0, $0xb8;
	[tilespmem:$0x1EE80] =	vst v63  }
0x9a: {  	s23 =	simm.s32 $0x17A80  }
0x9b: {  	[tilespmem:s23], [sflag:$0x6] =	stream.indirect_vreg.gather [hbm4b:s5+s8], $0x80, v3, vm0, $0xb8;
	[tilespmem:$0x1EE80] =	vst v63  }
0x9c: {  	v3 =	vld.msk [tilespmem:$0x13920], $0xff;
	_ =	sdelay $0x4  }
0x9d: {  	v4 =	vshll.u32 v3, $0x1  }
0x9e: {  	v3 =	vand.u32 $0x7, v3;
	v4 =	vand.u32 $0xFFFFFFF0, v4  }
0x9f: {  	v3 =	vor.u32 v3, v4  }
0xa0: {  	v3 =	vperm.xlane v3, v0;
	_ =	sdelay $0x1  }
0xa1: {  	v3 =	vadd.s32 v1, v3  }
0xa2: {  	s13 =	simm.s32 @p1 $0x26C0;
	s24 =	rddreg [dreg:$0x15]  }
0xa3: {  	s2 =	rddreg [dreg:$0x7];
	s0 =	sadd.s32 s13, s24  }
0xa4: {  	s1 =	sadd.s32 s2, s0  }
0xa5: {  	s25 =	simm.s32 $0x18280;
	s3 =	simm.s32 $0x19E80;
	s1 =	sshll.u32 s1, $0x4  }
0xa6: {  	[tilespmem:s25], [sflag:$0x6] =	stream.indirect_vreg.gather [hbm4b:s5+s8], $0x80, v3, vm0, $0xb8;
	[tilespmem:$0x1EE80] =	vst v63  }
0xa7: {  	s6 =	rddreg [dreg:$0x5];
	s0 =	sshll.u32 s0, $0x4;
	s1 =	sadd.s32 s26, s1  }
0xa8: {  	[tilespmem:s3], [sflag:$0x6] =	stream.linear.gather [hbm4b:s1+s8], $0x1400, $0x38;
	[tilespmem:$0x1EE80] =	vst v63  }
0xa9: {  	s7 =	simm.s32 $0x1C680;
	s0 =	sadd.s32 s6, s0  }
0xaa: {  	[tilespmem:s7], [sflag:$0x6] =	stream.linear.gather [hbm4b:s0+s8], $0x1400, $0x38;
	[tilespmem:$0x1EE80] =	vst v63  }
0xab: {  	_ =	swait.ge [sflag:s12], $0x2800  }
0xac: {  	[sflag:s12] =	ssyncset.done $0x0  }
0xad: {  	[sflag:s12] =	ssyncadd.s32 $0xFFFFD800  }
0xae: {  	_ =	swait.ge [sflag:s12], $0x1400  }
0xaf: {  	[sflag:s12] =	ssyncset.done $0x0  }
0xb0: {  	[sflag:s12] =	ssyncadd.s32 $0xFFFFEC00  }
0xb1: {  	_ =	swait.ge [sflag:s12], $0x1400  }
0xb2: {  	[sflag:s12] =	ssyncset.done $0x0  }
0xb3: {  	s2 =	simm.s32 $0x18B80;
	[sflag:s12] =	ssyncadd.s32 $0xFFFFEC00  }
0xb4: {  	s9 =	simm.s32 $0x1B380;
	v10 =	vld [tilespmem:s2+$0x70]  }
0xb5: {  	v3 =	vld [tilespmem:s9+$0x80]  }
0xb6: {  	v13 =	vld [tilespmem:s2+$0x60]  }
0xb7: {  	v15 =	vld [tilespmem:s2+$0xFFFFFF20]  }
0xb8: {  	v16 =	vld [tilespmem:s2+$0x80]  }
0xb9: {  	v6 =	vld [tilespmem:s2+$0xFFFFFFE0]  }
0xba: {  	v8 =	vld [tilespmem:s2+$0xC0]  }
0xbb: {  	v14 =	vld [tilespmem:s2+$0xFFFFFF60]  }
0xbc: {  	v4 =	vld [tilespmem:s9+$0xFFFFFF80]  }
0xbd: {  	v11 =	vld [tilespmem:s9+$0xFFFFFF00]  }
0xbe: {  	v17 =	vld [tilespmem:s2+$0xFFFFFF00]  }
0xbf: {  	v12 =	vld [tilespmem:s9+$0x0]  }
0xc0: {  	v5 =	vld [tilespmem:s2+$0xF0]  }
0xc1: {  	v7 =	vld [tilespmem:s2+$0xE0]  }
0xc2: {  	v9 =	vld [tilespmem:s2+$0x40]  }
0xc3: {  	v18 =	vld [tilespmem:s2+$0xFFFFFFA0]  }
0xc4: {  	v19 =	vld [tilespmem:s2+$0x20]  }
0xc5: {  	s10 =	sand.u32 $0x3800, s8;
	s3 =	simm.s32 $0x80;
	v20 =	vld [tilespmem:s2+$0xFFFFFF80]  }
0xc6: {  	s6 =	simm.s32 $0x100;
	s3 =	sand.u32 $0x280, s3;
	s0 =	sadd.s32 $0x13A80, s10;
	v21 =	vld [tilespmem:s2+$0xA0]  }
0xc7: {  	s14 =	simm.s32 $0x180;
	s6 =	sand.u32 $0x300, s6;
	s3 =	sadd.s32 s3, s0;
	v22 =	vld [tilespmem:s2+$0x0]  }
0xc8: {  	s1 =	sand.u32 $0x380, s14;
	s10 =	sadd.s32 s6, s0;
	v24 =	vld [tilespmem:s3+$0x0]  }
0xc9: {  	s14 =	sadd.s32 s1, s0;
	v25 =	vld [tilespmem:s10+$0x40]  }
0xca: {  	v26 =	vld [tilespmem:s14+$0x20]  }
0xcb: {  	v27 =	vld [tilespmem:s10+$0x0]  }
0xcc: {  	v28 =	vld [tilespmem:s10+$0x20]  }
0xcd: {  	v29 =	vld [tilespmem:s14+$0x40]  }
0xce: {  	v30 =	vld [tilespmem:s3+$0x40]  }
0xcf: {  	s11 =	sand.u32 $0x200, s8;
	v31 =	vld [tilespmem:s2+$0xFFFFFF40];
	v9 =	vmul.f32 v25, v9  }
0xd0: {  	s9 =	sadd.s32 s11, s0;
	s11 =	simm.s32 $0x1DB80;
	v48 =	vld [tilespmem:s14+$0x0]  }
0xd1: {  	v25 =	vld [tilespmem:s2+$0xFFFFFFC0];
	[tilespmem:s11+$0x0] =	vst v9  }
0xd2: {  	v32 =	vld [tilespmem:s10+$0x60]  }
0xd3: {  	v8 =	vmul.f32 v29, v8;
	v9 =	vld [tilespmem:s9+$0x40]  }
0xd4: {  	v49 =	vld [tilespmem:s3+$0x20]  }
0xd5: {  	v23 =	vld [tilespmem:s9+$0x0];
	v19 =	vmul.f32 v28, v19;
	v22 =	vmul.f32 v27, v22;
	[tilespmem:s11+$0x80] =	vst v8  }
0xd6: {  	v8 =	vmul.f32 v30, v25;
	v25 =	vld [tilespmem:s14+$0x60]  }
0xd7: {  	s16 =	sand.u32 $0x3, s8;
	v27 =	vld [tilespmem:s9+$0x20];
	v33 =	vmul.f32 v19, v13;
	v51 =	vmul.f32 v32, v22  }
0xd8: {  	s0 =	sshll.u32 s16, $0x8;
	v50 =	vmul.f32 v9, v31;
	v9 =	vld [tilespmem:s2+$0xFFFFFFF0];
	[tilespmem:s11+$0xFFFFFF80] =	vst v8  }
0xd9: {  	s0 =	sadd.s32 $0x0, s0;
	v16 =	vmul.f32 v48, v16;
	v21 =	vmul.f32 v26, v21;
	v26 =	vld [tilespmem:s3+$0x60];
	v52 =	vadd.f32 v51, v33  }
0xda: {  	s24 =	sadd.s32 $0x100, s0;
	v8 =	vld [tilespmem:s2+$0xFFFFFF70];
	[tilespmem:s11+$0xFFFFFF00] =	vst v50  }
0xdb: {  	s17 =	sand.u32 $0x7, s8;
	s19 =	sor.u32 $0x400, s24;
	v53 =	vmul.f32 v21, v7;
	v30 =	vld [tilespmem:s9+$0x60];
	v25 =	vmul.f32 v25, v16;
	[tilespmem:s11+$0x20] =	vst v52  }
0xdc: {  	s0 =	sshll.u32 s17, $0x7;
	v20 =	vmul.f32 v24, v20;
	v18 =	vmul.f32 v49, v18;
	v24 =	vld [tilespmem:s19+$0x13A80]  }
0xdd: {  	s21 =	sadd.s32 $0x0, s0;
	v17 =	vmul.f32 v23, v17;
	v15 =	vmul.f32 v27, v15;
	v23 =	vadd.f32 v25, v53  }
0xde: {  	s0 =	sadd.s32 $0x180, s21;
	v25 =	vmul.f32 v18, v6;
	v26 =	vmul.f32 v26, v20  }
0xdf: {  	s22 =	sor.u32 $0x400, s0;
	[tilespmem:s11+$0xA0] =	vst v23  }
0xe0: {  	p2 =	por $0x0, $0x0;
	s7 =	simm.s32 $0x1;
	v27 =	vmul.f32 v15, v14;
	v23 =	vmul.f32 v30, v17;
	v25 =	vadd.f32 v26, v25;
	v26 =	vld [tilespmem:s22+$0x13A80]  }
0xe1: {  	s7 =	simm.s32 @!p2 $0x0;
	v54 =	vmul.f32 v19, v10;
	s19 =	sadd.s32 $0x80, s21;
	v24 =	vmul.f32 v24, v22  }
0xe2: {  	s23 =	sshll.u32 s7, $0x9;
	s25 =	sor.u32 $0x400, s19;
	v23 =	vadd.f32 v23, v27;
	[tilespmem:s11+$0xFFFFFFA0] =	vst v25  }
0xe3: {  	s1 =	sadd.s32 $0x0, s23;
	v25 =	vld [tilespmem:s25+$0x13A80];
	v24 =	vadd.f32 v24, v54  }
0xe4: {  	s7 =	sor.u32 $0x400, s1;
	[tilespmem:s11+$0xFFFFFF20] =	vst v23  }
0xe5: {  	s16 =	sor.u32 $0x420, s24;
	v27 =	vmul.f32 v21, v5;
	v23 =	vld [tilespmem:s7+$0x13A80];
	v26 =	vmul.f32 v26, v16;
	[tilespmem:s11+$0x40] =	vst v24  }
0xe6: {  	v24 =	vld [tilespmem:s16+$0x13A80]  }
0xe7: {  	v26 =	vadd.f32 v26, v27  }
0xe8: {  	v27 =	vmul.f32 v18, v9;
	v25 =	vmul.f32 v25, v20  }
0xe9: {  	s17 =	sor.u32 $0x420, s0;
	[tilespmem:s11+$0xC0] =	vst v26  }
0xea: {  	v26 =	vmul.f32 v15, v8;
	v23 =	vmul.f32 v23, v17;
	v25 =	vadd.f32 v25, v27;
	v27 =	vld [tilespmem:s17+$0x13A80]  }
0xeb: {  	v19 =	vmul.f32 v19, v12;
	v22 =	vmul.f32 v24, v22  }
0xec: {  	v23 =	vadd.f32 v23, v26  }
0xed: {  	s21 =	sor.u32 $0x420, s19;
	[tilespmem:s11+$0xFFFFFFC0] =	vst v25;
	v19 =	vadd.f32 v22, v19  }
0xee: {  	s22 =	sor.u32 $0x420, s1;
	v24 =	vld [tilespmem:s21+$0x13A80];
	[tilespmem:s11+$0xFFFFFF40] =	vst v23  }
0xef: {  	v21 =	vmul.f32 v21, v3;
	v22 =	vld [tilespmem:s22+$0x13A80];
	v16 =	vmul.f32 v27, v16;
	[tilespmem:s11+$0x60] =	vst v19  }
0xf0: {  	v19 =	vld [tilespmem:s2+$0x50]  }
0xf1: {  	v16 =	vadd.f32 v16, v21;
	v21 =	vld [tilespmem:s10+$0x50]  }
0xf2: {  	v23 =	vld [tilespmem:s2+$0x30]  }
0xf3: {  	v18 =	vmul.f32 v18, v4;
	v20 =	vmul.f32 v24, v20;
	[tilespmem:s11+$0xE0] =	vst v16;
	v16 =	vld [tilespmem:s10+$0x30]  }
0xf4: {  	v24 =	vld [tilespmem:s14+$0x50]  }
0xf5: {  	v18 =	vadd.f32 v20, v18;
	v20 =	vld [tilespmem:s2+$0x10]  }
0xf6: {  	v15 =	vmul.f32 v15, v11;
	v17 =	vmul.f32 v22, v17;
	v25 =	vld [tilespmem:s2+$0x90]  }
0xf7: {  	v27 =	vld [tilespmem:s14+$0x10]  }
0xf8: {  	v58 =	vld [tilespmem:s14+$0x30];
	v15 =	vadd.f32 v17, v15  }
0xf9: {  	v60 =	vld [tilespmem:s2+$0xB0]  }
0xfa: {  	v17 =	vld [tilespmem:s10+$0x10];
	[tilespmem:s11+$0xFFFFFF60] =	vst v15  }
0xfb: {  	v15 =	vld [tilespmem:s2+$0xFFFFFF50]  }
0xfc: {  	[tilespmem:s11+$0xFFFFFFE0] =	vst v18;
	v22 =	vld [tilespmem:s9+$0x50]  }
0xfd: {  	v18 =	vld [tilespmem:s2+$0xFFFFFFD0]  }
0xfe: {  	v57 =	vld [tilespmem:s3+$0x50]  }
0xff: {  	v26 =	vld [tilespmem:s9+$0x10]  }
0x100: {  	v19 =	vmul.f32 v21, v19;
	v21 =	vld [tilespmem:s9+$0x30]  }
0x101: {  	v55 =	vld [tilespmem:s2+$0xFFFFFF30];
	v15 =	vmul.f32 v22, v15  }
0x102: {  	[tilespmem:s11+$0x10] =	vst v19;
	v56 =	vld [tilespmem:s2+$0xFFFFFF10]  }
0x103: {  	v22 =	vld [tilespmem:s10+$0x70];
	[tilespmem:s11+$0xFFFFFF10] =	vst v15  }
0x104: {  	v15 =	vld [tilespmem:s9+$0x70]  }
0x105: {  	v61 =	vld [tilespmem:s2+$0xD0];
	v59 =	vmul.f32 v16, v23  }
0x106: {  	v62 =	vld [tilespmem:s2+$0xFFFFFFB0];
	v19 =	vmul.f32 v21, v55;
	v21 =	vmul.f32 v17, v20  }
0x107: {  	v23 =	vld [tilespmem:s3+$0x10];
	v18 =	vmul.f32 v57, v18;
	v16 =	vmul.f32 v26, v56  }
0x108: {  	v17 =	vmul.f32 v59, v13;
	v26 =	vld [tilespmem:s3+$0x30];
	v20 =	vmul.f32 v22, v21  }
0x109: {  	v13 =	vld [tilespmem:s2+$0xFFFFFF90];
	v14 =	vmul.f32 v19, v14;
	v63 =	vmul.f32 v15, v16  }
0x10a: {  	[tilespmem:s11+$0xFFFFFF90] =	vst v18;
	v22 =	vmul.f32 v59, v10;
	v10 =	vadd.f32 v20, v17  }
0x10b: {  	s29 =	simm.s32 $0x200;
	s31 =	simm.s32 $0x0;
	p2 =	por !p2, !p2;
	v18 =	vmul.f32 v58, v60;
	v15 =	vmul.f32 v19, v11;
	v11 =	vadd.f32 v63, v14;
	v14 =	vld [tilespmem:s3+$0x70]  }
0x10c: {  	s23 =	sor.u32 $0x410, s24;
	s25 =	simm.s32 $0x2;
	s21 =	simm.s32 $0x18D80;
	v20 =	vmul.f32 v59, v12;
	v17 =	vmul.f32 v27, v25;
	[tilespmem:s11+$0x30] =	vst v10  }
0x10d: {  	s2 =	simm.s32 $0x0;
	s10 =	simm.s32 $0x1DD80;
	s9 =	simm.s32 $0x1B580;
	v12 =	vmul.f32 v24, v61;
	v10 =	vmul.f32 v26, v62;
	v24 =	vld [tilespmem:s23+$0x13A80];
	[tilespmem:s11+$0xFFFFFF30] =	vst v11  }
.LBB2_3:
0x10e: {  	v11 =	vld [tilespmem:s21+$0x70];
	s2 =	sadd.s32 $0x4, s2;
	v25 =	vmul.f32 v23, v13;
	s8 =	sadd.s32 $0x4, s8;
	s31 =	sadd.s32 $0x400, s31  }
0x10f: {  	v26 =	vld [tilespmem:s9+$0x80];
	p3 =	slt.u32 s2, $0x24;
	v6 =	vmul.f32 v10, v6;
	v27 =	vmul.f32 v10, v9  }
0x110: {  	v28 =	vmul.f32 v10, v4;
	v13 =	vld [tilespmem:s21+$0x60];
	v14 =	vmul.f32 v14, v25  }
0x111: {  	v29 =	vmul.f32 v18, v7;
	v9 =	vld [tilespmem:s21+$0xFFFFFF20]  }
0x112: {  	v23 =	vld [tilespmem:s21+$0x80];
	v4 =	vadd.f32 v14, v6;
	v7 =	vmul.f32 v24, v21  }
0x113: {  	v6 =	vld [tilespmem:s21+$0xFFFFFFE0]  }
0x114: {  	v24 =	vld [tilespmem:s21+$0xC0];
	[tilespmem:s11+$0xFFFFFFB0] =	vst v4;
	v7 =	vadd.f32 v7, v22  }
0x115: {  	v10 =	vld [tilespmem:s21+$0xFFFFFF60]  }
0x116: {  	v4 =	vld [tilespmem:s9+$0xFFFFFF80];
	[tilespmem:s11+$0x90] =	vst v12  }
0x117: {  	[tilespmem:s11+$0x50] =	vst v7;
	v7 =	vld [tilespmem:s14+$0x70]  }
0x118: {  	v12 =	vld [tilespmem:s9+$0xFFFFFF00]  }
0x119: {  	v22 =	vld [tilespmem:s21+$0xFFFFFF00]  }
0x11a: {  	s3 =	sor.u32 $0x430, s24;
	v14 =	vld [tilespmem:s9+$0x0]  }
0x11b: {  	s6 =	sor.u32 $0x410, s19;
	v30 =	vld [tilespmem:s3+$0x13A80]  }
0x11c: {  	v31 =	vld [tilespmem:s6+$0x13A80];
	v32 =	vmul.f32 v7, v17  }
0x11d: {  	v33 =	vld [tilespmem:s21+$0xF0]  }
0x11e: {  	v7 =	vld [tilespmem:s21+$0xE0];
	v29 =	vadd.f32 v32, v29  }
0x11f: {  	v32 =	vld [tilespmem:s21+$0x40]  }
0x120: {  	s3 =	sor.u32 $0x410, s0;
	v34 =	vld [tilespmem:s21+$0xFFFFFFA0];
	v21 =	vmul.f32 v30, v21;
	[tilespmem:s11+$0xB0] =	vst v29  }
0x121: {  	s6 =	sor.u32 $0x410, s1;
	v29 =	vmul.f32 v31, v25;
	v30 =	vld [tilespmem:s3+$0x13A80]  }
0x122: {  	v31 =	vld [tilespmem:s6+$0x13A80];
	v20 =	vadd.f32 v21, v20  }
0x123: {  	s6 =	sor.u32 $0x430, s19;
	v21 =	vld [tilespmem:s21+$0x20];
	v27 =	vadd.f32 v29, v27  }
0x124: {  	s7 =	sadd.s32 $0x100, s29;
	s14 =	sadd.s32 $0x180, s29;
	s3 =	sand.u32 $0x200, s29;
	v29 =	vld [tilespmem:s21+$0xFFFFFF80];
	[tilespmem:s11+$0x70] =	vst v20  }
0x125: {  	s17 =	sadd.s32 $0x80, s29;
	s16 =	sand.u32 $0x3800, s31;
	s14 =	sand.u32 $0x380, s14;
	v20 =	vld [tilespmem:s21+$0xA0];
	[tilespmem:s11+$0xFFFFFFD0] =	vst v27  }
0x126: {  	v35 =	vmul.f32 v18, v5;
	s17 =	sand.u32 $0x280, s17;
	s7 =	sand.u32 $0x300, s7;
	s16 =	sadd.s32 $0x13A80, s16;
	v5 =	vmov v33;
	v27 =	vld [tilespmem:s21+$0x0];
	v30 =	vmul.f32 v30, v17  }
0x127: {  	v8 =	vmul.f32 v19, v8;
	s22 =	sadd.s32 s7, s16;
	s23 =	sadd.s32 s3, s16;
	s3 =	sadd.s32 s17, s16;
	v31 =	vmul.f32 v31, v16;
	v19 =	vld [tilespmem:s6+$0x13A80]  }
0x128: {  	s14 =	sadd.s32 s14, s16;
	v33 =	vld [tilespmem:s23+$0x0];
	v30 =	vadd.f32 v30, v35  }
0x129: {  	v35 =	vld [tilespmem:s3+$0x0];
	v8 =	vadd.f32 v31, v8  }
0x12a: {  	s0 =	sor.u32 $0x430, s0;
	v31 =	vld [tilespmem:s14+$0x20];
	[tilespmem:s11+$0xD0] =	vst v30  }
0x12b: {  	[tilespmem:s11+$0xFFFFFF50] =	vst v8;
	v8 =	vld [tilespmem:s0+$0x13A80]  }
0x12c: {  	s0 =	sor.u32 $0x430, s1;
	v30 =	vld [tilespmem:s14+$0x0];
	v19 =	vmul.f32 v19, v25  }
0x12d: {  	v25 =	vld [tilespmem:s0+$0x13A80]  }
0x12e: {  	v36 =	vld [tilespmem:s22+$0x0];
	v19 =	vadd.f32 v19, v28  }
0x12f: {  	v28 =	vld [tilespmem:s22+$0x40]  }
0x130: {  	v37 =	vld [tilespmem:s22+$0x20];
	[tilespmem:s11+$0xFFFFFFF0] =	vst v19;
	v8 =	vmul.f32 v8, v17;
	v17 =	vmul.f32 v18, v3;
	v3 =	vmov v26  }
0x131: {  	v18 =	vld [tilespmem:s14+$0x40]  }
0x132: {  	v19 =	vld [tilespmem:s3+$0x20];
	v16 =	vmul.f32 v25, v16;
	v8 =	vadd.f32 v8, v17  }
0x133: {  	v17 =	vld [tilespmem:s23+$0x20];
	v25 =	vmul.f32 v36, v27  }
0x134: {  	v26 =	vld [tilespmem:s3+$0x40];
	v27 =	vmul.f32 v28, v32;
	v16 =	vadd.f32 v16, v15;
	[tilespmem:s11+$0xF0] =	vst v8  }
0x135: {  	v15 =	vmul.f32 v35, v29;
	v8 =	vld [tilespmem:s21+$0xFFFFFFC0];
	v21 =	vmul.f32 v37, v21  }
0x136: {  	v23 =	vmul.f32 v30, v23;
	v28 =	vld [tilespmem:s21+$0xFFFFFF40];
	[tilespmem:s10+$0x0] =	vst v27  }
0x137: {  	v18 =	vmul.f32 v18, v24;
	v27 =	vld [tilespmem:s22+$0x60];
	v29 =	vmul.f32 v21, v13;
	[tilespmem:s11+$0xFFFFFF70] =	vst v16;
	s11 =	smov.u32 s10  }
0x138: {  	v20 =	vmul.f32 v31, v20;
	v19 =	vmul.f32 v19, v34;
	v16 =	vld [tilespmem:s23+$0x40]  }
0x139: {  	v22 =	vmul.f32 v33, v22;
	v17 =	vmul.f32 v17, v9;
	v9 =	vld [tilespmem:s21+$0xFFFFFFF0];
	[tilespmem:s10+$0x80] =	vst v18  }
0x13a: {  	v24 =	vmul.f32 v20, v7;
	v8 =	vmul.f32 v26, v8;
	v18 =	vld [tilespmem:s14+$0x60]  }
0x13b: {  	v30 =	vmul.f32 v21, v14;
	v26 =	vmul.f32 v19, v4  }
0x13c: {  	s0 =	sand.u32 $0x3, s25;
	v31 =	vmul.f32 v17, v10;
	[tilespmem:s10+$0xFFFFFF80] =	vst v8;
	v27 =	vmul.f32 v27, v25  }
0x13d: {  	s0 =	sshll.u32 s0, $0x8;
	v32 =	vmul.f32 v19, v6;
	v16 =	vmul.f32 v16, v28;
	v28 =	vld [tilespmem:s3+$0x60]  }
0x13e: {  	s0 =	sadd.s32 s31, s0;
	v21 =	vmul.f32 v21, v11;
	v8 =	vld [tilespmem:s21+$0xFFFFFF70];
	v19 =	vmul.f32 v19, v9;
	v27 =	vadd.f32 v27, v29  }
0x13f: {  	s1 =	sand.u32 $0x7, s8;
	s24 =	sadd.s32 $0x100, s0;
	[tilespmem:s10+$0xFFFFFF00] =	vst v16;
	v16 =	vmul.f32 v17, v12;
	v18 =	vmul.f32 v18, v23  }
0x140: {  	s0 =	sshll.u32 s1, $0x7;
	s1 =	sor.u32 $0x400, s24;
	v29 =	vld [tilespmem:s23+$0x60];
	[tilespmem:s10+$0x20] =	vst v27  }
0x141: {  	s0 =	sadd.s32 s31, s0;
	v27 =	vld [tilespmem:s1+$0x13A80];
	v18 =	vadd.f32 v18, v24  }
0x142: {  	s19 =	sadd.s32 $0x80, s0;
	s0 =	sadd.s32 $0x180, s0;
	v24 =	vmul.f32 v28, v15  }
0x143: {  	s1 =	sor.u32 $0x400, s0;
	[tilespmem:s10+$0xA0] =	vst v18  }
0x144: {  	v28 =	vmul.f32 v20, v5;
	v18 =	vadd.f32 v24, v32;
	v24 =	vld [tilespmem:s1+$0x13A80]  }
0x145: {  	s1 =	simm.s32 $0x1;
	v29 =	vmul.f32 v29, v22  }
0x146: {  	s6 =	sor.u32 $0x400, s19;
	s1 =	simm.s32 @!p2 $0x0;
	[tilespmem:s10+$0xFFFFFFA0] =	vst v18;
	v18 =	vmul.f32 v27, v25  }
0x147: {  	s1 =	sshll.u32 s1, $0x9;
	v27 =	vadd.f32 v29, v31;
	v29 =	vld [tilespmem:s6+$0x13A80]  }
0x148: {  	s1 =	sadd.s32 s1, s31;
	v18 =	vadd.f32 v18, v21  }
0x149: {  	s6 =	sor.u32 $0x400, s1;
	[tilespmem:s10+$0xFFFFFF20] =	vst v27;
	v21 =	vmul.f32 v24, v23  }
0x14a: {  	v24 =	vld [tilespmem:s6+$0x13A80];
	[tilespmem:s10+$0x40] =	vst v18;
	s6 =	sor.u32 $0x420, s24  }
0x14b: {  	v18 =	vld [tilespmem:s6+$0x13A80];
	v21 =	vadd.f32 v21, v28  }
0x14c: {  	v27 =	vmul.f32 v29, v15  }
0x14d: {  	s6 =	sor.u32 $0x420, s0;
	[tilespmem:s10+$0xC0] =	vst v21  }
0x14e: {  	v19 =	vadd.f32 v27, v19;
	v21 =	vld [tilespmem:s6+$0x13A80]  }
0x14f: {  	v17 =	vmul.f32 v17, v8;
	v24 =	vmul.f32 v24, v22  }
0x150: {  	s6 =	sor.u32 $0x420, s19;
	[tilespmem:s10+$0xFFFFFFC0] =	vst v19;
	v18 =	vmul.f32 v18, v25  }
0x151: {  	v17 =	vadd.f32 v24, v17;
	v19 =	vld [tilespmem:s6+$0x13A80]  }
0x152: {  	v18 =	vadd.f32 v18, v30  }
0x153: {  	v20 =	vmul.f32 v20, v3;
	s6 =	sor.u32 $0x420, s1;
	[tilespmem:s10+$0xFFFFFF40] =	vst v17;
	v17 =	vmul.f32 v21, v23  }
0x154: {  	v21 =	vld [tilespmem:s6+$0x13A80];
	[tilespmem:s10+$0x60] =	vst v18  }
0x155: {  	v18 =	vld [tilespmem:s21+$0x50];
	v17 =	vadd.f32 v17, v20  }
0x156: {  	v15 =	vmul.f32 v19, v15;
	v19 =	vld [tilespmem:s22+$0x50]  }
0x157: {  	v20 =	vld [tilespmem:s21+$0x30];
	[tilespmem:s10+$0xE0] =	vst v17  }
0x158: {  	v15 =	vadd.f32 v15, v26;
	v17 =	vld [tilespmem:s22+$0x30]  }
0x159: {  	v21 =	vmul.f32 v21, v22;
	v24 =	vld [tilespmem:s14+$0x50]  }
0x15a: {  	[tilespmem:s10+$0xFFFFFFE0] =	vst v15;
	v15 =	vld [tilespmem:s21+$0x10]  }
0x15b: {  	v16 =	vadd.f32 v21, v16;
	v21 =	vld [tilespmem:s22+$0x10];
	v18 =	vmul.f32 v19, v18  }
0x15c: {  	v25 =	vld [tilespmem:s21+$0xFFFFFFD0]  }
0x15d: {  	[tilespmem:s10+$0xFFFFFF60] =	vst v16;
	v23 =	vld [tilespmem:s3+$0x10];
	v16 =	vmul.f32 v17, v20  }
0x15e: {  	v17 =	vld [tilespmem:s21+$0xFFFFFF50];
	[tilespmem:s10+$0x10] =	vst v18  }
0x15f: {  	v18 =	vld [tilespmem:s23+$0x50];
	v26 =	vmul.f32 v16, v13;
	v22 =	vmul.f32 v16, v11  }
0x160: {  	v20 =	vmul.f32 v16, v14;
	v11 =	vld [tilespmem:s21+$0x90]  }
0x161: {  	v13 =	vld [tilespmem:s23+$0x10]  }
0x162: {  	v14 =	vld [tilespmem:s14+$0x10]  }
0x163: {  	v16 =	vld [tilespmem:s23+$0x30]  }
0x164: {  	v19 =	vld [tilespmem:s21+$0xFFFFFF30];
	v17 =	vmul.f32 v18, v17  }
0x165: {  	v18 =	vld [tilespmem:s21+$0xFFFFFF10]  }
0x166: {  	[tilespmem:s10+$0xFFFFFF10] =	vst v17;
	v17 =	vld [tilespmem:s22+$0x70]  }
0x167: {  	v27 =	vld [tilespmem:s3+$0x50]  }
0x168: {  	v28 =	vld [tilespmem:s14+$0x30]  }
0x169: {  	v19 =	vmul.f32 v16, v19;
	v29 =	vld [tilespmem:s23+$0x70]  }
0x16a: {  	v21 =	vmul.f32 v21, v15;
	v30 =	vld [tilespmem:s21+$0xB0]  }
0x16b: {  	v10 =	vmul.f32 v19, v10;
	v15 =	vmul.f32 v19, v12;
	v12 =	vld [tilespmem:s21+$0xD0]  }
0x16c: {  	v16 =	vmul.f32 v13, v18;
	v17 =	vmul.f32 v17, v21;
	v31 =	vld [tilespmem:s3+$0x30]  }
0x16d: {  	v18 =	vmul.f32 v27, v25;
	v32 =	vld [tilespmem:s21+$0xFFFFFFB0]  }
.Ltmp2:
0x16e: {  	v26 =	vadd.f32 v17, v26;
	v25 =	vmul.f32 v29, v16;
	v13 =	vld [tilespmem:s21+$0xFFFFFF90];
	(pc) =	sbr.rel @p3 .LBB2_3-.Ltmp2, $4  }
0x16f: {  	v17 =	vmul.f32 v14, v11;
	[tilespmem:s10+$0xFFFFFF90] =	vst v18  }
0x170: {  	v18 =	vmul.f32 v28, v30;
	s10 =	sadd.s32 $0x200, s10;
	v10 =	vadd.f32 v25, v10;
	v14 =	vld [tilespmem:s3+$0x70]  }
0x171: {  	s9 =	sadd.s32 $0x200, s9;
	s29 =	sadd.s32 $0x200, s29;
	s3 =	sor.u32 $0x410, s24;
	v12 =	vmul.f32 v24, v12;
	[tilespmem:s11+$0x30] =	vst v26  }
0x172: {  	s25 =	sadd.s32 $0x2, s25;
	p2 =	por !p2, !p2;
	s21 =	sadd.s32 $0x200, s21;
	[tilespmem:s11+$0xFFFFFF30] =	vst v10;
	v10 =	vmul.f32 v31, v32;
	v24 =	vld [tilespmem:s3+$0x13A80]  }
0x173: {  	[tilespmem:s11+$0x90] =	vst v12  }
0x174: {  	v11 =	vld [tilespmem:s14+$0x70];
	_ =	sdelay $0x1  }
0x175: {  	v56 =	vmul.f32 v23, v13;
	_ =	sdelay $0x1  }
0x176: {  	v6 =	vmul.f32 v10, v6;
	v13 =	vmul.f32 v14, v56  }
0x177: {  	v7 =	vmul.f32 v18, v7;
	v11 =	vmul.f32 v11, v17  }
0x178: {  	v6 =	vadd.f32 v13, v6  }
0x179: {  	s17 =	sor.u32 $0x410, s1;
	v7 =	vadd.f32 v11, v7  }
0x17a: {  	s2 =	sor.u32 $0x410, s19;
	v57 =	vld [tilespmem:s17+$0x13A80];
	[tilespmem:s11+$0xFFFFFFB0] =	vst v6  }
0x17b: {  	s16 =	sor.u32 $0x410, s0;
	v6 =	vld [tilespmem:s2+$0x13A80];
	[tilespmem:s11+$0xB0] =	vst v7  }
0x17c: {  	v7 =	vld [tilespmem:s16+$0x13A80];
	_ =	sdelay $0x1  }
0x17d: {  	v58 =	vmul.f32 v24, v21  }
0x17e: {  	v8 =	vmul.f32 v19, v8;
	v59 =	vmul.f32 v57, v16  }
0x17f: {  	v9 =	vmul.f32 v10, v9;
	v13 =	vadd.f32 v58, v22;
	v6 =	vmul.f32 v6, v56  }
0x180: {  	v5 =	vmul.f32 v18, v5;
	v61 =	vadd.f32 v59, v8;
	v7 =	vmul.f32 v7, v17  }
0x181: {  	s21 =	sor.u32 $0x430, s24;
	[tilespmem:s11+$0x50] =	vst v13;
	v6 =	vadd.f32 v6, v9  }
0x182: {  	s24 =	sor.u32 $0x430, s1;
	v60 =	vld [tilespmem:s21+$0x13A80];
	[tilespmem:s11+$0xFFFFFF50] =	vst v61;
	v5 =	vadd.f32 v7, v5  }
0x183: {  	s22 =	sor.u32 $0x430, s19;
	[tilespmem:s11+$0xFFFFFFD0] =	vst v6;
	v6 =	vld [tilespmem:s24+$0x13A80]  }
0x184: {  	s23 =	sor.u32 $0x430, s0;
	v62 =	vld [tilespmem:s22+$0x13A80];
	[tilespmem:s11+$0xD0] =	vst v5  }
0x185: {  	v5 =	vld [tilespmem:s23+$0x13A80];
	_ =	sdelay $0x1  }
0x186: {  	v7 =	vmul.f32 v60, v21  }
0x187: {  	v6 =	vmul.f32 v6, v16  }
0x188: {  	v4 =	vmul.f32 v10, v4;
	v7 =	vadd.f32 v7, v20;
	v8 =	vmul.f32 v62, v56  }
0x189: {  	v3 =	vmul.f32 v18, v3;
	v63 =	vadd.f32 v6, v15;
	v5 =	vmul.f32 v5, v17  }
0x18a: {  	[tilespmem:s11+$0x70] =	vst v7;
	v4 =	vadd.f32 v8, v4  }
0x18b: {  	[tilespmem:s11+$0xFFFFFF70] =	vst v63;
	v3 =	vadd.f32 v5, v3  }
0x18c: {  	[tilespmem:s11+$0xFFFFFFF0] =	vst v4  }
0x18d: {  	[tilespmem:s11+$0xF0] =	vst v3  }
0x18e: {  	_ =	swait.ge [sflag:s15], $0x28  }
0x18f: {  	[sflag:s15] =	ssyncset.done $0x0  }
0x190: {  	s29 =	simm.s32 $0x13980;
	s31 =	simm.s32 $0x28;
	[sflag:s15] =	ssyncadd.s32 $0xFFFFFFD8  }
.Ltmp3:
0x191: {  	s3 =	simm.s32 $0x1DA80;
	s25 =	rddreg [dreg:$0x3];
	(pc) =	sbr.rel @p1 .LBB2_6-.Ltmp3, $4  }
0x192: {  	[spmem:s25] =	stream.indirect.scatter.add.f32 [tilespmem:s3], [sflag:$0x7], $0x80, s29, s31, $0xb8;
	[tilespmem:$0x1EE80] =	vst v63  }
0x193: {  	_ =	swait.ge [sflag:s18], $0x1400  }
0x194: {  	[sflag:s18] =	ssyncset.done $0x0  }
0x195: {  	[sflag:s18] =	ssyncadd.s32 $0xFFFFEC00  }
0x196: {  	s0 =	rddreg [dreg:$0x1b]  }
0x197: {  	s0 =	sadd.s32 s13, s0  }
0x198: {  	s2 =	rddreg [dreg:$0x2];
	s1 =	sshrl.u32 s0, $0x3  }
0x199: {  	s9 =	simm.s32 $0x13980;
	s10 =	rddreg [dreg:$0x1a];
	s1 =	sadd.s32 s2, s1  }
0x19a: {  	[tilespmem:s9], [sflag:$0x3] =	stream.linear.gather [hbm4b:s1+s4], $0x28, $0x38;
	[tilespmem:$0x1EE80] =	vst v63  }
0x19b: {  	s1 =	sadd.s32 s13, s10  }
0x19c: {  	s11 =	rddreg [dreg:$0x1];
	s1 =	sshrl.u32 s1, $0x3  }
0x19d: {  	s14 =	simm.s32 $0x13900;
	s16 =	simm.s32 $0x1;
	s1 =	sadd.s32 s11, s1  }
0x19e: {  	[tilespmem:s14], [sflag:$0x2] =	stream.linear.gather [hbm4b:s1+s4], $0x28, $0x38;
	[tilespmem:$0x1EE80] =	vst v63  }
0x19f: {  	_ =	swait.ge [sflag:s16], $0x28  }
0x1a0: {  	[sflag:s16] =	ssyncset.done $0x0  }
0x1a1: {  	[sflag:s16] =	ssyncadd.s32 $0xFFFFFFD8  }
0x1a2: {  	v3 =	vld [tilespmem:$0x13880];
	_ =	sdelay $0x4  }
0x1a3: {  	v4 =	vshll.u32 v3, $0x1  }
0x1a4: {  	v3 =	vand.u32 $0x7, v3;
	v4 =	vand.u32 $0xFFFFFFF0, v4  }
0x1a5: {  	v3 =	vor.u32 v3, v4  }
0x1a6: {  	v4 =	vperm.xlane v3, v0;
	_ =	sdelay $0x1  }
0x1a7: {  	v3 =	vperm.xlane v3, v2;
	v4 =	vadd.s32 v1, v4;
	_ =	sdelay $0x1  }
0x1a8: {  	v3 =	vadd.s32 v1, v3;
	_ =	sdelay $0x1  }
0x1a9: {  	s17 =	simm.s32 $0x13A80  }
0x1aa: {  	[tilespmem:s17], [sflag:$0x5] =	stream.indirect_vreg.gather [hbm4b:s5+s4], $0x80, v4, vm0, $0xb8;
	[tilespmem:$0x1EE80] =	vst v63  }
0x1ab: {  	s19 =	simm.s32 $0x14280  }
0x1ac: {  	[tilespmem:s19], [sflag:$0x5] =	stream.indirect_vreg.gather [hbm4b:s5+s4], $0x80, v3, vm0, $0xb8;
	[tilespmem:$0x1EE80] =	vst v63  }
0x1ad: {  	v3 =	vld [tilespmem:$0x13890];
	_ =	sdelay $0x4  }
0x1ae: {  	v62 =	vshll.u32 v3, $0x1  }
0x1af: {  	v3 =	vand.u32 $0x7, v3;
	v4 =	vand.u32 $0xFFFFFFF0, v62  }
0x1b0: {  	v3 =	vor.u32 v3, v4  }
0x1b1: {  	v4 =	vperm.xlane v3, v0;
	_ =	sdelay $0x1  }
0x1b2: {  	v3 =	vperm.xlane v3, v2;
	v4 =	vadd.s32 v1, v4;
	_ =	sdelay $0x1  }
0x1b3: {  	v3 =	vadd.s32 v1, v3;
	_ =	sdelay $0x1  }
0x1b4: {  	s21 =	simm.s32 $0x14A80  }
0x1b5: {  	[tilespmem:s21], [sflag:$0x5] =	stream.indirect_vreg.gather [hbm4b:s5+s4], $0x80, v4, vm0, $0xb8;
	[tilespmem:$0x1EE80] =	vst v63  }
0x1b6: {  	s22 =	simm.s32 $0x15280  }
0x1b7: {  	[tilespmem:s22], [sflag:$0x5] =	stream.indirect_vreg.gather [hbm4b:s5+s4], $0x80, v3, vm0, $0xb8;
	[tilespmem:$0x1EE80] =	vst v63  }
0x1b8: {  	v3 =	vld.msk [tilespmem:$0x138A0], $0xff;
	_ =	sdelay $0x4  }
0x1b9: {  	v63 =	vshll.u32 v3, $0x1  }
0x1ba: {  	v3 =	vand.u32 $0x7, v3;
	v4 =	vand.u32 $0xFFFFFFF0, v63  }
0x1bb: {  	v3 =	vor.u32 v3, v4  }
0x1bc: {  	v3 =	vperm.xlane v3, v0;
	_ =	sdelay $0x1  }
0x1bd: {  	v3 =	vadd.s32 v1, v3;
	_ =	sdelay $0x1  }
0x1be: {  	s24 =	rddreg [dreg:$0x7]  }
0x1bf: {  	s1 =	sadd.s32 s24, s0  }
0x1c0: {  	s23 =	simm.s32 $0x15A80;
	s25 =	simm.s32 $0x18A80;
	s1 =	sshll.u32 s1, $0x4  }
0x1c1: {  	[tilespmem:s23], [sflag:$0x5] =	stream.indirect_vreg.gather [hbm4b:s5+s4], $0x80, v3, vm0, $0xb8;
	[tilespmem:$0x1EE80] =	vst v63  }
0x1c2: {  	s29 =	rddreg [dreg:$0x5];
	s0 =	sshll.u32 s0, $0x4;
	s1 =	sadd.s32 s26, s1  }
0x1c3: {  	[tilespmem:s25], [sflag:$0x5] =	stream.linear.gather [hbm4b:s1+s4], $0x1400, $0x38;
	[tilespmem:$0x1EE80] =	vst v63  }
0x1c4: {  	s31 =	simm.s32 $0x1B280;
	s0 =	sadd.s32 s29, s0  }
0x1c5: {  	[tilespmem:s31], [sflag:$0x5] =	stream.linear.gather [hbm4b:s0+s4], $0x1400, $0x38;
	[tilespmem:$0x1EE80] =	vst v63  }
.LBB2_6:
0x1c6: {  	_ =	swait.ge [sflag:s20], $0x2800  }
0x1c7: {  	[sflag:s20] =	ssyncset.done $0x0  }
0x1c8: {  	[sflag:s20] =	ssyncadd.s32 $0xFFFFD800  }
0x1c9: {  	_ =	swait.ge [sflag:s20], $0x1400  }
0x1ca: {  	[sflag:s20] =	ssyncset.done $0x0  }
0x1cb: {  	[sflag:s20] =	ssyncadd.s32 $0xFFFFEC00  }
0x1cc: {  	_ =	swait.ge [sflag:s20], $0x1400  }
0x1cd: {  	[sflag:s20] =	ssyncset.done $0x0  }
0x1ce: {  	s1 =	simm.s32 $0x1A070;
	[sflag:s20] =	ssyncadd.s32 $0xFFFFEC00  }
0x1cf: {  	v7 =	vld [tilespmem:s1+$0xFFFFFEB0]  }
0x1d0: {  	v6 =	vld [tilespmem:s1+$0xFFFFFE80]  }
0x1d1: {  	v4 =	vld [tilespmem:s1+$0xFFFFFEF0]  }
0x1d2: {  	v8 =	vld [tilespmem:s1+$0xFFFFFE90]  }
0x1d3: {  	v14 =	vld [tilespmem:s1+$0xFFFFFED0]  }
0x1d4: {  	v10 =	vld [tilespmem:s1+$0xFFFFFE70]  }
0x1d5: {  	v5 =	vld [tilespmem:s1+$0xFFFFFF70]  }
0x1d6: {  	v15 =	vld [tilespmem:s1+$0xFFFFFF30]  }
0x1d7: {  	v16 =	vld [tilespmem:s1+$0xFFFFFE50]  }
0x1d8: {  	v17 =	vld [tilespmem:s1+$0xFFFFFFB0]  }
0x1d9: {  	v11 =	vld [tilespmem:s1+$0xFFFFFFF0]  }
0x1da: {  	s7 =	simm.s32 $0x1C800;
	v12 =	vld [tilespmem:s1+$0x0]  }
0x1db: {  	v9 =	vld [tilespmem:s7+$0xFFFFFF00]  }
0x1dc: {  	v3 =	vld [tilespmem:s1+$0xFFFFFF00]  }
0x1dd: {  	v18 =	vld [tilespmem:s1+$0xFFFFFF50]  }
0x1de: {  	v19 =	vld [tilespmem:s1+$0xFFFFFF10]  }
0x1df: {  	s11 =	simm.s32 $0x0;
	v20 =	vld [tilespmem:s1+$0xFFFFFE30]  }
0x1e0: {  	s0 =	simm.s32 $0x80;
	s10 =	sand.u32 $0x3800, s11;
	v21 =	vld [tilespmem:s1+$0xFFFFFFD0]  }
0x1e1: {  	s14 =	sand.u32 $0x280, s0;
	s2 =	sadd.s32 $0x16280, s10;
	v13 =	vld [tilespmem:s7+$0xFFFFFE80]  }
0x1e2: {  	s16 =	sand.u32 $0x200, s11;
	s0 =	sadd.s32 s14, s2;
	v22 =	vld [tilespmem:s1+$0xFFFFFE10]  }
0x1e3: {  	s3 =	sadd.s32 s16, s2;
	v23 =	vld [tilespmem:s0+$0x40]  }
0x1e4: {  	s6 =	simm.s32 $0x180;
	v24 =	vld [tilespmem:s3+$0x0]  }
0x1e5: {  	s8 =	simm.s32 $0x100;
	s6 =	sand.u32 $0x380, s6;
	v25 =	vld [tilespmem:s0+$0x20]  }
0x1e6: {  	s17 =	sand.u32 $0x300, s8;
	s9 =	sadd.s32 s6, s2;
	v26 =	vld [tilespmem:s3+$0x40]  }
0x1e7: {  	s2 =	sadd.s32 s17, s2;
	v27 =	vld [tilespmem:s9+$0x40]  }
0x1e8: {  	v28 =	vld [tilespmem:s2+$0x0]  }
0x1e9: {  	v29 =	vld [tilespmem:s2+$0x40]  }
0x1ea: {  	v30 =	vld [tilespmem:s3+$0x20];
	v14 =	vmul.f32 v23, v14  }
0x1eb: {  	s8 =	simm.s32 $0x1DB80;
	v16 =	vmul.f32 v26, v16;
	v26 =	vld [tilespmem:s0+$0x0]  }
0x1ec: {  	v31 =	vld [tilespmem:s1+$0xFFFFFF90];
	[tilespmem:s8+$0xFFFFFF80] =	vst v14  }
0x1ed: {  	[tilespmem:s8+$0xFFFFFF00] =	vst v16;
	v16 =	vld [tilespmem:s0+$0x60]  }
0x1ee: {  	v18 =	vmul.f32 v29, v18;
	v29 =	vld [tilespmem:s3+$0x60]  }
0x1ef: {  	v23 =	vld [tilespmem:s2+$0x20];
	v22 =	vmul.f32 v24, v22  }
0x1f0: {  	v24 =	vld [tilespmem:s7+$0xFFFFFF80];
	v7 =	vmul.f32 v25, v7;
	v8 =	vmul.f32 v26, v8  }
0x1f1: {  	v14 =	vld [tilespmem:s1+$0xFFFFFF80];
	[tilespmem:s8+$0x0] =	vst v18;
	v18 =	vmul.f32 v30, v20;
	v20 =	vmul.f32 v27, v21  }
0x1f2: {  	v21 =	vld [tilespmem:s2+$0x60];
	v26 =	vmul.f32 v7, v4;
	v16 =	vmul.f32 v16, v8  }
0x1f3: {  	v25 =	vld [tilespmem:s9+$0x20];
	v30 =	vmul.f32 v18, v10;
	v29 =	vmul.f32 v29, v22  }
0x1f4: {  	v27 =	vld [tilespmem:s9+$0x0];
	v16 =	vadd.f32 v16, v26  }
0x1f5: {  	s31 =	sadd.s32 $0x16680, s10;
	v19 =	vmul.f32 v28, v19;
	v15 =	vmul.f32 v23, v15;
	v23 =	vld [tilespmem:s7+$0x0];
	[tilespmem:s8+$0x80] =	vst v20;
	v20 =	vadd.f32 v29, v30  }
0x1f6: {  	s14 =	sadd.s32 s14, s31;
	v28 =	vld [tilespmem:s9+$0x60];
	[tilespmem:s8+$0xFFFFFFA0] =	vst v16  }
0x1f7: {  	s29 =	sadd.s32 s16, s31;
	v26 =	vmul.f32 v15, v5;
	v16 =	vmul.f32 v21, v19;
	[tilespmem:s8+$0xFFFFFF20] =	vst v20;
	v20 =	vld [tilespmem:s14+$0x0]  }
0x1f8: {  	v21 =	vld [tilespmem:s29+$0x0]  }
0x1f9: {  	v17 =	vmul.f32 v25, v17;
	v25 =	vmul.f32 v27, v31;
	v16 =	vadd.f32 v16, v26;
	_ =	sdelay $0x1  }
0x1fa: {  	s24 =	sadd.s32 s17, s31;
	v26 =	vmul.f32 v28, v25;
	[tilespmem:s8+$0x20] =	vst v16;
	v16 =	vmul.f32 v17, v11  }
0x1fb: {  	v28 =	vmul.f32 v7, v3;
	v27 =	vld [tilespmem:s24+$0x0];
	v20 =	vmul.f32 v20, v8  }
0x1fc: {  	v29 =	vmul.f32 v18, v6;
	v16 =	vadd.f32 v26, v16;
	v21 =	vmul.f32 v21, v22  }
0x1fd: {  	v20 =	vadd.f32 v20, v28  }
0x1fe: {  	s10 =	sadd.s32 s6, s31;
	[tilespmem:s8+$0xA0] =	vst v16;
	v16 =	vadd.f32 v21, v29  }
0x1ff: {  	v26 =	vld [tilespmem:s10+$0x0];
	[tilespmem:s8+$0xFFFFFFC0] =	vst v20  }
0x200: {  	v21 =	vmul.f32 v15, v14;
	v20 =	vmul.f32 v27, v19;
	[tilespmem:s8+$0xFFFFFF40] =	vst v16;
	v16 =	vld [tilespmem:s14+$0x20]  }
0x201: {  	v27 =	vld [tilespmem:s29+$0x20]  }
0x202: {  	v20 =	vadd.f32 v20, v21;
	_ =	sdelay $0x1  }
0x203: {  	[tilespmem:s8+$0x40] =	vst v20;
	v20 =	vmul.f32 v17, v12;
	v21 =	vmul.f32 v26, v25  }
0x204: {  	v7 =	vmul.f32 v7, v9;
	v8 =	vmul.f32 v16, v8  }
0x205: {  	v16 =	vmul.f32 v18, v13;
	v18 =	vadd.f32 v21, v20;
	v20 =	vmul.f32 v27, v22  }
0x206: {  	v7 =	vadd.f32 v8, v7  }
0x207: {  	v26 =	vld [tilespmem:s24+$0x20];
	[tilespmem:s8+$0xC0] =	vst v18;
	v8 =	vadd.f32 v20, v16  }
0x208: {  	v16 =	vld [tilespmem:s10+$0x20];
	[tilespmem:s8+$0xFFFFFFE0] =	vst v7  }
0x209: {  	[tilespmem:s8+$0xFFFFFF60] =	vst v8;
	v18 =	vld [tilespmem:s0+$0x50]  }
0x20a: {  	v8 =	vld [tilespmem:s1+$0xFFFFFE60]  }
0x20b: {  	v20 =	vld [tilespmem:s1+$0xFFFFFE20]  }
0x20c: {  	v21 =	vld [tilespmem:s3+$0x10]  }
0x20d: {  	v15 =	vmul.f32 v15, v24;
	v7 =	vmul.f32 v26, v19;
	v29 =	vld [tilespmem:s3+$0x30]  }
0x20e: {  	v61 =	vld [tilespmem:s1+$0xFFFFFE40]  }
0x20f: {  	v32 =	vld [tilespmem:s1+$0xFFFFFEC0];
	v7 =	vadd.f32 v7, v15  }
0x210: {  	v15 =	vld [tilespmem:s3+$0x50]  }
0x211: {  	[tilespmem:s8+$0x60] =	vst v7;
	v16 =	vmul.f32 v16, v25;
	v25 =	vld [tilespmem:s0+$0x30]  }
0x212: {  	v17 =	vmul.f32 v17, v23;
	v7 =	vld [tilespmem:s1+$0xFFFFFF20]  }
0x213: {  	v26 =	vld [tilespmem:s1+$0xFFFFFF60]  }
0x214: {  	v19 =	vld [tilespmem:s1+$0xFFFFFF40];
	v16 =	vadd.f32 v16, v17  }
0x215: {  	v17 =	vld [tilespmem:s2+$0x30]  }
0x216: {  	[tilespmem:s8+$0xE0] =	vst v16;
	v16 =	vld [tilespmem:s2+$0x10]  }
0x217: {  	v22 =	vld [tilespmem:s9+$0x30]  }
0x218: {  	v28 =	vld [tilespmem:s1+$0xFFFFFFC0]  }
0x219: {  	v63 =	vld [tilespmem:s2+$0x50]  }
0x21a: {  	v29 =	vmul.f32 v29, v61;
	v62 =	vld [tilespmem:s1+$0xFFFFFFE0];
	v17 =	vmul.f32 v17, v19  }
0x21b: {  	v8 =	vmul.f32 v15, v8;
	v33 =	vld [tilespmem:s9+$0x50];
	v7 =	vmul.f32 v16, v7  }
0x21c: {  	v27 =	vmul.f32 v17, v5;
	v16 =	vld [tilespmem:s1+$0xFFFFFEA0];
	v19 =	vmul.f32 v17, v14  }
0x21d: {  	[tilespmem:s8+$0xFFFFFF10] =	vst v8;
	v8 =	vmul.f32 v17, v24;
	v17 =	vld [tilespmem:s1+$0xFFFFFEE0];
	v14 =	vmul.f32 v22, v28  }
0x21e: {  	v5 =	vmul.f32 v21, v20;
	v24 =	vmul.f32 v25, v32;
	v28 =	vld [tilespmem:s0+$0x10]  }
0x21f: {  	v20 =	vmul.f32 v29, v6;
	v15 =	vmul.f32 v14, v11;
	v11 =	vld [tilespmem:s3+$0x70]  }
0x220: {  	v6 =	vmul.f32 v33, v62;
	v21 =	vmul.f32 v14, v12  }
0x221: {  	v22 =	vld [tilespmem:s9+$0x10];
	v12 =	vmul.f32 v14, v23;
	v23 =	vmul.f32 v29, v10  }
0x222: {  	v10 =	vmul.f32 v29, v13;
	v13 =	vld [tilespmem:s1+$0xFFFFFFA0];
	v14 =	vmul.f32 v18, v17  }
0x223: {  	s19 =	simm.s32 $0x1A270;
	s21 =	simm.s32 $0x0;
	[tilespmem:s8+$0x90] =	vst v6;
	v17 =	vmul.f32 v24, v9;
	v16 =	vmul.f32 v28, v16  }
0x224: {  	s1 =	simm.s32 $0x0;
	s3 =	simm.s32 $0x1DD80;
	v9 =	vld [tilespmem:s9+$0x70];
	s9 =	simm.s32 $0x1CA00;
	v25 =	vmul.f32 v11, v5;
	v11 =	vmul.f32 v63, v26  }
.LBB2_7:
0x225: {  	v26 =	vld [tilespmem:s19+$0xFFFFFEB0];
	s1 =	sadd.s32 $0x4, s1;
	s11 =	sadd.s32 $0x400, s11;
	s21 =	sadd.s32 $0x200, s21  }
0x226: {  	v6 =	vld [tilespmem:s19+$0xFFFFFE80];
	p2 =	slt.u32 s1, $0x24;
	[tilespmem:s8+$0x10] =	vst v11  }
0x227: {  	v18 =	vld [tilespmem:s19+$0xFFFFFEF0];
	v22 =	vmul.f32 v22, v13  }
0x228: {  	v11 =	vld [tilespmem:s2+$0x70]  }
0x229: {  	v28 =	vld [tilespmem:s19+$0xFFFFFE90];
	v13 =	vmul.f32 v9, v22  }
0x22a: {  	v29 =	vld [tilespmem:s19+$0xFFFFFED0]  }
0x22b: {  	v9 =	vld [tilespmem:s19+$0xFFFFFE70];
	v13 =	vadd.f32 v13, v15  }
0x22c: {  	v15 =	vld [tilespmem:s19+$0xFFFFFF70]  }
0x22d: {  	v30 =	vld [tilespmem:s19+$0xFFFFFF30];
	v11 =	vmul.f32 v11, v7;
	[tilespmem:s8+$0xB0] =	vst v13  }
0x22e: {  	v31 =	vld [tilespmem:s19+$0xFFFFFE50]  }
0x22f: {  	v32 =	vld [tilespmem:s19+$0xFFFFFFB0];
	v11 =	vadd.f32 v11, v27  }
0x230: {  	v13 =	vld [tilespmem:s19+$0xFFFFFFF0];
	[tilespmem:s8+$0xFFFFFF90] =	vst v14  }
0x231: {  	v14 =	vld [tilespmem:s19+$0x0];
	[tilespmem:s8+$0x30] =	vst v11  }
0x232: {  	v27 =	vld [tilespmem:s0+$0x70]  }
0x233: {  	v33 =	vld [tilespmem:s19+$0xFFFFFF90]  }
0x234: {  	v11 =	vld [tilespmem:s9+$0xFFFFFF00]  }
0x235: {  	v34 =	vld [tilespmem:s19+$0xFFFFFF00]  }
0x236: {  	v36 =	vmul.f32 v24, v4;
	v4 =	vmov v18;
	v35 =	vld [tilespmem:s19+$0xFFFFFF50]  }
0x237: {  	v37 =	vld [tilespmem:s19+$0xFFFFFF10];
	v18 =	vmul.f32 v27, v16  }
0x238: {  	v38 =	vld [tilespmem:s19+$0xFFFFFE30]  }
0x239: {  	v39 =	vld [tilespmem:s19+$0xFFFFFFD0];
	v27 =	vadd.f32 v18, v36  }
0x23a: {  	s17 =	sand.u32 $0x200, s21;
	s2 =	sadd.s32 $0x180, s21;
	s0 =	sadd.s32 $0x100, s21;
	v18 =	vld [tilespmem:s9+$0xFFFFFE80]  }
0x23b: {  	s16 =	sand.u32 $0x3800, s11;
	s6 =	sadd.s32 $0x80, s21;
	s31 =	sand.u32 $0x380, s2;
	[tilespmem:s8+$0xFFFFFFB0] =	vst v27  }
0x23c: {  	s7 =	sadd.s32 $0x16280, s16;
	s22 =	sand.u32 $0x280, s6;
	s6 =	sand.u32 $0x300, s0;
	v27 =	vld [tilespmem:s14+$0x10]  }
0x23d: {  	s23 =	sadd.s32 s17, s7;
	s0 =	sadd.s32 s22, s7;
	s2 =	sadd.s32 s6, s7;
	v36 =	vld [tilespmem:s19+$0xFFFFFE10]  }
0x23e: {  	s25 =	sadd.s32 s31, s7;
	v40 =	vld [tilespmem:s0+$0x40]  }
0x23f: {  	v24 =	vmul.f32 v24, v3;
	v3 =	vmov v34;
	v41 =	vld [tilespmem:s23+$0x0]  }
0x240: {  	v34 =	vld [tilespmem:s0+$0x20]  }
0x241: {  	v42 =	vld [tilespmem:s25+$0x20];
	v27 =	vmul.f32 v27, v16  }
0x242: {  	v43 =	vld [tilespmem:s25+$0x0]  }
0x243: {  	v44 =	vld [tilespmem:s23+$0x40];
	v24 =	vadd.f32 v27, v24  }
0x244: {  	v45 =	vld [tilespmem:s10+$0x10]  }
0x245: {  	v46 =	vld [tilespmem:s25+$0x40];
	[tilespmem:s8+$0xFFFFFFD0] =	vst v24  }
0x246: {  	v47 =	vld [tilespmem:s2+$0x0]  }
0x247: {  	v24 =	vmul.f32 v40, v29;
	v29 =	vld [tilespmem:s24+$0x10]  }
0x248: {  	v40 =	vld [tilespmem:s2+$0x40]  }
0x249: {  	v23 =	vadd.f32 v25, v23;
	v27 =	vmul.f32 v41, v36;
	v36 =	vld [tilespmem:s23+$0x20];
	v25 =	vmul.f32 v45, v22  }
0x24a: {  	v31 =	vmul.f32 v44, v31;
	v41 =	vld [tilespmem:s2+$0x20]  }
0x24b: {  	v44 =	vld [tilespmem:s0+$0x0];
	[tilespmem:s8+$0xFFFFFF30] =	vst v23;
	v23 =	vadd.f32 v25, v21  }
0x24c: {  	[tilespmem:s3+$0xFFFFFF00] =	vst v31;
	v31 =	vmul.f32 v42, v32;
	v32 =	vld [tilespmem:s29+$0x10];
	v29 =	vmul.f32 v29, v7  }
0x24d: {  	v25 =	vmul.f32 v43, v33;
	[tilespmem:s3+$0xFFFFFF80] =	vst v24;
	v21 =	vld [tilespmem:s19+$0xFFFFFF80];
	v35 =	vmul.f32 v40, v35  }
0x24e: {  	v33 =	vmul.f32 v36, v38;
	v36 =	vld [tilespmem:s0+$0x60];
	v19 =	vadd.f32 v29, v19;
	[tilespmem:s8+$0xD0] =	vst v23  }
0x24f: {  	v38 =	vmul.f32 v31, v13;
	v29 =	vld [tilespmem:s23+$0x60];
	v30 =	vmul.f32 v41, v30  }
0x250: {  	v39 =	vmul.f32 v46, v39;
	v28 =	vmul.f32 v44, v28;
	v24 =	vld [tilespmem:s9+$0xFFFFFF80]  }
0x251: {  	s7 =	sadd.s32 $0x16680, s16;
	v26 =	vmul.f32 v34, v26;
	v40 =	vmul.f32 v33, v9;
	[tilespmem:s3+$0x0] =	vst v35;
	v23 =	vld [tilespmem:s9+$0x0]  }
0x252: {  	s6 =	sadd.s32 s6, s7;
	v34 =	vmul.f32 v47, v37;
	v32 =	vmul.f32 v32, v5;
	v35 =	vld [tilespmem:s2+$0x60];
	[tilespmem:s8+$0x50] =	vst v19  }
0x253: {  	s16 =	sadd.s32 s31, s7;
	v19 =	vmul.f32 v36, v28;
	v36 =	vmul.f32 v26, v4;
	[tilespmem:s3+$0x80] =	vst v39;
	v37 =	vld [tilespmem:s24+$0x30];
	s24 =	smov.u32 s6  }
0x254: {  	v39 =	vmul.f32 v30, v15;
	v20 =	vadd.f32 v32, v20;
	v29 =	vmul.f32 v29, v27;
	v32 =	vld [tilespmem:s10+$0x30];
	s10 =	smov.u32 s16  }
0x255: {  	v19 =	vadd.f32 v19, v36;
	v36 =	vmul.f32 v30, v21;
	v30 =	vmul.f32 v30, v24;
	v41 =	vld [tilespmem:s25+$0x60]  }
0x256: {  	s6 =	sadd.s32 s17, s7;
	v29 =	vadd.f32 v29, v40;
	v40 =	vmul.f32 v33, v6;
	v33 =	vmul.f32 v33, v18;
	[tilespmem:s8+$0xFFFFFF50] =	vst v20;
	v20 =	vld [tilespmem:s14+$0x30]  }
0x257: {  	s14 =	sadd.s32 s22, s7;
	[tilespmem:s3+$0xFFFFFFA0] =	vst v19;
	v19 =	vmul.f32 v35, v34;
	v35 =	vld [tilespmem:s29+$0x30];
	s29 =	smov.u32 s6  }
0x258: {  	[tilespmem:s3+$0xFFFFFF20] =	vst v29;
	v29 =	vld [tilespmem:s14+$0x0];
	v7 =	vmul.f32 v37, v7  }
0x259: {  	v37 =	vld [tilespmem:s29+$0x0];
	v19 =	vadd.f32 v19, v39;
	v39 =	vmul.f32 v31, v14;
	v22 =	vmul.f32 v32, v22  }
0x25a: {  	v32 =	vmul.f32 v41, v25;
	v7 =	vadd.f32 v7, v8  }
0x25b: {  	[tilespmem:s3+$0x20] =	vst v19;
	v8 =	vmul.f32 v20, v16;
	v12 =	vadd.f32 v22, v12  }
0x25c: {  	v16 =	vld [tilespmem:s24+$0x0];
	v19 =	vadd.f32 v32, v38;
	v5 =	vmul.f32 v35, v5;
	[tilespmem:s8+$0x70] =	vst v7  }
0x25d: {  	v20 =	vmul.f32 v26, v3;
	v7 =	vmul.f32 v29, v28;
	v8 =	vadd.f32 v8, v17;
	[tilespmem:s8+$0xF0] =	vst v12  }
0x25e: {  	v12 =	vmul.f32 v37, v27;
	[tilespmem:s3+$0xA0] =	vst v19;
	v5 =	vadd.f32 v5, v10  }
0x25f: {  	v7 =	vadd.f32 v7, v20;
	v10 =	vld [tilespmem:s10+$0x0];
	[tilespmem:s8+$0xFFFFFFF0] =	vst v8  }
0x260: {  	v8 =	vadd.f32 v12, v40;
	[tilespmem:s8+$0xFFFFFF70] =	vst v5;
	s8 =	smov.u32 s3  }
0x261: {  	[tilespmem:s3+$0xFFFFFFC0] =	vst v7;
	v5 =	vmul.f32 v16, v34  }
0x262: {  	[tilespmem:s3+$0xFFFFFF40] =	vst v8;
	v7 =	vld [tilespmem:s14+$0x20]  }
0x263: {  	v12 =	vmul.f32 v31, v23;
	v8 =	vld [tilespmem:s29+$0x20];
	v5 =	vadd.f32 v5, v36  }
0x264: {  	v10 =	vmul.f32 v10, v25  }
0x265: {  	[tilespmem:s3+$0x40] =	vst v5  }
0x266: {  	v5 =	vld [tilespmem:s24+$0x20];
	v10 =	vadd.f32 v10, v39  }
0x267: {  	v16 =	vmul.f32 v26, v11;
	v7 =	vmul.f32 v7, v28  }
0x268: {  	v8 =	vmul.f32 v8, v27;
	[tilespmem:s3+$0xC0] =	vst v10  }
0x269: {  	v7 =	vadd.f32 v7, v16;
	v10 =	vld [tilespmem:s10+$0x20]  }
0x26a: {  	v8 =	vadd.f32 v8, v33  }
0x26b: {  	[tilespmem:s3+$0xFFFFFFE0] =	vst v7;
	v5 =	vmul.f32 v5, v34  }
0x26c: {  	[tilespmem:s3+$0xFFFFFF60] =	vst v8;
	v17 =	vld [tilespmem:s0+$0x50]  }
0x26d: {  	v7 =	vld [tilespmem:s19+$0xFFFFFE60];
	v5 =	vadd.f32 v5, v30  }
0x26e: {  	v8 =	vld [tilespmem:s23+$0x50];
	v10 =	vmul.f32 v10, v25  }
0x26f: {  	v16 =	vld [tilespmem:s19+$0xFFFFFE20];
	[tilespmem:s3+$0x60] =	vst v5  }
0x270: {  	v5 =	vld [tilespmem:s19+$0xFFFFFF20];
	v10 =	vadd.f32 v10, v12  }
0x271: {  	v26 =	vld [tilespmem:s19+$0xFFFFFF60]  }
0x272: {  	v12 =	vld [tilespmem:s23+$0x10];
	[tilespmem:s3+$0xE0] =	vst v10  }
0x273: {  	v8 =	vmul.f32 v8, v7;
	v7 =	vld [tilespmem:s2+$0x30]  }
0x274: {  	v10 =	vld [tilespmem:s19+$0xFFFFFF40]  }
0x275: {  	v19 =	vld [tilespmem:s2+$0x10]  }
0x276: {  	v20 =	vld [tilespmem:s25+$0x30]  }
0x277: {  	v25 =	vld [tilespmem:s0+$0x30]  }
0x278: {  	v28 =	vld [tilespmem:s19+$0xFFFFFFC0]  }
0x279: {  	v29 =	vld [tilespmem:s23+$0x30];
	v10 =	vmul.f32 v7, v10  }
0x27a: {  	v30 =	vld [tilespmem:s19+$0xFFFFFE40];
	v7 =	vmul.f32 v19, v5  }
0x27b: {  	[tilespmem:s3+$0xFFFFFF10] =	vst v8;
	v27 =	vmul.f32 v10, v15;
	v19 =	vmul.f32 v10, v21;
	v22 =	vld [tilespmem:s25+$0x10]  }
0x27c: {  	v5 =	vmul.f32 v12, v16;
	v8 =	vmul.f32 v10, v24;
	v16 =	vld [tilespmem:s19+$0xFFFFFFE0]  }
0x27d: {  	v10 =	vld [tilespmem:s19+$0xFFFFFEC0]  }
0x27e: {  	v31 =	vld [tilespmem:s25+$0x50]  }
0x27f: {  	v12 =	vmul.f32 v20, v28;
	v29 =	vmul.f32 v29, v30;
	v30 =	vld [tilespmem:s19+$0xFFFFFEA0]  }
0x280: {  	v28 =	vld [tilespmem:s0+$0x10]  }
0x281: {  	v15 =	vmul.f32 v12, v13;
	v21 =	vmul.f32 v12, v14;
	v32 =	vld [tilespmem:s19+$0xFFFFFEE0]  }
0x282: {  	v12 =	vmul.f32 v12, v23;
	v14 =	vld [tilespmem:s23+$0x70];
	v24 =	vmul.f32 v25, v10  }
0x283: {  	v23 =	vmul.f32 v29, v9;
	v20 =	vmul.f32 v29, v6;
	v6 =	vld [tilespmem:s2+$0x50]  }
.Ltmp4:
0x284: {  	v10 =	vmul.f32 v29, v18;
	v9 =	vmul.f32 v31, v16;
	(pc) =	sbr.rel @p2 .LBB2_7-.Ltmp4, $4  }
0x285: {  	v16 =	vmul.f32 v28, v30  }
0x286: {  	v13 =	vld [tilespmem:s19+$0xFFFFFFA0]  }
0x287: {  	v25 =	vmul.f32 v14, v5;
	v14 =	vmul.f32 v17, v32;
	[tilespmem:s3+$0x90] =	vst v9  }
0x288: {  	s9 =	sadd.s32 $0x200, s9;
	s19 =	sadd.s32 $0x200, s19;
	v17 =	vmul.f32 v24, v11;
	s3 =	sadd.s32 $0x200, s3;
	v11 =	vmul.f32 v6, v26;
	v9 =	vld [tilespmem:s25+$0x70]  }
0x289: {  	[tilespmem:s8+$0xFFFFFF90] =	vst v14  }
0x28a: {  	[tilespmem:s8+$0x10] =	vst v11;
	v54 =	vld [tilespmem:s0+$0x70]  }
0x28b: {  	v6 =	vld [tilespmem:s2+$0x70]  }
0x28c: {  	v13 =	vmul.f32 v22, v13;
	_ =	sdelay $0x1  }
0x28d: {  	v9 =	vmul.f32 v9, v13  }
0x28e: {  	v4 =	vmul.f32 v24, v4;
	v11 =	vmul.f32 v54, v16  }
0x28f: {  	v9 =	vadd.f32 v9, v15;
	v6 =	vmul.f32 v6, v7  }
0x290: {  	v4 =	vadd.f32 v11, v4  }
0x291: {  	[tilespmem:s8+$0xB0] =	vst v9;
	v6 =	vadd.f32 v6, v27  }
0x292: {  	v55 =	vadd.f32 v25, v23;
	v56 =	vld [tilespmem:s10+$0x10];
	[tilespmem:s8+$0xFFFFFFB0] =	vst v4  }
0x293: {  	[tilespmem:s8+$0x30] =	vst v6;
	v57 =	vld [tilespmem:s14+$0x10]  }
0x294: {  	[tilespmem:s8+$0xFFFFFF30] =	vst v55;
	v6 =	vld [tilespmem:s24+$0x10]  }
0x295: {  	v9 =	vld [tilespmem:s29+$0x10];
	_ =	sdelay $0x1  }
0x296: {  	v4 =	vmul.f32 v56, v13  }
0x297: {  	v3 =	vmul.f32 v24, v3;
	v11 =	vmul.f32 v57, v16  }
0x298: {  	v4 =	vadd.f32 v4, v21;
	v6 =	vmul.f32 v6, v7  }
0x299: {  	v9 =	vmul.f32 v9, v5;
	v3 =	vadd.f32 v11, v3  }
0x29a: {  	[tilespmem:s8+$0xD0] =	vst v4;
	v6 =	vadd.f32 v6, v19  }
0x29b: {  	v59 =	vadd.f32 v9, v20;
	[tilespmem:s8+$0xFFFFFFD0] =	vst v3;
	v3 =	vld [tilespmem:s10+$0x30]  }
0x29c: {  	[tilespmem:s8+$0x50] =	vst v6;
	v60 =	vld [tilespmem:s14+$0x30]  }
0x29d: {  	[tilespmem:s8+$0xFFFFFF50] =	vst v59;
	v58 =	vld [tilespmem:s24+$0x30]  }
0x29e: {  	v61 =	vld [tilespmem:s29+$0x30];
	_ =	sdelay $0x1  }
0x29f: {  	v3 =	vmul.f32 v3, v13  }
0x2a0: {  	v6 =	vmul.f32 v60, v16  }
0x2a1: {  	v4 =	vmul.f32 v58, v7;
	v3 =	vadd.f32 v3, v12  }
0x2a2: {  	v62 =	vmul.f32 v61, v5;
	v63 =	vadd.f32 v6, v17  }
0x2a3: {  	v4 =	vadd.f32 v4, v8;
	[tilespmem:s8+$0xF0] =	vst v3  }
0x2a4: {  	v3 =	vadd.f32 v62, v10;
	[tilespmem:s8+$0xFFFFFFF0] =	vst v63  }
0x2a5: {  	[tilespmem:s8+$0x70] =	vst v4  }
0x2a6: {  	[tilespmem:s8+$0xFFFFFF70] =	vst v3  }
0x2a7: {  	_ =	swait.ge [sflag:s28], $0x28  }
0x2a8: {  	[sflag:s28] =	ssyncset.done $0x0  }
0x2a9: {  	s6 =	simm.s32 $0x13A00;
	s1 =	simm.s32 $0x28;
	[sflag:s28] =	ssyncadd.s32 $0xFFFFFFD8  }
.Ltmp5:
0x2aa: {  	s31 =	simm.s32 $0x1DA80;
	s29 =	rddreg [dreg:$0x3];
	(pc) =	sbr.rel @p1 .LBB2_10-.Ltmp5, $4  }
0x2ab: {  	[spmem:s29] =	stream.indirect.scatter.add.f32 [tilespmem:s31], [sflag:$0x7], $0x80, s6, s1, $0xb8;
	[tilespmem:$0x1EE80] =	vst v63  }
0x2ac: {  	_ =	swait.ge [sflag:s18], $0x1400  }
0x2ad: {  	[sflag:s18] =	ssyncset.done $0x0  }
0x2ae: {  	[sflag:s18] =	ssyncadd.s32 $0xFFFFEC00  }
.Ltmp6:
0x2af: {  	s0 =	rddreg [dreg:$0x1c];
	(pc) =	sbr.rel .LBB2_2-.Ltmp6, $4  }
0x2b0: {  	s0 =	sadd.s32 s13, s0  }
0x2b1: {  	s1 =	rddreg [dreg:$0x2];
	s0 =	sshrl.u32 s0, $0x3  }
0x2b2: {  	s30 =	sadd.s32 $0x1, s30;
	s0 =	sadd.s32 s1, s0  }
0x2b3: {  	[tilespmem:s6], [sflag:$0x4] =	stream.linear.gather [hbm4b:s0+s4], $0x28, $0x38;
	[tilespmem:$0x1EE80] =	vst v63  }
.LBB2_10:
0x2b4: {  	[bflag:$0x0] =	sbarrier.arrive $0xFFFF  }
0x2b5: {  	s1 =	sld [smem:$0x7F8]  }
0x2b6: {  	s2 =	rddreg [dreg:$0x9]  }
0x2b7: {  	s0 =	rddreg [dreg:$0xc]  }
0x2b8: {  	[hbm:s0], [sflag:s2] =	dma.local [spmem:s1], $0x2700  }
0x2b9: {  	_ =	swait.ge [sflag:s18], $0x2700  }
0x2ba: {  	[sflag:s18] =	ssyncset.done $0x0  }
0x2bb: {  	[sflag:s18] =	ssyncadd.s32 $0xFFFFD900  }
0x2bc: {  	[bflag:$0x0] =	sbarrier.arrive @p0 $0xFFFF  }
0x2bd: {  	s1 =	rddreg [dreg:$0x6]  }
0x2be: {  	s3 =	rddreg [dreg:$0xe];
	s0 =	sshrl.u32 @p0 s1, $0x3  }
0x2bf: {  	[spmem:s0], [sflag:s2] =	dma.local @p0 [hbm:s3], $0x2700  }
0x2c0: {  	s0 =	simm.s32 @p0 $0x7  }
0x2c1: {  	_ =	swait.ge @p0 [sflag:s0], $0x2700  }
0x2c2: {  	s7 =	sld [smem:$0x7F9]  }
0x2c3: {  	[sflag:s0] =	ssyncset.done @p0 $0x0  }
0x2c4: {  	[sflag:s0] =	ssyncadd.s32 @p0 $0xFFFFD900;
	s0 =	rddreg [dreg:$0xd]  }
0x2c5: {  	[hbm:s0], [sflag:s2] =	dma.local @!p0 [spmem:s7], $0x100  }
0x2c6: {  	s0 =	simm.s32 @!p0 $0x7  }
0x2c7: {  	_ =	swait.ge @!p0 [sflag:s0], $0x100  }
0x2c8: {  	[sflag:s0] =	ssyncset.done @!p0 $0x0  }
0x2c9: {  	[sflag:s0] =	ssyncadd.s32 @!p0 $0xFFFFFF00  }
0x2ca: {  	s1 =	sshrl.u32 @!p0 s1, $0x3;
	[bflag:$0x0] =	sbarrier.arrive @!p0 $0xFFFF  }
0x2cb: {  	[spmem:s1], [sflag:s2] =	dma.local @!p0 [hbm:s3], $0x2700  }
0x2cc: {  	_ =	swait.ge @!p0 [sflag:s0], $0x2700  }
0x2cd: {  	[sflag:s0] =	ssyncset.done @!p0 $0x0  }
0x2ce: {  	s1 =	rddreg [dreg:$0xf];
	[sflag:s0] =	ssyncadd.s32 @!p0 $0xFFFFD900  }
0x2cf: {  	[spmem:s7], [sflag:s2] =	dma.local @!p0 [hbm:s1], $0x100  }
0x2d0: {  	_ =	swait.ge @!p0 [sflag:s0], $0x100  }
0x2d1: {  	[sflag:s0] =	ssyncset.done @!p0 $0x0  }
0x2d2: {  	[sflag:s0] =	ssyncadd.s32 @!p0 $0xFFFFFF00  }
0x2d3: {  	[bflag:$0x0] =	sbarrier.arrive $0xFFFF  }
0x2d4: {  	s30 =	simm.s32 $0x0;
	s8 =	simm.s32 $0x13880;
	s7 =	rddreg [dreg:$0x1d]  }
0x2d5: {  	[tilespmem:s8], [sflag:$0x1] =	stream.linear.gather [hbm4b:s7+s30], $0x28, $0x38;
	[tilespmem:$0x1EE80] =	vst v63  }
0x2d6: {  	s10 =	simm.s32 $0x13980;
	s11 =	simm.s32 $0x1;
	s9 =	rddreg [dreg:$0x12]  }
0x2d7: {  	[tilespmem:s10], [sflag:$0x3] =	stream.linear.gather [hbm4b:s9+s30], $0x28, $0x38;
	[tilespmem:$0x1EE80] =	vst v63  }
0x2d8: {  	_ =	swait.ge [sflag:s11], $0x28  }
0x2d9: {  	[sflag:s11] =	ssyncset.done $0x0  }
0x2da: {  	[sflag:s11] =	ssyncadd.s32 $0xFFFFFFD8  }
0x2db: {  	v3 =	vld [tilespmem:$0x13880];
	_ =	sdelay $0x4  }
0x2dc: {  	v4 =	vshll.u32 v3, $0x1  }
0x2dd: {  	v3 =	vand.u32 $0x7, v3;
	v4 =	vand.u32 $0xFFFFFFF0, v4  }
0x2de: {  	v3 =	vor.u32 v3, v4  }
0x2df: {  	v4 =	vperm.xlane v3, v0;
	_ =	sdelay $0x1  }
0x2e0: {  	v3 =	vperm.xlane v3, v2;
	v4 =	vadd.s32 v1, v4;
	_ =	sdelay $0x1  }
0x2e1: {  	v3 =	vadd.s32 v1, v3;
	_ =	sdelay $0x1  }
0x2e2: {  	s13 =	simm.s32 $0x13A80  }
0x2e3: {  	[tilespmem:s13], [sflag:$0x5] =	stream.indirect_vreg.gather [hbm4b:s5+s30], $0x80, v4, vm0, $0xb8;
	[tilespmem:$0x1EE80] =	vst v63  }
0x2e4: {  	s14 =	simm.s32 $0x14280  }
0x2e5: {  	[tilespmem:s14], [sflag:$0x5] =	stream.indirect_vreg.gather [hbm4b:s5+s30], $0x80, v3, vm0, $0xb8;
	[tilespmem:$0x1EE80] =	vst v63  }
0x2e6: {  	v3 =	vld [tilespmem:$0x13890];
	_ =	sdelay $0x4  }
0x2e7: {  	v62 =	vshll.u32 v3, $0x1  }
0x2e8: {  	v3 =	vand.u32 $0x7, v3;
	v4 =	vand.u32 $0xFFFFFFF0, v62  }
0x2e9: {  	v3 =	vor.u32 v3, v4  }
0x2ea: {  	v4 =	vperm.xlane v3, v0;
	_ =	sdelay $0x1  }
0x2eb: {  	v3 =	vperm.xlane v3, v2;
	v4 =	vadd.s32 v1, v4;
	_ =	sdelay $0x1  }
0x2ec: {  	v3 =	vadd.s32 v1, v3;
	_ =	sdelay $0x1  }
0x2ed: {  	s16 =	simm.s32 $0x14A80  }
0x2ee: {  	[tilespmem:s16], [sflag:$0x5] =	stream.indirect_vreg.gather [hbm4b:s5+s30], $0x80, v4, vm0, $0xb8;
	[tilespmem:$0x1EE80] =	vst v63  }
0x2ef: {  	s17 =	simm.s32 $0x15280  }
0x2f0: {  	[tilespmem:s17], [sflag:$0x5] =	stream.indirect_vreg.gather [hbm4b:s5+s30], $0x80, v3, vm0, $0xb8;
	[tilespmem:$0x1EE80] =	vst v63  }
0x2f1: {  	v3 =	vld.msk [tilespmem:$0x138A0], $0xff;
	_ =	sdelay $0x4  }
0x2f2: {  	v63 =	vshll.u32 v3, $0x1  }
0x2f3: {  	v3 =	vand.u32 $0x7, v3;
	v4 =	vand.u32 $0xFFFFFFF0, v63  }
0x2f4: {  	v3 =	vor.u32 v3, v4  }
0x2f5: {  	v3 =	vperm.xlane v3, v0;
	_ =	sdelay $0x1  }
0x2f6: {  	v3 =	vadd.s32 v1, v3;
	_ =	sdelay $0x3  }
0x2f7: {  	s19 =	simm.s32 $0x15A80  }
0x2f8: {  	[tilespmem:s19], [sflag:$0x5] =	stream.indirect_vreg.gather [hbm4b:s5+s30], $0x80, v3, vm0, $0xb8;
	[tilespmem:$0x1EE80] =	vst v63  }
0x2f9: {  	s22 =	simm.s32 $0x18A80;
	s21 =	rddreg [dreg:$0x1e]  }
0x2fa: {  	[tilespmem:s22], [sflag:$0x5] =	stream.linear.gather [hbm4b:s21+s30], $0x1400, $0x38;
	[tilespmem:$0x1EE80] =	vst v63  }
0x2fb: {  	s24 =	simm.s32 $0x1B280;
	s23 =	rddreg [dreg:$0x14]  }
0x2fc: {  	[tilespmem:s24], [sflag:$0x5] =	stream.linear.gather [hbm4b:s23+s30], $0x1400, $0x38;
	[tilespmem:$0x1EE80] =	vst v63  }
0x2fd: {  	s29 =	simm.s32 $0x13900;
	s25 =	rddreg [dreg:$0x1f]  }
0x2fe: {  	[tilespmem:s29], [sflag:$0x2] =	stream.linear.gather [hbm4b:s25+s30], $0x28, $0x38;
	[tilespmem:$0x1EE80] =	vst v63  }
0x2ff: {  	s31 =	rddreg [dreg:$0x18];
	s13 =	simm.s32 $0x0  }
0x300: {  	[tilespmem:s6], [sflag:$0x4] =	stream.linear.gather [hbm4b:s31+s30], $0x28, $0x38;
	[tilespmem:$0x1EE80] =	vst v63  }
.LBB2_11:
0x301: {  	p1 =	seq.s32 s13, $0x7C;
	s0 =	sld [smem:$0x7FA]  }
0x302: {  	s8 =	smul.u32 @!p1 $0x50, s13;
	_ =	sdelay $0x1  }
0x303: {  	s0 =	sadd.s32 @!p1 s8, s0  }
0x304: {  	s1 =	rddreg [dreg:$0x1];
	s14 =	simm.s32 $0x2;
	s0 =	sshrl.u32 @!p1 s0, $0x3  }
0x305: {  	s2 =	simm.s32 @!p1 $0x13880;
	s0 =	sadd.s32 @!p1 s1, s0;
	s1 =	simm.s32 @!p1 $0x0  }
0x306: {  	[tilespmem:s2], [sflag:$0x1] =	stream.linear.gather @!p1 [hbm4b:s0+s1], $0x28, $0x38;
	[tilespmem:$0x1EE80] =	vst v63  }
0x307: {  	_ =	swait.ge [sflag:s14], $0x28  }
0x308: {  	[sflag:s14] =	ssyncset.done $0x0  }
0x309: {  	[sflag:s14] =	ssyncadd.s32 $0xFFFFFFD8  }
0x30a: {  	v3 =	vld [tilespmem:$0x13900];
	_ =	sdelay $0x4  }
0x30b: {  	v4 =	vshll.u32 v3, $0x1  }
0x30c: {  	v3 =	vand.u32 $0x7, v3;
	v4 =	vand.u32 $0xFFFFFFF0, v4  }
0x30d: {  	v3 =	vor.u32 v3, v4  }
0x30e: {  	v4 =	vperm.xlane v3, v0;
	_ =	sdelay $0x1  }
0x30f: {  	v3 =	vperm.xlane v3, v2;
	v4 =	vadd.s32 v1, v4;
	_ =	sdelay $0x1  }
0x310: {  	v3 =	vadd.s32 v1, v3;
	_ =	sdelay $0x1  }
0x311: {  	s16 =	simm.s32 $0x16280  }
0x312: {  	[tilespmem:s16], [sflag:$0x6] =	stream.indirect_vreg.gather [hbm4b:s5+s30], $0x80, v4, vm0, $0xb8;
	[tilespmem:$0x1EE80] =	vst v63  }
0x313: {  	s17 =	simm.s32 $0x16A80  }
0x314: {  	[tilespmem:s17], [sflag:$0x6] =	stream.indirect_vreg.gather [hbm4b:s5+s30], $0x80, v3, vm0, $0xb8;
	[tilespmem:$0x1EE80] =	vst v63  }
0x315: {  	v3 =	vld [tilespmem:$0x13910];
	_ =	sdelay $0x4  }
0x316: {  	v4 =	vshll.u32 v3, $0x1  }
0x317: {  	v3 =	vand.u32 $0x7, v3;
	v4 =	vand.u32 $0xFFFFFFF0, v4  }
0x318: {  	v3 =	vor.u32 v3, v4  }
0x319: {  	v4 =	vperm.xlane v3, v0;
	_ =	sdelay $0x1  }
0x31a: {  	v3 =	vperm.xlane v3, v2;
	v4 =	vadd.s32 v1, v4;
	_ =	sdelay $0x1  }
0x31b: {  	v3 =	vadd.s32 v1, v3;
	_ =	sdelay $0x1  }
0x31c: {  	s19 =	simm.s32 $0x17280  }
0x31d: {  	[tilespmem:s19], [sflag:$0x6] =	stream.indirect_vreg.gather [hbm4b:s5+s30], $0x80, v4, vm0, $0xb8;
	[tilespmem:$0x1EE80] =	vst v63  }
0x31e: {  	s21 =	simm.s32 $0x17A80  }
0x31f: {  	[tilespmem:s21], [sflag:$0x6] =	stream.indirect_vreg.gather [hbm4b:s5+s30], $0x80, v3, vm0, $0xb8;
	[tilespmem:$0x1EE80] =	vst v63  }
0x320: {  	v3 =	vld.msk [tilespmem:$0x13920], $0xff;
	_ =	sdelay $0x4  }
0x321: {  	v4 =	vshll.u32 v3, $0x1  }
0x322: {  	v3 =	vand.u32 $0x7, v3;
	v4 =	vand.u32 $0xFFFFFFF0, v4  }
0x323: {  	v3 =	vor.u32 v3, v4  }
0x324: {  	v3 =	vperm.xlane v3, v0;
	_ =	sdelay $0x1  }
0x325: {  	v3 =	vadd.s32 v1, v3  }
0x326: {  	s8 =	simm.s32 @p1 $0x26C0;
	s22 =	rddreg [dreg:$0x15]  }
0x327: {  	s24 =	rddreg [dreg:$0x17];
	s0 =	sadd.s32 s8, s22  }
0x328: {  	s1 =	sadd.s32 s24, s0  }
0x329: {  	s23 =	simm.s32 $0x18280;
	s25 =	simm.s32 $0x19E80;
	s1 =	sshll.u32 s1, $0x4  }
0x32a: {  	[tilespmem:s23], [sflag:$0x6] =	stream.indirect_vreg.gather [hbm4b:s5+s30], $0x80, v3, vm0, $0xb8;
	[tilespmem:$0x1EE80] =	vst v63  }
0x32b: {  	s3 =	rddreg [dreg:$0x5];
	s0 =	sshll.u32 s0, $0x4;
	s1 =	sadd.s32 s26, s1  }
0x32c: {  	[tilespmem:s25], [sflag:$0x6] =	stream.linear.gather [hbm4b:s1+s30], $0x1400, $0x38;
	[tilespmem:$0x1EE80] =	vst v63  }
0x32d: {  	s6 =	simm.s32 $0x1C680;
	s0 =	sadd.s32 s3, s0  }
0x32e: {  	[tilespmem:s6], [sflag:$0x6] =	stream.linear.gather [hbm4b:s0+s30], $0x1400, $0x38;
	[tilespmem:$0x1EE80] =	vst v63  }
0x32f: {  	_ =	swait.ge [sflag:s12], $0x2800  }
0x330: {  	[sflag:s12] =	ssyncset.done $0x0  }
0x331: {  	[sflag:s12] =	ssyncadd.s32 $0xFFFFD800  }
0x332: {  	_ =	swait.ge [sflag:s12], $0x1400  }
0x333: {  	[sflag:s12] =	ssyncset.done $0x0  }
0x334: {  	[sflag:s12] =	ssyncadd.s32 $0xFFFFEC00  }
0x335: {  	_ =	swait.ge [sflag:s12], $0x1400  }
0x336: {  	[sflag:s12] =	ssyncset.done $0x0  }
0x337: {  	s3 =	simm.s32 $0x18B80;
	[sflag:s12] =	ssyncadd.s32 $0xFFFFEC00  }
0x338: {  	s7 =	simm.s32 $0x1B380;
	v10 =	vld [tilespmem:s3+$0x70]  }
0x339: {  	v3 =	vld [tilespmem:s7+$0x80]  }
0x33a: {  	v13 =	vld [tilespmem:s3+$0x60]  }
0x33b: {  	v15 =	vld [tilespmem:s3+$0xFFFFFF20]  }
0x33c: {  	v16 =	vld [tilespmem:s3+$0x80]  }
0x33d: {  	v6 =	vld [tilespmem:s3+$0xFFFFFFE0]  }
0x33e: {  	v8 =	vld [tilespmem:s3+$0xC0]  }
0x33f: {  	v14 =	vld [tilespmem:s3+$0xFFFFFF60]  }
0x340: {  	v4 =	vld [tilespmem:s7+$0xFFFFFF80]  }
0x341: {  	v11 =	vld [tilespmem:s7+$0xFFFFFF00]  }
0x342: {  	v17 =	vld [tilespmem:s3+$0xFFFFFF00]  }
0x343: {  	v12 =	vld [tilespmem:s7+$0x0]  }
0x344: {  	v5 =	vld [tilespmem:s3+$0xF0]  }
0x345: {  	v7 =	vld [tilespmem:s3+$0xE0]  }
0x346: {  	v9 =	vld [tilespmem:s3+$0x40]  }
0x347: {  	v18 =	vld [tilespmem:s3+$0xFFFFFFA0]  }
0x348: {  	v19 =	vld [tilespmem:s3+$0x20]  }
0x349: {  	s9 =	sand.u32 $0x3800, s30;
	v20 =	vld [tilespmem:s3+$0xFFFFFF80]  }
0x34a: {  	s10 =	sand.u32 $0x200, s30;
	s0 =	sadd.s32 $0x13A80, s9;
	s6 =	simm.s32 $0x100;
	v21 =	vld [tilespmem:s3+$0xA0]  }
0x34b: {  	s14 =	simm.s32 $0x180;
	s2 =	sadd.s32 s10, s0;
	s6 =	sand.u32 $0x300, s6;
	v22 =	vld [tilespmem:s3+$0x0]  }
0x34c: {  	s1 =	sand.u32 $0x380, s14;
	s10 =	sadd.s32 s6, s0;
	v23 =	vld [tilespmem:s2+$0x0]  }
0x34d: {  	s14 =	sadd.s32 s1, s0;
	v25 =	vld [tilespmem:s10+$0x40]  }
0x34e: {  	v26 =	vld [tilespmem:s14+$0x20]  }
0x34f: {  	v27 =	vld [tilespmem:s10+$0x0]  }
0x350: {  	v28 =	vld [tilespmem:s10+$0x20]  }
0x351: {  	s11 =	simm.s32 $0x80;
	v29 =	vld [tilespmem:s14+$0x40]  }
0x352: {  	s7 =	sand.u32 $0x280, s11;
	v31 =	vld [tilespmem:s3+$0xFFFFFF40]  }
0x353: {  	v48 =	vld [tilespmem:s14+$0x0];
	s9 =	sadd.s32 s7, s0;
	v9 =	vmul.f32 v25, v9  }
0x354: {  	s11 =	simm.s32 $0x1DB80;
	v30 =	vld [tilespmem:s9+$0x40]  }
0x355: {  	v25 =	vld [tilespmem:s3+$0xFFFFFFC0];
	[tilespmem:s11+$0x0] =	vst v9  }
0x356: {  	v32 =	vld [tilespmem:s10+$0x60]  }
0x357: {  	v8 =	vmul.f32 v29, v8;
	v9 =	vld [tilespmem:s2+$0x40]  }
0x358: {  	v24 =	vld [tilespmem:s9+$0x0]  }
0x359: {  	v49 =	vld [tilespmem:s9+$0x20];
	v19 =	vmul.f32 v28, v19;
	v22 =	vmul.f32 v27, v22;
	[tilespmem:s11+$0x80] =	vst v8  }
0x35a: {  	v8 =	vmul.f32 v30, v25;
	v25 =	vld [tilespmem:s14+$0x60]  }
0x35b: {  	s16 =	sand.u32 $0x3, s30;
	v27 =	vld [tilespmem:s2+$0x20];
	v33 =	vmul.f32 v19, v13;
	v51 =	vmul.f32 v32, v22  }
0x35c: {  	s0 =	sshll.u32 s16, $0x8;
	v50 =	vmul.f32 v9, v31;
	v9 =	vld [tilespmem:s3+$0xFFFFFFF0];
	[tilespmem:s11+$0xFFFFFF80] =	vst v8  }
0x35d: {  	s0 =	sadd.s32 $0x0, s0;
	v16 =	vmul.f32 v48, v16;
	v21 =	vmul.f32 v26, v21;
	v26 =	vld [tilespmem:s9+$0x60];
	v52 =	vadd.f32 v51, v33  }
0x35e: {  	s24 =	sadd.s32 $0x100, s0;
	v8 =	vld [tilespmem:s3+$0xFFFFFF70];
	[tilespmem:s11+$0xFFFFFF00] =	vst v50  }
0x35f: {  	s17 =	sand.u32 $0x7, s30;
	s19 =	sor.u32 $0x400, s24;
	v53 =	vmul.f32 v21, v7;
	v30 =	vld [tilespmem:s2+$0x60];
	v25 =	vmul.f32 v25, v16;
	[tilespmem:s11+$0x20] =	vst v52  }
0x360: {  	s0 =	sshll.u32 s17, $0x7;
	v20 =	vmul.f32 v24, v20;
	v18 =	vmul.f32 v49, v18;
	v24 =	vld [tilespmem:s19+$0x13A80]  }
0x361: {  	s21 =	sadd.s32 $0x0, s0;
	v17 =	vmul.f32 v23, v17;
	v15 =	vmul.f32 v27, v15;
	v23 =	vadd.f32 v25, v53  }
0x362: {  	s0 =	sadd.s32 $0x180, s21;
	v25 =	vmul.f32 v18, v6;
	v26 =	vmul.f32 v26, v20  }
0x363: {  	s22 =	sor.u32 $0x400, s0;
	[tilespmem:s11+$0xA0] =	vst v23  }
0x364: {  	p2 =	por $0x0, $0x0;
	s7 =	simm.s32 $0x1;
	v27 =	vmul.f32 v15, v14;
	v23 =	vmul.f32 v30, v17;
	v25 =	vadd.f32 v26, v25;
	v26 =	vld [tilespmem:s22+$0x13A80]  }
0x365: {  	s7 =	simm.s32 @!p2 $0x0;
	v54 =	vmul.f32 v19, v10;
	s19 =	sadd.s32 $0x80, s21;
	v24 =	vmul.f32 v24, v22  }
0x366: {  	s23 =	sshll.u32 s7, $0x9;
	s25 =	sor.u32 $0x400, s19;
	v23 =	vadd.f32 v23, v27;
	[tilespmem:s11+$0xFFFFFFA0] =	vst v25  }
0x367: {  	s1 =	sadd.s32 $0x0, s23;
	v25 =	vld [tilespmem:s25+$0x13A80];
	v24 =	vadd.f32 v24, v54  }
0x368: {  	s7 =	sor.u32 $0x400, s1;
	[tilespmem:s11+$0xFFFFFF20] =	vst v23  }
0x369: {  	s16 =	sor.u32 $0x420, s24;
	v27 =	vmul.f32 v21, v5;
	v23 =	vld [tilespmem:s7+$0x13A80];
	v26 =	vmul.f32 v26, v16;
	[tilespmem:s11+$0x40] =	vst v24  }
0x36a: {  	v24 =	vld [tilespmem:s16+$0x13A80]  }
0x36b: {  	v26 =	vadd.f32 v26, v27  }
0x36c: {  	v27 =	vmul.f32 v18, v9;
	v25 =	vmul.f32 v25, v20  }
0x36d: {  	s17 =	sor.u32 $0x420, s0;
	[tilespmem:s11+$0xC0] =	vst v26  }
0x36e: {  	v26 =	vmul.f32 v15, v8;
	v23 =	vmul.f32 v23, v17;
	v25 =	vadd.f32 v25, v27;
	v27 =	vld [tilespmem:s17+$0x13A80]  }
0x36f: {  	v19 =	vmul.f32 v19, v12;
	v22 =	vmul.f32 v24, v22  }
0x370: {  	v23 =	vadd.f32 v23, v26  }
0x371: {  	s21 =	sor.u32 $0x420, s19;
	[tilespmem:s11+$0xFFFFFFC0] =	vst v25;
	v19 =	vadd.f32 v22, v19  }
0x372: {  	s22 =	sor.u32 $0x420, s1;
	v24 =	vld [tilespmem:s21+$0x13A80];
	[tilespmem:s11+$0xFFFFFF40] =	vst v23  }
0x373: {  	v21 =	vmul.f32 v21, v3;
	v22 =	vld [tilespmem:s22+$0x13A80];
	v16 =	vmul.f32 v27, v16;
	[tilespmem:s11+$0x60] =	vst v19  }
0x374: {  	v19 =	vld [tilespmem:s3+$0x50]  }
0x375: {  	v16 =	vadd.f32 v16, v21;
	v21 =	vld [tilespmem:s10+$0x50]  }
0x376: {  	v23 =	vld [tilespmem:s3+$0x30]  }
0x377: {  	v18 =	vmul.f32 v18, v4;
	v20 =	vmul.f32 v24, v20;
	[tilespmem:s11+$0xE0] =	vst v16;
	v16 =	vld [tilespmem:s10+$0x30]  }
0x378: {  	v24 =	vld [tilespmem:s14+$0x50]  }
0x379: {  	v18 =	vadd.f32 v20, v18;
	v20 =	vld [tilespmem:s3+$0x10]  }
0x37a: {  	v15 =	vmul.f32 v15, v11;
	v17 =	vmul.f32 v22, v17;
	v25 =	vld [tilespmem:s3+$0x90]  }
0x37b: {  	v27 =	vld [tilespmem:s14+$0x10]  }
0x37c: {  	v58 =	vld [tilespmem:s14+$0x30];
	v15 =	vadd.f32 v17, v15  }
0x37d: {  	v60 =	vld [tilespmem:s3+$0xB0]  }
0x37e: {  	v17 =	vld [tilespmem:s10+$0x10];
	[tilespmem:s11+$0xFFFFFF60] =	vst v15  }
0x37f: {  	v15 =	vld [tilespmem:s3+$0xFFFFFF50]  }
0x380: {  	[tilespmem:s11+$0xFFFFFFE0] =	vst v18;
	v22 =	vld [tilespmem:s2+$0x50]  }
0x381: {  	v18 =	vld [tilespmem:s3+$0xFFFFFFD0]  }
0x382: {  	v57 =	vld [tilespmem:s9+$0x50]  }
0x383: {  	v26 =	vld [tilespmem:s2+$0x10]  }
0x384: {  	v19 =	vmul.f32 v21, v19;
	v21 =	vld [tilespmem:s2+$0x30]  }
0x385: {  	v55 =	vld [tilespmem:s3+$0xFFFFFF30];
	v15 =	vmul.f32 v22, v15  }
0x386: {  	[tilespmem:s11+$0x10] =	vst v19;
	v56 =	vld [tilespmem:s3+$0xFFFFFF10]  }
0x387: {  	v22 =	vld [tilespmem:s10+$0x70];
	[tilespmem:s11+$0xFFFFFF10] =	vst v15  }
0x388: {  	v15 =	vld [tilespmem:s2+$0x70]  }
0x389: {  	v61 =	vld [tilespmem:s3+$0xD0];
	v59 =	vmul.f32 v16, v23  }
0x38a: {  	v62 =	vld [tilespmem:s3+$0xFFFFFFB0];
	v19 =	vmul.f32 v21, v55;
	v21 =	vmul.f32 v17, v20  }
0x38b: {  	v23 =	vld [tilespmem:s9+$0x10];
	v18 =	vmul.f32 v57, v18;
	v16 =	vmul.f32 v26, v56  }
0x38c: {  	v17 =	vmul.f32 v59, v13;
	v26 =	vld [tilespmem:s9+$0x30];
	v20 =	vmul.f32 v22, v21  }
0x38d: {  	v13 =	vld [tilespmem:s3+$0xFFFFFF90];
	v14 =	vmul.f32 v19, v14;
	v63 =	vmul.f32 v15, v16  }
0x38e: {  	s29 =	simm.s32 $0x200;
	[tilespmem:s11+$0xFFFFFF90] =	vst v18;
	v22 =	vmul.f32 v59, v10;
	v10 =	vadd.f32 v20, v17  }
0x38f: {  	s31 =	simm.s32 $0x0;
	p2 =	por !p2, !p2;
	s23 =	sor.u32 $0x410, s24;
	v18 =	vmul.f32 v58, v60;
	v15 =	vmul.f32 v19, v11;
	v11 =	vadd.f32 v63, v14;
	v14 =	vld [tilespmem:s9+$0x70]  }
0x390: {  	s25 =	simm.s32 $0x2;
	s21 =	simm.s32 $0x18D80;
	s10 =	simm.s32 $0x1DD80;
	v20 =	vmul.f32 v59, v12;
	v17 =	vmul.f32 v27, v25;
	[tilespmem:s11+$0x30] =	vst v10  }
0x391: {  	s3 =	simm.s32 $0x0;
	s2 =	simm.s32 $0x0;
	v12 =	vmul.f32 v24, v61;
	v10 =	vmul.f32 v26, v62;
	s9 =	simm.s32 $0x1B580;
	v24 =	vld [tilespmem:s23+$0x13A80];
	[tilespmem:s11+$0xFFFFFF30] =	vst v11  }
.LBB2_12:
0x392: {  	v11 =	vld [tilespmem:s21+$0x70];
	s2 =	sadd.s32 $0x4, s2;
	v25 =	vmul.f32 v23, v13;
	s31 =	sadd.s32 $0x4, s31;
	s3 =	sadd.s32 $0x400, s3  }
0x393: {  	v26 =	vld [tilespmem:s9+$0x80];
	p3 =	slt.u32 s2, $0x24;
	v6 =	vmul.f32 v10, v6;
	v27 =	vmul.f32 v10, v9  }
0x394: {  	v28 =	vmul.f32 v10, v4;
	v13 =	vld [tilespmem:s21+$0x60];
	v14 =	vmul.f32 v14, v25  }
0x395: {  	v29 =	vmul.f32 v18, v7;
	v9 =	vld [tilespmem:s21+$0xFFFFFF20]  }
0x396: {  	v23 =	vld [tilespmem:s21+$0x80];
	v4 =	vadd.f32 v14, v6;
	v7 =	vmul.f32 v24, v21  }
0x397: {  	v6 =	vld [tilespmem:s21+$0xFFFFFFE0]  }
0x398: {  	v24 =	vld [tilespmem:s21+$0xC0];
	[tilespmem:s11+$0xFFFFFFB0] =	vst v4;
	v7 =	vadd.f32 v7, v22  }
0x399: {  	v10 =	vld [tilespmem:s21+$0xFFFFFF60]  }
0x39a: {  	v4 =	vld [tilespmem:s9+$0xFFFFFF80];
	[tilespmem:s11+$0x90] =	vst v12  }
0x39b: {  	[tilespmem:s11+$0x50] =	vst v7;
	v7 =	vld [tilespmem:s14+$0x70]  }
0x39c: {  	v12 =	vld [tilespmem:s9+$0xFFFFFF00]  }
0x39d: {  	v22 =	vld [tilespmem:s21+$0xFFFFFF00]  }
0x39e: {  	s6 =	sor.u32 $0x430, s24;
	v14 =	vld [tilespmem:s9+$0x0]  }
0x39f: {  	s7 =	sor.u32 $0x410, s19;
	v30 =	vld [tilespmem:s6+$0x13A80]  }
0x3a0: {  	v31 =	vld [tilespmem:s7+$0x13A80];
	v32 =	vmul.f32 v7, v17  }
0x3a1: {  	v33 =	vld [tilespmem:s21+$0xF0]  }
0x3a2: {  	v7 =	vld [tilespmem:s21+$0xE0];
	v29 =	vadd.f32 v32, v29  }
0x3a3: {  	v32 =	vld [tilespmem:s21+$0x40]  }
0x3a4: {  	s6 =	sor.u32 $0x410, s0;
	v34 =	vld [tilespmem:s21+$0xFFFFFFA0];
	v21 =	vmul.f32 v30, v21;
	[tilespmem:s11+$0xB0] =	vst v29  }
0x3a5: {  	s7 =	sor.u32 $0x410, s1;
	v29 =	vmul.f32 v31, v25;
	v30 =	vld [tilespmem:s6+$0x13A80]  }
0x3a6: {  	v31 =	vld [tilespmem:s7+$0x13A80];
	v20 =	vadd.f32 v21, v20  }
0x3a7: {  	s6 =	sor.u32 $0x430, s19;
	v21 =	vld [tilespmem:s21+$0x20];
	v27 =	vadd.f32 v29, v27  }
0x3a8: {  	s16 =	sadd.s32 $0x180, s29;
	s14 =	sadd.s32 $0x100, s29;
	s7 =	sand.u32 $0x200, s29;
	v29 =	vld [tilespmem:s21+$0xFFFFFF80];
	[tilespmem:s11+$0x70] =	vst v20  }
0x3a9: {  	s17 =	sand.u32 $0x3800, s3;
	s16 =	sand.u32 $0x380, s16;
	s19 =	sadd.s32 $0x80, s29;
	v20 =	vld [tilespmem:s21+$0xA0];
	[tilespmem:s11+$0xFFFFFFD0] =	vst v27  }
0x3aa: {  	v35 =	vmul.f32 v18, v5;
	s24 =	sadd.s32 $0x13A80, s17;
	s14 =	sand.u32 $0x300, s14;
	s17 =	sand.u32 $0x280, s19;
	v5 =	vmov v33;
	v27 =	vld [tilespmem:s21+$0x0];
	v30 =	vmul.f32 v30, v17  }
0x3ab: {  	v8 =	vmul.f32 v19, v8;
	s22 =	sadd.s32 s7, s24;
	s23 =	sadd.s32 s17, s24;
	s17 =	sadd.s32 s14, s24;
	v31 =	vmul.f32 v31, v16;
	v19 =	vld [tilespmem:s6+$0x13A80]  }
0x3ac: {  	s14 =	sadd.s32 s16, s24;
	v33 =	vld [tilespmem:s22+$0x0];
	v30 =	vadd.f32 v30, v35  }
0x3ad: {  	v35 =	vld [tilespmem:s23+$0x0];
	v8 =	vadd.f32 v31, v8  }
0x3ae: {  	s0 =	sor.u32 $0x430, s0;
	v31 =	vld [tilespmem:s14+$0x20];
	[tilespmem:s11+$0xD0] =	vst v30  }
0x3af: {  	[tilespmem:s11+$0xFFFFFF50] =	vst v8;
	v8 =	vld [tilespmem:s0+$0x13A80]  }
0x3b0: {  	s0 =	sor.u32 $0x430, s1;
	v30 =	vld [tilespmem:s14+$0x0];
	v19 =	vmul.f32 v19, v25  }
0x3b1: {  	v25 =	vld [tilespmem:s0+$0x13A80]  }
0x3b2: {  	v36 =	vld [tilespmem:s17+$0x0];
	v19 =	vadd.f32 v19, v28  }
0x3b3: {  	v28 =	vld [tilespmem:s17+$0x40]  }
0x3b4: {  	v37 =	vld [tilespmem:s17+$0x20];
	[tilespmem:s11+$0xFFFFFFF0] =	vst v19;
	v8 =	vmul.f32 v8, v17;
	v17 =	vmul.f32 v18, v3;
	v3 =	vmov v26  }
0x3b5: {  	v18 =	vld [tilespmem:s14+$0x40]  }
0x3b6: {  	v19 =	vld [tilespmem:s23+$0x20];
	v16 =	vmul.f32 v25, v16;
	v8 =	vadd.f32 v8, v17  }
0x3b7: {  	v17 =	vld [tilespmem:s22+$0x20];
	v25 =	vmul.f32 v36, v27  }
0x3b8: {  	v26 =	vld [tilespmem:s23+$0x40];
	v27 =	vmul.f32 v28, v32;
	v16 =	vadd.f32 v16, v15;
	[tilespmem:s11+$0xF0] =	vst v8  }
0x3b9: {  	v15 =	vmul.f32 v35, v29;
	v8 =	vld [tilespmem:s21+$0xFFFFFFC0];
	v21 =	vmul.f32 v37, v21  }
0x3ba: {  	v23 =	vmul.f32 v30, v23;
	v28 =	vld [tilespmem:s21+$0xFFFFFF40];
	[tilespmem:s10+$0x0] =	vst v27  }
0x3bb: {  	v18 =	vmul.f32 v18, v24;
	v27 =	vld [tilespmem:s17+$0x60];
	v29 =	vmul.f32 v21, v13;
	[tilespmem:s11+$0xFFFFFF70] =	vst v16;
	s11 =	smov.u32 s10  }
0x3bc: {  	v20 =	vmul.f32 v31, v20;
	v19 =	vmul.f32 v19, v34;
	v16 =	vld [tilespmem:s22+$0x40]  }
0x3bd: {  	v22 =	vmul.f32 v33, v22;
	v17 =	vmul.f32 v17, v9;
	v9 =	vld [tilespmem:s21+$0xFFFFFFF0];
	[tilespmem:s10+$0x80] =	vst v18  }
0x3be: {  	v24 =	vmul.f32 v20, v7;
	v8 =	vmul.f32 v26, v8;
	v18 =	vld [tilespmem:s14+$0x60]  }
0x3bf: {  	v30 =	vmul.f32 v21, v14;
	v26 =	vmul.f32 v19, v4  }
0x3c0: {  	s0 =	sand.u32 $0x3, s25;
	v31 =	vmul.f32 v17, v10;
	[tilespmem:s10+$0xFFFFFF80] =	vst v8;
	v27 =	vmul.f32 v27, v25  }
0x3c1: {  	s0 =	sshll.u32 s0, $0x8;
	v32 =	vmul.f32 v19, v6;
	v16 =	vmul.f32 v16, v28;
	v28 =	vld [tilespmem:s23+$0x60]  }
0x3c2: {  	s0 =	sadd.s32 s3, s0;
	v21 =	vmul.f32 v21, v11;
	v8 =	vld [tilespmem:s21+$0xFFFFFF70];
	v19 =	vmul.f32 v19, v9;
	v27 =	vadd.f32 v27, v29  }
0x3c3: {  	s1 =	sand.u32 $0x7, s31;
	s24 =	sadd.s32 $0x100, s0;
	[tilespmem:s10+$0xFFFFFF00] =	vst v16;
	v16 =	vmul.f32 v17, v12;
	v18 =	vmul.f32 v18, v23  }
0x3c4: {  	s0 =	sshll.u32 s1, $0x7;
	s1 =	sor.u32 $0x400, s24;
	v29 =	vld [tilespmem:s22+$0x60];
	[tilespmem:s10+$0x20] =	vst v27  }
0x3c5: {  	s0 =	sadd.s32 s3, s0;
	v27 =	vld [tilespmem:s1+$0x13A80];
	v18 =	vadd.f32 v18, v24  }
0x3c6: {  	s19 =	sadd.s32 $0x80, s0;
	s0 =	sadd.s32 $0x180, s0;
	v24 =	vmul.f32 v28, v15  }
0x3c7: {  	s1 =	sor.u32 $0x400, s0;
	[tilespmem:s10+$0xA0] =	vst v18  }
0x3c8: {  	v28 =	vmul.f32 v20, v5;
	v18 =	vadd.f32 v24, v32;
	v24 =	vld [tilespmem:s1+$0x13A80]  }
0x3c9: {  	s1 =	simm.s32 $0x1;
	v29 =	vmul.f32 v29, v22  }
0x3ca: {  	s6 =	sor.u32 $0x400, s19;
	s1 =	simm.s32 @!p2 $0x0;
	[tilespmem:s10+$0xFFFFFFA0] =	vst v18;
	v18 =	vmul.f32 v27, v25  }
0x3cb: {  	s1 =	sshll.u32 s1, $0x9;
	v27 =	vadd.f32 v29, v31;
	v29 =	vld [tilespmem:s6+$0x13A80]  }
0x3cc: {  	s1 =	sadd.s32 s1, s3;
	v18 =	vadd.f32 v18, v21  }
0x3cd: {  	s6 =	sor.u32 $0x400, s1;
	[tilespmem:s10+$0xFFFFFF20] =	vst v27;
	v21 =	vmul.f32 v24, v23  }
0x3ce: {  	v24 =	vld [tilespmem:s6+$0x13A80];
	[tilespmem:s10+$0x40] =	vst v18;
	s6 =	sor.u32 $0x420, s24  }
0x3cf: {  	v18 =	vld [tilespmem:s6+$0x13A80];
	v21 =	vadd.f32 v21, v28  }
0x3d0: {  	v27 =	vmul.f32 v29, v15  }
0x3d1: {  	s6 =	sor.u32 $0x420, s0;
	[tilespmem:s10+$0xC0] =	vst v21  }
0x3d2: {  	v19 =	vadd.f32 v27, v19;
	v21 =	vld [tilespmem:s6+$0x13A80]  }
0x3d3: {  	v17 =	vmul.f32 v17, v8;
	v24 =	vmul.f32 v24, v22  }
0x3d4: {  	s6 =	sor.u32 $0x420, s19;
	[tilespmem:s10+$0xFFFFFFC0] =	vst v19;
	v18 =	vmul.f32 v18, v25  }
0x3d5: {  	v17 =	vadd.f32 v24, v17;
	v19 =	vld [tilespmem:s6+$0x13A80]  }
0x3d6: {  	v18 =	vadd.f32 v18, v30  }
0x3d7: {  	v20 =	vmul.f32 v20, v3;
	s6 =	sor.u32 $0x420, s1;
	[tilespmem:s10+$0xFFFFFF40] =	vst v17;
	v17 =	vmul.f32 v21, v23  }
0x3d8: {  	v21 =	vld [tilespmem:s6+$0x13A80];
	[tilespmem:s10+$0x60] =	vst v18  }
0x3d9: {  	v18 =	vld [tilespmem:s21+$0x50];
	v17 =	vadd.f32 v17, v20  }
0x3da: {  	v15 =	vmul.f32 v19, v15;
	v19 =	vld [tilespmem:s17+$0x50]  }
0x3db: {  	v20 =	vld [tilespmem:s21+$0x30];
	[tilespmem:s10+$0xE0] =	vst v17  }
0x3dc: {  	v15 =	vadd.f32 v15, v26;
	v17 =	vld [tilespmem:s17+$0x30]  }
0x3dd: {  	v21 =	vmul.f32 v21, v22;
	v24 =	vld [tilespmem:s14+$0x50]  }
0x3de: {  	[tilespmem:s10+$0xFFFFFFE0] =	vst v15;
	v15 =	vld [tilespmem:s21+$0x10]  }
0x3df: {  	v16 =	vadd.f32 v21, v16;
	v21 =	vld [tilespmem:s17+$0x10];
	v18 =	vmul.f32 v19, v18  }
0x3e0: {  	v25 =	vld [tilespmem:s21+$0xFFFFFFD0]  }
0x3e1: {  	[tilespmem:s10+$0xFFFFFF60] =	vst v16;
	v23 =	vld [tilespmem:s23+$0x10];
	v16 =	vmul.f32 v17, v20  }
0x3e2: {  	v17 =	vld [tilespmem:s21+$0xFFFFFF50];
	[tilespmem:s10+$0x10] =	vst v18  }
0x3e3: {  	v18 =	vld [tilespmem:s22+$0x50];
	v26 =	vmul.f32 v16, v13;
	v22 =	vmul.f32 v16, v11  }
0x3e4: {  	v20 =	vmul.f32 v16, v14;
	v11 =	vld [tilespmem:s21+$0x90]  }
0x3e5: {  	v13 =	vld [tilespmem:s22+$0x10]  }
0x3e6: {  	v14 =	vld [tilespmem:s14+$0x10]  }
0x3e7: {  	v16 =	vld [tilespmem:s22+$0x30]  }
0x3e8: {  	v19 =	vld [tilespmem:s21+$0xFFFFFF30];
	v17 =	vmul.f32 v18, v17  }
0x3e9: {  	v18 =	vld [tilespmem:s21+$0xFFFFFF10]  }
0x3ea: {  	[tilespmem:s10+$0xFFFFFF10] =	vst v17;
	v17 =	vld [tilespmem:s17+$0x70]  }
0x3eb: {  	v27 =	vld [tilespmem:s23+$0x50]  }
0x3ec: {  	v28 =	vld [tilespmem:s14+$0x30]  }
0x3ed: {  	v19 =	vmul.f32 v16, v19;
	v29 =	vld [tilespmem:s22+$0x70]  }
0x3ee: {  	v21 =	vmul.f32 v21, v15;
	v30 =	vld [tilespmem:s21+$0xB0]  }
0x3ef: {  	v10 =	vmul.f32 v19, v10;
	v15 =	vmul.f32 v19, v12;
	v12 =	vld [tilespmem:s21+$0xD0]  }
0x3f0: {  	v16 =	vmul.f32 v13, v18;
	v17 =	vmul.f32 v17, v21;
	v31 =	vld [tilespmem:s23+$0x30]  }
0x3f1: {  	v18 =	vmul.f32 v27, v25;
	v32 =	vld [tilespmem:s21+$0xFFFFFFB0]  }
.Ltmp7:
0x3f2: {  	v26 =	vadd.f32 v17, v26;
	v25 =	vmul.f32 v29, v16;
	v13 =	vld [tilespmem:s21+$0xFFFFFF90];
	(pc) =	sbr.rel @p3 .LBB2_12-.Ltmp7, $4  }
0x3f3: {  	v17 =	vmul.f32 v14, v11;
	[tilespmem:s10+$0xFFFFFF90] =	vst v18  }
0x3f4: {  	v18 =	vmul.f32 v28, v30;
	s10 =	sadd.s32 $0x200, s10;
	v10 =	vadd.f32 v25, v10;
	v14 =	vld [tilespmem:s23+$0x70]  }
0x3f5: {  	s9 =	sadd.s32 $0x200, s9;
	s29 =	sadd.s32 $0x200, s29;
	s6 =	sor.u32 $0x410, s24;
	v12 =	vmul.f32 v24, v12;
	[tilespmem:s11+$0x30] =	vst v26  }
0x3f6: {  	s25 =	sadd.s32 $0x2, s25;
	p2 =	por !p2, !p2;
	s21 =	sadd.s32 $0x200, s21;
	[tilespmem:s11+$0xFFFFFF30] =	vst v10;
	v10 =	vmul.f32 v31, v32;
	v24 =	vld [tilespmem:s6+$0x13A80]  }
0x3f7: {  	[tilespmem:s11+$0x90] =	vst v12  }
0x3f8: {  	v11 =	vld [tilespmem:s14+$0x70];
	_ =	sdelay $0x1  }
0x3f9: {  	v56 =	vmul.f32 v23, v13;
	_ =	sdelay $0x1  }
0x3fa: {  	v6 =	vmul.f32 v10, v6;
	v13 =	vmul.f32 v14, v56  }
0x3fb: {  	v7 =	vmul.f32 v18, v7;
	v11 =	vmul.f32 v11, v17  }
0x3fc: {  	v6 =	vadd.f32 v13, v6  }
0x3fd: {  	s17 =	sor.u32 $0x410, s1;
	v7 =	vadd.f32 v11, v7  }
0x3fe: {  	s2 =	sor.u32 $0x410, s19;
	v57 =	vld [tilespmem:s17+$0x13A80];
	[tilespmem:s11+$0xFFFFFFB0] =	vst v6  }
0x3ff: {  	s16 =	sor.u32 $0x410, s0;
	v6 =	vld [tilespmem:s2+$0x13A80];
	[tilespmem:s11+$0xB0] =	vst v7  }
0x400: {  	v7 =	vld [tilespmem:s16+$0x13A80];
	_ =	sdelay $0x1  }
0x401: {  	v58 =	vmul.f32 v24, v21  }
0x402: {  	v8 =	vmul.f32 v19, v8;
	v59 =	vmul.f32 v57, v16  }
0x403: {  	v9 =	vmul.f32 v10, v9;
	v13 =	vadd.f32 v58, v22;
	v6 =	vmul.f32 v6, v56  }
0x404: {  	v5 =	vmul.f32 v18, v5;
	v61 =	vadd.f32 v59, v8;
	v7 =	vmul.f32 v7, v17  }
0x405: {  	s21 =	sor.u32 $0x430, s24;
	[tilespmem:s11+$0x50] =	vst v13;
	v6 =	vadd.f32 v6, v9  }
0x406: {  	s24 =	sor.u32 $0x430, s1;
	v60 =	vld [tilespmem:s21+$0x13A80];
	[tilespmem:s11+$0xFFFFFF50] =	vst v61;
	v5 =	vadd.f32 v7, v5  }
0x407: {  	s22 =	sor.u32 $0x430, s19;
	[tilespmem:s11+$0xFFFFFFD0] =	vst v6;
	v6 =	vld [tilespmem:s24+$0x13A80]  }
0x408: {  	s23 =	sor.u32 $0x430, s0;
	v62 =	vld [tilespmem:s22+$0x13A80];
	[tilespmem:s11+$0xD0] =	vst v5  }
0x409: {  	v5 =	vld [tilespmem:s23+$0x13A80];
	_ =	sdelay $0x1  }
0x40a: {  	v7 =	vmul.f32 v60, v21  }
0x40b: {  	v6 =	vmul.f32 v6, v16  }
0x40c: {  	v4 =	vmul.f32 v10, v4;
	v7 =	vadd.f32 v7, v20;
	v8 =	vmul.f32 v62, v56  }
0x40d: {  	v3 =	vmul.f32 v18, v3;
	v63 =	vadd.f32 v6, v15;
	v5 =	vmul.f32 v5, v17  }
0x40e: {  	[tilespmem:s11+$0x70] =	vst v7;
	v4 =	vadd.f32 v8, v4  }
0x40f: {  	[tilespmem:s11+$0xFFFFFF70] =	vst v63;
	v3 =	vadd.f32 v5, v3  }
0x410: {  	[tilespmem:s11+$0xFFFFFFF0] =	vst v4  }
0x411: {  	[tilespmem:s11+$0xF0] =	vst v3  }
0x412: {  	_ =	swait.ge [sflag:s15], $0x28  }
0x413: {  	[sflag:s15] =	ssyncset.done $0x0  }
0x414: {  	s29 =	simm.s32 $0x13980;
	s31 =	simm.s32 $0x28;
	[sflag:s15] =	ssyncadd.s32 $0xFFFFFFD8  }
.Ltmp8:
0x415: {  	s3 =	simm.s32 $0x1DA80;
	s25 =	rddreg [dreg:$0x3];
	(pc) =	sbr.rel @p1 .LBB2_15-.Ltmp8, $4  }
0x416: {  	[spmem:s25] =	stream.indirect.scatter.add.f32 [tilespmem:s3], [sflag:$0x7], $0x80, s29, s31, $0xb8;
	[tilespmem:$0x1EE80] =	vst v63  }
0x417: {  	_ =	swait.ge [sflag:s18], $0x1400  }
0x418: {  	[sflag:s18] =	ssyncset.done $0x0  }
0x419: {  	[sflag:s18] =	ssyncadd.s32 $0xFFFFEC00  }
0x41a: {  	s0 =	rddreg [dreg:$0x1b]  }
0x41b: {  	s2 =	rddreg [dreg:$0x2];
	s0 =	sadd.s32 s8, s0  }
0x41c: {  	s10 =	sld [smem:$0x7FB];
	s1 =	sshrl.u32 s0, $0x3  }
0x41d: {  	s9 =	simm.s32 $0x13980;
	s1 =	sadd.s32 s2, s1  }
0x41e: {  	[tilespmem:s9], [sflag:$0x3] =	stream.linear.gather [hbm4b:s1+s4], $0x28, $0x38;
	[tilespmem:$0x1EE80] =	vst v63  }
0x41f: {  	s1 =	sadd.s32 s8, s10  }
0x420: {  	s11 =	rddreg [dreg:$0x1];
	s1 =	sshrl.u32 s1, $0x3  }
0x421: {  	s14 =	simm.s32 $0x13900;
	s16 =	simm.s32 $0x1;
	s1 =	sadd.s32 s11, s1  }
0x422: {  	[tilespmem:s14], [sflag:$0x2] =	stream.linear.gather [hbm4b:s1+s4], $0x28, $0x38;
	[tilespmem:$0x1EE80] =	vst v63  }
0x423: {  	_ =	swait.ge [sflag:s16], $0x28  }
0x424: {  	[sflag:s16] =	ssyncset.done $0x0  }
0x425: {  	[sflag:s16] =	ssyncadd.s32 $0xFFFFFFD8  }
0x426: {  	v3 =	vld [tilespmem:$0x13880];
	_ =	sdelay $0x4  }
0x427: {  	v4 =	vshll.u32 v3, $0x1  }
0x428: {  	v3 =	vand.u32 $0x7, v3;
	v4 =	vand.u32 $0xFFFFFFF0, v4  }
0x429: {  	v3 =	vor.u32 v3, v4  }
0x42a: {  	v4 =	vperm.xlane v3, v0;
	_ =	sdelay $0x1  }
0x42b: {  	v3 =	vperm.xlane v3, v2;
	v4 =	vadd.s32 v1, v4;
	_ =	sdelay $0x1  }
0x42c: {  	v3 =	vadd.s32 v1, v3;
	_ =	sdelay $0x1  }
0x42d: {  	s17 =	simm.s32 $0x13A80  }
0x42e: {  	[tilespmem:s17], [sflag:$0x5] =	stream.indirect_vreg.gather [hbm4b:s5+s4], $0x80, v4, vm0, $0xb8;
	[tilespmem:$0x1EE80] =	vst v63  }
0x42f: {  	s19 =	simm.s32 $0x14280  }
0x430: {  	[tilespmem:s19], [sflag:$0x5] =	stream.indirect_vreg.gather [hbm4b:s5+s4], $0x80, v3, vm0, $0xb8;
	[tilespmem:$0x1EE80] =	vst v63  }
0x431: {  	v3 =	vld [tilespmem:$0x13890];
	_ =	sdelay $0x4  }
0x432: {  	v62 =	vshll.u32 v3, $0x1  }
0x433: {  	v3 =	vand.u32 $0x7, v3;
	v4 =	vand.u32 $0xFFFFFFF0, v62  }
0x434: {  	v3 =	vor.u32 v3, v4  }
0x435: {  	v4 =	vperm.xlane v3, v0;
	_ =	sdelay $0x1  }
0x436: {  	v3 =	vperm.xlane v3, v2;
	v4 =	vadd.s32 v1, v4;
	_ =	sdelay $0x1  }
0x437: {  	v3 =	vadd.s32 v1, v3;
	_ =	sdelay $0x1  }
0x438: {  	s21 =	simm.s32 $0x14A80  }
0x439: {  	[tilespmem:s21], [sflag:$0x5] =	stream.indirect_vreg.gather [hbm4b:s5+s4], $0x80, v4, vm0, $0xb8;
	[tilespmem:$0x1EE80] =	vst v63  }
0x43a: {  	s22 =	simm.s32 $0x15280  }
0x43b: {  	[tilespmem:s22], [sflag:$0x5] =	stream.indirect_vreg.gather [hbm4b:s5+s4], $0x80, v3, vm0, $0xb8;
	[tilespmem:$0x1EE80] =	vst v63  }
0x43c: {  	v3 =	vld.msk [tilespmem:$0x138A0], $0xff;
	_ =	sdelay $0x4  }
0x43d: {  	v63 =	vshll.u32 v3, $0x1  }
0x43e: {  	v3 =	vand.u32 $0x7, v3;
	v4 =	vand.u32 $0xFFFFFFF0, v63  }
0x43f: {  	v3 =	vor.u32 v3, v4  }
0x440: {  	v3 =	vperm.xlane v3, v0;
	_ =	sdelay $0x1  }
0x441: {  	v3 =	vadd.s32 v1, v3;
	_ =	sdelay $0x1  }
0x442: {  	s24 =	rddreg [dreg:$0x17]  }
0x443: {  	s1 =	sadd.s32 s24, s0  }
0x444: {  	s23 =	simm.s32 $0x15A80;
	s25 =	simm.s32 $0x18A80;
	s1 =	sshll.u32 s1, $0x4  }
0x445: {  	[tilespmem:s23], [sflag:$0x5] =	stream.indirect_vreg.gather [hbm4b:s5+s4], $0x80, v3, vm0, $0xb8;
	[tilespmem:$0x1EE80] =	vst v63  }
0x446: {  	s29 =	rddreg [dreg:$0x5];
	s0 =	sshll.u32 s0, $0x4;
	s1 =	sadd.s32 s26, s1  }
0x447: {  	[tilespmem:s25], [sflag:$0x5] =	stream.linear.gather [hbm4b:s1+s4], $0x1400, $0x38;
	[tilespmem:$0x1EE80] =	vst v63  }
0x448: {  	s31 =	simm.s32 $0x1B280;
	s0 =	sadd.s32 s29, s0  }
0x449: {  	[tilespmem:s31], [sflag:$0x5] =	stream.linear.gather [hbm4b:s0+s4], $0x1400, $0x38;
	[tilespmem:$0x1EE80] =	vst v63  }
.LBB2_15:
0x44a: {  	_ =	swait.ge [sflag:s20], $0x2800  }
0x44b: {  	[sflag:s20] =	ssyncset.done $0x0  }
0x44c: {  	[sflag:s20] =	ssyncadd.s32 $0xFFFFD800  }
0x44d: {  	_ =	swait.ge [sflag:s20], $0x1400  }
0x44e: {  	[sflag:s20] =	ssyncset.done $0x0  }
0x44f: {  	[sflag:s20] =	ssyncadd.s32 $0xFFFFEC00  }
0x450: {  	_ =	swait.ge [sflag:s20], $0x1400  }
0x451: {  	[sflag:s20] =	ssyncset.done $0x0  }
0x452: {  	s3 =	simm.s32 $0x1A070;
	[sflag:s20] =	ssyncadd.s32 $0xFFFFEC00  }
0x453: {  	v7 =	vld [tilespmem:s3+$0xFFFFFEB0]  }
0x454: {  	v6 =	vld [tilespmem:s3+$0xFFFFFE80]  }
0x455: {  	v4 =	vld [tilespmem:s3+$0xFFFFFEF0]  }
0x456: {  	v8 =	vld [tilespmem:s3+$0xFFFFFE90]  }
0x457: {  	v14 =	vld [tilespmem:s3+$0xFFFFFED0]  }
0x458: {  	v10 =	vld [tilespmem:s3+$0xFFFFFE70]  }
0x459: {  	v5 =	vld [tilespmem:s3+$0xFFFFFF70]  }
0x45a: {  	v15 =	vld [tilespmem:s3+$0xFFFFFF30]  }
0x45b: {  	v16 =	vld [tilespmem:s3+$0xFFFFFE50]  }
0x45c: {  	v17 =	vld [tilespmem:s3+$0xFFFFFFB0]  }
0x45d: {  	v11 =	vld [tilespmem:s3+$0xFFFFFFF0]  }
0x45e: {  	s0 =	simm.s32 $0x1C800;
	v12 =	vld [tilespmem:s3+$0x0]  }
0x45f: {  	v9 =	vld [tilespmem:s0+$0xFFFFFF00]  }
0x460: {  	v3 =	vld [tilespmem:s3+$0xFFFFFF00]  }
0x461: {  	v18 =	vld [tilespmem:s3+$0xFFFFFF50]  }
0x462: {  	v19 =	vld [tilespmem:s3+$0xFFFFFF10]  }
0x463: {  	s29 =	simm.s32 $0x0;
	v20 =	vld [tilespmem:s3+$0xFFFFFE30]  }
0x464: {  	s1 =	simm.s32 $0x80;
	s6 =	sand.u32 $0x3800, s29;
	v21 =	vld [tilespmem:s3+$0xFFFFFFD0]  }
0x465: {  	s14 =	sand.u32 $0x280, s1;
	s7 =	sadd.s32 $0x16280, s6;
	v13 =	vld [tilespmem:s0+$0xFFFFFE80]  }
0x466: {  	s16 =	sand.u32 $0x200, s29;
	s10 =	sadd.s32 s14, s7;
	v22 =	vld [tilespmem:s3+$0xFFFFFE10]  }
0x467: {  	s9 =	sadd.s32 s16, s7;
	v23 =	vld [tilespmem:s10+$0x40]  }
0x468: {  	s31 =	simm.s32 $0x180;
	v24 =	vld [tilespmem:s9+$0x0]  }
0x469: {  	s11 =	simm.s32 $0x100;
	s2 =	sand.u32 $0x380, s31;
	v25 =	vld [tilespmem:s10+$0x20]  }
0x46a: {  	s19 =	sand.u32 $0x300, s11;
	s17 =	sadd.s32 s2, s7;
	v26 =	vld [tilespmem:s9+$0x40]  }
0x46b: {  	s1 =	sadd.s32 s19, s7;
	v27 =	vld [tilespmem:s17+$0x40]  }
0x46c: {  	v28 =	vld [tilespmem:s1+$0x0]  }
0x46d: {  	v29 =	vld [tilespmem:s1+$0x40]  }
0x46e: {  	v30 =	vld [tilespmem:s9+$0x20];
	v14 =	vmul.f32 v23, v14  }
0x46f: {  	s11 =	simm.s32 $0x1DB80;
	v16 =	vmul.f32 v26, v16;
	v26 =	vld [tilespmem:s10+$0x0]  }
0x470: {  	v31 =	vld [tilespmem:s3+$0xFFFFFF90];
	[tilespmem:s11+$0xFFFFFF80] =	vst v14  }
0x471: {  	[tilespmem:s11+$0xFFFFFF00] =	vst v16;
	v16 =	vld [tilespmem:s10+$0x60]  }
0x472: {  	v18 =	vmul.f32 v29, v18;
	v29 =	vld [tilespmem:s9+$0x60]  }
0x473: {  	v23 =	vld [tilespmem:s1+$0x20];
	v22 =	vmul.f32 v24, v22  }
0x474: {  	v24 =	vld [tilespmem:s0+$0xFFFFFF80];
	v7 =	vmul.f32 v25, v7;
	v8 =	vmul.f32 v26, v8  }
0x475: {  	v14 =	vld [tilespmem:s3+$0xFFFFFF80];
	[tilespmem:s11+$0x0] =	vst v18;
	v18 =	vmul.f32 v30, v20;
	v20 =	vmul.f32 v27, v21  }
0x476: {  	v21 =	vld [tilespmem:s1+$0x60];
	v26 =	vmul.f32 v7, v4;
	v16 =	vmul.f32 v16, v8  }
0x477: {  	v25 =	vld [tilespmem:s17+$0x20];
	v30 =	vmul.f32 v18, v10;
	v29 =	vmul.f32 v29, v22  }
0x478: {  	v27 =	vld [tilespmem:s17+$0x0];
	v16 =	vadd.f32 v16, v26  }
0x479: {  	s6 =	sadd.s32 $0x16680, s6;
	v19 =	vmul.f32 v28, v19;
	v15 =	vmul.f32 v23, v15;
	v23 =	vld [tilespmem:s0+$0x0];
	[tilespmem:s11+$0x80] =	vst v20;
	v20 =	vadd.f32 v29, v30  }
0x47a: {  	s24 =	sadd.s32 s14, s6;
	v28 =	vld [tilespmem:s17+$0x60];
	[tilespmem:s11+$0xFFFFFFA0] =	vst v16  }
0x47b: {  	s14 =	sadd.s32 s16, s6;
	v26 =	vmul.f32 v15, v5;
	v16 =	vmul.f32 v21, v19;
	[tilespmem:s11+$0xFFFFFF20] =	vst v20;
	v20 =	vld [tilespmem:s24+$0x0]  }
0x47c: {  	v21 =	vld [tilespmem:s14+$0x0]  }
0x47d: {  	v17 =	vmul.f32 v25, v17;
	v25 =	vmul.f32 v27, v31;
	v16 =	vadd.f32 v16, v26;
	_ =	sdelay $0x1  }
0x47e: {  	s0 =	sadd.s32 s19, s6;
	v26 =	vmul.f32 v28, v25;
	[tilespmem:s11+$0x20] =	vst v16;
	v16 =	vmul.f32 v17, v11  }
0x47f: {  	v28 =	vmul.f32 v7, v3;
	v27 =	vld [tilespmem:s0+$0x0];
	v20 =	vmul.f32 v20, v8  }
0x480: {  	v29 =	vmul.f32 v18, v6;
	v16 =	vadd.f32 v26, v16;
	v21 =	vmul.f32 v21, v22  }
0x481: {  	v20 =	vadd.f32 v20, v28  }
0x482: {  	s2 =	sadd.s32 s2, s6;
	[tilespmem:s11+$0xA0] =	vst v16;
	v16 =	vadd.f32 v21, v29  }
0x483: {  	v26 =	vld [tilespmem:s2+$0x0];
	[tilespmem:s11+$0xFFFFFFC0] =	vst v20  }
0x484: {  	v21 =	vmul.f32 v15, v14;
	v20 =	vmul.f32 v27, v19;
	[tilespmem:s11+$0xFFFFFF40] =	vst v16;
	v16 =	vld [tilespmem:s24+$0x20]  }
0x485: {  	v27 =	vld [tilespmem:s14+$0x20]  }
0x486: {  	v20 =	vadd.f32 v20, v21;
	_ =	sdelay $0x1  }
0x487: {  	[tilespmem:s11+$0x40] =	vst v20;
	v20 =	vmul.f32 v17, v12;
	v21 =	vmul.f32 v26, v25  }
0x488: {  	v7 =	vmul.f32 v7, v9;
	v8 =	vmul.f32 v16, v8  }
0x489: {  	v16 =	vmul.f32 v18, v13;
	v18 =	vadd.f32 v21, v20;
	v20 =	vmul.f32 v27, v22  }
0x48a: {  	v7 =	vadd.f32 v8, v7  }
0x48b: {  	v26 =	vld [tilespmem:s0+$0x20];
	[tilespmem:s11+$0xC0] =	vst v18;
	v8 =	vadd.f32 v20, v16  }
0x48c: {  	v16 =	vld [tilespmem:s2+$0x20];
	[tilespmem:s11+$0xFFFFFFE0] =	vst v7  }
0x48d: {  	[tilespmem:s11+$0xFFFFFF60] =	vst v8;
	v18 =	vld [tilespmem:s10+$0x50]  }
0x48e: {  	v8 =	vld [tilespmem:s3+$0xFFFFFE60]  }
0x48f: {  	v20 =	vld [tilespmem:s3+$0xFFFFFE20]  }
0x490: {  	v21 =	vld [tilespmem:s9+$0x10]  }
0x491: {  	v15 =	vmul.f32 v15, v24;
	v7 =	vmul.f32 v26, v19;
	v29 =	vld [tilespmem:s9+$0x30]  }
0x492: {  	v61 =	vld [tilespmem:s3+$0xFFFFFE40]  }
0x493: {  	v32 =	vld [tilespmem:s3+$0xFFFFFEC0];
	v7 =	vadd.f32 v7, v15  }
0x494: {  	v15 =	vld [tilespmem:s9+$0x50]  }
0x495: {  	[tilespmem:s11+$0x60] =	vst v7;
	v16 =	vmul.f32 v16, v25;
	v25 =	vld [tilespmem:s10+$0x30]  }
0x496: {  	v17 =	vmul.f32 v17, v23;
	v7 =	vld [tilespmem:s3+$0xFFFFFF20]  }
0x497: {  	v26 =	vld [tilespmem:s3+$0xFFFFFF60]  }
0x498: {  	v19 =	vld [tilespmem:s3+$0xFFFFFF40];
	v16 =	vadd.f32 v16, v17  }
0x499: {  	v17 =	vld [tilespmem:s1+$0x30]  }
0x49a: {  	[tilespmem:s11+$0xE0] =	vst v16;
	v16 =	vld [tilespmem:s1+$0x10]  }
0x49b: {  	v22 =	vld [tilespmem:s17+$0x30]  }
0x49c: {  	v28 =	vld [tilespmem:s3+$0xFFFFFFC0]  }
0x49d: {  	v63 =	vld [tilespmem:s1+$0x50]  }
0x49e: {  	v29 =	vmul.f32 v29, v61;
	v62 =	vld [tilespmem:s3+$0xFFFFFFE0];
	v17 =	vmul.f32 v17, v19  }
0x49f: {  	v8 =	vmul.f32 v15, v8;
	v33 =	vld [tilespmem:s17+$0x50];
	v7 =	vmul.f32 v16, v7  }
0x4a0: {  	v27 =	vmul.f32 v17, v5;
	v16 =	vld [tilespmem:s3+$0xFFFFFEA0];
	v19 =	vmul.f32 v17, v14  }
0x4a1: {  	[tilespmem:s11+$0xFFFFFF10] =	vst v8;
	v8 =	vmul.f32 v17, v24;
	v17 =	vld [tilespmem:s3+$0xFFFFFEE0];
	v14 =	vmul.f32 v22, v28  }
0x4a2: {  	v5 =	vmul.f32 v21, v20;
	v24 =	vmul.f32 v25, v32;
	v28 =	vld [tilespmem:s10+$0x10]  }
0x4a3: {  	v20 =	vmul.f32 v29, v6;
	v15 =	vmul.f32 v14, v11;
	v11 =	vld [tilespmem:s9+$0x70]  }
0x4a4: {  	v6 =	vmul.f32 v33, v62;
	v21 =	vmul.f32 v14, v12  }
0x4a5: {  	v22 =	vld [tilespmem:s17+$0x10];
	v12 =	vmul.f32 v14, v23;
	v23 =	vmul.f32 v29, v10  }
0x4a6: {  	v10 =	vmul.f32 v29, v13;
	v13 =	vld [tilespmem:s3+$0xFFFFFFA0];
	v14 =	vmul.f32 v18, v17  }
0x4a7: {  	s21 =	simm.s32 $0x1A270;
	s25 =	simm.s32 $0x0;
	[tilespmem:s11+$0x90] =	vst v6;
	v17 =	vmul.f32 v24, v9;
	v16 =	vmul.f32 v28, v16  }
0x4a8: {  	s19 =	simm.s32 $0x1CA00;
	s3 =	simm.s32 $0x0;
	s9 =	simm.s32 $0x1DD80;
	v9 =	vld [tilespmem:s17+$0x70];
	v25 =	vmul.f32 v11, v5;
	v11 =	vmul.f32 v63, v26  }
.LBB2_16:
0x4a9: {  	v26 =	vld [tilespmem:s21+$0xFFFFFEB0];
	s3 =	sadd.s32 $0x4, s3;
	s29 =	sadd.s32 $0x400, s29;
	s25 =	sadd.s32 $0x200, s25  }
0x4aa: {  	v6 =	vld [tilespmem:s21+$0xFFFFFE80];
	p2 =	slt.u32 s3, $0x24;
	[tilespmem:s11+$0x10] =	vst v11  }
0x4ab: {  	v18 =	vld [tilespmem:s21+$0xFFFFFEF0];
	v22 =	vmul.f32 v22, v13  }
0x4ac: {  	v11 =	vld [tilespmem:s1+$0x70]  }
0x4ad: {  	v28 =	vld [tilespmem:s21+$0xFFFFFE90];
	v13 =	vmul.f32 v9, v22  }
0x4ae: {  	v29 =	vld [tilespmem:s21+$0xFFFFFED0]  }
0x4af: {  	v9 =	vld [tilespmem:s21+$0xFFFFFE70];
	v13 =	vadd.f32 v13, v15  }
0x4b0: {  	v15 =	vld [tilespmem:s21+$0xFFFFFF70]  }
0x4b1: {  	v30 =	vld [tilespmem:s21+$0xFFFFFF30];
	v11 =	vmul.f32 v11, v7;
	[tilespmem:s11+$0xB0] =	vst v13  }
0x4b2: {  	v31 =	vld [tilespmem:s21+$0xFFFFFE50]  }
0x4b3: {  	v32 =	vld [tilespmem:s21+$0xFFFFFFB0];
	v11 =	vadd.f32 v11, v27  }
0x4b4: {  	v13 =	vld [tilespmem:s21+$0xFFFFFFF0];
	[tilespmem:s11+$0xFFFFFF90] =	vst v14  }
0x4b5: {  	v14 =	vld [tilespmem:s21+$0x0];
	[tilespmem:s11+$0x30] =	vst v11  }
0x4b6: {  	v27 =	vld [tilespmem:s10+$0x70]  }
0x4b7: {  	v33 =	vld [tilespmem:s21+$0xFFFFFF90]  }
0x4b8: {  	v11 =	vld [tilespmem:s19+$0xFFFFFF00]  }
0x4b9: {  	v34 =	vld [tilespmem:s21+$0xFFFFFF00]  }
0x4ba: {  	v36 =	vmul.f32 v24, v4;
	v4 =	vmov v18;
	v35 =	vld [tilespmem:s21+$0xFFFFFF50]  }
0x4bb: {  	v37 =	vld [tilespmem:s21+$0xFFFFFF10];
	v18 =	vmul.f32 v27, v16  }
0x4bc: {  	v38 =	vld [tilespmem:s21+$0xFFFFFE30]  }
0x4bd: {  	v39 =	vld [tilespmem:s21+$0xFFFFFFD0];
	v27 =	vadd.f32 v18, v36  }
0x4be: {  	s17 =	sand.u32 $0x200, s25;
	s7 =	sadd.s32 $0x180, s25;
	s1 =	sadd.s32 $0x100, s25;
	v18 =	vld [tilespmem:s19+$0xFFFFFE80]  }
0x4bf: {  	s6 =	sand.u32 $0x3800, s29;
	s16 =	sand.u32 $0x380, s7;
	s10 =	sadd.s32 $0x80, s25;
	[tilespmem:s11+$0xFFFFFFB0] =	vst v27  }
0x4c0: {  	s23 =	sadd.s32 $0x16280, s6;
	s7 =	sand.u32 $0x300, s1;
	s22 =	sand.u32 $0x280, s10;
	v27 =	vld [tilespmem:s24+$0x10]  }
0x4c1: {  	s31 =	sadd.s32 s17, s23;
	s1 =	sadd.s32 s7, s23;
	s10 =	sadd.s32 s22, s23;
	v36 =	vld [tilespmem:s21+$0xFFFFFE10]  }
0x4c2: {  	s23 =	sadd.s32 s16, s23;
	v40 =	vld [tilespmem:s10+$0x40]  }
0x4c3: {  	v24 =	vmul.f32 v24, v3;
	v3 =	vmov v34;
	v41 =	vld [tilespmem:s31+$0x0]  }
0x4c4: {  	v34 =	vld [tilespmem:s10+$0x20]  }
0x4c5: {  	v42 =	vld [tilespmem:s23+$0x20];
	v27 =	vmul.f32 v27, v16  }
0x4c6: {  	v43 =	vld [tilespmem:s23+$0x0]  }
0x4c7: {  	v44 =	vld [tilespmem:s31+$0x40];
	v24 =	vadd.f32 v27, v24  }
0x4c8: {  	v45 =	vld [tilespmem:s2+$0x10]  }
0x4c9: {  	v46 =	vld [tilespmem:s23+$0x40];
	[tilespmem:s11+$0xFFFFFFD0] =	vst v24  }
0x4ca: {  	v47 =	vld [tilespmem:s1+$0x0]  }
0x4cb: {  	v24 =	vmul.f32 v40, v29;
	v29 =	vld [tilespmem:s0+$0x10]  }
0x4cc: {  	v40 =	vld [tilespmem:s1+$0x40]  }
0x4cd: {  	v23 =	vadd.f32 v25, v23;
	v27 =	vmul.f32 v41, v36;
	v36 =	vld [tilespmem:s31+$0x20];
	v25 =	vmul.f32 v45, v22  }
0x4ce: {  	v31 =	vmul.f32 v44, v31;
	v41 =	vld [tilespmem:s1+$0x20]  }
0x4cf: {  	v44 =	vld [tilespmem:s10+$0x0];
	[tilespmem:s11+$0xFFFFFF30] =	vst v23;
	v23 =	vadd.f32 v25, v21  }
0x4d0: {  	[tilespmem:s9+$0xFFFFFF00] =	vst v31;
	v31 =	vmul.f32 v42, v32;
	v32 =	vld [tilespmem:s14+$0x10];
	v29 =	vmul.f32 v29, v7  }
0x4d1: {  	v25 =	vmul.f32 v43, v33;
	[tilespmem:s9+$0xFFFFFF80] =	vst v24;
	v21 =	vld [tilespmem:s21+$0xFFFFFF80];
	v35 =	vmul.f32 v40, v35  }
0x4d2: {  	v33 =	vmul.f32 v36, v38;
	v36 =	vld [tilespmem:s10+$0x60];
	v19 =	vadd.f32 v29, v19;
	[tilespmem:s11+$0xD0] =	vst v23  }
0x4d3: {  	v38 =	vmul.f32 v31, v13;
	v29 =	vld [tilespmem:s31+$0x60];
	v30 =	vmul.f32 v41, v30  }
0x4d4: {  	v39 =	vmul.f32 v46, v39;
	v28 =	vmul.f32 v44, v28;
	v24 =	vld [tilespmem:s19+$0xFFFFFF80]  }
0x4d5: {  	s6 =	sadd.s32 $0x16680, s6;
	v26 =	vmul.f32 v34, v26;
	v40 =	vmul.f32 v33, v9;
	[tilespmem:s9+$0x0] =	vst v35;
	v23 =	vld [tilespmem:s19+$0x0]  }
0x4d6: {  	s7 =	sadd.s32 s7, s6;
	v34 =	vmul.f32 v47, v37;
	v32 =	vmul.f32 v32, v5;
	v35 =	vld [tilespmem:s1+$0x60];
	[tilespmem:s11+$0x50] =	vst v19  }
0x4d7: {  	s16 =	sadd.s32 s16, s6;
	v19 =	vmul.f32 v36, v28;
	v36 =	vmul.f32 v26, v4;
	[tilespmem:s9+$0x80] =	vst v39;
	v37 =	vld [tilespmem:s0+$0x30];
	s0 =	smov.u32 s7  }
0x4d8: {  	v39 =	vmul.f32 v30, v15;
	v20 =	vadd.f32 v32, v20;
	v29 =	vmul.f32 v29, v27;
	v32 =	vld [tilespmem:s2+$0x30];
	s2 =	smov.u32 s16  }
0x4d9: {  	v19 =	vadd.f32 v19, v36;
	v36 =	vmul.f32 v30, v21;
	v30 =	vmul.f32 v30, v24;
	v41 =	vld [tilespmem:s23+$0x60]  }
0x4da: {  	s7 =	sadd.s32 s17, s6;
	v29 =	vadd.f32 v29, v40;
	v40 =	vmul.f32 v33, v6;
	v33 =	vmul.f32 v33, v18;
	[tilespmem:s11+$0xFFFFFF50] =	vst v20;
	v20 =	vld [tilespmem:s24+$0x30]  }
0x4db: {  	s24 =	sadd.s32 s22, s6;
	[tilespmem:s9+$0xFFFFFFA0] =	vst v19;
	v19 =	vmul.f32 v35, v34;
	v35 =	vld [tilespmem:s14+$0x30];
	s14 =	smov.u32 s7  }
0x4dc: {  	[tilespmem:s9+$0xFFFFFF20] =	vst v29;
	v29 =	vld [tilespmem:s24+$0x0];
	v7 =	vmul.f32 v37, v7  }
0x4dd: {  	v37 =	vld [tilespmem:s14+$0x0];
	v19 =	vadd.f32 v19, v39;
	v39 =	vmul.f32 v31, v14;
	v22 =	vmul.f32 v32, v22  }
0x4de: {  	v32 =	vmul.f32 v41, v25;
	v7 =	vadd.f32 v7, v8  }
0x4df: {  	[tilespmem:s9+$0x20] =	vst v19;
	v8 =	vmul.f32 v20, v16;
	v12 =	vadd.f32 v22, v12  }
0x4e0: {  	v16 =	vld [tilespmem:s0+$0x0];
	v19 =	vadd.f32 v32, v38;
	v5 =	vmul.f32 v35, v5;
	[tilespmem:s11+$0x70] =	vst v7  }
0x4e1: {  	v20 =	vmul.f32 v26, v3;
	v7 =	vmul.f32 v29, v28;
	v8 =	vadd.f32 v8, v17;
	[tilespmem:s11+$0xF0] =	vst v12  }
0x4e2: {  	v12 =	vmul.f32 v37, v27;
	[tilespmem:s9+$0xA0] =	vst v19;
	v5 =	vadd.f32 v5, v10  }
0x4e3: {  	v7 =	vadd.f32 v7, v20;
	v10 =	vld [tilespmem:s2+$0x0];
	[tilespmem:s11+$0xFFFFFFF0] =	vst v8  }
0x4e4: {  	v8 =	vadd.f32 v12, v40;
	[tilespmem:s11+$0xFFFFFF70] =	vst v5;
	s11 =	smov.u32 s9  }
0x4e5: {  	[tilespmem:s9+$0xFFFFFFC0] =	vst v7;
	v5 =	vmul.f32 v16, v34  }
0x4e6: {  	[tilespmem:s9+$0xFFFFFF40] =	vst v8;
	v7 =	vld [tilespmem:s24+$0x20]  }
0x4e7: {  	v12 =	vmul.f32 v31, v23;
	v8 =	vld [tilespmem:s14+$0x20];
	v5 =	vadd.f32 v5, v36  }
0x4e8: {  	v10 =	vmul.f32 v10, v25  }
0x4e9: {  	[tilespmem:s9+$0x40] =	vst v5  }
0x4ea: {  	v5 =	vld [tilespmem:s0+$0x20];
	v10 =	vadd.f32 v10, v39  }
0x4eb: {  	v16 =	vmul.f32 v26, v11;
	v7 =	vmul.f32 v7, v28  }
0x4ec: {  	v8 =	vmul.f32 v8, v27;
	[tilespmem:s9+$0xC0] =	vst v10  }
0x4ed: {  	v7 =	vadd.f32 v7, v16;
	v10 =	vld [tilespmem:s2+$0x20]  }
0x4ee: {  	v8 =	vadd.f32 v8, v33  }
0x4ef: {  	[tilespmem:s9+$0xFFFFFFE0] =	vst v7;
	v5 =	vmul.f32 v5, v34  }
0x4f0: {  	[tilespmem:s9+$0xFFFFFF60] =	vst v8;
	v17 =	vld [tilespmem:s10+$0x50]  }
0x4f1: {  	v7 =	vld [tilespmem:s21+$0xFFFFFE60];
	v5 =	vadd.f32 v5, v30  }
0x4f2: {  	v8 =	vld [tilespmem:s31+$0x50];
	v10 =	vmul.f32 v10, v25  }
0x4f3: {  	v16 =	vld [tilespmem:s21+$0xFFFFFE20];
	[tilespmem:s9+$0x60] =	vst v5  }
0x4f4: {  	v5 =	vld [tilespmem:s21+$0xFFFFFF20];
	v10 =	vadd.f32 v10, v12  }
0x4f5: {  	v26 =	vld [tilespmem:s21+$0xFFFFFF60]  }
0x4f6: {  	v12 =	vld [tilespmem:s31+$0x10];
	[tilespmem:s9+$0xE0] =	vst v10  }
0x4f7: {  	v8 =	vmul.f32 v8, v7;
	v7 =	vld [tilespmem:s1+$0x30]  }
0x4f8: {  	v10 =	vld [tilespmem:s21+$0xFFFFFF40]  }
0x4f9: {  	v19 =	vld [tilespmem:s1+$0x10]  }
0x4fa: {  	v20 =	vld [tilespmem:s23+$0x30]  }
0x4fb: {  	v25 =	vld [tilespmem:s10+$0x30]  }
0x4fc: {  	v28 =	vld [tilespmem:s21+$0xFFFFFFC0]  }
0x4fd: {  	v29 =	vld [tilespmem:s31+$0x30];
	v10 =	vmul.f32 v7, v10  }
0x4fe: {  	v30 =	vld [tilespmem:s21+$0xFFFFFE40];
	v7 =	vmul.f32 v19, v5  }
0x4ff: {  	[tilespmem:s9+$0xFFFFFF10] =	vst v8;
	v27 =	vmul.f32 v10, v15;
	v19 =	vmul.f32 v10, v21;
	v22 =	vld [tilespmem:s23+$0x10]  }
0x500: {  	v5 =	vmul.f32 v12, v16;
	v8 =	vmul.f32 v10, v24;
	v16 =	vld [tilespmem:s21+$0xFFFFFFE0]  }
0x501: {  	v10 =	vld [tilespmem:s21+$0xFFFFFEC0]  }
0x502: {  	v31 =	vld [tilespmem:s23+$0x50]  }
0x503: {  	v12 =	vmul.f32 v20, v28;
	v29 =	vmul.f32 v29, v30;
	v30 =	vld [tilespmem:s21+$0xFFFFFEA0]  }
0x504: {  	v28 =	vld [tilespmem:s10+$0x10]  }
0x505: {  	v15 =	vmul.f32 v12, v13;
	v21 =	vmul.f32 v12, v14;
	v32 =	vld [tilespmem:s21+$0xFFFFFEE0]  }
0x506: {  	v12 =	vmul.f32 v12, v23;
	v14 =	vld [tilespmem:s31+$0x70];
	v24 =	vmul.f32 v25, v10  }
0x507: {  	v23 =	vmul.f32 v29, v9;
	v20 =	vmul.f32 v29, v6;
	v6 =	vld [tilespmem:s1+$0x50]  }
.Ltmp9:
0x508: {  	v10 =	vmul.f32 v29, v18;
	v9 =	vmul.f32 v31, v16;
	(pc) =	sbr.rel @p2 .LBB2_16-.Ltmp9, $4  }
0x509: {  	v16 =	vmul.f32 v28, v30  }
0x50a: {  	v13 =	vld [tilespmem:s21+$0xFFFFFFA0]  }
0x50b: {  	v25 =	vmul.f32 v14, v5;
	v14 =	vmul.f32 v17, v32;
	[tilespmem:s9+$0x90] =	vst v9  }
0x50c: {  	s19 =	sadd.s32 $0x200, s19;
	s21 =	sadd.s32 $0x200, s21;
	v17 =	vmul.f32 v24, v11;
	s9 =	sadd.s32 $0x200, s9;
	v11 =	vmul.f32 v6, v26;
	v9 =	vld [tilespmem:s23+$0x70]  }
0x50d: {  	[tilespmem:s11+$0xFFFFFF90] =	vst v14  }
0x50e: {  	[tilespmem:s11+$0x10] =	vst v11;
	v54 =	vld [tilespmem:s10+$0x70]  }
0x50f: {  	v6 =	vld [tilespmem:s1+$0x70]  }
0x510: {  	v13 =	vmul.f32 v22, v13;
	_ =	sdelay $0x1  }
0x511: {  	v9 =	vmul.f32 v9, v13  }
0x512: {  	v4 =	vmul.f32 v24, v4;
	v11 =	vmul.f32 v54, v16  }
0x513: {  	v9 =	vadd.f32 v9, v15;
	v6 =	vmul.f32 v6, v7  }
0x514: {  	v4 =	vadd.f32 v11, v4  }
0x515: {  	[tilespmem:s11+$0xB0] =	vst v9;
	v6 =	vadd.f32 v6, v27  }
0x516: {  	v55 =	vadd.f32 v25, v23;
	v56 =	vld [tilespmem:s2+$0x10];
	[tilespmem:s11+$0xFFFFFFB0] =	vst v4  }
0x517: {  	[tilespmem:s11+$0x30] =	vst v6;
	v57 =	vld [tilespmem:s24+$0x10]  }
0x518: {  	[tilespmem:s11+$0xFFFFFF30] =	vst v55;
	v6 =	vld [tilespmem:s0+$0x10]  }
0x519: {  	v9 =	vld [tilespmem:s14+$0x10];
	_ =	sdelay $0x1  }
0x51a: {  	v4 =	vmul.f32 v56, v13  }
0x51b: {  	v3 =	vmul.f32 v24, v3;
	v11 =	vmul.f32 v57, v16  }
0x51c: {  	v4 =	vadd.f32 v4, v21;
	v6 =	vmul.f32 v6, v7  }
0x51d: {  	v9 =	vmul.f32 v9, v5;
	v3 =	vadd.f32 v11, v3  }
0x51e: {  	[tilespmem:s11+$0xD0] =	vst v4;
	v6 =	vadd.f32 v6, v19  }
0x51f: {  	v59 =	vadd.f32 v9, v20;
	[tilespmem:s11+$0xFFFFFFD0] =	vst v3;
	v3 =	vld [tilespmem:s2+$0x30]  }
0x520: {  	[tilespmem:s11+$0x50] =	vst v6;
	v60 =	vld [tilespmem:s24+$0x30]  }
0x521: {  	[tilespmem:s11+$0xFFFFFF50] =	vst v59;
	v58 =	vld [tilespmem:s0+$0x30]  }
0x522: {  	v61 =	vld [tilespmem:s14+$0x30];
	_ =	sdelay $0x1  }
0x523: {  	v3 =	vmul.f32 v3, v13  }
0x524: {  	v6 =	vmul.f32 v60, v16  }
0x525: {  	v4 =	vmul.f32 v58, v7;
	v3 =	vadd.f32 v3, v12  }
0x526: {  	v62 =	vmul.f32 v61, v5;
	v63 =	vadd.f32 v6, v17  }
0x527: {  	v4 =	vadd.f32 v4, v8;
	[tilespmem:s11+$0xF0] =	vst v3  }
0x528: {  	v3 =	vadd.f32 v62, v10;
	[tilespmem:s11+$0xFFFFFFF0] =	vst v63  }
0x529: {  	[tilespmem:s11+$0x70] =	vst v4  }
0x52a: {  	[tilespmem:s11+$0xFFFFFF70] =	vst v3  }
0x52b: {  	_ =	swait.ge [sflag:s28], $0x28  }
0x52c: {  	[sflag:s28] =	ssyncset.done $0x0  }
0x52d: {  	s31 =	simm.s32 $0x28;
	s3 =	simm.s32 $0x1DA80;
	[sflag:s28] =	ssyncadd.s32 $0xFFFFFFD8  }
.Ltmp10:
0x52e: {  	s2 =	simm.s32 $0x13A00;
	s29 =	rddreg [dreg:$0x3];
	(pc) =	sbr.rel @p1 .LBB2_19-.Ltmp10, $4  }
0x52f: {  	[spmem:s29] =	stream.indirect.scatter.add.f32 [tilespmem:s3], [sflag:$0x7], $0x80, s2, s31, $0xb8;
	[tilespmem:$0x1EE80] =	vst v63  }
0x530: {  	_ =	swait.ge [sflag:s18], $0x1400  }
0x531: {  	[sflag:s18] =	ssyncset.done $0x0  }
0x532: {  	[sflag:s18] =	ssyncadd.s32 $0xFFFFEC00  }
.Ltmp11:
0x533: {  	s0 =	rddreg [dreg:$0x1c];
	(pc) =	sbr.rel .LBB2_11-.Ltmp11, $4  }
0x534: {  	s0 =	sadd.s32 s8, s0  }
0x535: {  	s1 =	rddreg [dreg:$0x2];
	s0 =	sshrl.u32 s0, $0x3  }
0x536: {  	s13 =	sadd.s32 $0x1, s13;
	s0 =	sadd.s32 s1, s0  }
0x537: {  	[tilespmem:s2], [sflag:$0x4] =	stream.linear.gather [hbm4b:s0+s4], $0x28, $0x38;
	[tilespmem:$0x1EE80] =	vst v63  }
.LBB2_20:
0x538: {  	_ =	sfence.sel $0x180000  }
0x539: {  	[bflag:$0x0] =	sbarrier.arrive $0xFFFF  }
0x53a: {  	_ =	strace $0x90000047  }
0x53b: {  	[bflag:$0x2] =	sbarrier.arrive $0xFFFF  }
0x53c: {  	s0 =	rddreg [dreg:$0x4]  }
0x53d: {  	s0 =	sadd.s32 @!p0 $0x100000, s0  }
0x53e: {  	[sflag:s0] =	ssyncadd.tile.s32 @!p0 $0x1;
	_ =	shalt  }
.Lfunc_end2:
_tile_overlayer_lowered:
.L_overlay_start_2:
0x53f: {  	(tag) =	ssettag $0x2  }
0x540: {  	s0 =	rddreg [dreg:$0x0];
	s2 =	stileid.u32  }
0x541: {  	s1 =	rddreg [dreg:$0x1];
	p0 =	sne.s32 s2, $0x0  }
0x542: {  	s3 =	rddreg [dreg:$0x2];
	[bflag:$0x3] =	sbarrier.arrive $0xFFFF;
	s2 =	simm.s32 @!p0 $0x1C07  }
0x543: {  	[timem:s3], [sflag:s2] =	dma.local @!p0 [hbm:s0], s1  }
0x544: {  	s0 =	simm.s32 @!p0 $0x7  }
0x545: {  	_ =	swait.ge @!p0 [sflag:s0], s1  }
0x546: {  	s1 =	ssub.s32 @!p0 $0x0, s1;
	[sflag:s0] =	ssyncset.done @!p0 $0x0  }
0x547: {  	[sflag:s0] =	ssyncadd.s32 @!p0 s1  }
0x548: {  	[bflag:$0x3] =	sbarrier.arrive $0xFFFF  }
0x549: {  	_ =	shalt  }

</sc_bundles>
